<compile_context>
chip_gen: v7x
topology: tpu7x:2x2x1
jax: 0.10.2.dev20260603
libtpu: 0.0.44.dev20260713+nightly
codegen_flags: <defaults>
</compile_context>

<pallas_src>
import functools

import jax
import jax.numpy as jnp
from jax import lax
from jax.experimental import pallas as pl
from jax.experimental.pallas import tpu as pltpu
from jax.experimental.pallas import tpu_sc as plsc

D_MODEL_K = 1024
SCALE = float(D_MODEL_K) ** 0.5

NW = 32
B_TOTAL = 4 * 4096
B_PER_W = B_TOTAL // NW
CHUNK = 40
NFULL = B_PER_W // CHUNK
TAIL = B_PER_W - NFULL * CHUNK
NCHUNK = NFULL + 1
NBUF = 3
LANES = 16
VPR = D_MODEL_K // LANES


def _chunk_rows(g):
    return CHUNK if g < NFULL else TAIL


@functools.partial(
    pl.kernel,
    out_type=jax.ShapeDtypeStruct((B_TOTAL, D_MODEL_K), jnp.float32),
    mesh=plsc.VectorSubcoreMesh(core_axis_name="c", subcore_axis_name="s"),
    scratch_types=(
        [pltpu.VMEM((B_PER_W,), jnp.int32)]
        + [pltpu.VMEM((CHUNK, D_MODEL_K), jnp.float32) for _ in range(NBUF)]
        + [pltpu.SemaphoreType.DMA for _ in range(2 * NBUF)]
    ),
)
def _emb_lookup(x_hbm, table_hbm, out_hbm, idx_v, *bufs_and_sems):
    bufs = bufs_and_sems[:NBUF]
    gsem = bufs_and_sems[NBUF:2 * NBUF]
    ssem = bufs_and_sems[2 * NBUF:]
    cid = lax.axis_index("c")
    sid = lax.axis_index("s")
    wid = sid * 2 + cid
    base = wid * B_PER_W
    pltpu.sync_copy(x_hbm.at[wid], idx_v)

    def start_gather(g):
        b = g % NBUF
        n = _chunk_rows(g)
        dst = bufs[b] if n == CHUNK else bufs[b].at[pl.ds(0, TAIL)]
        return pltpu.async_copy(
            table_hbm.at[idx_v.at[pl.ds(g * CHUNK, n)]], dst, gsem[b])

    def scale_buf(b, nrows):
        rows = bufs[b]

        def scale_quarter_row(i, _):
            r = lax.shift_right_logical(i, 2)
            h = lax.bitwise_and(i, 3) * (VPR // 4)
            for j in range(VPR // 4):
                sl = pl.ds((h + j) * LANES, LANES)
                rows[r, sl] = rows[r, sl] * SCALE
            return 0

        lax.fori_loop(0, nrows * 4, scale_quarter_row, 0)

    def start_store(g):
        b = g % NBUF
        n = _chunk_rows(g)
        src = bufs[b] if n == CHUNK else bufs[b].at[pl.ds(0, TAIL)]
        return pltpu.async_copy(
            src, out_hbm.at[pl.ds(base + g * CHUNK, n)], ssem[b])

    gh, sh = {}, {}
    gh[0] = start_gather(0)
    for g in range(NCHUNK):
        b = g % NBUF
        if g + 1 < NCHUNK:
            if g - 2 >= 0:
                sh.pop(g - 2).wait()
            gh[g + 1] = start_gather(g + 1)
        gh.pop(g).wait()
        scale_buf(b, _chunk_rows(g))
        sh[g] = start_store(g)
    for g in sorted(sh):
        sh.pop(g).wait()


def kernel(x, table):
    xr = x.reshape(NW, B_PER_W)
    out = _emb_lookup(xr, table)
    return out.reshape(4, 4096, D_MODEL_K)

# --- scband reference (transcript-rebuilt; emitter-appended) ---
"""Pipeline reference for scband-embedding-5274219840191 (READ-ONLY COPY).

The authoritative reference and input builder live on the scoring server;
editing this copy changes nothing except your own understanding.
"""

import jax, jax.numpy as jnp
import numpy as np

D_MODEL = 1024
VOCAB = 100000

def setup_inputs(seed: int = 0) -> dict:
    key = jax.random.key(seed)
    k1, k2 = jax.random.split(key)
    x = jax.random.randint(k1, (4, 4096), 0, VOCAB, dtype=jnp.int64 if jax.config.read('jax_enable_x64') else jnp.int32)
    table = jax.random.normal(k2, (VOCAB, D_MODEL), dtype=jnp.float32) * 0.02
    return {"x": x, "table": table}

def reference(x, table):
    # Faithful translation of: self.embedding(x) * self.d_model ** 0.5
    emb = jnp.take(table, x, axis=0)
    return emb * (D_MODEL ** 0.5)

if __name__ == "__main__":
    import jax
    _d = setup_inputs()
    print(jax.jit(kernel)(*tuple(_d.values())))

</pallas_src>

<mosaic_0001>
#map = affine_map<(d0, d1) -> (0, 0)>
module attributes {stable_mosaic.version = 14 : i64} {
  func.func @_emb_lookup(%arg0: i32, %arg1: i32, %arg2: memref<32x512xi32, #tpu.memory_space<hbm>>, %arg3: memref<100000x1024xf32, #tpu.memory_space<hbm>>, %arg4: memref<16384x1024xf32, #tpu.memory_space<hbm>>, %arg5: memref<512xi32, #tpu.memory_space<vmem>>, %arg6: memref<40x1024xf32, #tpu.memory_space<vmem>>, %arg7: memref<40x1024xf32, #tpu.memory_space<vmem>>, %arg8: memref<40x1024xf32, #tpu.memory_space<vmem>>, %arg9: memref<!tpu.dma_semaphore, #tpu.memory_space<semaphore_mem>>, %arg10: memref<!tpu.dma_semaphore, #tpu.memory_space<semaphore_mem>>, %arg11: memref<!tpu.dma_semaphore, #tpu.memory_space<semaphore_mem>>, %arg12: memref<!tpu.dma_semaphore, #tpu.memory_space<semaphore_mem>>, %arg13: memref<!tpu.dma_semaphore, #tpu.memory_space<semaphore_mem>>, %arg14: memref<!tpu.dma_semaphore, #tpu.memory_space<semaphore_mem>>) attributes {dimension_semantics = [#tpu.dimension_semantics<core_parallel>, #tpu.dimension_semantics<subcore_parallel>], iteration_bounds = array<i64: 2, 16>, scalar_prefetch = 0 : i64, scratch_operands = 10 : i64, tpu.core_type = #tpu.core_type<sc_vector_subcore>, window_params = [{transform_indices = #map}, {transform_indices = #map}, {transform_indices = #map}]} {
    %mul3A = arith.constant 2 : i32
    %mul3A_0 = arith.muli %arg1, %mul3A : i32
    %add3A = arith.addi %mul3A_0, %arg0 : i32
    %mul3A_1 = arith.constant 512 : i32
    %mul3A_2 = arith.muli %add3A, %mul3A_1 : i32
    "tpu.region"() ({
      %run_scoped3A = tpu.sem_alloc : memref<!tpu.dma_semaphore, #tpu.memory_space<semaphore_mem>>
      %dma_start3A_369 = arith.constant 0 : i32
      %dma_start3A_370 = tpu.memref_slice %arg2[%add3A, %dma_start3A_369] : memref<32x512xi32, #tpu.memory_space<hbm>> -> memref<1x512xi32, #tpu.memory_space<hbm>>
      %dma_start3A_371 = tpu.memref_squeeze %dma_start3A_370 : memref<1x512xi32, #tpu.memory_space<hbm>> -> memref<512xi32, #tpu.memory_space<hbm>>
      %dma_start3A_372 = arith.constant 0 : i32
      %dma_start3A_373 = tpu.memref_slice %arg2[%add3A, %dma_start3A_372] : memref<32x512xi32, #tpu.memory_space<hbm>> -> memref<1x512xi32, #tpu.memory_space<hbm>>
      %dma_start3A_374 = tpu.memref_squeeze %dma_start3A_373 : memref<1x512xi32, #tpu.memory_space<hbm>> -> memref<512xi32, #tpu.memory_space<hbm>>
      tpu.enqueue_dma source(%dma_start3A_374 : memref<512xi32, #tpu.memory_space<hbm>>) target(%arg5 : memref<512xi32, #tpu.memory_space<vmem>>) target_semaphore(%run_scoped3A : memref<!tpu.dma_semaphore, #tpu.memory_space<semaphore_mem>>)
      %dma_wait3A_375 = arith.constant 0 : i32
      %dma_wait3A_376 = tpu.memref_slice %arg2[%add3A, %dma_wait3A_375] : memref<32x512xi32, #tpu.memory_space<hbm>> -> memref<1x512xi32, #tpu.memory_space<hbm>>
      %dma_wait3A_377 = tpu.memref_squeeze %dma_wait3A_376 : memref<1x512xi32, #tpu.memory_space<hbm>> -> memref<512xi32, #tpu.memory_space<hbm>>
      %dma_wait3A_378 = arith.constant 0 : i32
      %dma_wait3A_379 = tpu.memref_slice %arg2[%add3A, %dma_wait3A_378] : memref<32x512xi32, #tpu.memory_space<hbm>> -> memref<1x512xi32, #tpu.memory_space<hbm>>
      %dma_wait3A_380 = tpu.memref_squeeze %dma_wait3A_379 : memref<1x512xi32, #tpu.memory_space<hbm>> -> memref<512xi32, #tpu.memory_space<hbm>>
      tpu.wait_dma2 semaphore(%run_scoped3A : memref<!tpu.dma_semaphore, #tpu.memory_space<semaphore_mem>>) src(%dma_wait3A_380 : memref<512xi32, #tpu.memory_space<hbm>>) dst(%arg5 : memref<512xi32, #tpu.memory_space<vmem>>)
      tpu.yield
    }) : () -> ()
    %dma_start3A = arith.constant 0 : i32
    %dma_start3A_3 = tpu.memref_slice %arg5[%dma_start3A] : memref<512xi32, #tpu.memory_space<vmem>> -> memref<40xi32, #tpu.memory_space<vmem>>
    %dma_start3A_4 = arith.constant 0 : i32
    %dma_start3A_5 = arith.constant 0 : i32
    %dma_start3A_6 = tpu.memref_slice %arg3[%dma_start3A_4, %dma_start3A_5] : memref<100000x1024xf32, #tpu.memory_space<hbm>> -> memref<100000x1024xf32, #tpu.memory_space<hbm>>
    tpu.enqueue_indirect_dma source(%dma_start3A_6 : memref<100000x1024xf32, #tpu.memory_space<hbm>>) target(%arg6 : memref<40x1024xf32, #tpu.memory_space<vmem>>) offsets(%dma_start3A_3 : memref<40xi32, #tpu.memory_space<vmem>>) semaphore(%arg9 : memref<!tpu.dma_semaphore, #tpu.memory_space<semaphore_mem>>)
    %dma_start3A_7 = arith.constant 40 : i32
    %dma_start3A_8 = tpu.memref_slice %arg5[%dma_start3A_7] : memref<512xi32, #tpu.memory_space<vmem>> -> memref<40xi32, #tpu.memory_space<vmem>>
    %dma_start3A_9 = arith.constant 0 : i32
    %dma_start3A_10 = arith.constant 0 : i32
    %dma_start3A_11 = tpu.memref_slice %arg3[%dma_start3A_9, %dma_start3A_10] : memref<100000x1024xf32, #tpu.memory_space<hbm>> -> memref<100000x1024xf32, #tpu.memory_space<hbm>>
    tpu.enqueue_indirect_dma source(%dma_start3A_11 : memref<100000x1024xf32, #tpu.memory_space<hbm>>) target(%arg7 : memref<40x1024xf32, #tpu.memory_space<vmem>>) offsets(%dma_start3A_8 : memref<40xi32, #tpu.memory_space<vmem>>) semaphore(%arg10 : memref<!tpu.dma_semaphore, #tpu.memory_space<semaphore_mem>>)
    %dma_wait3A = arith.constant 0 : i32
    %dma_wait3A_12 = tpu.memref_slice %arg5[%dma_wait3A] : memref<512xi32, #tpu.memory_space<vmem>> -> memref<40xi32, #tpu.memory_space<vmem>>
    %dma_wait3A_13 = arith.constant 0 : i32
    %dma_wait3A_14 = arith.constant 0 : i32
    %dma_wait3A_15 = tpu.memref_slice %arg3[%dma_wait3A_13, %dma_wait3A_14] : memref<100000x1024xf32, #tpu.memory_space<hbm>> -> memref<100000x1024xf32, #tpu.memory_space<hbm>>
    tpu.wait_indirect_dma semaphore(%arg9 : memref<!tpu.dma_semaphore, #tpu.memory_space<semaphore_mem>>) src(%dma_wait3A_15 : memref<100000x1024xf32, #tpu.memory_space<hbm>>) dst(%arg6 : memref<40x1024xf32, #tpu.memory_space<vmem>>)
    %scan3A = arith.constant 0 : i32
    %scan3A_16 = arith.constant 0 : i32
    %scan3A_17 = arith.constant 160 : i32
    %scan3A_18 = arith.addi %scan3A_16, %scan3A_17 : i32
    %scan3A_19 = arith.constant 1 : i32
    %scan3A_20 = scf.for %scan3A_369 = %scan3A_16 to %scan3A_18 step %scan3A_19 iter_args(%scan3A_370 = %scan3A) -> (i32)  : i32 {
      %shift_right_logical3A = arith.constant 2 : i32
      %shift_right_logical3A_371 = arith.shrui %scan3A_369, %shift_right_logical3A : i32
      %and3A = arith.constant 3 : i32
      %and3A_372 = arith.andi %scan3A_369, %and3A : i32
      %mul3A_373 = arith.constant 16 : i32
      %mul3A_374 = arith.muli %and3A_372, %mul3A_373 : i32
      %add3A_375 = arith.constant 0 : i32
      %add3A_376 = arith.addi %mul3A_374, %add3A_375 : i32
      %mul3A_377 = arith.constant 16 : i32
      %mul3A_378 = arith.muli %add3A_376, %mul3A_377 : i32
      %get3A = arith.index_cast %shift_right_logical3A_371 : i32 to index
      %get3A_379 = arith.index_cast %mul3A_378 : i32 to index
      %get3A_380 = tpu.vector_load %arg6[%get3A, %get3A_379] {strides = array<i32>} : memref<40x1024xf32, #tpu.memory_space<vmem>>, vector<1x16xf32>,
      %get3A_381 = vector.shape_cast %get3A_380 : vector<1x16xf32> to vector<16xf32>
      %mul3A_382 = arith.constant 3.200000e+01 : f32
      %mul3A_383 = vector.broadcast %mul3A_382 : f32 to vector<16xf32>
      %mul3A_384 = arith.mulf %get3A_381, %mul3A_383 : vector<16xf32>
      %swap3A = arith.index_cast %shift_right_logical3A_371 : i32 to index
      %swap3A_385 = arith.index_cast %mul3A_378 : i32 to index
      %swap3A_386 = tpu.vector_load %arg6[%swap3A, %swap3A_385] {strides = array<i32>} : memref<40x1024xf32, #tpu.memory_space<vmem>>, vector<1x16xf32>,
      %swap3A_387 = vector.shape_cast %swap3A_386 : vector<1x16xf32> to vector<16xf32>
      %swap3A_388 = vector.shape_cast %mul3A_384 : vector<16xf32> to vector<1x16xf32>
      tpu.vector_store %arg6[%swap3A, %swap3A_385], %swap3A_388 {strides = array<i32>} : memref<40x1024xf32, #tpu.memory_space<vmem>>, vector<1x16xf32>,
      %add3A_389 = arith.constant 1 : i32
      %add3A_390 = arith.addi %mul3A_374, %add3A_389 : i32
      %mul3A_391 = arith.constant 16 : i32
      %mul3A_392 = arith.muli %add3A_390, %mul3A_391 : i32
      %get3A_393 = arith.index_cast %shift_right_logical3A_371 : i32 to index
      %get3A_394 = arith.index_cast %mul3A_392 : i32 to index
      %get3A_395 = tpu.vector_load %arg6[%get3A_393, %get3A_394] {strides = array<i32>} : memref<40x1024xf32, #tpu.memory_space<vmem>>, vector<1x16xf32>,
      %get3A_396 = vector.shape_cast %get3A_395 : vector<1x16xf32> to vector<16xf32>
      %mul3A_397 = arith.constant 3.200000e+01 : f32
      %mul3A_398 = vector.broadcast %mul3A_397 : f32 to vector<16xf32>
      %mul3A_399 = arith.mulf %get3A_396, %mul3A_398 : vector<16xf32>
      %swap3A_400 = arith.index_cast %shift_right_logical3A_371 : i32 to index
      %swap3A_401 = arith.index_cast %mul3A_392 : i32 to index
      %swap3A_402 = tpu.vector_load %arg6[%swap3A_400, %swap3A_401] {strides = array<i32>} : memref<40x1024xf32, #tpu.memory_space<vmem>>, vector<1x16xf32>,
      %swap3A_403 = vector.shape_cast %swap3A_402 : vector<1x16xf32> to vector<16xf32>
      %swap3A_404 = vector.shape_cast %mul3A_399 : vector<16xf32> to vector<1x16xf32>
      tpu.vector_store %arg6[%swap3A_400, %swap3A_401], %swap3A_404 {strides = array<i32>} : memref<40x1024xf32, #tpu.memory_space<vmem>>, vector<1x16xf32>,
      %add3A_405 = arith.constant 2 : i32
      %add3A_406 = arith.addi %mul3A_374, %add3A_405 : i32
      %mul3A_407 = arith.constant 16 : i32
      %mul3A_408 = arith.muli %add3A_406, %mul3A_407 : i32
      %get3A_409 = arith.index_cast %shift_right_logical3A_371 : i32 to index
      %get3A_410 = arith.index_cast %mul3A_408 : i32 to index
      %get3A_411 = tpu.vector_load %arg6[%get3A_409, %get3A_410] {strides = array<i32>} : memref<40x1024xf32, #tpu.memory_space<vmem>>, vector<1x16xf32>,
      %get3A_412 = vector.shape_cast %get3A_411 : vector<1x16xf32> to vector<16xf32>
      %mul3A_413 = arith.constant 3.200000e+01 : f32
      %mul3A_414 = vector.broadcast %mul3A_413 : f32 to vector<16xf32>
      %mul3A_415 = arith.mulf %get3A_412, %mul3A_414 : vector<16xf32>
      %swap3A_416 = arith.index_cast %shift_right_logical3A_371 : i32 to index
      %swap3A_417 = arith.index_cast %mul3A_408 : i32 to index
      %swap3A_418 = tpu.vector_load %arg6[%swap3A_416, %swap3A_417] {strides = array<i32>} : memref<40x1024xf32, #tpu.memory_space<vmem>>, vector<1x16xf32>,
      %swap3A_419 = vector.shape_cast %swap3A_418 : vector<1x16xf32> to vector<16xf32>
      %swap3A_420 = vector.shape_cast %mul3A_415 : vector<16xf32> to vector<1x16xf32>
      tpu.vector_store %arg6[%swap3A_416, %swap3A_417], %swap3A_420 {strides = array<i32>} : memref<40x1024xf32, #tpu.memory_space<vmem>>, vector<1x16xf32>,
      %add3A_421 = arith.constant 3 : i32
      %add3A_422 = arith.addi %mul3A_374, %add3A_421 : i32
      %mul3A_423 = arith.constant 16 : i32
      %mul3A_424 = arith.muli %add3A_422, %mul3A_423 : i32
      %get3A_425 = arith.index_cast %shift_right_logical3A_371 : i32 to index
      %get3A_426 = arith.index_cast %mul3A_424 : i32 to index
      %get3A_427 = tpu.vector_load %arg6[%get3A_425, %get3A_426] {strides = array<i32>} : memref<40x1024xf32, #tpu.memory_space<vmem>>, vector<1x16xf32>,
      %get3A_428 = vector.shape_cast %get3A_427 : vector<1x16xf32> to vector<16xf32>
      %mul3A_429 = arith.constant 3.200000e+01 : f32
      %mul3A_430 = vector.broadcast %mul3A_429 : f32 to vector<16xf32>
      %mul3A_431 = arith.mulf %get3A_428, %mul3A_430 : vector<16xf32>
      %swap3A_432 = arith.index_cast %shift_right_logical3A_371 : i32 to index
      %swap3A_433 = arith.index_cast %mul3A_424 : i32 to index
      %swap3A_434 = tpu.vector_load %arg6[%swap3A_432, %swap3A_433] {strides = array<i32>} : memref<40x1024xf32, #tpu.memory_space<vmem>>, vector<1x16xf32>,
      %swap3A_435 = vector.shape_cast %swap3A_434 : vector<1x16xf32> to vector<16xf32>
      %swap3A_436 = vector.shape_cast %mul3A_431 : vector<16xf32> to vector<1x16xf32>
      tpu.vector_store %arg6[%swap3A_432, %swap3A_433], %swap3A_436 {strides = array<i32>} : memref<40x1024xf32, #tpu.memory_space<vmem>>, vector<1x16xf32>,
      %add3A_437 = arith.constant 4 : i32
      %add3A_438 = arith.addi %mul3A_374, %add3A_437 : i32
      %mul3A_439 = arith.constant 16 : i32
      %mul3A_440 = arith.muli %add3A_438, %mul3A_439 : i32
      %get3A_441 = arith.index_cast %shift_right_logical3A_371 : i32 to index
      %get3A_442 = arith.index_cast %mul3A_440 : i32 to index
      %get3A_443 = tpu.vector_load %arg6[%get3A_441, %get3A_442] {strides = array<i32>} : memref<40x1024xf32, #tpu.memory_space<vmem>>, vector<1x16xf32>,
      %get3A_444 = vector.shape_cast %get3A_443 : vector<1x16xf32> to vector<16xf32>
      %mul3A_445 = arith.constant 3.200000e+01 : f32
      %mul3A_446 = vector.broadcast %mul3A_445 : f32 to vector<16xf32>
      %mul3A_447 = arith.mulf %get3A_444, %mul3A_446 : vector<16xf32>
      %swap3A_448 = arith.index_cast %shift_right_logical3A_371 : i32 to index
      %swap3A_449 = arith.index_cast %mul3A_440 : i32 to index
      %swap3A_450 = tpu.vector_load %arg6[%swap3A_448, %swap3A_449] {strides = array<i32>} : memref<40x1024xf32, #tpu.memory_space<vmem>>, vector<1x16xf32>,
      %swap3A_451 = vector.shape_cast %swap3A_450 : vector<1x16xf32> to vector<16xf32>
      %swap3A_452 = vector.shape_cast %mul3A_447 : vector<16xf32> to vector<1x16xf32>
      tpu.vector_store %arg6[%swap3A_448, %swap3A_449], %swap3A_452 {strides = array<i32>} : memref<40x1024xf32, #tpu.memory_space<vmem>>, vector<1x16xf32>,
      %add3A_453 = arith.constant 5 : i32
      %add3A_454 = arith.addi %mul3A_374, %add3A_453 : i32
      %mul3A_455 = arith.constant 16 : i32
      %mul3A_456 = arith.muli %add3A_454, %mul3A_455 : i32
      %get3A_457 = arith.index_cast %shift_right_logical3A_371 : i32 to index
      %get3A_458 = arith.index_cast %mul3A_456 : i32 to index
      %get3A_459 = tpu.vector_load %arg6[%get3A_457, %get3A_458] {strides = array<i32>} : memref<40x1024xf32, #tpu.memory_space<vmem>>, vector<1x16xf32>,
      %get3A_460 = vector.shape_cast %get3A_459 : vector<1x16xf32> to vector<16xf32>
      %mul3A_461 = arith.constant 3.200000e+01 : f32
      %mul3A_462 = vector.broadcast %mul3A_461 : f32 to vector<16xf32>
      %mul3A_463 = arith.mulf %get3A_460, %mul3A_462 : vector<16xf32>
      %swap3A_464 = arith.index_cast %shift_right_logical3A_371 : i32 to index
      %swap3A_465 = arith.index_cast %mul3A_456 : i32 to index
      %swap3A_466 = tpu.vector_load %arg6[%swap3A_464, %swap3A_465] {strides = array<i32>} : memref<40x1024xf32, #tpu.memory_space<vmem>>, vector<1x16xf32>,
      %swap3A_467 = vector.shape_cast %swap3A_466 : vector<1x16xf32> to vector<16xf32>
      %swap3A_468 = vector.shape_cast %mul3A_463 : vector<16xf32> to vector<1x16xf32>
      tpu.vector_store %arg6[%swap3A_464, %swap3A_465], %swap3A_468 {strides = array<i32>} : memref<40x1024xf32, #tpu.memory_space<vmem>>, vector<1x16xf32>,
      %add3A_469 = arith.constant 6 : i32
      %add3A_470 = arith.addi %mul3A_374, %add3A_469 : i32
      %mul3A_471 = arith.constant 16 : i32
      %mul3A_472 = arith.muli %add3A_470, %mul3A_471 : i32
      %get3A_473 = arith.index_cast %shift_right_logical3A_371 : i32 to index
      %get3A_474 = arith.index_cast %mul3A_472 : i32 to index
      %get3A_475 = tpu.vector_load %arg6[%get3A_473, %get3A_474] {strides = array<i32>} : memref<40x1024xf32, #tpu.memory_space<vmem>>, vector<1x16xf32>,
      %get3A_476 = vector.shape_cast %get3A_475 : vector<1x16xf32> to vector<16xf32>
      %mul3A_477 = arith.constant 3.200000e+01 : f32
      %mul3A_478 = vector.broadcast %mul3A_477 : f32 to vector<16xf32>
      %mul3A_479 = arith.mulf %get3A_476, %mul3A_478 : vector<16xf32>
      %swap3A_480 = arith.index_cast %shift_right_logical3A_371 : i32 to index
      %swap3A_481 = arith.index_cast %mul3A_472 : i32 to index
      %swap3A_482 = tpu.vector_load %arg6[%swap3A_480, %swap3A_481] {strides = array<i32>} : memref<40x1024xf32, #tpu.memory_space<vmem>>, vector<1x16xf32>,
      %swap3A_483 = vector.shape_cast %swap3A_482 : vector<1x16xf32> to vector<16xf32>
      %swap3A_484 = vector.shape_cast %mul3A_479 : vector<16xf32> to vector<1x16xf32>
      tpu.vector_store %arg6[%swap3A_480, %swap3A_481], %swap3A_484 {strides = array<i32>} : memref<40x1024xf32, #tpu.memory_space<vmem>>, vector<1x16xf32>,
      %add3A_485 = arith.constant 7 : i32
      %add3A_486 = arith.addi %mul3A_374, %add3A_485 : i32
      %mul3A_487 = arith.constant 16 : i32
      %mul3A_488 = arith.muli %add3A_486, %mul3A_487 : i32
      %get3A_489 = arith.index_cast %shift_right_logical3A_371 : i32 to index
      %get3A_490 = arith.index_cast %mul3A_488 : i32 to index
      %get3A_491 = tpu.vector_load %arg6[%get3A_489, %get3A_490] {strides = array<i32>} : memref<40x1024xf32, #tpu.memory_space<vmem>>, vector<1x16xf32>,
      %get3A_492 = vector.shape_cast %get3A_491 : vector<1x16xf32> to vector<16xf32>
      %mul3A_493 = arith.constant 3.200000e+01 : f32
      %mul3A_494 = vector.broadcast %mul3A_493 : f32 to vector<16xf32>
      %mul3A_495 = arith.mulf %get3A_492, %mul3A_494 : vector<16xf32>
      %swap3A_496 = arith.index_cast %shift_right_logical3A_371 : i32 to index
      %swap3A_497 = arith.index_cast %mul3A_488 : i32 to index
      %swap3A_498 = tpu.vector_load %arg6[%swap3A_496, %swap3A_497] {strides = array<i32>} : memref<40x1024xf32, #tpu.memory_space<vmem>>, vector<1x16xf32>,
      %swap3A_499 = vector.shape_cast %swap3A_498 : vector<1x16xf32> to vector<16xf32>
      %swap3A_500 = vector.shape_cast %mul3A_495 : vector<16xf32> to vector<1x16xf32>
      tpu.vector_store %arg6[%swap3A_496, %swap3A_497], %swap3A_500 {strides = array<i32>} : memref<40x1024xf32, #tpu.memory_space<vmem>>, vector<1x16xf32>,
      %add3A_501 = arith.constant 8 : i32
      %add3A_502 = arith.addi %mul3A_374, %add3A_501 : i32
      %mul3A_503 = arith.constant 16 : i32
      %mul3A_504 = arith.muli %add3A_502, %mul3A_503 : i32
      %get3A_505 = arith.index_cast %shift_right_logical3A_371 : i32 to index
      %get3A_506 = arith.index_cast %mul3A_504 : i32 to index
      %get3A_507 = tpu.vector_load %arg6[%get3A_505, %get3A_506] {strides = array<i32>} : memref<40x1024xf32, #tpu.memory_space<vmem>>, vector<1x16xf32>,
      %get3A_508 = vector.shape_cast %get3A_507 : vector<1x16xf32> to vector<16xf32>
      %mul3A_509 = arith.constant 3.200000e+01 : f32
      %mul3A_510 = vector.broadcast %mul3A_509 : f32 to vector<16xf32>
      %mul3A_511 = arith.mulf %get3A_508, %mul3A_510 : vector<16xf32>
      %swap3A_512 = arith.index_cast %shift_right_logical3A_371 : i32 to index
      %swap3A_513 = arith.index_cast %mul3A_504 : i32 to index
      %swap3A_514 = tpu.vector_load %arg6[%swap3A_512, %swap3A_513] {strides = array<i32>} : memref<40x1024xf32, #tpu.memory_space<vmem>>, vector<1x16xf32>,
      %swap3A_515 = vector.shape_cast %swap3A_514 : vector<1x16xf32> to vector<16xf32>
      %swap3A_516 = vector.shape_cast %mul3A_511 : vector<16xf32> to vector<1x16xf32>
      tpu.vector_store %arg6[%swap3A_512, %swap3A_513], %swap3A_516 {strides = array<i32>} : memref<40x1024xf32, #tpu.memory_space<vmem>>, vector<1x16xf32>,
      %add3A_517 = arith.constant 9 : i32
      %add3A_518 = arith.addi %mul3A_374, %add3A_517 : i32
      %mul3A_519 = arith.constant 16 : i32
      %mul3A_520 = arith.muli %add3A_518, %mul3A_519 : i32
      %get3A_521 = arith.index_cast %shift_right_logical3A_371 : i32 to index
      %get3A_522 = arith.index_cast %mul3A_520 : i32 to index
      %get3A_523 = tpu.vector_load %arg6[%get3A_521, %get3A_522] {strides = array<i32>} : memref<40x1024xf32, #tpu.memory_space<vmem>>, vector<1x16xf32>,
      %get3A_524 = vector.shape_cast %get3A_523 : vector<1x16xf32> to vector<16xf32>
      %mul3A_525 = arith.constant 3.200000e+01 : f32
      %mul3A_526 = vector.broadcast %mul3A_525 : f32 to vector<16xf32>
      %mul3A_527 = arith.mulf %get3A_524, %mul3A_526 : vector<16xf32>
      %swap3A_528 = arith.index_cast %shift_right_logical3A_371 : i32 to index
      %swap3A_529 = arith.index_cast %mul3A_520 : i32 to index
      %swap3A_530 = tpu.vector_load %arg6[%swap3A_528, %swap3A_529] {strides = array<i32>} : memref<40x1024xf32, #tpu.memory_space<vmem>>, vector<1x16xf32>,
      %swap3A_531 = vector.shape_cast %swap3A_530 : vector<1x16xf32> to vector<16xf32>
      %swap3A_532 = vector.shape_cast %mul3A_527 : vector<16xf32> to vector<1x16xf32>
      tpu.vector_store %arg6[%swap3A_528, %swap3A_529], %swap3A_532 {strides = array<i32>} : memref<40x1024xf32, #tpu.memory_space<vmem>>, vector<1x16xf32>,
      %add3A_533 = arith.constant 10 : i32
      %add3A_534 = arith.addi %mul3A_374, %add3A_533 : i32
      %mul3A_535 = arith.constant 16 : i32
      %mul3A_536 = arith.muli %add3A_534, %mul3A_535 : i32
      %get3A_537 = arith.index_cast %shift_right_logical3A_371 : i32 to index
      %get3A_538 = arith.index_cast %mul3A_536 : i32 to index
      %get3A_539 = tpu.vector_load %arg6[%get3A_537, %get3A_538] {strides = array<i32>} : memref<40x1024xf32, #tpu.memory_space<vmem>>, vector<1x16xf32>,
      %get3A_540 = vector.shape_cast %get3A_539 : vector<1x16xf32> to vector<16xf32>
      %mul3A_541 = arith.constant 3.200000e+01 : f32
      %mul3A_542 = vector.broadcast %mul3A_541 : f32 to vector<16xf32>
      %mul3A_543 = arith.mulf %get3A_540, %mul3A_542 : vector<16xf32>
      %swap3A_544 = arith.index_cast %shift_right_logical3A_371 : i32 to index
      %swap3A_545 = arith.index_cast %mul3A_536 : i32 to index
      %swap3A_546 = tpu.vector_load %arg6[%swap3A_544, %swap3A_545] {strides = array<i32>} : memref<40x1024xf32, #tpu.memory_space<vmem>>, vector<1x16xf32>,
      %swap3A_547 = vector.shape_cast %swap3A_546 : vector<1x16xf32> to vector<16xf32>
      %swap3A_548 = vector.shape_cast %mul3A_543 : vector<16xf32> to vector<1x16xf32>
      tpu.vector_store %arg6[%swap3A_544, %swap3A_545], %swap3A_548 {strides = array<i32>} : memref<40x1024xf32, #tpu.memory_space<vmem>>, vector<1x16xf32>,
      %add3A_549 = arith.constant 11 : i32
      %add3A_550 = arith.addi %mul3A_374, %add3A_549 : i32
      %mul3A_551 = arith.constant 16 : i32
      %mul3A_552 = arith.muli %add3A_550, %mul3A_551 : i32
      %get3A_553 = arith.index_cast %shift_right_logical3A_371 : i32 to index
      %get3A_554 = arith.index_cast %mul3A_552 : i32 to index
      %get3A_555 = tpu.vector_load %arg6[%get3A_553, %get3A_554] {strides = array<i32>} : memref<40x1024xf32, #tpu.memory_space<vmem>>, vector<1x16xf32>,
      %get3A_556 = vector.shape_cast %get3A_555 : vector<1x16xf32> to vector<16xf32>
      %mul3A_557 = arith.constant 3.200000e+01 : f32
      %mul3A_558 = vector.broadcast %mul3A_557 : f32 to vector<16xf32>
      %mul3A_559 = arith.mulf %get3A_556, %mul3A_558 : vector<16xf32>
      %swap3A_560 = arith.index_cast %shift_right_logical3A_371 : i32 to index
      %swap3A_561 = arith.index_cast %mul3A_552 : i32 to index
      %swap3A_562 = tpu.vector_load %arg6[%swap3A_560, %swap3A_561] {strides = array<i32>} : memref<40x1024xf32, #tpu.memory_space<vmem>>, vector<1x16xf32>,
      %swap3A_563 = vector.shape_cast %swap3A_562 : vector<1x16xf32> to vector<16xf32>
      %swap3A_564 = vector.shape_cast %mul3A_559 : vector<16xf32> to vector<1x16xf32>
      tpu.vector_store %arg6[%swap3A_560, %swap3A_561], %swap3A_564 {strides = array<i32>} : memref<40x1024xf32, #tpu.memory_space<vmem>>, vector<1x16xf32>,
      %add3A_565 = arith.constant 12 : i32
      %add3A_566 = arith.addi %mul3A_374, %add3A_565 : i32
      %mul3A_567 = arith.constant 16 : i32
      %mul3A_568 = arith.muli %add3A_566, %mul3A_567 : i32
      %get3A_569 = arith.index_cast %shift_right_logical3A_371 : i32 to index
      %get3A_570 = arith.index_cast %mul3A_568 : i32 to index
      %get3A_571 = tpu.vector_load %arg6[%get3A_569, %get3A_570] {strides = array<i32>} : memref<40x1024xf32, #tpu.memory_space<vmem>>, vector<1x16xf32>,
      %get3A_572 = vector.shape_cast %get3A_571 : vector<1x16xf32> to vector<16xf32>
      %mul3A_573 = arith.constant 3.200000e+01 : f32
      %mul3A_574 = vector.broadcast %mul3A_573 : f32 to vector<16xf32>
      %mul3A_575 = arith.mulf %get3A_572, %mul3A_574 : vector<16xf32>
      %swap3A_576 = arith.index_cast %shift_right_logical3A_371 : i32 to index
      %swap3A_577 = arith.index_cast %mul3A_568 : i32 to index
      %swap3A_578 = tpu.vector_load %arg6[%swap3A_576, %swap3A_577] {strides = array<i32>} : memref<40x1024xf32, #tpu.memory_space<vmem>>, vector<1x16xf32>,
      %swap3A_579 = vector.shape_cast %swap3A_578 : vector<1x16xf32> to vector<16xf32>
      %swap3A_580 = vector.shape_cast %mul3A_575 : vector<16xf32> to vector<1x16xf32>
      tpu.vector_store %arg6[%swap3A_576, %swap3A_577], %swap3A_580 {strides = array<i32>} : memref<40x1024xf32, #tpu.memory_space<vmem>>, vector<1x16xf32>,
      %add3A_581 = arith.constant 13 : i32
      %add3A_582 = arith.addi %mul3A_374, %add3A_581 : i32
      %mul3A_583 = arith.constant 16 : i32
      %mul3A_584 = arith.muli %add3A_582, %mul3A_583 : i32
      %get3A_585 = arith.index_cast %shift_right_logical3A_371 : i32 to index
      %get3A_586 = arith.index_cast %mul3A_584 : i32 to index
      %get3A_587 = tpu.vector_load %arg6[%get3A_585, %get3A_586] {strides = array<i32>} : memref<40x1024xf32, #tpu.memory_space<vmem>>, vector<1x16xf32>,
      %get3A_588 = vector.shape_cast %get3A_587 : vector<1x16xf32> to vector<16xf32>
      %mul3A_589 = arith.constant 3.200000e+01 : f32
      %mul3A_590 = vector.broadcast %mul3A_589 : f32 to vector<16xf32>
      %mul3A_591 = arith.mulf %get3A_588, %mul3A_590 : vector<16xf32>
      %swap3A_592 = arith.index_cast %shift_right_logical3A_371 : i32 to index
      %swap3A_593 = arith.index_cast %mul3A_584 : i32 to index
      %swap3A_594 = tpu.vector_load %arg6[%swap3A_592, %swap3A_593] {strides = array<i32>} : memref<40x1024xf32, #tpu.memory_space<vmem>>, vector<1x16xf32>,
      %swap3A_595 = vector.shape_cast %swap3A_594 : vector<1x16xf32> to vector<16xf32>
      %swap3A_596 = vector.shape_cast %mul3A_591 : vector<16xf32> to vector<1x16xf32>
      tpu.vector_store %arg6[%swap3A_592, %swap3A_593], %swap3A_596 {strides = array<i32>} : memref<40x1024xf32, #tpu.memory_space<vmem>>, vector<1x16xf32>,
      %add3A_597 = arith.constant 14 : i32
      %add3A_598 = arith.addi %mul3A_374, %add3A_597 : i32
      %mul3A_599 = arith.constant 16 : i32
      %mul3A_600 = arith.muli %add3A_598, %mul3A_599 : i32
      %get3A_601 = arith.index_cast %shift_right_logical3A_371 : i32 to index
      %get3A_602 = arith.index_cast %mul3A_600 : i32 to index
      %get3A_603 = tpu.vector_load %arg6[%get3A_601, %get3A_602] {strides = array<i32>} : memref<40x1024xf32, #tpu.memory_space<vmem>>, vector<1x16xf32>,
      %get3A_604 = vector.shape_cast %get3A_603 : vector<1x16xf32> to vector<16xf32>
      %mul3A_605 = arith.constant 3.200000e+01 : f32
      %mul3A_606 = vector.broadcast %mul3A_605 : f32 to vector<16xf32>
      %mul3A_607 = arith.mulf %get3A_604, %mul3A_606 : vector<16xf32>
      %swap3A_608 = arith.index_cast %shift_right_logical3A_371 : i32 to index
      %swap3A_609 = arith.index_cast %mul3A_600 : i32 to index
      %swap3A_610 = tpu.vector_load %arg6[%swap3A_608, %swap3A_609] {strides = array<i32>} : memref<40x1024xf32, #tpu.memory_space<vmem>>, vector<1x16xf32>,
      %swap3A_611 = vector.shape_cast %swap3A_610 : vector<1x16xf32> to vector<16xf32>
      %swap3A_612 = vector.shape_cast %mul3A_607 : vector<16xf32> to vector<1x16xf32>
      tpu.vector_store %arg6[%swap3A_608, %swap3A_609], %swap3A_612 {strides = array<i32>} : memref<40x1024xf32, #tpu.memory_space<vmem>>, vector<1x16xf32>,
      %add3A_613 = arith.constant 15 : i32
      %add3A_614 = arith.addi %mul3A_374, %add3A_613 : i32
      %mul3A_615 = arith.constant 16 : i32
      %mul3A_616 = arith.muli %add3A_614, %mul3A_615 : i32
      %get3A_617 = arith.index_cast %shift_right_logical3A_371 : i32 to index
      %get3A_618 = arith.index_cast %mul3A_616 : i32 to index
      %get3A_619 = tpu.vector_load %arg6[%get3A_617, %get3A_618] {strides = array<i32>} : memref<40x1024xf32, #tpu.memory_space<vmem>>, vector<1x16xf32>,
      %get3A_620 = vector.shape_cast %get3A_619 : vector<1x16xf32> to vector<16xf32>
      %mul3A_621 = arith.constant 3.200000e+01 : f32
      %mul3A_622 = vector.broadcast %mul3A_621 : f32 to vector<16xf32>
      %mul3A_623 = arith.mulf %get3A_620, %mul3A_622 : vector<16xf32>
      %swap3A_624 = arith.index_cast %shift_right_logical3A_371 : i32 to index
      %swap3A_625 = arith.index_cast %mul3A_616 : i32 to index
      %swap3A_626 = tpu.vector_load %arg6[%swap3A_624, %swap3A_625] {strides = array<i32>} : memref<40x1024xf32, #tpu.memory_space<vmem>>, vector<1x16xf32>,
      %swap3A_627 = vector.shape_cast %swap3A_626 : vector<1x16xf32> to vector<16xf32>
      %swap3A_628 = vector.shape_cast %mul3A_623 : vector<16xf32> to vector<1x16xf32>
      tpu.vector_store %arg6[%swap3A_624, %swap3A_625], %swap3A_628 {strides = array<i32>} : memref<40x1024xf32, #tpu.memory_space<vmem>>, vector<1x16xf32>,
      %scan3A_629 = arith.constant 0 : i32
      scf.yield %scan3A_629 : i32
    }
    %scan3A_21 = arith.constant 160 : i32
    %add3A_22 = arith.constant 0 : i32
    %add3A_23 = arith.addi %mul3A_2, %add3A_22 : i32
    %dma_start3A_24 = arith.constant 0 : i32
    %dma_start3A_25 = tpu.memref_slice %arg4[%add3A_23, %dma_start3A_24] : memref<16384x1024xf32, #tpu.memory_space<hbm>> -> memref<40x1024xf32, #tpu.memory_space<hbm>>
    %dma_start3A_26 = arith.constant 0 : i32
    %dma_start3A_27 = tpu.memref_slice %arg4[%add3A_23, %dma_start3A_26] : memref<16384x1024xf32, #tpu.memory_space<hbm>> -> memref<40x1024xf32, #tpu.memory_space<hbm>>
    tpu.enqueue_dma source(%arg6 : memref<40x1024xf32, #tpu.memory_space<vmem>>) target(%dma_start3A_27 : memref<40x1024xf32, #tpu.memory_space<hbm>>) target_semaphore(%arg12 : memref<!tpu.dma_semaphore, #tpu.memory_space<semaphore_mem>>)
    %dma_start3A_28 = arith.constant 80 : i32
    %dma_start3A_29 = tpu.memref_slice %arg5[%dma_start3A_28] : memref<512xi32, #tpu.memory_space<vmem>> -> memref<40xi32, #tpu.memory_space<vmem>>
    %dma_start3A_30 = arith.constant 0 : i32
    %dma_start3A_31 = arith.constant 0 : i32
    %dma_start3A_32 = tpu.memref_slice %arg3[%dma_start3A_30, %dma_start3A_31] : memref<100000x1024xf32, #tpu.memory_space<hbm>> -> memref<100000x1024xf32, #tpu.memory_space<hbm>>
    tpu.enqueue_indirect_dma source(%dma_start3A_32 : memref<100000x1024xf32, #tpu.memory_space<hbm>>) target(%arg8 : memref<40x1024xf32, #tpu.memory_space<vmem>>) offsets(%dma_start3A_29 : memref<40xi32, #tpu.memory_space<vmem>>) semaphore(%arg11 : memref<!tpu.dma_semaphore, #tpu.memory_space<semaphore_mem>>)
    %dma_wait3A_33 = arith.constant 40 : i32
    %dma_wait3A_34 = tpu.memref_slice %arg5[%dma_wait3A_33] : memref<512xi32, #tpu.memory_space<vmem>> -> memref<40xi32, #tpu.memory_space<vmem>>
    %dma_wait3A_35 = arith.constant 0 : i32
    %dma_wait3A_36 = arith.constant 0 : i32
    %dma_wait3A_37 = tpu.memref_slice %arg3[%dma_wait3A_35, %dma_wait3A_36] : memref<100000x1024xf32, #tpu.memory_space<hbm>> -> memref<100000x1024xf32, #tpu.memory_space<hbm>>
    tpu.wait_indirect_dma semaphore(%arg10 : memref<!tpu.dma_semaphore, #tpu.memory_space<semaphore_mem>>) src(%dma_wait3A_37 : memref<100000x1024xf32, #tpu.memory_space<hbm>>) dst(%arg7 : memref<40x1024xf32, #tpu.memory_space<vmem>>)
    %scan3A_38 = arith.constant 0 : i32
    %scan3A_39 = arith.constant 0 : i32
    %scan3A_40 = arith.constant 160 : i32
    %scan3A_41 = arith.addi %scan3A_39, %scan3A_40 : i32
    %scan3A_42 = arith.constant 1 : i32
    %scan3A_43 = scf.for %scan3A_369 = %scan3A_39 to %scan3A_41 step %scan3A_42 iter_args(%scan3A_370 = %scan3A_38) -> (i32)  : i32 {
      %shift_right_logical3A = arith.constant 2 : i32
      %shift_right_logical3A_371 = arith.shrui %scan3A_369, %shift_right_logical3A : i32
      %and3A = arith.constant 3 : i32
      %and3A_372 = arith.andi %scan3A_369, %and3A : i32
      %mul3A_373 = arith.constant 16 : i32
      %mul3A_374 = arith.muli %and3A_372, %mul3A_373 : i32
      %add3A_375 = arith.constant 0 : i32
      %add3A_376 = arith.addi %mul3A_374, %add3A_375 : i32
      %mul3A_377 = arith.constant 16 : i32
      %mul3A_378 = arith.muli %add3A_376, %mul3A_377 : i32
      %get3A = arith.index_cast %shift_right_logical3A_371 : i32 to index
      %get3A_379 = arith.index_cast %mul3A_378 : i32 to index
      %get3A_380 = tpu.vector_load %arg7[%get3A, %get3A_379] {strides = array<i32>} : memref<40x1024xf32, #tpu.memory_space<vmem>>, vector<1x16xf32>,
      %get3A_381 = vector.shape_cast %get3A_380 : vector<1x16xf32> to vector<16xf32>
      %mul3A_382 = arith.constant 3.200000e+01 : f32
      %mul3A_383 = vector.broadcast %mul3A_382 : f32 to vector<16xf32>
      %mul3A_384 = arith.mulf %get3A_381, %mul3A_383 : vector<16xf32>
      %swap3A = arith.index_cast %shift_right_logical3A_371 : i32 to index
      %swap3A_385 = arith.index_cast %mul3A_378 : i32 to index
      %swap3A_386 = tpu.vector_load %arg7[%swap3A, %swap3A_385] {strides = array<i32>} : memref<40x1024xf32, #tpu.memory_space<vmem>>, vector<1x16xf32>,
      %swap3A_387 = vector.shape_cast %swap3A_386 : vector<1x16xf32> to vector<16xf32>
      %swap3A_388 = vector.shape_cast %mul3A_384 : vector<16xf32> to vector<1x16xf32>
      tpu.vector_store %arg7[%swap3A, %swap3A_385], %swap3A_388 {strides = array<i32>} : memref<40x1024xf32, #tpu.memory_space<vmem>>, vector<1x16xf32>,
      %add3A_389 = arith.constant 1 : i32
      %add3A_390 = arith.addi %mul3A_374, %add3A_389 : i32
      %mul3A_391 = arith.constant 16 : i32
      %mul3A_392 = arith.muli %add3A_390, %mul3A_391 : i32
      %get3A_393 = arith.index_cast %shift_right_logical3A_371 : i32 to index
      %get3A_394 = arith.index_cast %mul3A_392 : i32 to index
      %get3A_395 = tpu.vector_load %arg7[%get3A_393, %get3A_394] {strides = array<i32>} : memref<40x1024xf32, #tpu.memory_space<vmem>>, vector<1x16xf32>,
      %get3A_396 = vector.shape_cast %get3A_395 : vector<1x16xf32> to vector<16xf32>
      %mul3A_397 = arith.constant 3.200000e+01 : f32
      %mul3A_398 = vector.broadcast %mul3A_397 : f32 to vector<16xf32>
      %mul3A_399 = arith.mulf %get3A_396, %mul3A_398 : vector<16xf32>
      %swap3A_400 = arith.index_cast %shift_right_logical3A_371 : i32 to index
      %swap3A_401 = arith.index_cast %mul3A_392 : i32 to index
      %swap3A_402 = tpu.vector_load %arg7[%swap3A_400, %swap3A_401] {strides = array<i32>} : memref<40x1024xf32, #tpu.memory_space<vmem>>, vector<1x16xf32>,
      %swap3A_403 = vector.shape_cast %swap3A_402 : vector<1x16xf32> to vector<16xf32>
      %swap3A_404 = vector.shape_cast %mul3A_399 : vector<16xf32> to vector<1x16xf32>
      tpu.vector_store %arg7[%swap3A_400, %swap3A_401], %swap3A_404 {strides = array<i32>} : memref<40x1024xf32, #tpu.memory_space<vmem>>, vector<1x16xf32>,
      %add3A_405 = arith.constant 2 : i32
      %add3A_406 = arith.addi %mul3A_374, %add3A_405 : i32
      %mul3A_407 = arith.constant 16 : i32
      %mul3A_408 = arith.muli %add3A_406, %mul3A_407 : i32
      %get3A_409 = arith.index_cast %shift_right_logical3A_371 : i32 to index
      %get3A_410 = arith.index_cast %mul3A_408 : i32 to index
      %get3A_411 = tpu.vector_load %arg7[%get3A_409, %get3A_410] {strides = array<i32>} : memref<40x1024xf32, #tpu.memory_space<vmem>>, vector<1x16xf32>,
      %get3A_412 = vector.shape_cast %get3A_411 : vector<1x16xf32> to vector<16xf32>
      %mul3A_413 = arith.constant 3.200000e+01 : f32
      %mul3A_414 = vector.broadcast %mul3A_413 : f32 to vector<16xf32>
      %mul3A_415 = arith.mulf %get3A_412, %mul3A_414 : vector<16xf32>
      %swap3A_416 = arith.index_cast %shift_right_logical3A_371 : i32 to index
      %swap3A_417 = arith.index_cast %mul3A_408 : i32 to index
      %swap3A_418 = tpu.vector_load %arg7[%swap3A_416, %swap3A_417] {strides = array<i32>} : memref<40x1024xf32, #tpu.memory_space<vmem>>, vector<1x16xf32>,
      %swap3A_419 = vector.shape_cast %swap3A_418 : vector<1x16xf32> to vector<16xf32>
      %swap3A_420 = vector.shape_cast %mul3A_415 : vector<16xf32> to vector<1x16xf32>
      tpu.vector_store %arg7[%swap3A_416, %swap3A_417], %swap3A_420 {strides = array<i32>} : memref<40x1024xf32, #tpu.memory_space<vmem>>, vector<1x16xf32>,
      %add3A_421 = arith.constant 3 : i32
      %add3A_422 = arith.addi %mul3A_374, %add3A_421 : i32
      %mul3A_423 = arith.constant 16 : i32
      %mul3A_424 = arith.muli %add3A_422, %mul3A_423 : i32
      %get3A_425 = arith.index_cast %shift_right_logical3A_371 : i32 to index
      %get3A_426 = arith.index_cast %mul3A_424 : i32 to index
      %get3A_427 = tpu.vector_load %arg7[%get3A_425, %get3A_426] {strides = array<i32>} : memref<40x1024xf32, #tpu.memory_space<vmem>>, vector<1x16xf32>,
      %get3A_428 = vector.shape_cast %get3A_427 : vector<1x16xf32> to vector<16xf32>
      %mul3A_429 = arith.constant 3.200000e+01 : f32
      %mul3A_430 = vector.broadcast %mul3A_429 : f32 to vector<16xf32>
      %mul3A_431 = arith.mulf %get3A_428, %mul3A_430 : vector<16xf32>
      %swap3A_432 = arith.index_cast %shift_right_logical3A_371 : i32 to index
      %swap3A_433 = arith.index_cast %mul3A_424 : i32 to index
      %swap3A_434 = tpu.vector_load %arg7[%swap3A_432, %swap3A_433] {strides = array<i32>} : memref<40x1024xf32, #tpu.memory_space<vmem>>, vector<1x16xf32>,
      %swap3A_435 = vector.shape_cast %swap3A_434 : vector<1x16xf32> to vector<16xf32>
      %swap3A_436 = vector.shape_cast %mul3A_431 : vector<16xf32> to vector<1x16xf32>
      tpu.vector_store %arg7[%swap3A_432, %swap3A_433], %swap3A_436 {strides = array<i32>} : memref<40x1024xf32, #tpu.memory_space<vmem>>, vector<1x16xf32>,
      %add3A_437 = arith.constant 4 : i32
      %add3A_438 = arith.addi %mul3A_374, %add3A_437 : i32
      %mul3A_439 = arith.constant 16 : i32
      %mul3A_440 = arith.muli %add3A_438, %mul3A_439 : i32
      %get3A_441 = arith.index_cast %shift_right_logical3A_371 : i32 to index
      %get3A_442 = arith.index_cast %mul3A_440 : i32 to index
      %get3A_443 = tpu.vector_load %arg7[%get3A_441, %get3A_442] {strides = array<i32>} : memref<40x1024xf32, #tpu.memory_space<vmem>>, vector<1x16xf32>,
      %get3A_444 = vector.shape_cast %get3A_443 : vector<1x16xf32> to vector<16xf32>
      %mul3A_445 = arith.constant 3.200000e+01 : f32
      %mul3A_446 = vector.broadcast %mul3A_445 : f32 to vector<16xf32>
      %mul3A_447 = arith.mulf %get3A_444, %mul3A_446 : vector<16xf32>
      %swap3A_448 = arith.index_cast %shift_right_logical3A_371 : i32 to index
      %swap3A_449 = arith.index_cast %mul3A_440 : i32 to index
      %swap3A_450 = tpu.vector_load %arg7[%swap3A_448, %swap3A_449] {strides = array<i32>} : memref<40x1024xf32, #tpu.memory_space<vmem>>, vector<1x16xf32>,
      %swap3A_451 = vector.shape_cast %swap3A_450 : vector<1x16xf32> to vector<16xf32>
      %swap3A_452 = vector.shape_cast %mul3A_447 : vector<16xf32> to vector<1x16xf32>
      tpu.vector_store %arg7[%swap3A_448, %swap3A_449], %swap3A_452 {strides = array<i32>} : memref<40x1024xf32, #tpu.memory_space<vmem>>, vector<1x16xf32>,
      %add3A_453 = arith.constant 5 : i32
      %add3A_454 = arith.addi %mul3A_374, %add3A_453 : i32
      %mul3A_455 = arith.constant 16 : i32
      %mul3A_456 = arith.muli %add3A_454, %mul3A_455 : i32
      %get3A_457 = arith.index_cast %shift_right_logical3A_371 : i32 to index
      %get3A_458 = arith.index_cast %mul3A_456 : i32 to index
      %get3A_459 = tpu.vector_load %arg7[%get3A_457, %get3A_458] {strides = array<i32>} : memref<40x1024xf32, #tpu.memory_space<vmem>>, vector<1x16xf32>,
      %get3A_460 = vector.shape_cast %get3A_459 : vector<1x16xf32> to vector<16xf32>
      %mul3A_461 = arith.constant 3.200000e+01 : f32
      %mul3A_462 = vector.broadcast %mul3A_461 : f32 to vector<16xf32>
      %mul3A_463 = arith.mulf %get3A_460, %mul3A_462 : vector<16xf32>
      %swap3A_464 = arith.index_cast %shift_right_logical3A_371 : i32 to index
      %swap3A_465 = arith.index_cast %mul3A_456 : i32 to index
      %swap3A_466 = tpu.vector_load %arg7[%swap3A_464, %swap3A_465] {strides = array<i32>} : memref<40x1024xf32, #tpu.memory_space<vmem>>, vector<1x16xf32>,
      %swap3A_467 = vector.shape_cast %swap3A_466 : vector<1x16xf32> to vector<16xf32>
      %swap3A_468 = vector.shape_cast %mul3A_463 : vector<16xf32> to vector<1x16xf32>
      tpu.vector_store %arg7[%swap3A_464, %swap3A_465], %swap3A_468 {strides = array<i32>} : memref<40x1024xf32, #tpu.memory_space<vmem>>, vector<1x16xf32>,
      %add3A_469 = arith.constant 6 : i32
      %add3A_470 = arith.addi %mul3A_374, %add3A_469 : i32
      %mul3A_471 = arith.constant 16 : i32
      %mul3A_472 = arith.muli %add3A_470, %mul3A_471 : i32
      %get3A_473 = arith.index_cast %shift_right_logical3A_371 : i32 to index
      %get3A_474 = arith.index_cast %mul3A_472 : i32 to index
      %get3A_475 = tpu.vector_load %arg7[%get3A_473, %get3A_474] {strides = array<i32>} : memref<40x1024xf32, #tpu.memory_space<vmem>>, vector<1x16xf32>,
      %get3A_476 = vector.shape_cast %get3A_475 : vector<1x16xf32> to vector<16xf32>
      %mul3A_477 = arith.constant 3.200000e+01 : f32
      %mul3A_478 = vector.broadcast %mul3A_477 : f32 to vector<16xf32>
      %mul3A_479 = arith.mulf %get3A_476, %mul3A_478 : vector<16xf32>
      %swap3A_480 = arith.index_cast %shift_right_logical3A_371 : i32 to index
      %swap3A_481 = arith.index_cast %mul3A_472 : i32 to index
      %swap3A_482 = tpu.vector_load %arg7[%swap3A_480, %swap3A_481] {strides = array<i32>} : memref<40x1024xf32, #tpu.memory_space<vmem>>, vector<1x16xf32>,
      %swap3A_483 = vector.shape_cast %swap3A_482 : vector<1x16xf32> to vector<16xf32>
      %swap3A_484 = vector.shape_cast %mul3A_479 : vector<16xf32> to vector<1x16xf32>
      tpu.vector_store %arg7[%swap3A_480, %swap3A_481], %swap3A_484 {strides = array<i32>} : memref<40x1024xf32, #tpu.memory_space<vmem>>, vector<1x16xf32>,
      %add3A_485 = arith.constant 7 : i32
      %add3A_486 = arith.addi %mul3A_374, %add3A_485 : i32
      %mul3A_487 = arith.constant 16 : i32
      %mul3A_488 = arith.muli %add3A_486, %mul3A_487 : i32
      %get3A_489 = arith.index_cast %shift_right_logical3A_371 : i32 to index
      %get3A_490 = arith.index_cast %mul3A_488 : i32 to index
      %get3A_491 = tpu.vector_load %arg7[%get3A_489, %get3A_490] {strides = array<i32>} : memref<40x1024xf32, #tpu.memory_space<vmem>>, vector<1x16xf32>,
      %get3A_492 = vector.shape_cast %get3A_491 : vector<1x16xf32> to vector<16xf32>
      %mul3A_493 = arith.constant 3.200000e+01 : f32
      %mul3A_494 = vector.broadcast %mul3A_493 : f32 to vector<16xf32>
      %mul3A_495 = arith.mulf %get3A_492, %mul3A_494 : vector<16xf32>
      %swap3A_496 = arith.index_cast %shift_right_logical3A_371 : i32 to index
      %swap3A_497 = arith.index_cast %mul3A_488 : i32 to index
      %swap3A_498 = tpu.vector_load %arg7[%swap3A_496, %swap3A_497] {strides = array<i32>} : memref<40x1024xf32, #tpu.memory_space<vmem>>, vector<1x16xf32>,
      %swap3A_499 = vector.shape_cast %swap3A_498 : vector<1x16xf32> to vector<16xf32>
      %swap3A_500 = vector.shape_cast %mul3A_495 : vector<16xf32> to vector<1x16xf32>
      tpu.vector_store %arg7[%swap3A_496, %swap3A_497], %swap3A_500 {strides = array<i32>} : memref<40x1024xf32, #tpu.memory_space<vmem>>, vector<1x16xf32>,
      %add3A_501 = arith.constant 8 : i32
      %add3A_502 = arith.addi %mul3A_374, %add3A_501 : i32
      %mul3A_503 = arith.constant 16 : i32
      %mul3A_504 = arith.muli %add3A_502, %mul3A_503 : i32
      %get3A_505 = arith.index_cast %shift_right_logical3A_371 : i32 to index
      %get3A_506 = arith.index_cast %mul3A_504 : i32 to index
      %get3A_507 = tpu.vector_load %arg7[%get3A_505, %get3A_506] {strides = array<i32>} : memref<40x1024xf32, #tpu.memory_space<vmem>>, vector<1x16xf32>,
      %get3A_508 = vector.shape_cast %get3A_507 : vector<1x16xf32> to vector<16xf32>
      %mul3A_509 = arith.constant 3.200000e+01 : f32
      %mul3A_510 = vector.broadcast %mul3A_509 : f32 to vector<16xf32>
      %mul3A_511 = arith.mulf %get3A_508, %mul3A_510 : vector<16xf32>
      %swap3A_512 = arith.index_cast %shift_right_logical3A_371 : i32 to index
      %swap3A_513 = arith.index_cast %mul3A_504 : i32 to index
      %swap3A_514 = tpu.vector_load %arg7[%swap3A_512, %swap3A_513] {strides = array<i32>} : memref<40x1024xf32, #tpu.memory_space<vmem>>, vector<1x16xf32>,
      %swap3A_515 = vector.shape_cast %swap3A_514 : vector<1x16xf32> to vector<16xf32>
      %swap3A_516 = vector.shape_cast %mul3A_511 : vector<16xf32> to vector<1x16xf32>
      tpu.vector_store %arg7[%swap3A_512, %swap3A_513], %swap3A_516 {strides = array<i32>} : memref<40x1024xf32, #tpu.memory_space<vmem>>, vector<1x16xf32>,
      %add3A_517 = arith.constant 9 : i32
      %add3A_518 = arith.addi %mul3A_374, %add3A_517 : i32
      %mul3A_519 = arith.constant 16 : i32
      %mul3A_520 = arith.muli %add3A_518, %mul3A_519 : i32
      %get3A_521 = arith.index_cast %shift_right_logical3A_371 : i32 to index
      %get3A_522 = arith.index_cast %mul3A_520 : i32 to index
      %get3A_523 = tpu.vector_load %arg7[%get3A_521, %get3A_522] {strides = array<i32>} : memref<40x1024xf32, #tpu.memory_space<vmem>>, vector<1x16xf32>,
      %get3A_524 = vector.shape_cast %get3A_523 : vector<1x16xf32> to vector<16xf32>
      %mul3A_525 = arith.constant 3.200000e+01 : f32
      %mul3A_526 = vector.broadcast %mul3A_525 : f32 to vector<16xf32>
      %mul3A_527 = arith.mulf %get3A_524, %mul3A_526 : vector<16xf32>
      %swap3A_528 = arith.index_cast %shift_right_logical3A_371 : i32 to index
      %swap3A_529 = arith.index_cast %mul3A_520 : i32 to index
      %swap3A_530 = tpu.vector_load %arg7[%swap3A_528, %swap3A_529] {strides = array<i32>} : memref<40x1024xf32, #tpu.memory_space<vmem>>, vector<1x16xf32>,
      %swap3A_531 = vector.shape_cast %swap3A_530 : vector<1x16xf32> to vector<16xf32>
      %swap3A_532 = vector.shape_cast %mul3A_527 : vector<16xf32> to vector<1x16xf32>
      tpu.vector_store %arg7[%swap3A_528, %swap3A_529], %swap3A_532 {strides = array<i32>} : memref<40x1024xf32, #tpu.memory_space<vmem>>, vector<1x16xf32>,
      %add3A_533 = arith.constant 10 : i32
      %add3A_534 = arith.addi %mul3A_374, %add3A_533 : i32
      %mul3A_535 = arith.constant 16 : i32
      %mul3A_536 = arith.muli %add3A_534, %mul3A_535 : i32
      %get3A_537 = arith.index_cast %shift_right_logical3A_371 : i32 to index
      %get3A_538 = arith.index_cast %mul3A_536 : i32 to index
      %get3A_539 = tpu.vector_load %arg7[%get3A_537, %get3A_538] {strides = array<i32>} : memref<40x1024xf32, #tpu.memory_space<vmem>>, vector<1x16xf32>,
      %get3A_540 = vector.shape_cast %get3A_539 : vector<1x16xf32> to vector<16xf32>
      %mul3A_541 = arith.constant 3.200000e+01 : f32
      %mul3A_542 = vector.broadcast %mul3A_541 : f32 to vector<16xf32>
      %mul3A_543 = arith.mulf %get3A_540, %mul3A_542 : vector<16xf32>
      %swap3A_544 = arith.index_cast %shift_right_logical3A_371 : i32 to index
      %swap3A_545 = arith.index_cast %mul3A_536 : i32 to index
      %swap3A_546 = tpu.vector_load %arg7[%swap3A_544, %swap3A_545] {strides = array<i32>} : memref<40x1024xf32, #tpu.memory_space<vmem>>, vector<1x16xf32>,
      %swap3A_547 = vector.shape_cast %swap3A_546 : vector<1x16xf32> to vector<16xf32>
      %swap3A_548 = vector.shape_cast %mul3A_543 : vector<16xf32> to vector<1x16xf32>
      tpu.vector_store %arg7[%swap3A_544, %swap3A_545], %swap3A_548 {strides = array<i32>} : memref<40x1024xf32, #tpu.memory_space<vmem>>, vector<1x16xf32>,
      %add3A_549 = arith.constant 11 : i32
      %add3A_550 = arith.addi %mul3A_374, %add3A_549 : i32
      %mul3A_551 = arith.constant 16 : i32
      %mul3A_552 = arith.muli %add3A_550, %mul3A_551 : i32
      %get3A_553 = arith.index_cast %shift_right_logical3A_371 : i32 to index
      %get3A_554 = arith.index_cast %mul3A_552 : i32 to index
      %get3A_555 = tpu.vector_load %arg7[%get3A_553, %get3A_554] {strides = array<i32>} : memref<40x1024xf32, #tpu.memory_space<vmem>>, vector<1x16xf32>,
      %get3A_556 = vector.shape_cast %get3A_555 : vector<1x16xf32> to vector<16xf32>
      %mul3A_557 = arith.constant 3.200000e+01 : f32
      %mul3A_558 = vector.broadcast %mul3A_557 : f32 to vector<16xf32>
      %mul3A_559 = arith.mulf %get3A_556, %mul3A_558 : vector<16xf32>
      %swap3A_560 = arith.index_cast %shift_right_logical3A_371 : i32 to index
      %swap3A_561 = arith.index_cast %mul3A_552 : i32 to index
      %swap3A_562 = tpu.vector_load %arg7[%swap3A_560, %swap3A_561] {strides = array<i32>} : memref<40x1024xf32, #tpu.memory_space<vmem>>, vector<1x16xf32>,
      %swap3A_563 = vector.shape_cast %swap3A_562 : vector<1x16xf32> to vector<16xf32>
      %swap3A_564 = vector.shape_cast %mul3A_559 : vector<16xf32> to vector<1x16xf32>
      tpu.vector_store %arg7[%swap3A_560, %swap3A_561], %swap3A_564 {strides = array<i32>} : memref<40x1024xf32, #tpu.memory_space<vmem>>, vector<1x16xf32>,
      %add3A_565 = arith.constant 12 : i32
      %add3A_566 = arith.addi %mul3A_374, %add3A_565 : i32
      %mul3A_567 = arith.constant 16 : i32
      %mul3A_568 = arith.muli %add3A_566, %mul3A_567 : i32
      %get3A_569 = arith.index_cast %shift_right_logical3A_371 : i32 to index
      %get3A_570 = arith.index_cast %mul3A_568 : i32 to index
      %get3A_571 = tpu.vector_load %arg7[%get3A_569, %get3A_570] {strides = array<i32>} : memref<40x1024xf32, #tpu.memory_space<vmem>>, vector<1x16xf32>,
      %get3A_572 = vector.shape_cast %get3A_571 : vector<1x16xf32> to vector<16xf32>
      %mul3A_573 = arith.constant 3.200000e+01 : f32
      %mul3A_574 = vector.broadcast %mul3A_573 : f32 to vector<16xf32>
      %mul3A_575 = arith.mulf %get3A_572, %mul3A_574 : vector<16xf32>
      %swap3A_576 = arith.index_cast %shift_right_logical3A_371 : i32 to index
      %swap3A_577 = arith.index_cast %mul3A_568 : i32 to index
      %swap3A_578 = tpu.vector_load %arg7[%swap3A_576, %swap3A_577] {strides = array<i32>} : memref<40x1024xf32, #tpu.memory_space<vmem>>, vector<1x16xf32>,
      %swap3A_579 = vector.shape_cast %swap3A_578 : vector<1x16xf32> to vector<16xf32>
      %swap3A_580 = vector.shape_cast %mul3A_575 : vector<16xf32> to vector<1x16xf32>
      tpu.vector_store %arg7[%swap3A_576, %swap3A_577], %swap3A_580 {strides = array<i32>} : memref<40x1024xf32, #tpu.memory_space<vmem>>, vector<1x16xf32>,
      %add3A_581 = arith.constant 13 : i32
      %add3A_582 = arith.addi %mul3A_374, %add3A_581 : i32
      %mul3A_583 = arith.constant 16 : i32
      %mul3A_584 = arith.muli %add3A_582, %mul3A_583 : i32
      %get3A_585 = arith.index_cast %shift_right_logical3A_371 : i32 to index
      %get3A_586 = arith.index_cast %mul3A_584 : i32 to index
      %get3A_587 = tpu.vector_load %arg7[%get3A_585, %get3A_586] {strides = array<i32>} : memref<40x1024xf32, #tpu.memory_space<vmem>>, vector<1x16xf32>,
      %get3A_588 = vector.shape_cast %get3A_587 : vector<1x16xf32> to vector<16xf32>
      %mul3A_589 = arith.constant 3.200000e+01 : f32
      %mul3A_590 = vector.broadcast %mul3A_589 : f32 to vector<16xf32>
      %mul3A_591 = arith.mulf %get3A_588, %mul3A_590 : vector<16xf32>
      %swap3A_592 = arith.index_cast %shift_right_logical3A_371 : i32 to index
      %swap3A_593 = arith.index_cast %mul3A_584 : i32 to index
      %swap3A_594 = tpu.vector_load %arg7[%swap3A_592, %swap3A_593] {strides = array<i32>} : memref<40x1024xf32, #tpu.memory_space<vmem>>, vector<1x16xf32>,
      %swap3A_595 = vector.shape_cast %swap3A_594 : vector<1x16xf32> to vector<16xf32>
      %swap3A_596 = vector.shape_cast %mul3A_591 : vector<16xf32> to vector<1x16xf32>
      tpu.vector_store %arg7[%swap3A_592, %swap3A_593], %swap3A_596 {strides = array<i32>} : memref<40x1024xf32, #tpu.memory_space<vmem>>, vector<1x16xf32>,
      %add3A_597 = arith.constant 14 : i32
      %add3A_598 = arith.addi %mul3A_374, %add3A_597 : i32
      %mul3A_599 = arith.constant 16 : i32
      %mul3A_600 = arith.muli %add3A_598, %mul3A_599 : i32
      %get3A_601 = arith.index_cast %shift_right_logical3A_371 : i32 to index
      %get3A_602 = arith.index_cast %mul3A_600 : i32 to index
      %get3A_603 = tpu.vector_load %arg7[%get3A_601, %get3A_602] {strides = array<i32>} : memref<40x1024xf32, #tpu.memory_space<vmem>>, vector<1x16xf32>,
      %get3A_604 = vector.shape_cast %get3A_603 : vector<1x16xf32> to vector<16xf32>
      %mul3A_605 = arith.constant 3.200000e+01 : f32
      %mul3A_606 = vector.broadcast %mul3A_605 : f32 to vector<16xf32>
      %mul3A_607 = arith.mulf %get3A_604, %mul3A_606 : vector<16xf32>
      %swap3A_608 = arith.index_cast %shift_right_logical3A_371 : i32 to index
      %swap3A_609 = arith.index_cast %mul3A_600 : i32 to index
      %swap3A_610 = tpu.vector_load %arg7[%swap3A_608, %swap3A_609] {strides = array<i32>} : memref<40x1024xf32, #tpu.memory_space<vmem>>, vector<1x16xf32>,
      %swap3A_611 = vector.shape_cast %swap3A_610 : vector<1x16xf32> to vector<16xf32>
      %swap3A_612 = vector.shape_cast %mul3A_607 : vector<16xf32> to vector<1x16xf32>
      tpu.vector_store %arg7[%swap3A_608, %swap3A_609], %swap3A_612 {strides = array<i32>} : memref<40x1024xf32, #tpu.memory_space<vmem>>, vector<1x16xf32>,
      %add3A_613 = arith.constant 15 : i32
      %add3A_614 = arith.addi %mul3A_374, %add3A_613 : i32
      %mul3A_615 = arith.constant 16 : i32
      %mul3A_616 = arith.muli %add3A_614, %mul3A_615 : i32
      %get3A_617 = arith.index_cast %shift_right_logical3A_371 : i32 to index
      %get3A_618 = arith.index_cast %mul3A_616 : i32 to index
      %get3A_619 = tpu.vector_load %arg7[%get3A_617, %get3A_618] {strides = array<i32>} : memref<40x1024xf32, #tpu.memory_space<vmem>>, vector<1x16xf32>,
      %get3A_620 = vector.shape_cast %get3A_619 : vector<1x16xf32> to vector<16xf32>
      %mul3A_621 = arith.constant 3.200000e+01 : f32
      %mul3A_622 = vector.broadcast %mul3A_621 : f32 to vector<16xf32>
      %mul3A_623 = arith.mulf %get3A_620, %mul3A_622 : vector<16xf32>
      %swap3A_624 = arith.index_cast %shift_right_logical3A_371 : i32 to index
      %swap3A_625 = arith.index_cast %mul3A_616 : i32 to index
      %swap3A_626 = tpu.vector_load %arg7[%swap3A_624, %swap3A_625] {strides = array<i32>} : memref<40x1024xf32, #tpu.memory_space<vmem>>, vector<1x16xf32>,
      %swap3A_627 = vector.shape_cast %swap3A_626 : vector<1x16xf32> to vector<16xf32>
      %swap3A_628 = vector.shape_cast %mul3A_623 : vector<16xf32> to vector<1x16xf32>
      tpu.vector_store %arg7[%swap3A_624, %swap3A_625], %swap3A_628 {strides = array<i32>} : memref<40x1024xf32, #tpu.memory_space<vmem>>, vector<1x16xf32>,
      %scan3A_629 = arith.constant 0 : i32
      scf.yield %scan3A_629 : i32
    }
    %scan3A_44 = arith.constant 160 : i32
    %add3A_45 = arith.constant 40 : i32
    %add3A_46 = arith.addi %mul3A_2, %add3A_45 : i32
    %dma_start3A_47 = arith.constant 0 : i32
    %dma_start3A_48 = tpu.memref_slice %arg4[%add3A_46, %dma_start3A_47] : memref<16384x1024xf32, #tpu.memory_space<hbm>> -> memref<40x1024xf32, #tpu.memory_space<hbm>>
    %dma_start3A_49 = arith.constant 0 : i32
    %dma_start3A_50 = tpu.memref_slice %arg4[%add3A_46, %dma_start3A_49] : memref<16384x1024xf32, #tpu.memory_space<hbm>> -> memref<40x1024xf32, #tpu.memory_space<hbm>>
    tpu.enqueue_dma source(%arg7 : memref<40x1024xf32, #tpu.memory_space<vmem>>) target(%dma_start3A_50 : memref<40x1024xf32, #tpu.memory_space<hbm>>) target_semaphore(%arg13 : memref<!tpu.dma_semaphore, #tpu.memory_space<semaphore_mem>>)
    %dma_wait3A_51 = arith.constant 0 : i32
    %dma_wait3A_52 = tpu.memref_slice %arg4[%add3A_23, %dma_wait3A_51] : memref<16384x1024xf32, #tpu.memory_space<hbm>> -> memref<40x1024xf32, #tpu.memory_space<hbm>>
    %dma_wait3A_53 = arith.constant 0 : i32
    %dma_wait3A_54 = tpu.memref_slice %arg4[%add3A_23, %dma_wait3A_53] : memref<16384x1024xf32, #tpu.memory_space<hbm>> -> memref<40x1024xf32, #tpu.memory_space<hbm>>
    tpu.wait_dma2 semaphore(%arg12 : memref<!tpu.dma_semaphore, #tpu.memory_space<semaphore_mem>>) src(%arg6 : memref<40x1024xf32, #tpu.memory_space<vmem>>) dst(%dma_wait3A_54 : memref<40x1024xf32, #tpu.memory_space<hbm>>)
    %dma_start3A_55 = arith.constant 120 : i32
    %dma_start3A_56 = tpu.memref_slice %arg5[%dma_start3A_55] : memref<512xi32, #tpu.memory_space<vmem>> -> memref<40xi32, #tpu.memory_space<vmem>>
    %dma_start3A_57 = arith.constant 0 : i32
    %dma_start3A_58 = arith.constant 0 : i32
    %dma_start3A_59 = tpu.memref_slice %arg3[%dma_start3A_57, %dma_start3A_58] : memref<100000x1024xf32, #tpu.memory_space<hbm>> -> memref<100000x1024xf32, #tpu.memory_space<hbm>>
    tpu.enqueue_indirect_dma source(%dma_start3A_59 : memref<100000x1024xf32, #tpu.memory_space<hbm>>) target(%arg6 : memref<40x1024xf32, #tpu.memory_space<vmem>>) offsets(%dma_start3A_56 : memref<40xi32, #tpu.memory_space<vmem>>) semaphore(%arg9 : memref<!tpu.dma_semaphore, #tpu.memory_space<semaphore_mem>>)
    %dma_wait3A_60 = arith.constant 80 : i32
    %dma_wait3A_61 = tpu.memref_slice %arg5[%dma_wait3A_60] : memref<512xi32, #tpu.memory_space<vmem>> -> memref<40xi32, #tpu.memory_space<vmem>>
    %dma_wait3A_62 = arith.constant 0 : i32
    %dma_wait3A_63 = arith.constant 0 : i32
    %dma_wait3A_64 = tpu.memref_slice %arg3[%dma_wait3A_62, %dma_wait3A_63] : memref<100000x1024xf32, #tpu.memory_space<hbm>> -> memref<100000x1024xf32, #tpu.memory_space<hbm>>
    tpu.wait_indirect_dma semaphore(%arg11 : memref<!tpu.dma_semaphore, #tpu.memory_space<semaphore_mem>>) src(%dma_wait3A_64 : memref<100000x1024xf32, #tpu.memory_space<hbm>>) dst(%arg8 : memref<40x1024xf32, #tpu.memory_space<vmem>>)
    %scan3A_65 = arith.constant 0 : i32
    %scan3A_66 = arith.constant 0 : i32
    %scan3A_67 = arith.constant 160 : i32
    %scan3A_68 = arith.addi %scan3A_66, %scan3A_67 : i32
    %scan3A_69 = arith.constant 1 : i32
    %scan3A_70 = scf.for %scan3A_369 = %scan3A_66 to %scan3A_68 step %scan3A_69 iter_args(%scan3A_370 = %scan3A_65) -> (i32)  : i32 {
      %shift_right_logical3A = arith.constant 2 : i32
      %shift_right_logical3A_371 = arith.shrui %scan3A_369, %shift_right_logical3A : i32
      %and3A = arith.constant 3 : i32
      %and3A_372 = arith.andi %scan3A_369, %and3A : i32
      %mul3A_373 = arith.constant 16 : i32
      %mul3A_374 = arith.muli %and3A_372, %mul3A_373 : i32
      %add3A_375 = arith.constant 0 : i32
      %add3A_376 = arith.addi %mul3A_374, %add3A_375 : i32
      %mul3A_377 = arith.constant 16 : i32
      %mul3A_378 = arith.muli %add3A_376, %mul3A_377 : i32
      %get3A = arith.index_cast %shift_right_logical3A_371 : i32 to index
      %get3A_379 = arith.index_cast %mul3A_378 : i32 to index
      %get3A_380 = tpu.vector_load %arg8[%get3A, %get3A_379] {strides = array<i32>} : memref<40x1024xf32, #tpu.memory_space<vmem>>, vector<1x16xf32>,
      %get3A_381 = vector.shape_cast %get3A_380 : vector<1x16xf32> to vector<16xf32>
      %mul3A_382 = arith.constant 3.200000e+01 : f32
      %mul3A_383 = vector.broadcast %mul3A_382 : f32 to vector<16xf32>
      %mul3A_384 = arith.mulf %get3A_381, %mul3A_383 : vector<16xf32>
      %swap3A = arith.index_cast %shift_right_logical3A_371 : i32 to index
      %swap3A_385 = arith.index_cast %mul3A_378 : i32 to index
      %swap3A_386 = tpu.vector_load %arg8[%swap3A, %swap3A_385] {strides = array<i32>} : memref<40x1024xf32, #tpu.memory_space<vmem>>, vector<1x16xf32>,
      %swap3A_387 = vector.shape_cast %swap3A_386 : vector<1x16xf32> to vector<16xf32>
      %swap3A_388 = vector.shape_cast %mul3A_384 : vector<16xf32> to vector<1x16xf32>
      tpu.vector_store %arg8[%swap3A, %swap3A_385], %swap3A_388 {strides = array<i32>} : memref<40x1024xf32, #tpu.memory_space<vmem>>, vector<1x16xf32>,
      %add3A_389 = arith.constant 1 : i32
      %add3A_390 = arith.addi %mul3A_374, %add3A_389 : i32
      %mul3A_391 = arith.constant 16 : i32
      %mul3A_392 = arith.muli %add3A_390, %mul3A_391 : i32
      %get3A_393 = arith.index_cast %shift_right_logical3A_371 : i32 to index
      %get3A_394 = arith.index_cast %mul3A_392 : i32 to index
      %get3A_395 = tpu.vector_load %arg8[%get3A_393, %get3A_394] {strides = array<i32>} : memref<40x1024xf32, #tpu.memory_space<vmem>>, vector<1x16xf32>,
      %get3A_396 = vector.shape_cast %get3A_395 : vector<1x16xf32> to vector<16xf32>
      %mul3A_397 = arith.constant 3.200000e+01 : f32
      %mul3A_398 = vector.broadcast %mul3A_397 : f32 to vector<16xf32>
      %mul3A_399 = arith.mulf %get3A_396, %mul3A_398 : vector<16xf32>
      %swap3A_400 = arith.index_cast %shift_right_logical3A_371 : i32 to index
      %swap3A_401 = arith.index_cast %mul3A_392 : i32 to index
      %swap3A_402 = tpu.vector_load %arg8[%swap3A_400, %swap3A_401] {strides = array<i32>} : memref<40x1024xf32, #tpu.memory_space<vmem>>, vector<1x16xf32>,
      %swap3A_403 = vector.shape_cast %swap3A_402 : vector<1x16xf32> to vector<16xf32>
      %swap3A_404 = vector.shape_cast %mul3A_399 : vector<16xf32> to vector<1x16xf32>
      tpu.vector_store %arg8[%swap3A_400, %swap3A_401], %swap3A_404 {strides = array<i32>} : memref<40x1024xf32, #tpu.memory_space<vmem>>, vector<1x16xf32>,
      %add3A_405 = arith.constant 2 : i32
      %add3A_406 = arith.addi %mul3A_374, %add3A_405 : i32
      %mul3A_407 = arith.constant 16 : i32
      %mul3A_408 = arith.muli %add3A_406, %mul3A_407 : i32
      %get3A_409 = arith.index_cast %shift_right_logical3A_371 : i32 to index
      %get3A_410 = arith.index_cast %mul3A_408 : i32 to index
      %get3A_411 = tpu.vector_load %arg8[%get3A_409, %get3A_410] {strides = array<i32>} : memref<40x1024xf32, #tpu.memory_space<vmem>>, vector<1x16xf32>,
      %get3A_412 = vector.shape_cast %get3A_411 : vector<1x16xf32> to vector<16xf32>
      %mul3A_413 = arith.constant 3.200000e+01 : f32
      %mul3A_414 = vector.broadcast %mul3A_413 : f32 to vector<16xf32>
      %mul3A_415 = arith.mulf %get3A_412, %mul3A_414 : vector<16xf32>
      %swap3A_416 = arith.index_cast %shift_right_logical3A_371 : i32 to index
      %swap3A_417 = arith.index_cast %mul3A_408 : i32 to index
      %swap3A_418 = tpu.vector_load %arg8[%swap3A_416, %swap3A_417] {strides = array<i32>} : memref<40x1024xf32, #tpu.memory_space<vmem>>, vector<1x16xf32>,
      %swap3A_419 = vector.shape_cast %swap3A_418 : vector<1x16xf32> to vector<16xf32>
      %swap3A_420 = vector.shape_cast %mul3A_415 : vector<16xf32> to vector<1x16xf32>
      tpu.vector_store %arg8[%swap3A_416, %swap3A_417], %swap3A_420 {strides = array<i32>} : memref<40x1024xf32, #tpu.memory_space<vmem>>, vector<1x16xf32>,
      %add3A_421 = arith.constant 3 : i32
      %add3A_422 = arith.addi %mul3A_374, %add3A_421 : i32
      %mul3A_423 = arith.constant 16 : i32
      %mul3A_424 = arith.muli %add3A_422, %mul3A_423 : i32
      %get3A_425 = arith.index_cast %shift_right_logical3A_371 : i32 to index
      %get3A_426 = arith.index_cast %mul3A_424 : i32 to index
      %get3A_427 = tpu.vector_load %arg8[%get3A_425, %get3A_426] {strides = array<i32>} : memref<40x1024xf32, #tpu.memory_space<vmem>>, vector<1x16xf32>,
      %get3A_428 = vector.shape_cast %get3A_427 : vector<1x16xf32> to vector<16xf32>
      %mul3A_429 = arith.constant 3.200000e+01 : f32
      %mul3A_430 = vector.broadcast %mul3A_429 : f32 to vector<16xf32>
      %mul3A_431 = arith.mulf %get3A_428, %mul3A_430 : vector<16xf32>
      %swap3A_432 = arith.index_cast %shift_right_logical3A_371 : i32 to index
      %swap3A_433 = arith.index_cast %mul3A_424 : i32 to index
      %swap3A_434 = tpu.vector_load %arg8[%swap3A_432, %swap3A_433] {strides = array<i32>} : memref<40x1024xf32, #tpu.memory_space<vmem>>, vector<1x16xf32>,
      %swap3A_435 = vector.shape_cast %swap3A_434 : vector<1x16xf32> to vector<16xf32>
      %swap3A_436 = vector.shape_cast %mul3A_431 : vector<16xf32> to vector<1x16xf32>
      tpu.vector_store %arg8[%swap3A_432, %swap3A_433], %swap3A_436 {strides = array<i32>} : memref<40x1024xf32, #tpu.memory_space<vmem>>, vector<1x16xf32>,
      %add3A_437 = arith.constant 4 : i32
      %add3A_438 = arith.addi %mul3A_374, %add3A_437 : i32
      %mul3A_439 = arith.constant 16 : i32
      %mul3A_440 = arith.muli %add3A_438, %mul3A_439 : i32
      %get3A_441 = arith.index_cast %shift_right_logical3A_371 : i32 to index
      %get3A_442 = arith.index_cast %mul3A_440 : i32 to index
      %get3A_443 = tpu.vector_load %arg8[%get3A_441, %get3A_442] {strides = array<i32>} : memref<40x1024xf32, #tpu.memory_space<vmem>>, vector<1x16xf32>,
      %get3A_444 = vector.shape_cast %get3A_443 : vector<1x16xf32> to vector<16xf32>
      %mul3A_445 = arith.constant 3.200000e+01 : f32
      %mul3A_446 = vector.broadcast %mul3A_445 : f32 to vector<16xf32>
      %mul3A_447 = arith.mulf %get3A_444, %mul3A_446 : vector<16xf32>
      %swap3A_448 = arith.index_cast %shift_right_logical3A_371 : i32 to index
      %swap3A_449 = arith.index_cast %mul3A_440 : i32 to index
      %swap3A_450 = tpu.vector_load %arg8[%swap3A_448, %swap3A_449] {strides = array<i32>} : memref<40x1024xf32, #tpu.memory_space<vmem>>, vector<1x16xf32>,
      %swap3A_451 = vector.shape_cast %swap3A_450 : vector<1x16xf32> to vector<16xf32>
      %swap3A_452 = vector.shape_cast %mul3A_447 : vector<16xf32> to vector<1x16xf32>
      tpu.vector_store %arg8[%swap3A_448, %swap3A_449], %swap3A_452 {strides = array<i32>} : memref<40x1024xf32, #tpu.memory_space<vmem>>, vector<1x16xf32>,
      %add3A_453 = arith.constant 5 : i32
      %add3A_454 = arith.addi %mul3A_374, %add3A_453 : i32
      %mul3A_455 = arith.constant 16 : i32
      %mul3A_456 = arith.muli %add3A_454, %mul3A_455 : i32
      %get3A_457 = arith.index_cast %shift_right_logical3A_371 : i32 to index
      %get3A_458 = arith.index_cast %mul3A_456 : i32 to index
      %get3A_459 = tpu.vector_load %arg8[%get3A_457, %get3A_458] {strides = array<i32>} : memref<40x1024xf32, #tpu.memory_space<vmem>>, vector<1x16xf32>,
      %get3A_460 = vector.shape_cast %get3A_459 : vector<1x16xf32> to vector<16xf32>
      %mul3A_461 = arith.constant 3.200000e+01 : f32
      %mul3A_462 = vector.broadcast %mul3A_461 : f32 to vector<16xf32>
      %mul3A_463 = arith.mulf %get3A_460, %mul3A_462 : vector<16xf32>
      %swap3A_464 = arith.index_cast %shift_right_logical3A_371 : i32 to index
      %swap3A_465 = arith.index_cast %mul3A_456 : i32 to index
      %swap3A_466 = tpu.vector_load %arg8[%swap3A_464, %swap3A_465] {strides = array<i32>} : memref<40x1024xf32, #tpu.memory_space<vmem>>, vector<1x16xf32>,
      %swap3A_467 = vector.shape_cast %swap3A_466 : vector<1x16xf32> to vector<16xf32>
      %swap3A_468 = vector.shape_cast %mul3A_463 : vector<16xf32> to vector<1x16xf32>
      tpu.vector_store %arg8[%swap3A_464, %swap3A_465], %swap3A_468 {strides = array<i32>} : memref<40x1024xf32, #tpu.memory_space<vmem>>, vector<1x16xf32>,
      %add3A_469 = arith.constant 6 : i32
      %add3A_470 = arith.addi %mul3A_374, %add3A_469 : i32
      %mul3A_471 = arith.constant 16 : i32
      %mul3A_472 = arith.muli %add3A_470, %mul3A_471 : i32
      %get3A_473 = arith.index_cast %shift_right_logical3A_371 : i32 to index
      %get3A_474 = arith.index_cast %mul3A_472 : i32 to index
      %get3A_475 = tpu.vector_load %arg8[%get3A_473, %get3A_474] {strides = array<i32>} : memref<40x1024xf32, #tpu.memory_space<vmem>>, vector<1x16xf32>,
      %get3A_476 = vector.shape_cast %get3A_475 : vector<1x16xf32> to vector<16xf32>
      %mul3A_477 = arith.constant 3.200000e+01 : f32
      %mul3A_478 = vector.broadcast %mul3A_477 : f32 to vector<16xf32>
      %mul3A_479 = arith.mulf %get3A_476, %mul3A_478 : vector<16xf32>
      %swap3A_480 = arith.index_cast %shift_right_logical3A_371 : i32 to index
      %swap3A_481 = arith.index_cast %mul3A_472 : i32 to index
      %swap3A_482 = tpu.vector_load %arg8[%swap3A_480, %swap3A_481] {strides = array<i32>} : memref<40x1024xf32, #tpu.memory_space<vmem>>, vector<1x16xf32>,
      %swap3A_483 = vector.shape_cast %swap3A_482 : vector<1x16xf32> to vector<16xf32>
      %swap3A_484 = vector.shape_cast %mul3A_479 : vector<16xf32> to vector<1x16xf32>
      tpu.vector_store %arg8[%swap3A_480, %swap3A_481], %swap3A_484 {strides = array<i32>} : memref<40x1024xf32, #tpu.memory_space<vmem>>, vector<1x16xf32>,
      %add3A_485 = arith.constant 7 : i32
      %add3A_486 = arith.addi %mul3A_374, %add3A_485 : i32
      %mul3A_487 = arith.constant 16 : i32
      %mul3A_488 = arith.muli %add3A_486, %mul3A_487 : i32
      %get3A_489 = arith.index_cast %shift_right_logical3A_371 : i32 to index
      %get3A_490 = arith.index_cast %mul3A_488 : i32 to index
      %get3A_491 = tpu.vector_load %arg8[%get3A_489, %get3A_490] {strides = array<i32>} : memref<40x1024xf32, #tpu.memory_space<vmem>>, vector<1x16xf32>,
      %get3A_492 = vector.shape_cast %get3A_491 : vector<1x16xf32> to vector<16xf32>
      %mul3A_493 = arith.constant 3.200000e+01 : f32
      %mul3A_494 = vector.broadcast %mul3A_493 : f32 to vector<16xf32>
      %mul3A_495 = arith.mulf %get3A_492, %mul3A_494 : vector<16xf32>
      %swap3A_496 = arith.index_cast %shift_right_logical3A_371 : i32 to index
      %swap3A_497 = arith.index_cast %mul3A_488 : i32 to index
      %swap3A_498 = tpu.vector_load %arg8[%swap3A_496, %swap3A_497] {strides = array<i32>} : memref<40x1024xf32, #tpu.memory_space<vmem>>, vector<1x16xf32>,
      %swap3A_499 = vector.shape_cast %swap3A_498 : vector<1x16xf32> to vector<16xf32>
      %swap3A_500 = vector.shape_cast %mul3A_495 : vector<16xf32> to vector<1x16xf32>
      tpu.vector_store %arg8[%swap3A_496, %swap3A_497], %swap3A_500 {strides = array<i32>} : memref<40x1024xf32, #tpu.memory_space<vmem>>, vector<1x16xf32>,
      %add3A_501 = arith.constant 8 : i32
      %add3A_502 = arith.addi %mul3A_374, %add3A_501 : i32
      %mul3A_503 = arith.constant 16 : i32
      %mul3A_504 = arith.muli %add3A_502, %mul3A_503 : i32
      %get3A_505 = arith.index_cast %shift_right_logical3A_371 : i32 to index
      %get3A_506 = arith.index_cast %mul3A_504 : i32 to index
      %get3A_507 = tpu.vector_load %arg8[%get3A_505, %get3A_506] {strides = array<i32>} : memref<40x1024xf32, #tpu.memory_space<vmem>>, vector<1x16xf32>,
      %get3A_508 = vector.shape_cast %get3A_507 : vector<1x16xf32> to vector<16xf32>
      %mul3A_509 = arith.constant 3.200000e+01 : f32
      %mul3A_510 = vector.broadcast %mul3A_509 : f32 to vector<16xf32>
      %mul3A_511 = arith.mulf %get3A_508, %mul3A_510 : vector<16xf32>
      %swap3A_512 = arith.index_cast %shift_right_logical3A_371 : i32 to index
      %swap3A_513 = arith.index_cast %mul3A_504 : i32 to index
      %swap3A_514 = tpu.vector_load %arg8[%swap3A_512, %swap3A_513] {strides = array<i32>} : memref<40x1024xf32, #tpu.memory_space<vmem>>, vector<1x16xf32>,
      %swap3A_515 = vector.shape_cast %swap3A_514 : vector<1x16xf32> to vector<16xf32>
      %swap3A_516 = vector.shape_cast %mul3A_511 : vector<16xf32> to vector<1x16xf32>
      tpu.vector_store %arg8[%swap3A_512, %swap3A_513], %swap3A_516 {strides = array<i32>} : memref<40x1024xf32, #tpu.memory_space<vmem>>, vector<1x16xf32>,
      %add3A_517 = arith.constant 9 : i32
      %add3A_518 = arith.addi %mul3A_374, %add3A_517 : i32
      %mul3A_519 = arith.constant 16 : i32
      %mul3A_520 = arith.muli %add3A_518, %mul3A_519 : i32
      %get3A_521 = arith.index_cast %shift_right_logical3A_371 : i32 to index
      %get3A_522 = arith.index_cast %mul3A_520 : i32 to index
      %get3A_523 = tpu.vector_load %arg8[%get3A_521, %get3A_522] {strides = array<i32>} : memref<40x1024xf32, #tpu.memory_space<vmem>>, vector<1x16xf32>,
      %get3A_524 = vector.shape_cast %get3A_523 : vector<1x16xf32> to vector<16xf32>
      %mul3A_525 = arith.constant 3.200000e+01 : f32
      %mul3A_526 = vector.broadcast %mul3A_525 : f32 to vector<16xf32>
      %mul3A_527 = arith.mulf %get3A_524, %mul3A_526 : vector<16xf32>
      %swap3A_528 = arith.index_cast %shift_right_logical3A_371 : i32 to index
      %swap3A_529 = arith.index_cast %mul3A_520 : i32 to index
      %swap3A_530 = tpu.vector_load %arg8[%swap3A_528, %swap3A_529] {strides = array<i32>} : memref<40x1024xf32, #tpu.memory_space<vmem>>, vector<1x16xf32>,
      %swap3A_531 = vector.shape_cast %swap3A_530 : vector<1x16xf32> to vector<16xf32>
      %swap3A_532 = vector.shape_cast %mul3A_527 : vector<16xf32> to vector<1x16xf32>
      tpu.vector_store %arg8[%swap3A_528, %swap3A_529], %swap3A_532 {strides = array<i32>} : memref<40x1024xf32, #tpu.memory_space<vmem>>, vector<1x16xf32>,
      %add3A_533 = arith.constant 10 : i32
      %add3A_534 = arith.addi %mul3A_374, %add3A_533 : i32
      %mul3A_535 = arith.constant 16 : i32
      %mul3A_536 = arith.muli %add3A_534, %mul3A_535 : i32
      %get3A_537 = arith.index_cast %shift_right_logical3A_371 : i32 to index
      %get3A_538 = arith.index_cast %mul3A_536 : i32 to index
      %get3A_539 = tpu.vector_load %arg8[%get3A_537, %get3A_538] {strides = array<i32>} : memref<40x1024xf32, #tpu.memory_space<vmem>>, vector<1x16xf32>,
      %get3A_540 = vector.shape_cast %get3A_539 : vector<1x16xf32> to vector<16xf32>
      %mul3A_541 = arith.constant 3.200000e+01 : f32
      %mul3A_542 = vector.broadcast %mul3A_541 : f32 to vector<16xf32>
      %mul3A_543 = arith.mulf %get3A_540, %mul3A_542 : vector<16xf32>
      %swap3A_544 = arith.index_cast %shift_right_logical3A_371 : i32 to index
      %swap3A_545 = arith.index_cast %mul3A_536 : i32 to index
      %swap3A_546 = tpu.vector_load %arg8[%swap3A_544, %swap3A_545] {strides = array<i32>} : memref<40x1024xf32, #tpu.memory_space<vmem>>, vector<1x16xf32>,
      %swap3A_547 = vector.shape_cast %swap3A_546 : vector<1x16xf32> to vector<16xf32>
      %swap3A_548 = vector.shape_cast %mul3A_543 : vector<16xf32> to vector<1x16xf32>
      tpu.vector_store %arg8[%swap3A_544, %swap3A_545], %swap3A_548 {strides = array<i32>} : memref<40x1024xf32, #tpu.memory_space<vmem>>, vector<1x16xf32>,
      %add3A_549 = arith.constant 11 : i32
      %add3A_550 = arith.addi %mul3A_374, %add3A_549 : i32
      %mul3A_551 = arith.constant 16 : i32
      %mul3A_552 = arith.muli %add3A_550, %mul3A_551 : i32
      %get3A_553 = arith.index_cast %shift_right_logical3A_371 : i32 to index
      %get3A_554 = arith.index_cast %mul3A_552 : i32 to index
      %get3A_555 = tpu.vector_load %arg8[%get3A_553, %get3A_554] {strides = array<i32>} : memref<40x1024xf32, #tpu.memory_space<vmem>>, vector<1x16xf32>,
      %get3A_556 = vector.shape_cast %get3A_555 : vector<1x16xf32> to vector<16xf32>
      %mul3A_557 = arith.constant 3.200000e+01 : f32
      %mul3A_558 = vector.broadcast %mul3A_557 : f32 to vector<16xf32>
      %mul3A_559 = arith.mulf %get3A_556, %mul3A_558 : vector<16xf32>
      %swap3A_560 = arith.index_cast %shift_right_logical3A_371 : i32 to index
      %swap3A_561 = arith.index_cast %mul3A_552 : i32 to index
      %swap3A_562 = tpu.vector_load %arg8[%swap3A_560, %swap3A_561] {strides = array<i32>} : memref<40x1024xf32, #tpu.memory_space<vmem>>, vector<1x16xf32>,
      %swap3A_563 = vector.shape_cast %swap3A_562 : vector<1x16xf32> to vector<16xf32>
      %swap3A_564 = vector.shape_cast %mul3A_559 : vector<16xf32> to vector<1x16xf32>
      tpu.vector_store %arg8[%swap3A_560, %swap3A_561], %swap3A_564 {strides = array<i32>} : memref<40x1024xf32, #tpu.memory_space<vmem>>, vector<1x16xf32>,
      %add3A_565 = arith.constant 12 : i32
      %add3A_566 = arith.addi %mul3A_374, %add3A_565 : i32
      %mul3A_567 = arith.constant 16 : i32
      %mul3A_568 = arith.muli %add3A_566, %mul3A_567 : i32
      %get3A_569 = arith.index_cast %shift_right_logical3A_371 : i32 to index
      %get3A_570 = arith.index_cast %mul3A_568 : i32 to index
      %get3A_571 = tpu.vector_load %arg8[%get3A_569, %get3A_570] {strides = array<i32>} : memref<40x1024xf32, #tpu.memory_space<vmem>>, vector<1x16xf32>,
      %get3A_572 = vector.shape_cast %get3A_571 : vector<1x16xf32> to vector<16xf32>
      %mul3A_573 = arith.constant 3.200000e+01 : f32
      %mul3A_574 = vector.broadcast %mul3A_573 : f32 to vector<16xf32>
      %mul3A_575 = arith.mulf %get3A_572, %mul3A_574 : vector<16xf32>
      %swap3A_576 = arith.index_cast %shift_right_logical3A_371 : i32 to index
      %swap3A_577 = arith.index_cast %mul3A_568 : i32 to index
      %swap3A_578 = tpu.vector_load %arg8[%swap3A_576, %swap3A_577] {strides = array<i32>} : memref<40x1024xf32, #tpu.memory_space<vmem>>, vector<1x16xf32>,
      %swap3A_579 = vector.shape_cast %swap3A_578 : vector<1x16xf32> to vector<16xf32>
      %swap3A_580 = vector.shape_cast %mul3A_575 : vector<16xf32> to vector<1x16xf32>
      tpu.vector_store %arg8[%swap3A_576, %swap3A_577], %swap3A_580 {strides = array<i32>} : memref<40x1024xf32, #tpu.memory_space<vmem>>, vector<1x16xf32>,
      %add3A_581 = arith.constant 13 : i32
      %add3A_582 = arith.addi %mul3A_374, %add3A_581 : i32
      %mul3A_583 = arith.constant 16 : i32
      %mul3A_584 = arith.muli %add3A_582, %mul3A_583 : i32
      %get3A_585 = arith.index_cast %shift_right_logical3A_371 : i32 to index
      %get3A_586 = arith.index_cast %mul3A_584 : i32 to index
      %get3A_587 = tpu.vector_load %arg8[%get3A_585, %get3A_586] {strides = array<i32>} : memref<40x1024xf32, #tpu.memory_space<vmem>>, vector<1x16xf32>,
      %get3A_588 = vector.shape_cast %get3A_587 : vector<1x16xf32> to vector<16xf32>
      %mul3A_589 = arith.constant 3.200000e+01 : f32
      %mul3A_590 = vector.broadcast %mul3A_589 : f32 to vector<16xf32>
      %mul3A_591 = arith.mulf %get3A_588, %mul3A_590 : vector<16xf32>
      %swap3A_592 = arith.index_cast %shift_right_logical3A_371 : i32 to index
      %swap3A_593 = arith.index_cast %mul3A_584 : i32 to index
      %swap3A_594 = tpu.vector_load %arg8[%swap3A_592, %swap3A_593] {strides = array<i32>} : memref<40x1024xf32, #tpu.memory_space<vmem>>, vector<1x16xf32>,
      %swap3A_595 = vector.shape_cast %swap3A_594 : vector<1x16xf32> to vector<16xf32>
      %swap3A_596 = vector.shape_cast %mul3A_591 : vector<16xf32> to vector<1x16xf32>
      tpu.vector_store %arg8[%swap3A_592, %swap3A_593], %swap3A_596 {strides = array<i32>} : memref<40x1024xf32, #tpu.memory_space<vmem>>, vector<1x16xf32>,
      %add3A_597 = arith.constant 14 : i32
      %add3A_598 = arith.addi %mul3A_374, %add3A_597 : i32
      %mul3A_599 = arith.constant 16 : i32
      %mul3A_600 = arith.muli %add3A_598, %mul3A_599 : i32
      %get3A_601 = arith.index_cast %shift_right_logical3A_371 : i32 to index
      %get3A_602 = arith.index_cast %mul3A_600 : i32 to index
      %get3A_603 = tpu.vector_load %arg8[%get3A_601, %get3A_602] {strides = array<i32>} : memref<40x1024xf32, #tpu.memory_space<vmem>>, vector<1x16xf32>,
      %get3A_604 = vector.shape_cast %get3A_603 : vector<1x16xf32> to vector<16xf32>
      %mul3A_605 = arith.constant 3.200000e+01 : f32
      %mul3A_606 = vector.broadcast %mul3A_605 : f32 to vector<16xf32>
      %mul3A_607 = arith.mulf %get3A_604, %mul3A_606 : vector<16xf32>
      %swap3A_608 = arith.index_cast %shift_right_logical3A_371 : i32 to index
      %swap3A_609 = arith.index_cast %mul3A_600 : i32 to index
      %swap3A_610 = tpu.vector_load %arg8[%swap3A_608, %swap3A_609] {strides = array<i32>} : memref<40x1024xf32, #tpu.memory_space<vmem>>, vector<1x16xf32>,
      %swap3A_611 = vector.shape_cast %swap3A_610 : vector<1x16xf32> to vector<16xf32>
      %swap3A_612 = vector.shape_cast %mul3A_607 : vector<16xf32> to vector<1x16xf32>
      tpu.vector_store %arg8[%swap3A_608, %swap3A_609], %swap3A_612 {strides = array<i32>} : memref<40x1024xf32, #tpu.memory_space<vmem>>, vector<1x16xf32>,
      %add3A_613 = arith.constant 15 : i32
      %add3A_614 = arith.addi %mul3A_374, %add3A_613 : i32
      %mul3A_615 = arith.constant 16 : i32
      %mul3A_616 = arith.muli %add3A_614, %mul3A_615 : i32
      %get3A_617 = arith.index_cast %shift_right_logical3A_371 : i32 to index
      %get3A_618 = arith.index_cast %mul3A_616 : i32 to index
      %get3A_619 = tpu.vector_load %arg8[%get3A_617, %get3A_618] {strides = array<i32>} : memref<40x1024xf32, #tpu.memory_space<vmem>>, vector<1x16xf32>,
      %get3A_620 = vector.shape_cast %get3A_619 : vector<1x16xf32> to vector<16xf32>
      %mul3A_621 = arith.constant 3.200000e+01 : f32
      %mul3A_622 = vector.broadcast %mul3A_621 : f32 to vector<16xf32>
      %mul3A_623 = arith.mulf %get3A_620, %mul3A_622 : vector<16xf32>
      %swap3A_624 = arith.index_cast %shift_right_logical3A_371 : i32 to index
      %swap3A_625 = arith.index_cast %mul3A_616 : i32 to index
      %swap3A_626 = tpu.vector_load %arg8[%swap3A_624, %swap3A_625] {strides = array<i32>} : memref<40x1024xf32, #tpu.memory_space<vmem>>, vector<1x16xf32>,
      %swap3A_627 = vector.shape_cast %swap3A_626 : vector<1x16xf32> to vector<16xf32>
      %swap3A_628 = vector.shape_cast %mul3A_623 : vector<16xf32> to vector<1x16xf32>
      tpu.vector_store %arg8[%swap3A_624, %swap3A_625], %swap3A_628 {strides = array<i32>} : memref<40x1024xf32, #tpu.memory_space<vmem>>, vector<1x16xf32>,
      %scan3A_629 = arith.constant 0 : i32
      scf.yield %scan3A_629 : i32
    }
    %scan3A_71 = arith.constant 160 : i32
    %add3A_72 = arith.constant 80 : i32
    %add3A_73 = arith.addi %mul3A_2, %add3A_72 : i32
    %dma_start3A_74 = arith.constant 0 : i32
    %dma_start3A_75 = tpu.memref_slice %arg4[%add3A_73, %dma_start3A_74] : memref<16384x1024xf32, #tpu.memory_space<hbm>> -> memref<40x1024xf32, #tpu.memory_space<hbm>>
    %dma_start3A_76 = arith.constant 0 : i32
    %dma_start3A_77 = tpu.memref_slice %arg4[%add3A_73, %dma_start3A_76] : memref<16384x1024xf32, #tpu.memory_space<hbm>> -> memref<40x1024xf32, #tpu.memory_space<hbm>>
    tpu.enqueue_dma source(%arg8 : memref<40x1024xf32, #tpu.memory_space<vmem>>) target(%dma_start3A_77 : memref<40x1024xf32, #tpu.memory_space<hbm>>) target_semaphore(%arg14 : memref<!tpu.dma_semaphore, #tpu.memory_space<semaphore_mem>>)
    %dma_wait3A_78 = arith.constant 0 : i32
    %dma_wait3A_79 = tpu.memref_slice %arg4[%add3A_46, %dma_wait3A_78] : memref<16384x1024xf32, #tpu.memory_space<hbm>> -> memref<40x1024xf32, #tpu.memory_space<hbm>>
    %dma_wait3A_80 = arith.constant 0 : i32
    %dma_wait3A_81 = tpu.memref_slice %arg4[%add3A_46, %dma_wait3A_80] : memref<16384x1024xf32, #tpu.memory_space<hbm>> -> memref<40x1024xf32, #tpu.memory_space<hbm>>
    tpu.wait_dma2 semaphore(%arg13 : memref<!tpu.dma_semaphore, #tpu.memory_space<semaphore_mem>>) src(%arg7 : memref<40x1024xf32, #tpu.memory_space<vmem>>) dst(%dma_wait3A_81 : memref<40x1024xf32, #tpu.memory_space<hbm>>)
    %dma_start3A_82 = arith.constant 160 : i32
    %dma_start3A_83 = tpu.memref_slice %arg5[%dma_start3A_82] : memref<512xi32, #tpu.memory_space<vmem>> -> memref<40xi32, #tpu.memory_space<vmem>>
    %dma_start3A_84 = arith.constant 0 : i32
    %dma_start3A_85 = arith.constant 0 : i32
    %dma_start3A_86 = tpu.memref_slice %arg3[%dma_start3A_84, %dma_start3A_85] : memref<100000x1024xf32, #tpu.memory_space<hbm>> -> memref<100000x1024xf32, #tpu.memory_space<hbm>>
    tpu.enqueue_indirect_dma source(%dma_start3A_86 : memref<100000x1024xf32, #tpu.memory_space<hbm>>) target(%arg7 : memref<40x1024xf32, #tpu.memory_space<vmem>>) offsets(%dma_start3A_83 : memref<40xi32, #tpu.memory_space<vmem>>) semaphore(%arg10 : memref<!tpu.dma_semaphore, #tpu.memory_space<semaphore_mem>>)
    %dma_wait3A_87 = arith.constant 120 : i32
    %dma_wait3A_88 = tpu.memref_slice %arg5[%dma_wait3A_87] : memref<512xi32, #tpu.memory_space<vmem>> -> memref<40xi32, #tpu.memory_space<vmem>>
    %dma_wait3A_89 = arith.constant 0 : i32
    %dma_wait3A_90 = arith.constant 0 : i32
    %dma_wait3A_91 = tpu.memref_slice %arg3[%dma_wait3A_89, %dma_wait3A_90] : memref<100000x1024xf32, #tpu.memory_space<hbm>> -> memref<100000x1024xf32, #tpu.memory_space<hbm>>
    tpu.wait_indirect_dma semaphore(%arg9 : memref<!tpu.dma_semaphore, #tpu.memory_space<semaphore_mem>>) src(%dma_wait3A_91 : memref<100000x1024xf32, #tpu.memory_space<hbm>>) dst(%arg6 : memref<40x1024xf32, #tpu.memory_space<vmem>>)
    %scan3A_92 = arith.constant 0 : i32
    %scan3A_93 = arith.constant 0 : i32
    %scan3A_94 = arith.constant 160 : i32
    %scan3A_95 = arith.addi %scan3A_93, %scan3A_94 : i32
    %scan3A_96 = arith.constant 1 : i32
    %scan3A_97 = scf.for %scan3A_369 = %scan3A_93 to %scan3A_95 step %scan3A_96 iter_args(%scan3A_370 = %scan3A_92) -> (i32)  : i32 {
      %shift_right_logical3A = arith.constant 2 : i32
      %shift_right_logical3A_371 = arith.shrui %scan3A_369, %shift_right_logical3A : i32
      %and3A = arith.constant 3 : i32
      %and3A_372 = arith.andi %scan3A_369, %and3A : i32
      %mul3A_373 = arith.constant 16 : i32
      %mul3A_374 = arith.muli %and3A_372, %mul3A_373 : i32
      %add3A_375 = arith.constant 0 : i32
      %add3A_376 = arith.addi %mul3A_374, %add3A_375 : i32
      %mul3A_377 = arith.constant 16 : i32
      %mul3A_378 = arith.muli %add3A_376, %mul3A_377 : i32
      %get3A = arith.index_cast %shift_right_logical3A_371 : i32 to index
      %get3A_379 = arith.index_cast %mul3A_378 : i32 to index
      %get3A_380 = tpu.vector_load %arg6[%get3A, %get3A_379] {strides = array<i32>} : memref<40x1024xf32, #tpu.memory_space<vmem>>, vector<1x16xf32>,
      %get3A_381 = vector.shape_cast %get3A_380 : vector<1x16xf32> to vector<16xf32>
      %mul3A_382 = arith.constant 3.200000e+01 : f32
      %mul3A_383 = vector.broadcast %mul3A_382 : f32 to vector<16xf32>
      %mul3A_384 = arith.mulf %get3A_381, %mul3A_383 : vector<16xf32>
      %swap3A = arith.index_cast %shift_right_logical3A_371 : i32 to index
      %swap3A_385 = arith.index_cast %mul3A_378 : i32 to index
      %swap3A_386 = tpu.vector_load %arg6[%swap3A, %swap3A_385] {strides = array<i32>} : memref<40x1024xf32, #tpu.memory_space<vmem>>, vector<1x16xf32>,
      %swap3A_387 = vector.shape_cast %swap3A_386 : vector<1x16xf32> to vector<16xf32>
      %swap3A_388 = vector.shape_cast %mul3A_384 : vector<16xf32> to vector<1x16xf32>
      tpu.vector_store %arg6[%swap3A, %swap3A_385], %swap3A_388 {strides = array<i32>} : memref<40x1024xf32, #tpu.memory_space<vmem>>, vector<1x16xf32>,
      %add3A_389 = arith.constant 1 : i32
      %add3A_390 = arith.addi %mul3A_374, %add3A_389 : i32
      %mul3A_391 = arith.constant 16 : i32
      %mul3A_392 = arith.muli %add3A_390, %mul3A_391 : i32
      %get3A_393 = arith.index_cast %shift_right_logical3A_371 : i32 to index
      %get3A_394 = arith.index_cast %mul3A_392 : i32 to index
      %get3A_395 = tpu.vector_load %arg6[%get3A_393, %get3A_394] {strides = array<i32>} : memref<40x1024xf32, #tpu.memory_space<vmem>>, vector<1x16xf32>,
      %get3A_396 = vector.shape_cast %get3A_395 : vector<1x16xf32> to vector<16xf32>
      %mul3A_397 = arith.constant 3.200000e+01 : f32
      %mul3A_398 = vector.broadcast %mul3A_397 : f32 to vector<16xf32>
      %mul3A_399 = arith.mulf %get3A_396, %mul3A_398 : vector<16xf32>
      %swap3A_400 = arith.index_cast %shift_right_logical3A_371 : i32 to index
      %swap3A_401 = arith.index_cast %mul3A_392 : i32 to index
      %swap3A_402 = tpu.vector_load %arg6[%swap3A_400, %swap3A_401] {strides = array<i32>} : memref<40x1024xf32, #tpu.memory_space<vmem>>, vector<1x16xf32>,
      %swap3A_403 = vector.shape_cast %swap3A_402 : vector<1x16xf32> to vector<16xf32>
      %swap3A_404 = vector.shape_cast %mul3A_399 : vector<16xf32> to vector<1x16xf32>
      tpu.vector_store %arg6[%swap3A_400, %swap3A_401], %swap3A_404 {strides = array<i32>} : memref<40x1024xf32, #tpu.memory_space<vmem>>, vector<1x16xf32>,
      %add3A_405 = arith.constant 2 : i32
      %add3A_406 = arith.addi %mul3A_374, %add3A_405 : i32
      %mul3A_407 = arith.constant 16 : i32
      %mul3A_408 = arith.muli %add3A_406, %mul3A_407 : i32
      %get3A_409 = arith.index_cast %shift_right_logical3A_371 : i32 to index
      %get3A_410 = arith.index_cast %mul3A_408 : i32 to index
      %get3A_411 = tpu.vector_load %arg6[%get3A_409, %get3A_410] {strides = array<i32>} : memref<40x1024xf32, #tpu.memory_space<vmem>>, vector<1x16xf32>,
      %get3A_412 = vector.shape_cast %get3A_411 : vector<1x16xf32> to vector<16xf32>
      %mul3A_413 = arith.constant 3.200000e+01 : f32
      %mul3A_414 = vector.broadcast %mul3A_413 : f32 to vector<16xf32>
      %mul3A_415 = arith.mulf %get3A_412, %mul3A_414 : vector<16xf32>
      %swap3A_416 = arith.index_cast %shift_right_logical3A_371 : i32 to index
      %swap3A_417 = arith.index_cast %mul3A_408 : i32 to index
      %swap3A_418 = tpu.vector_load %arg6[%swap3A_416, %swap3A_417] {strides = array<i32>} : memref<40x1024xf32, #tpu.memory_space<vmem>>, vector<1x16xf32>,
      %swap3A_419 = vector.shape_cast %swap3A_418 : vector<1x16xf32> to vector<16xf32>
      %swap3A_420 = vector.shape_cast %mul3A_415 : vector<16xf32> to vector<1x16xf32>
      tpu.vector_store %arg6[%swap3A_416, %swap3A_417], %swap3A_420 {strides = array<i32>} : memref<40x1024xf32, #tpu.memory_space<vmem>>, vector<1x16xf32>,
      %add3A_421 = arith.constant 3 : i32
      %add3A_422 = arith.addi %mul3A_374, %add3A_421 : i32
      %mul3A_423 = arith.constant 16 : i32
      %mul3A_424 = arith.muli %add3A_422, %mul3A_423 : i32
      %get3A_425 = arith.index_cast %shift_right_logical3A_371 : i32 to index
      %get3A_426 = arith.index_cast %mul3A_424 : i32 to index
      %get3A_427 = tpu.vector_load %arg6[%get3A_425, %get3A_426] {strides = array<i32>} : memref<40x1024xf32, #tpu.memory_space<vmem>>, vector<1x16xf32>,
      %get3A_428 = vector.shape_cast %get3A_427 : vector<1x16xf32> to vector<16xf32>
      %mul3A_429 = arith.constant 3.200000e+01 : f32
      %mul3A_430 = vector.broadcast %mul3A_429 : f32 to vector<16xf32>
      %mul3A_431 = arith.mulf %get3A_428, %mul3A_430 : vector<16xf32>
      %swap3A_432 = arith.index_cast %shift_right_logical3A_371 : i32 to index
      %swap3A_433 = arith.index_cast %mul3A_424 : i32 to index
      %swap3A_434 = tpu.vector_load %arg6[%swap3A_432, %swap3A_433] {strides = array<i32>} : memref<40x1024xf32, #tpu.memory_space<vmem>>, vector<1x16xf32>,
      %swap3A_435 = vector.shape_cast %swap3A_434 : vector<1x16xf32> to vector<16xf32>
      %swap3A_436 = vector.shape_cast %mul3A_431 : vector<16xf32> to vector<1x16xf32>
      tpu.vector_store %arg6[%swap3A_432, %swap3A_433], %swap3A_436 {strides = array<i32>} : memref<40x1024xf32, #tpu.memory_space<vmem>>, vector<1x16xf32>,
      %add3A_437 = arith.constant 4 : i32
      %add3A_438 = arith.addi %mul3A_374, %add3A_437 : i32
      %mul3A_439 = arith.constant 16 : i32
      %mul3A_440 = arith.muli %add3A_438, %mul3A_439 : i32
      %get3A_441 = arith.index_cast %shift_right_logical3A_371 : i32 to index
      %get3A_442 = arith.index_cast %mul3A_440 : i32 to index
      %get3A_443 = tpu.vector_load %arg6[%get3A_441, %get3A_442] {strides = array<i32>} : memref<40x1024xf32, #tpu.memory_space<vmem>>, vector<1x16xf32>,
      %get3A_444 = vector.shape_cast %get3A_443 : vector<1x16xf32> to vector<16xf32>
      %mul3A_445 = arith.constant 3.200000e+01 : f32
      %mul3A_446 = vector.broadcast %mul3A_445 : f32 to vector<16xf32>
      %mul3A_447 = arith.mulf %get3A_444, %mul3A_446 : vector<16xf32>
      %swap3A_448 = arith.index_cast %shift_right_logical3A_371 : i32 to index
      %swap3A_449 = arith.index_cast %mul3A_440 : i32 to index
      %swap3A_450 = tpu.vector_load %arg6[%swap3A_448, %swap3A_449] {strides = array<i32>} : memref<40x1024xf32, #tpu.memory_space<vmem>>, vector<1x16xf32>,
      %swap3A_451 = vector.shape_cast %swap3A_450 : vector<1x16xf32> to vector<16xf32>
      %swap3A_452 = vector.shape_cast %mul3A_447 : vector<16xf32> to vector<1x16xf32>
      tpu.vector_store %arg6[%swap3A_448, %swap3A_449], %swap3A_452 {strides = array<i32>} : memref<40x1024xf32, #tpu.memory_space<vmem>>, vector<1x16xf32>,
      %add3A_453 = arith.constant 5 : i32
      %add3A_454 = arith.addi %mul3A_374, %add3A_453 : i32
      %mul3A_455 = arith.constant 16 : i32
      %mul3A_456 = arith.muli %add3A_454, %mul3A_455 : i32
      %get3A_457 = arith.index_cast %shift_right_logical3A_371 : i32 to index
      %get3A_458 = arith.index_cast %mul3A_456 : i32 to index
      %get3A_459 = tpu.vector_load %arg6[%get3A_457, %get3A_458] {strides = array<i32>} : memref<40x1024xf32, #tpu.memory_space<vmem>>, vector<1x16xf32>,
      %get3A_460 = vector.shape_cast %get3A_459 : vector<1x16xf32> to vector<16xf32>
      %mul3A_461 = arith.constant 3.200000e+01 : f32
      %mul3A_462 = vector.broadcast %mul3A_461 : f32 to vector<16xf32>
      %mul3A_463 = arith.mulf %get3A_460, %mul3A_462 : vector<16xf32>
      %swap3A_464 = arith.index_cast %shift_right_logical3A_371 : i32 to index
      %swap3A_465 = arith.index_cast %mul3A_456 : i32 to index
      %swap3A_466 = tpu.vector_load %arg6[%swap3A_464, %swap3A_465] {strides = array<i32>} : memref<40x1024xf32, #tpu.memory_space<vmem>>, vector<1x16xf32>,
      %swap3A_467 = vector.shape_cast %swap3A_466 : vector<1x16xf32> to vector<16xf32>
      %swap3A_468 = vector.shape_cast %mul3A_463 : vector<16xf32> to vector<1x16xf32>
      tpu.vector_store %arg6[%swap3A_464, %swap3A_465], %swap3A_468 {strides = array<i32>} : memref<40x1024xf32, #tpu.memory_space<vmem>>, vector<1x16xf32>,
      %add3A_469 = arith.constant 6 : i32
      %add3A_470 = arith.addi %mul3A_374, %add3A_469 : i32
      %mul3A_471 = arith.constant 16 : i32
      %mul3A_472 = arith.muli %add3A_470, %mul3A_471 : i32
      %get3A_473 = arith.index_cast %shift_right_logical3A_371 : i32 to index
      %get3A_474 = arith.index_cast %mul3A_472 : i32 to index
      %get3A_475 = tpu.vector_load %arg6[%get3A_473, %get3A_474] {strides = array<i32>} : memref<40x1024xf32, #tpu.memory_space<vmem>>, vector<1x16xf32>,
      %get3A_476 = vector.shape_cast %get3A_475 : vector<1x16xf32> to vector<16xf32>
      %mul3A_477 = arith.constant 3.200000e+01 : f32
      %mul3A_478 = vector.broadcast %mul3A_477 : f32 to vector<16xf32>
      %mul3A_479 = arith.mulf %get3A_476, %mul3A_478 : vector<16xf32>
      %swap3A_480 = arith.index_cast %shift_right_logical3A_371 : i32 to index
      %swap3A_481 = arith.index_cast %mul3A_472 : i32 to index
      %swap3A_482 = tpu.vector_load %arg6[%swap3A_480, %swap3A_481] {strides = array<i32>} : memref<40x1024xf32, #tpu.memory_space<vmem>>, vector<1x16xf32>,
      %swap3A_483 = vector.shape_cast %swap3A_482 : vector<1x16xf32> to vector<16xf32>
      %swap3A_484 = vector.shape_cast %mul3A_479 : vector<16xf32> to vector<1x16xf32>
      tpu.vector_store %arg6[%swap3A_480, %swap3A_481], %swap3A_484 {strides = array<i32>} : memref<40x1024xf32, #tpu.memory_space<vmem>>, vector<1x16xf32>,
      %add3A_485 = arith.constant 7 : i32
      %add3A_486 = arith.addi %mul3A_374, %add3A_485 : i32
      %mul3A_487 = arith.constant 16 : i32
      %mul3A_488 = arith.muli %add3A_486, %mul3A_487 : i32
      %get3A_489 = arith.index_cast %shift_right_logical3A_371 : i32 to index
      %get3A_490 = arith.index_cast %mul3A_488 : i32 to index
      %get3A_491 = tpu.vector_load %arg6[%get3A_489, %get3A_490] {strides = array<i32>} : memref<40x1024xf32, #tpu.memory_space<vmem>>, vector<1x16xf32>,
      %get3A_492 = vector.shape_cast %get3A_491 : vector<1x16xf32> to vector<16xf32>
      %mul3A_493 = arith.constant 3.200000e+01 : f32
      %mul3A_494 = vector.broadcast %mul3A_493 : f32 to vector<16xf32>
      %mul3A_495 = arith.mulf %get3A_492, %mul3A_494 : vector<16xf32>
      %swap3A_496 = arith.index_cast %shift_right_logical3A_371 : i32 to index
      %swap3A_497 = arith.index_cast %mul3A_488 : i32 to index
      %swap3A_498 = tpu.vector_load %arg6[%swap3A_496, %swap3A_497] {strides = array<i32>} : memref<40x1024xf32, #tpu.memory_space<vmem>>, vector<1x16xf32>,
      %swap3A_499 = vector.shape_cast %swap3A_498 : vector<1x16xf32> to vector<16xf32>
      %swap3A_500 = vector.shape_cast %mul3A_495 : vector<16xf32> to vector<1x16xf32>
      tpu.vector_store %arg6[%swap3A_496, %swap3A_497], %swap3A_500 {strides = array<i32>} : memref<40x1024xf32, #tpu.memory_space<vmem>>, vector<1x16xf32>,
      %add3A_501 = arith.constant 8 : i32
      %add3A_502 = arith.addi %mul3A_374, %add3A_501 : i32
      %mul3A_503 = arith.constant 16 : i32
      %mul3A_504 = arith.muli %add3A_502, %mul3A_503 : i32
      %get3A_505 = arith.index_cast %shift_right_logical3A_371 : i32 to index
      %get3A_506 = arith.index_cast %mul3A_504 : i32 to index
      %get3A_507 = tpu.vector_load %arg6[%get3A_505, %get3A_506] {strides = array<i32>} : memref<40x1024xf32, #tpu.memory_space<vmem>>, vector<1x16xf32>,
      %get3A_508 = vector.shape_cast %get3A_507 : vector<1x16xf32> to vector<16xf32>
      %mul3A_509 = arith.constant 3.200000e+01 : f32
      %mul3A_510 = vector.broadcast %mul3A_509 : f32 to vector<16xf32>
      %mul3A_511 = arith.mulf %get3A_508, %mul3A_510 : vector<16xf32>
      %swap3A_512 = arith.index_cast %shift_right_logical3A_371 : i32 to index
      %swap3A_513 = arith.index_cast %mul3A_504 : i32 to index
      %swap3A_514 = tpu.vector_load %arg6[%swap3A_512, %swap3A_513] {strides = array<i32>} : memref<40x1024xf32, #tpu.memory_space<vmem>>, vector<1x16xf32>,
      %swap3A_515 = vector.shape_cast %swap3A_514 : vector<1x16xf32> to vector<16xf32>
      %swap3A_516 = vector.shape_cast %mul3A_511 : vector<16xf32> to vector<1x16xf32>
      tpu.vector_store %arg6[%swap3A_512, %swap3A_513], %swap3A_516 {strides = array<i32>} : memref<40x1024xf32, #tpu.memory_space<vmem>>, vector<1x16xf32>,
      %add3A_517 = arith.constant 9 : i32
      %add3A_518 = arith.addi %mul3A_374, %add3A_517 : i32
      %mul3A_519 = arith.constant 16 : i32
      %mul3A_520 = arith.muli %add3A_518, %mul3A_519 : i32
      %get3A_521 = arith.index_cast %shift_right_logical3A_371 : i32 to index
      %get3A_522 = arith.index_cast %mul3A_520 : i32 to index
      %get3A_523 = tpu.vector_load %arg6[%get3A_521, %get3A_522] {strides = array<i32>} : memref<40x1024xf32, #tpu.memory_space<vmem>>, vector<1x16xf32>,
      %get3A_524 = vector.shape_cast %get3A_523 : vector<1x16xf32> to vector<16xf32>
      %mul3A_525 = arith.constant 3.200000e+01 : f32
      %mul3A_526 = vector.broadcast %mul3A_525 : f32 to vector<16xf32>
      %mul3A_527 = arith.mulf %get3A_524, %mul3A_526 : vector<16xf32>
      %swap3A_528 = arith.index_cast %shift_right_logical3A_371 : i32 to index
      %swap3A_529 = arith.index_cast %mul3A_520 : i32 to index
      %swap3A_530 = tpu.vector_load %arg6[%swap3A_528, %swap3A_529] {strides = array<i32>} : memref<40x1024xf32, #tpu.memory_space<vmem>>, vector<1x16xf32>,
      %swap3A_531 = vector.shape_cast %swap3A_530 : vector<1x16xf32> to vector<16xf32>
      %swap3A_532 = vector.shape_cast %mul3A_527 : vector<16xf32> to vector<1x16xf32>
      tpu.vector_store %arg6[%swap3A_528, %swap3A_529], %swap3A_532 {strides = array<i32>} : memref<40x1024xf32, #tpu.memory_space<vmem>>, vector<1x16xf32>,
      %add3A_533 = arith.constant 10 : i32
      %add3A_534 = arith.addi %mul3A_374, %add3A_533 : i32
      %mul3A_535 = arith.constant 16 : i32
      %mul3A_536 = arith.muli %add3A_534, %mul3A_535 : i32
      %get3A_537 = arith.index_cast %shift_right_logical3A_371 : i32 to index
      %get3A_538 = arith.index_cast %mul3A_536 : i32 to index
      %get3A_539 = tpu.vector_load %arg6[%get3A_537, %get3A_538] {strides = array<i32>} : memref<40x1024xf32, #tpu.memory_space<vmem>>, vector<1x16xf32>,
      %get3A_540 = vector.shape_cast %get3A_539 : vector<1x16xf32> to vector<16xf32>
      %mul3A_541 = arith.constant 3.200000e+01 : f32
      %mul3A_542 = vector.broadcast %mul3A_541 : f32 to vector<16xf32>
      %mul3A_543 = arith.mulf %get3A_540, %mul3A_542 : vector<16xf32>
      %swap3A_544 = arith.index_cast %shift_right_logical3A_371 : i32 to index
      %swap3A_545 = arith.index_cast %mul3A_536 : i32 to index
      %swap3A_546 = tpu.vector_load %arg6[%swap3A_544, %swap3A_545] {strides = array<i32>} : memref<40x1024xf32, #tpu.memory_space<vmem>>, vector<1x16xf32>,
      %swap3A_547 = vector.shape_cast %swap3A_546 : vector<1x16xf32> to vector<16xf32>
      %swap3A_548 = vector.shape_cast %mul3A_543 : vector<16xf32> to vector<1x16xf32>
      tpu.vector_store %arg6[%swap3A_544, %swap3A_545], %swap3A_548 {strides = array<i32>} : memref<40x1024xf32, #tpu.memory_space<vmem>>, vector<1x16xf32>,
      %add3A_549 = arith.constant 11 : i32
      %add3A_550 = arith.addi %mul3A_374, %add3A_549 : i32
      %mul3A_551 = arith.constant 16 : i32
      %mul3A_552 = arith.muli %add3A_550, %mul3A_551 : i32
      %get3A_553 = arith.index_cast %shift_right_logical3A_371 : i32 to index
      %get3A_554 = arith.index_cast %mul3A_552 : i32 to index
      %get3A_555 = tpu.vector_load %arg6[%get3A_553, %get3A_554] {strides = array<i32>} : memref<40x1024xf32, #tpu.memory_space<vmem>>, vector<1x16xf32>,
      %get3A_556 = vector.shape_cast %get3A_555 : vector<1x16xf32> to vector<16xf32>
      %mul3A_557 = arith.constant 3.200000e+01 : f32
      %mul3A_558 = vector.broadcast %mul3A_557 : f32 to vector<16xf32>
      %mul3A_559 = arith.mulf %get3A_556, %mul3A_558 : vector<16xf32>
      %swap3A_560 = arith.index_cast %shift_right_logical3A_371 : i32 to index
      %swap3A_561 = arith.index_cast %mul3A_552 : i32 to index
      %swap3A_562 = tpu.vector_load %arg6[%swap3A_560, %swap3A_561] {strides = array<i32>} : memref<40x1024xf32, #tpu.memory_space<vmem>>, vector<1x16xf32>,
      %swap3A_563 = vector.shape_cast %swap3A_562 : vector<1x16xf32> to vector<16xf32>
      %swap3A_564 = vector.shape_cast %mul3A_559 : vector<16xf32> to vector<1x16xf32>
      tpu.vector_store %arg6[%swap3A_560, %swap3A_561], %swap3A_564 {strides = array<i32>} : memref<40x1024xf32, #tpu.memory_space<vmem>>, vector<1x16xf32>,
      %add3A_565 = arith.constant 12 : i32
      %add3A_566 = arith.addi %mul3A_374, %add3A_565 : i32
      %mul3A_567 = arith.constant 16 : i32
      %mul3A_568 = arith.muli %add3A_566, %mul3A_567 : i32
      %get3A_569 = arith.index_cast %shift_right_logical3A_371 : i32 to index
      %get3A_570 = arith.index_cast %mul3A_568 : i32 to index
      %get3A_571 = tpu.vector_load %arg6[%get3A_569, %get3A_570] {strides = array<i32>} : memref<40x1024xf32, #tpu.memory_space<vmem>>, vector<1x16xf32>,
      %get3A_572 = vector.shape_cast %get3A_571 : vector<1x16xf32> to vector<16xf32>
      %mul3A_573 = arith.constant 3.200000e+01 : f32
      %mul3A_574 = vector.broadcast %mul3A_573 : f32 to vector<16xf32>
      %mul3A_575 = arith.mulf %get3A_572, %mul3A_574 : vector<16xf32>
      %swap3A_576 = arith.index_cast %shift_right_logical3A_371 : i32 to index
      %swap3A_577 = arith.index_cast %mul3A_568 : i32 to index
      %swap3A_578 = tpu.vector_load %arg6[%swap3A_576, %swap3A_577] {strides = array<i32>} : memref<40x1024xf32, #tpu.memory_space<vmem>>, vector<1x16xf32>,
      %swap3A_579 = vector.shape_cast %swap3A_578 : vector<1x16xf32> to vector<16xf32>
      %swap3A_580 = vector.shape_cast %mul3A_575 : vector<16xf32> to vector<1x16xf32>
      tpu.vector_store %arg6[%swap3A_576, %swap3A_577], %swap3A_580 {strides = array<i32>} : memref<40x1024xf32, #tpu.memory_space<vmem>>, vector<1x16xf32>,
      %add3A_581 = arith.constant 13 : i32
      %add3A_582 = arith.addi %mul3A_374, %add3A_581 : i32
      %mul3A_583 = arith.constant 16 : i32
      %mul3A_584 = arith.muli %add3A_582, %mul3A_583 : i32
      %get3A_585 = arith.index_cast %shift_right_logical3A_371 : i32 to index
      %get3A_586 = arith.index_cast %mul3A_584 : i32 to index
      %get3A_587 = tpu.vector_load %arg6[%get3A_585, %get3A_586] {strides = array<i32>} : memref<40x1024xf32, #tpu.memory_space<vmem>>, vector<1x16xf32>,
      %get3A_588 = vector.shape_cast %get3A_587 : vector<1x16xf32> to vector<16xf32>
      %mul3A_589 = arith.constant 3.200000e+01 : f32
      %mul3A_590 = vector.broadcast %mul3A_589 : f32 to vector<16xf32>
      %mul3A_591 = arith.mulf %get3A_588, %mul3A_590 : vector<16xf32>
      %swap3A_592 = arith.index_cast %shift_right_logical3A_371 : i32 to index
      %swap3A_593 = arith.index_cast %mul3A_584 : i32 to index
      %swap3A_594 = tpu.vector_load %arg6[%swap3A_592, %swap3A_593] {strides = array<i32>} : memref<40x1024xf32, #tpu.memory_space<vmem>>, vector<1x16xf32>,
      %swap3A_595 = vector.shape_cast %swap3A_594 : vector<1x16xf32> to vector<16xf32>
      %swap3A_596 = vector.shape_cast %mul3A_591 : vector<16xf32> to vector<1x16xf32>
      tpu.vector_store %arg6[%swap3A_592, %swap3A_593], %swap3A_596 {strides = array<i32>} : memref<40x1024xf32, #tpu.memory_space<vmem>>, vector<1x16xf32>,
      %add3A_597 = arith.constant 14 : i32
      %add3A_598 = arith.addi %mul3A_374, %add3A_597 : i32
      %mul3A_599 = arith.constant 16 : i32
      %mul3A_600 = arith.muli %add3A_598, %mul3A_599 : i32
      %get3A_601 = arith.index_cast %shift_right_logical3A_371 : i32 to index
      %get3A_602 = arith.index_cast %mul3A_600 : i32 to index
      %get3A_603 = tpu.vector_load %arg6[%get3A_601, %get3A_602] {strides = array<i32>} : memref<40x1024xf32, #tpu.memory_space<vmem>>, vector<1x16xf32>,
      %get3A_604 = vector.shape_cast %get3A_603 : vector<1x16xf32> to vector<16xf32>
      %mul3A_605 = arith.constant 3.200000e+01 : f32
      %mul3A_606 = vector.broadcast %mul3A_605 : f32 to vector<16xf32>
      %mul3A_607 = arith.mulf %get3A_604, %mul3A_606 : vector<16xf32>
      %swap3A_608 = arith.index_cast %shift_right_logical3A_371 : i32 to index
      %swap3A_609 = arith.index_cast %mul3A_600 : i32 to index
      %swap3A_610 = tpu.vector_load %arg6[%swap3A_608, %swap3A_609] {strides = array<i32>} : memref<40x1024xf32, #tpu.memory_space<vmem>>, vector<1x16xf32>,
      %swap3A_611 = vector.shape_cast %swap3A_610 : vector<1x16xf32> to vector<16xf32>
      %swap3A_612 = vector.shape_cast %mul3A_607 : vector<16xf32> to vector<1x16xf32>
      tpu.vector_store %arg6[%swap3A_608, %swap3A_609], %swap3A_612 {strides = array<i32>} : memref<40x1024xf32, #tpu.memory_space<vmem>>, vector<1x16xf32>,
      %add3A_613 = arith.constant 15 : i32
      %add3A_614 = arith.addi %mul3A_374, %add3A_613 : i32
      %mul3A_615 = arith.constant 16 : i32
      %mul3A_616 = arith.muli %add3A_614, %mul3A_615 : i32
      %get3A_617 = arith.index_cast %shift_right_logical3A_371 : i32 to index
      %get3A_618 = arith.index_cast %mul3A_616 : i32 to index
      %get3A_619 = tpu.vector_load %arg6[%get3A_617, %get3A_618] {strides = array<i32>} : memref<40x1024xf32, #tpu.memory_space<vmem>>, vector<1x16xf32>,
      %get3A_620 = vector.shape_cast %get3A_619 : vector<1x16xf32> to vector<16xf32>
      %mul3A_621 = arith.constant 3.200000e+01 : f32
      %mul3A_622 = vector.broadcast %mul3A_621 : f32 to vector<16xf32>
      %mul3A_623 = arith.mulf %get3A_620, %mul3A_622 : vector<16xf32>
      %swap3A_624 = arith.index_cast %shift_right_logical3A_371 : i32 to index
      %swap3A_625 = arith.index_cast %mul3A_616 : i32 to index
      %swap3A_626 = tpu.vector_load %arg6[%swap3A_624, %swap3A_625] {strides = array<i32>} : memref<40x1024xf32, #tpu.memory_space<vmem>>, vector<1x16xf32>,
      %swap3A_627 = vector.shape_cast %swap3A_626 : vector<1x16xf32> to vector<16xf32>
      %swap3A_628 = vector.shape_cast %mul3A_623 : vector<16xf32> to vector<1x16xf32>
      tpu.vector_store %arg6[%swap3A_624, %swap3A_625], %swap3A_628 {strides = array<i32>} : memref<40x1024xf32, #tpu.memory_space<vmem>>, vector<1x16xf32>,
      %scan3A_629 = arith.constant 0 : i32
      scf.yield %scan3A_629 : i32
    }
    %scan3A_98 = arith.constant 160 : i32
    %add3A_99 = arith.constant 120 : i32
    %add3A_100 = arith.addi %mul3A_2, %add3A_99 : i32
    %dma_start3A_101 = arith.constant 0 : i32
    %dma_start3A_102 = tpu.memref_slice %arg4[%add3A_100, %dma_start3A_101] : memref<16384x1024xf32, #tpu.memory_space<hbm>> -> memref<40x1024xf32, #tpu.memory_space<hbm>>
    %dma_start3A_103 = arith.constant 0 : i32
    %dma_start3A_104 = tpu.memref_slice %arg4[%add3A_100, %dma_start3A_103] : memref<16384x1024xf32, #tpu.memory_space<hbm>> -> memref<40x1024xf32, #tpu.memory_space<hbm>>
    tpu.enqueue_dma source(%arg6 : memref<40x1024xf32, #tpu.memory_space<vmem>>) target(%dma_start3A_104 : memref<40x1024xf32, #tpu.memory_space<hbm>>) target_semaphore(%arg12 : memref<!tpu.dma_semaphore, #tpu.memory_space<semaphore_mem>>)
    %dma_wait3A_105 = arith.constant 0 : i32
    %dma_wait3A_106 = tpu.memref_slice %arg4[%add3A_73, %dma_wait3A_105] : memref<16384x1024xf32, #tpu.memory_space<hbm>> -> memref<40x1024xf32, #tpu.memory_space<hbm>>
    %dma_wait3A_107 = arith.constant 0 : i32
    %dma_wait3A_108 = tpu.memref_slice %arg4[%add3A_73, %dma_wait3A_107] : memref<16384x1024xf32, #tpu.memory_space<hbm>> -> memref<40x1024xf32, #tpu.memory_space<hbm>>
    tpu.wait_dma2 semaphore(%arg14 : memref<!tpu.dma_semaphore, #tpu.memory_space<semaphore_mem>>) src(%arg8 : memref<40x1024xf32, #tpu.memory_space<vmem>>) dst(%dma_wait3A_108 : memref<40x1024xf32, #tpu.memory_space<hbm>>)
    %dma_start3A_109 = arith.constant 200 : i32
    %dma_start3A_110 = tpu.memref_slice %arg5[%dma_start3A_109] : memref<512xi32, #tpu.memory_space<vmem>> -> memref<40xi32, #tpu.memory_space<vmem>>
    %dma_start3A_111 = arith.constant 0 : i32
    %dma_start3A_112 = arith.constant 0 : i32
    %dma_start3A_113 = tpu.memref_slice %arg3[%dma_start3A_111, %dma_start3A_112] : memref<100000x1024xf32, #tpu.memory_space<hbm>> -> memref<100000x1024xf32, #tpu.memory_space<hbm>>
    tpu.enqueue_indirect_dma source(%dma_start3A_113 : memref<100000x1024xf32, #tpu.memory_space<hbm>>) target(%arg8 : memref<40x1024xf32, #tpu.memory_space<vmem>>) offsets(%dma_start3A_110 : memref<40xi32, #tpu.memory_space<vmem>>) semaphore(%arg11 : memref<!tpu.dma_semaphore, #tpu.memory_space<semaphore_mem>>)
    %dma_wait3A_114 = arith.constant 160 : i32
    %dma_wait3A_115 = tpu.memref_slice %arg5[%dma_wait3A_114] : memref<512xi32, #tpu.memory_space<vmem>> -> memref<40xi32, #tpu.memory_space<vmem>>
    %dma_wait3A_116 = arith.constant 0 : i32
    %dma_wait3A_117 = arith.constant 0 : i32
    %dma_wait3A_118 = tpu.memref_slice %arg3[%dma_wait3A_116, %dma_wait3A_117] : memref<100000x1024xf32, #tpu.memory_space<hbm>> -> memref<100000x1024xf32, #tpu.memory_space<hbm>>
    tpu.wait_indirect_dma semaphore(%arg10 : memref<!tpu.dma_semaphore, #tpu.memory_space<semaphore_mem>>) src(%dma_wait3A_118 : memref<100000x1024xf32, #tpu.memory_space<hbm>>) dst(%arg7 : memref<40x1024xf32, #tpu.memory_space<vmem>>)
    %scan3A_119 = arith.constant 0 : i32
    %scan3A_120 = arith.constant 0 : i32
    %scan3A_121 = arith.constant 160 : i32
    %scan3A_122 = arith.addi %scan3A_120, %scan3A_121 : i32
    %scan3A_123 = arith.constant 1 : i32
    %scan3A_124 = scf.for %scan3A_369 = %scan3A_120 to %scan3A_122 step %scan3A_123 iter_args(%scan3A_370 = %scan3A_119) -> (i32)  : i32 {
      %shift_right_logical3A = arith.constant 2 : i32
      %shift_right_logical3A_371 = arith.shrui %scan3A_369, %shift_right_logical3A : i32
      %and3A = arith.constant 3 : i32
      %and3A_372 = arith.andi %scan3A_369, %and3A : i32
      %mul3A_373 = arith.constant 16 : i32
      %mul3A_374 = arith.muli %and3A_372, %mul3A_373 : i32
      %add3A_375 = arith.constant 0 : i32
      %add3A_376 = arith.addi %mul3A_374, %add3A_375 : i32
      %mul3A_377 = arith.constant 16 : i32
      %mul3A_378 = arith.muli %add3A_376, %mul3A_377 : i32
      %get3A = arith.index_cast %shift_right_logical3A_371 : i32 to index
      %get3A_379 = arith.index_cast %mul3A_378 : i32 to index
      %get3A_380 = tpu.vector_load %arg7[%get3A, %get3A_379] {strides = array<i32>} : memref<40x1024xf32, #tpu.memory_space<vmem>>, vector<1x16xf32>,
      %get3A_381 = vector.shape_cast %get3A_380 : vector<1x16xf32> to vector<16xf32>
      %mul3A_382 = arith.constant 3.200000e+01 : f32
      %mul3A_383 = vector.broadcast %mul3A_382 : f32 to vector<16xf32>
      %mul3A_384 = arith.mulf %get3A_381, %mul3A_383 : vector<16xf32>
      %swap3A = arith.index_cast %shift_right_logical3A_371 : i32 to index
      %swap3A_385 = arith.index_cast %mul3A_378 : i32 to index
      %swap3A_386 = tpu.vector_load %arg7[%swap3A, %swap3A_385] {strides = array<i32>} : memref<40x1024xf32, #tpu.memory_space<vmem>>, vector<1x16xf32>,
      %swap3A_387 = vector.shape_cast %swap3A_386 : vector<1x16xf32> to vector<16xf32>
      %swap3A_388 = vector.shape_cast %mul3A_384 : vector<16xf32> to vector<1x16xf32>
      tpu.vector_store %arg7[%swap3A, %swap3A_385], %swap3A_388 {strides = array<i32>} : memref<40x1024xf32, #tpu.memory_space<vmem>>, vector<1x16xf32>,
      %add3A_389 = arith.constant 1 : i32
      %add3A_390 = arith.addi %mul3A_374, %add3A_389 : i32
      %mul3A_391 = arith.constant 16 : i32
      %mul3A_392 = arith.muli %add3A_390, %mul3A_391 : i32
      %get3A_393 = arith.index_cast %shift_right_logical3A_371 : i32 to index
      %get3A_394 = arith.index_cast %mul3A_392 : i32 to index
      %get3A_395 = tpu.vector_load %arg7[%get3A_393, %get3A_394] {strides = array<i32>} : memref<40x1024xf32, #tpu.memory_space<vmem>>, vector<1x16xf32>,
      %get3A_396 = vector.shape_cast %get3A_395 : vector<1x16xf32> to vector<16xf32>
      %mul3A_397 = arith.constant 3.200000e+01 : f32
      %mul3A_398 = vector.broadcast %mul3A_397 : f32 to vector<16xf32>
      %mul3A_399 = arith.mulf %get3A_396, %mul3A_398 : vector<16xf32>
      %swap3A_400 = arith.index_cast %shift_right_logical3A_371 : i32 to index
      %swap3A_401 = arith.index_cast %mul3A_392 : i32 to index
      %swap3A_402 = tpu.vector_load %arg7[%swap3A_400, %swap3A_401] {strides = array<i32>} : memref<40x1024xf32, #tpu.memory_space<vmem>>, vector<1x16xf32>,
      %swap3A_403 = vector.shape_cast %swap3A_402 : vector<1x16xf32> to vector<16xf32>
      %swap3A_404 = vector.shape_cast %mul3A_399 : vector<16xf32> to vector<1x16xf32>
      tpu.vector_store %arg7[%swap3A_400, %swap3A_401], %swap3A_404 {strides = array<i32>} : memref<40x1024xf32, #tpu.memory_space<vmem>>, vector<1x16xf32>,
      %add3A_405 = arith.constant 2 : i32
      %add3A_406 = arith.addi %mul3A_374, %add3A_405 : i32
      %mul3A_407 = arith.constant 16 : i32
      %mul3A_408 = arith.muli %add3A_406, %mul3A_407 : i32
      %get3A_409 = arith.index_cast %shift_right_logical3A_371 : i32 to index
      %get3A_410 = arith.index_cast %mul3A_408 : i32 to index
      %get3A_411 = tpu.vector_load %arg7[%get3A_409, %get3A_410] {strides = array<i32>} : memref<40x1024xf32, #tpu.memory_space<vmem>>, vector<1x16xf32>,
      %get3A_412 = vector.shape_cast %get3A_411 : vector<1x16xf32> to vector<16xf32>
      %mul3A_413 = arith.constant 3.200000e+01 : f32
      %mul3A_414 = vector.broadcast %mul3A_413 : f32 to vector<16xf32>
      %mul3A_415 = arith.mulf %get3A_412, %mul3A_414 : vector<16xf32>
      %swap3A_416 = arith.index_cast %shift_right_logical3A_371 : i32 to index
      %swap3A_417 = arith.index_cast %mul3A_408 : i32 to index
      %swap3A_418 = tpu.vector_load %arg7[%swap3A_416, %swap3A_417] {strides = array<i32>} : memref<40x1024xf32, #tpu.memory_space<vmem>>, vector<1x16xf32>,
      %swap3A_419 = vector.shape_cast %swap3A_418 : vector<1x16xf32> to vector<16xf32>
      %swap3A_420 = vector.shape_cast %mul3A_415 : vector<16xf32> to vector<1x16xf32>
      tpu.vector_store %arg7[%swap3A_416, %swap3A_417], %swap3A_420 {strides = array<i32>} : memref<40x1024xf32, #tpu.memory_space<vmem>>, vector<1x16xf32>,
      %add3A_421 = arith.constant 3 : i32
      %add3A_422 = arith.addi %mul3A_374, %add3A_421 : i32
      %mul3A_423 = arith.constant 16 : i32
      %mul3A_424 = arith.muli %add3A_422, %mul3A_423 : i32
      %get3A_425 = arith.index_cast %shift_right_logical3A_371 : i32 to index
      %get3A_426 = arith.index_cast %mul3A_424 : i32 to index
      %get3A_427 = tpu.vector_load %arg7[%get3A_425, %get3A_426] {strides = array<i32>} : memref<40x1024xf32, #tpu.memory_space<vmem>>, vector<1x16xf32>,
      %get3A_428 = vector.shape_cast %get3A_427 : vector<1x16xf32> to vector<16xf32>
      %mul3A_429 = arith.constant 3.200000e+01 : f32
      %mul3A_430 = vector.broadcast %mul3A_429 : f32 to vector<16xf32>
      %mul3A_431 = arith.mulf %get3A_428, %mul3A_430 : vector<16xf32>
      %swap3A_432 = arith.index_cast %shift_right_logical3A_371 : i32 to index
      %swap3A_433 = arith.index_cast %mul3A_424 : i32 to index
      %swap3A_434 = tpu.vector_load %arg7[%swap3A_432, %swap3A_433] {strides = array<i32>} : memref<40x1024xf32, #tpu.memory_space<vmem>>, vector<1x16xf32>,
      %swap3A_435 = vector.shape_cast %swap3A_434 : vector<1x16xf32> to vector<16xf32>
      %swap3A_436 = vector.shape_cast %mul3A_431 : vector<16xf32> to vector<1x16xf32>
      tpu.vector_store %arg7[%swap3A_432, %swap3A_433], %swap3A_436 {strides = array<i32>} : memref<40x1024xf32, #tpu.memory_space<vmem>>, vector<1x16xf32>,
      %add3A_437 = arith.constant 4 : i32
      %add3A_438 = arith.addi %mul3A_374, %add3A_437 : i32
      %mul3A_439 = arith.constant 16 : i32
      %mul3A_440 = arith.muli %add3A_438, %mul3A_439 : i32
      %get3A_441 = arith.index_cast %shift_right_logical3A_371 : i32 to index
      %get3A_442 = arith.index_cast %mul3A_440 : i32 to index
      %get3A_443 = tpu.vector_load %arg7[%get3A_441, %get3A_442] {strides = array<i32>} : memref<40x1024xf32, #tpu.memory_space<vmem>>, vector<1x16xf32>,
      %get3A_444 = vector.shape_cast %get3A_443 : vector<1x16xf32> to vector<16xf32>
      %mul3A_445 = arith.constant 3.200000e+01 : f32
      %mul3A_446 = vector.broadcast %mul3A_445 : f32 to vector<16xf32>
      %mul3A_447 = arith.mulf %get3A_444, %mul3A_446 : vector<16xf32>
      %swap3A_448 = arith.index_cast %shift_right_logical3A_371 : i32 to index
      %swap3A_449 = arith.index_cast %mul3A_440 : i32 to index
      %swap3A_450 = tpu.vector_load %arg7[%swap3A_448, %swap3A_449] {strides = array<i32>} : memref<40x1024xf32, #tpu.memory_space<vmem>>, vector<1x16xf32>,
      %swap3A_451 = vector.shape_cast %swap3A_450 : vector<1x16xf32> to vector<16xf32>
      %swap3A_452 = vector.shape_cast %mul3A_447 : vector<16xf32> to vector<1x16xf32>
      tpu.vector_store %arg7[%swap3A_448, %swap3A_449], %swap3A_452 {strides = array<i32>} : memref<40x1024xf32, #tpu.memory_space<vmem>>, vector<1x16xf32>,
      %add3A_453 = arith.constant 5 : i32
      %add3A_454 = arith.addi %mul3A_374, %add3A_453 : i32
      %mul3A_455 = arith.constant 16 : i32
      %mul3A_456 = arith.muli %add3A_454, %mul3A_455 : i32
      %get3A_457 = arith.index_cast %shift_right_logical3A_371 : i32 to index
      %get3A_458 = arith.index_cast %mul3A_456 : i32 to index
      %get3A_459 = tpu.vector_load %arg7[%get3A_457, %get3A_458] {strides = array<i32>} : memref<40x1024xf32, #tpu.memory_space<vmem>>, vector<1x16xf32>,
      %get3A_460 = vector.shape_cast %get3A_459 : vector<1x16xf32> to vector<16xf32>
      %mul3A_461 = arith.constant 3.200000e+01 : f32
      %mul3A_462 = vector.broadcast %mul3A_461 : f32 to vector<16xf32>
      %mul3A_463 = arith.mulf %get3A_460, %mul3A_462 : vector<16xf32>
      %swap3A_464 = arith.index_cast %shift_right_logical3A_371 : i32 to index
      %swap3A_465 = arith.index_cast %mul3A_456 : i32 to index
      %swap3A_466 = tpu.vector_load %arg7[%swap3A_464, %swap3A_465] {strides = array<i32>} : memref<40x1024xf32, #tpu.memory_space<vmem>>, vector<1x16xf32>,
      %swap3A_467 = vector.shape_cast %swap3A_466 : vector<1x16xf32> to vector<16xf32>
      %swap3A_468 = vector.shape_cast %mul3A_463 : vector<16xf32> to vector<1x16xf32>
      tpu.vector_store %arg7[%swap3A_464, %swap3A_465], %swap3A_468 {strides = array<i32>} : memref<40x1024xf32, #tpu.memory_space<vmem>>, vector<1x16xf32>,
      %add3A_469 = arith.constant 6 : i32
      %add3A_470 = arith.addi %mul3A_374, %add3A_469 : i32
      %mul3A_471 = arith.constant 16 : i32
      %mul3A_472 = arith.muli %add3A_470, %mul3A_471 : i32
      %get3A_473 = arith.index_cast %shift_right_logical3A_371 : i32 to index
      %get3A_474 = arith.index_cast %mul3A_472 : i32 to index
      %get3A_475 = tpu.vector_load %arg7[%get3A_473, %get3A_474] {strides = array<i32>} : memref<40x1024xf32, #tpu.memory_space<vmem>>, vector<1x16xf32>,
      %get3A_476 = vector.shape_cast %get3A_475 : vector<1x16xf32> to vector<16xf32>
      %mul3A_477 = arith.constant 3.200000e+01 : f32
      %mul3A_478 = vector.broadcast %mul3A_477 : f32 to vector<16xf32>
      %mul3A_479 = arith.mulf %get3A_476, %mul3A_478 : vector<16xf32>
      %swap3A_480 = arith.index_cast %shift_right_logical3A_371 : i32 to index
      %swap3A_481 = arith.index_cast %mul3A_472 : i32 to index
      %swap3A_482 = tpu.vector_load %arg7[%swap3A_480, %swap3A_481] {strides = array<i32>} : memref<40x1024xf32, #tpu.memory_space<vmem>>, vector<1x16xf32>,
      %swap3A_483 = vector.shape_cast %swap3A_482 : vector<1x16xf32> to vector<16xf32>
      %swap3A_484 = vector.shape_cast %mul3A_479 : vector<16xf32> to vector<1x16xf32>
      tpu.vector_store %arg7[%swap3A_480, %swap3A_481], %swap3A_484 {strides = array<i32>} : memref<40x1024xf32, #tpu.memory_space<vmem>>, vector<1x16xf32>,
      %add3A_485 = arith.constant 7 : i32
      %add3A_486 = arith.addi %mul3A_374, %add3A_485 : i32
      %mul3A_487 = arith.constant 16 : i32
      %mul3A_488 = arith.muli %add3A_486, %mul3A_487 : i32
      %get3A_489 = arith.index_cast %shift_right_logical3A_371 : i32 to index
      %get3A_490 = arith.index_cast %mul3A_488 : i32 to index
      %get3A_491 = tpu.vector_load %arg7[%get3A_489, %get3A_490] {strides = array<i32>} : memref<40x1024xf32, #tpu.memory_space<vmem>>, vector<1x16xf32>,
      %get3A_492 = vector.shape_cast %get3A_491 : vector<1x16xf32> to vector<16xf32>
      %mul3A_493 = arith.constant 3.200000e+01 : f32
      %mul3A_494 = vector.broadcast %mul3A_493 : f32 to vector<16xf32>
      %mul3A_495 = arith.mulf %get3A_492, %mul3A_494 : vector<16xf32>
      %swap3A_496 = arith.index_cast %shift_right_logical3A_371 : i32 to index
      %swap3A_497 = arith.index_cast %mul3A_488 : i32 to index
      %swap3A_498 = tpu.vector_load %arg7[%swap3A_496, %swap3A_497] {strides = array<i32>} : memref<40x1024xf32, #tpu.memory_space<vmem>>, vector<1x16xf32>,
      %swap3A_499 = vector.shape_cast %swap3A_498 : vector<1x16xf32> to vector<16xf32>
      %swap3A_500 = vector.shape_cast %mul3A_495 : vector<16xf32> to vector<1x16xf32>
      tpu.vector_store %arg7[%swap3A_496, %swap3A_497], %swap3A_500 {strides = array<i32>} : memref<40x1024xf32, #tpu.memory_space<vmem>>, vector<1x16xf32>,
      %add3A_501 = arith.constant 8 : i32
      %add3A_502 = arith.addi %mul3A_374, %add3A_501 : i32
      %mul3A_503 = arith.constant 16 : i32
      %mul3A_504 = arith.muli %add3A_502, %mul3A_503 : i32
      %get3A_505 = arith.index_cast %shift_right_logical3A_371 : i32 to index
      %get3A_506 = arith.index_cast %mul3A_504 : i32 to index
      %get3A_507 = tpu.vector_load %arg7[%get3A_505, %get3A_506] {strides = array<i32>} : memref<40x1024xf32, #tpu.memory_space<vmem>>, vector<1x16xf32>,
      %get3A_508 = vector.shape_cast %get3A_507 : vector<1x16xf32> to vector<16xf32>
      %mul3A_509 = arith.constant 3.200000e+01 : f32
      %mul3A_510 = vector.broadcast %mul3A_509 : f32 to vector<16xf32>
      %mul3A_511 = arith.mulf %get3A_508, %mul3A_510 : vector<16xf32>
      %swap3A_512 = arith.index_cast %shift_right_logical3A_371 : i32 to index
      %swap3A_513 = arith.index_cast %mul3A_504 : i32 to index
      %swap3A_514 = tpu.vector_load %arg7[%swap3A_512, %swap3A_513] {strides = array<i32>} : memref<40x1024xf32, #tpu.memory_space<vmem>>, vector<1x16xf32>,
      %swap3A_515 = vector.shape_cast %swap3A_514 : vector<1x16xf32> to vector<16xf32>
      %swap3A_516 = vector.shape_cast %mul3A_511 : vector<16xf32> to vector<1x16xf32>
      tpu.vector_store %arg7[%swap3A_512, %swap3A_513], %swap3A_516 {strides = array<i32>} : memref<40x1024xf32, #tpu.memory_space<vmem>>, vector<1x16xf32>,
      %add3A_517 = arith.constant 9 : i32
      %add3A_518 = arith.addi %mul3A_374, %add3A_517 : i32
      %mul3A_519 = arith.constant 16 : i32
      %mul3A_520 = arith.muli %add3A_518, %mul3A_519 : i32
      %get3A_521 = arith.index_cast %shift_right_logical3A_371 : i32 to index
      %get3A_522 = arith.index_cast %mul3A_520 : i32 to index
      %get3A_523 = tpu.vector_load %arg7[%get3A_521, %get3A_522] {strides = array<i32>} : memref<40x1024xf32, #tpu.memory_space<vmem>>, vector<1x16xf32>,
      %get3A_524 = vector.shape_cast %get3A_523 : vector<1x16xf32> to vector<16xf32>
      %mul3A_525 = arith.constant 3.200000e+01 : f32
      %mul3A_526 = vector.broadcast %mul3A_525 : f32 to vector<16xf32>
      %mul3A_527 = arith.mulf %get3A_524, %mul3A_526 : vector<16xf32>
      %swap3A_528 = arith.index_cast %shift_right_logical3A_371 : i32 to index
      %swap3A_529 = arith.index_cast %mul3A_520 : i32 to index
      %swap3A_530 = tpu.vector_load %arg7[%swap3A_528, %swap3A_529] {strides = array<i32>} : memref<40x1024xf32, #tpu.memory_space<vmem>>, vector<1x16xf32>,
      %swap3A_531 = vector.shape_cast %swap3A_530 : vector<1x16xf32> to vector<16xf32>
      %swap3A_532 = vector.shape_cast %mul3A_527 : vector<16xf32> to vector<1x16xf32>
      tpu.vector_store %arg7[%swap3A_528, %swap3A_529], %swap3A_532 {strides = array<i32>} : memref<40x1024xf32, #tpu.memory_space<vmem>>, vector<1x16xf32>,
      %add3A_533 = arith.constant 10 : i32
      %add3A_534 = arith.addi %mul3A_374, %add3A_533 : i32
      %mul3A_535 = arith.constant 16 : i32
      %mul3A_536 = arith.muli %add3A_534, %mul3A_535 : i32
      %get3A_537 = arith.index_cast %shift_right_logical3A_371 : i32 to index
      %get3A_538 = arith.index_cast %mul3A_536 : i32 to index
      %get3A_539 = tpu.vector_load %arg7[%get3A_537, %get3A_538] {strides = array<i32>} : memref<40x1024xf32, #tpu.memory_space<vmem>>, vector<1x16xf32>,
      %get3A_540 = vector.shape_cast %get3A_539 : vector<1x16xf32> to vector<16xf32>
      %mul3A_541 = arith.constant 3.200000e+01 : f32
      %mul3A_542 = vector.broadcast %mul3A_541 : f32 to vector<16xf32>
      %mul3A_543 = arith.mulf %get3A_540, %mul3A_542 : vector<16xf32>
      %swap3A_544 = arith.index_cast %shift_right_logical3A_371 : i32 to index
      %swap3A_545 = arith.index_cast %mul3A_536 : i32 to index
      %swap3A_546 = tpu.vector_load %arg7[%swap3A_544, %swap3A_545] {strides = array<i32>} : memref<40x1024xf32, #tpu.memory_space<vmem>>, vector<1x16xf32>,
      %swap3A_547 = vector.shape_cast %swap3A_546 : vector<1x16xf32> to vector<16xf32>
      %swap3A_548 = vector.shape_cast %mul3A_543 : vector<16xf32> to vector<1x16xf32>
      tpu.vector_store %arg7[%swap3A_544, %swap3A_545], %swap3A_548 {strides = array<i32>} : memref<40x1024xf32, #tpu.memory_space<vmem>>, vector<1x16xf32>,
      %add3A_549 = arith.constant 11 : i32
      %add3A_550 = arith.addi %mul3A_374, %add3A_549 : i32
      %mul3A_551 = arith.constant 16 : i32
      %mul3A_552 = arith.muli %add3A_550, %mul3A_551 : i32
      %get3A_553 = arith.index_cast %shift_right_logical3A_371 : i32 to index
      %get3A_554 = arith.index_cast %mul3A_552 : i32 to index
      %get3A_555 = tpu.vector_load %arg7[%get3A_553, %get3A_554] {strides = array<i32>} : memref<40x1024xf32, #tpu.memory_space<vmem>>, vector<1x16xf32>,
      %get3A_556 = vector.shape_cast %get3A_555 : vector<1x16xf32> to vector<16xf32>
      %mul3A_557 = arith.constant 3.200000e+01 : f32
      %mul3A_558 = vector.broadcast %mul3A_557 : f32 to vector<16xf32>
      %mul3A_559 = arith.mulf %get3A_556, %mul3A_558 : vector<16xf32>
      %swap3A_560 = arith.index_cast %shift_right_logical3A_371 : i32 to index
      %swap3A_561 = arith.index_cast %mul3A_552 : i32 to index
      %swap3A_562 = tpu.vector_load %arg7[%swap3A_560, %swap3A_561] {strides = array<i32>} : memref<40x1024xf32, #tpu.memory_space<vmem>>, vector<1x16xf32>,
      %swap3A_563 = vector.shape_cast %swap3A_562 : vector<1x16xf32> to vector<16xf32>
      %swap3A_564 = vector.shape_cast %mul3A_559 : vector<16xf32> to vector<1x16xf32>
      tpu.vector_store %arg7[%swap3A_560, %swap3A_561], %swap3A_564 {strides = array<i32>} : memref<40x1024xf32, #tpu.memory_space<vmem>>, vector<1x16xf32>,
      %add3A_565 = arith.constant 12 : i32
      %add3A_566 = arith.addi %mul3A_374, %add3A_565 : i32
      %mul3A_567 = arith.constant 16 : i32
      %mul3A_568 = arith.muli %add3A_566, %mul3A_567 : i32
      %get3A_569 = arith.index_cast %shift_right_logical3A_371 : i32 to index
      %get3A_570 = arith.index_cast %mul3A_568 : i32 to index
      %get3A_571 = tpu.vector_load %arg7[%get3A_569, %get3A_570] {strides = array<i32>} : memref<40x1024xf32, #tpu.memory_space<vmem>>, vector<1x16xf32>,
      %get3A_572 = vector.shape_cast %get3A_571 : vector<1x16xf32> to vector<16xf32>
      %mul3A_573 = arith.constant 3.200000e+01 : f32
      %mul3A_574 = vector.broadcast %mul3A_573 : f32 to vector<16xf32>
      %mul3A_575 = arith.mulf %get3A_572, %mul3A_574 : vector<16xf32>
      %swap3A_576 = arith.index_cast %shift_right_logical3A_371 : i32 to index
      %swap3A_577 = arith.index_cast %mul3A_568 : i32 to index
      %swap3A_578 = tpu.vector_load %arg7[%swap3A_576, %swap3A_577] {strides = array<i32>} : memref<40x1024xf32, #tpu.memory_space<vmem>>, vector<1x16xf32>,
      %swap3A_579 = vector.shape_cast %swap3A_578 : vector<1x16xf32> to vector<16xf32>
      %swap3A_580 = vector.shape_cast %mul3A_575 : vector<16xf32> to vector<1x16xf32>
      tpu.vector_store %arg7[%swap3A_576, %swap3A_577], %swap3A_580 {strides = array<i32>} : memref<40x1024xf32, #tpu.memory_space<vmem>>, vector<1x16xf32>,
      %add3A_581 = arith.constant 13 : i32
      %add3A_582 = arith.addi %mul3A_374, %add3A_581 : i32
      %mul3A_583 = arith.constant 16 : i32
      %mul3A_584 = arith.muli %add3A_582, %mul3A_583 : i32
      %get3A_585 = arith.index_cast %shift_right_logical3A_371 : i32 to index
      %get3A_586 = arith.index_cast %mul3A_584 : i32 to index
      %get3A_587 = tpu.vector_load %arg7[%get3A_585, %get3A_586] {strides = array<i32>} : memref<40x1024xf32, #tpu.memory_space<vmem>>, vector<1x16xf32>,
      %get3A_588 = vector.shape_cast %get3A_587 : vector<1x16xf32> to vector<16xf32>
      %mul3A_589 = arith.constant 3.200000e+01 : f32
      %mul3A_590 = vector.broadcast %mul3A_589 : f32 to vector<16xf32>
      %mul3A_591 = arith.mulf %get3A_588, %mul3A_590 : vector<16xf32>
      %swap3A_592 = arith.index_cast %shift_right_logical3A_371 : i32 to index
      %swap3A_593 = arith.index_cast %mul3A_584 : i32 to index
      %swap3A_594 = tpu.vector_load %arg7[%swap3A_592, %swap3A_593] {strides = array<i32>} : memref<40x1024xf32, #tpu.memory_space<vmem>>, vector<1x16xf32>,
      %swap3A_595 = vector.shape_cast %swap3A_594 : vector<1x16xf32> to vector<16xf32>
      %swap3A_596 = vector.shape_cast %mul3A_591 : vector<16xf32> to vector<1x16xf32>
      tpu.vector_store %arg7[%swap3A_592, %swap3A_593], %swap3A_596 {strides = array<i32>} : memref<40x1024xf32, #tpu.memory_space<vmem>>, vector<1x16xf32>,
      %add3A_597 = arith.constant 14 : i32
      %add3A_598 = arith.addi %mul3A_374, %add3A_597 : i32
      %mul3A_599 = arith.constant 16 : i32
      %mul3A_600 = arith.muli %add3A_598, %mul3A_599 : i32
      %get3A_601 = arith.index_cast %shift_right_logical3A_371 : i32 to index
      %get3A_602 = arith.index_cast %mul3A_600 : i32 to index
      %get3A_603 = tpu.vector_load %arg7[%get3A_601, %get3A_602] {strides = array<i32>} : memref<40x1024xf32, #tpu.memory_space<vmem>>, vector<1x16xf32>,
      %get3A_604 = vector.shape_cast %get3A_603 : vector<1x16xf32> to vector<16xf32>
      %mul3A_605 = arith.constant 3.200000e+01 : f32
      %mul3A_606 = vector.broadcast %mul3A_605 : f32 to vector<16xf32>
      %mul3A_607 = arith.mulf %get3A_604, %mul3A_606 : vector<16xf32>
      %swap3A_608 = arith.index_cast %shift_right_logical3A_371 : i32 to index
      %swap3A_609 = arith.index_cast %mul3A_600 : i32 to index
      %swap3A_610 = tpu.vector_load %arg7[%swap3A_608, %swap3A_609] {strides = array<i32>} : memref<40x1024xf32, #tpu.memory_space<vmem>>, vector<1x16xf32>,
      %swap3A_611 = vector.shape_cast %swap3A_610 : vector<1x16xf32> to vector<16xf32>
      %swap3A_612 = vector.shape_cast %mul3A_607 : vector<16xf32> to vector<1x16xf32>
      tpu.vector_store %arg7[%swap3A_608, %swap3A_609], %swap3A_612 {strides = array<i32>} : memref<40x1024xf32, #tpu.memory_space<vmem>>, vector<1x16xf32>,
      %add3A_613 = arith.constant 15 : i32
      %add3A_614 = arith.addi %mul3A_374, %add3A_613 : i32
      %mul3A_615 = arith.constant 16 : i32
      %mul3A_616 = arith.muli %add3A_614, %mul3A_615 : i32
      %get3A_617 = arith.index_cast %shift_right_logical3A_371 : i32 to index
      %get3A_618 = arith.index_cast %mul3A_616 : i32 to index
      %get3A_619 = tpu.vector_load %arg7[%get3A_617, %get3A_618] {strides = array<i32>} : memref<40x1024xf32, #tpu.memory_space<vmem>>, vector<1x16xf32>,
      %get3A_620 = vector.shape_cast %get3A_619 : vector<1x16xf32> to vector<16xf32>
      %mul3A_621 = arith.constant 3.200000e+01 : f32
      %mul3A_622 = vector.broadcast %mul3A_621 : f32 to vector<16xf32>
      %mul3A_623 = arith.mulf %get3A_620, %mul3A_622 : vector<16xf32>
      %swap3A_624 = arith.index_cast %shift_right_logical3A_371 : i32 to index
      %swap3A_625 = arith.index_cast %mul3A_616 : i32 to index
      %swap3A_626 = tpu.vector_load %arg7[%swap3A_624, %swap3A_625] {strides = array<i32>} : memref<40x1024xf32, #tpu.memory_space<vmem>>, vector<1x16xf32>,
      %swap3A_627 = vector.shape_cast %swap3A_626 : vector<1x16xf32> to vector<16xf32>
      %swap3A_628 = vector.shape_cast %mul3A_623 : vector<16xf32> to vector<1x16xf32>
      tpu.vector_store %arg7[%swap3A_624, %swap3A_625], %swap3A_628 {strides = array<i32>} : memref<40x1024xf32, #tpu.memory_space<vmem>>, vector<1x16xf32>,
      %scan3A_629 = arith.constant 0 : i32
      scf.yield %scan3A_629 : i32
    }
    %scan3A_125 = arith.constant 160 : i32
    %add3A_126 = arith.constant 160 : i32
    %add3A_127 = arith.addi %mul3A_2, %add3A_126 : i32
    %dma_start3A_128 = arith.constant 0 : i32
    %dma_start3A_129 = tpu.memref_slice %arg4[%add3A_127, %dma_start3A_128] : memref<16384x1024xf32, #tpu.memory_space<hbm>> -> memref<40x1024xf32, #tpu.memory_space<hbm>>
    %dma_start3A_130 = arith.constant 0 : i32
    %dma_start3A_131 = tpu.memref_slice %arg4[%add3A_127, %dma_start3A_130] : memref<16384x1024xf32, #tpu.memory_space<hbm>> -> memref<40x1024xf32, #tpu.memory_space<hbm>>
    tpu.enqueue_dma source(%arg7 : memref<40x1024xf32, #tpu.memory_space<vmem>>) target(%dma_start3A_131 : memref<40x1024xf32, #tpu.memory_space<hbm>>) target_semaphore(%arg13 : memref<!tpu.dma_semaphore, #tpu.memory_space<semaphore_mem>>)
    %dma_wait3A_132 = arith.constant 0 : i32
    %dma_wait3A_133 = tpu.memref_slice %arg4[%add3A_100, %dma_wait3A_132] : memref<16384x1024xf32, #tpu.memory_space<hbm>> -> memref<40x1024xf32, #tpu.memory_space<hbm>>
    %dma_wait3A_134 = arith.constant 0 : i32
    %dma_wait3A_135 = tpu.memref_slice %arg4[%add3A_100, %dma_wait3A_134] : memref<16384x1024xf32, #tpu.memory_space<hbm>> -> memref<40x1024xf32, #tpu.memory_space<hbm>>
    tpu.wait_dma2 semaphore(%arg12 : memref<!tpu.dma_semaphore, #tpu.memory_space<semaphore_mem>>) src(%arg6 : memref<40x1024xf32, #tpu.memory_space<vmem>>) dst(%dma_wait3A_135 : memref<40x1024xf32, #tpu.memory_space<hbm>>)
    %dma_start3A_136 = arith.constant 240 : i32
    %dma_start3A_137 = tpu.memref_slice %arg5[%dma_start3A_136] : memref<512xi32, #tpu.memory_space<vmem>> -> memref<40xi32, #tpu.memory_space<vmem>>
    %dma_start3A_138 = arith.constant 0 : i32
    %dma_start3A_139 = arith.constant 0 : i32
    %dma_start3A_140 = tpu.memref_slice %arg3[%dma_start3A_138, %dma_start3A_139] : memref<100000x1024xf32, #tpu.memory_space<hbm>> -> memref<100000x1024xf32, #tpu.memory_space<hbm>>
    tpu.enqueue_indirect_dma source(%dma_start3A_140 : memref<100000x1024xf32, #tpu.memory_space<hbm>>) target(%arg6 : memref<40x1024xf32, #tpu.memory_space<vmem>>) offsets(%dma_start3A_137 : memref<40xi32, #tpu.memory_space<vmem>>) semaphore(%arg9 : memref<!tpu.dma_semaphore, #tpu.memory_space<semaphore_mem>>)
    %dma_wait3A_141 = arith.constant 200 : i32
    %dma_wait3A_142 = tpu.memref_slice %arg5[%dma_wait3A_141] : memref<512xi32, #tpu.memory_space<vmem>> -> memref<40xi32, #tpu.memory_space<vmem>>
    %dma_wait3A_143 = arith.constant 0 : i32
    %dma_wait3A_144 = arith.constant 0 : i32
    %dma_wait3A_145 = tpu.memref_slice %arg3[%dma_wait3A_143, %dma_wait3A_144] : memref<100000x1024xf32, #tpu.memory_space<hbm>> -> memref<100000x1024xf32, #tpu.memory_space<hbm>>
    tpu.wait_indirect_dma semaphore(%arg11 : memref<!tpu.dma_semaphore, #tpu.memory_space<semaphore_mem>>) src(%dma_wait3A_145 : memref<100000x1024xf32, #tpu.memory_space<hbm>>) dst(%arg8 : memref<40x1024xf32, #tpu.memory_space<vmem>>)
    %scan3A_146 = arith.constant 0 : i32
    %scan3A_147 = arith.constant 0 : i32
    %scan3A_148 = arith.constant 160 : i32
    %scan3A_149 = arith.addi %scan3A_147, %scan3A_148 : i32
    %scan3A_150 = arith.constant 1 : i32
    %scan3A_151 = scf.for %scan3A_369 = %scan3A_147 to %scan3A_149 step %scan3A_150 iter_args(%scan3A_370 = %scan3A_146) -> (i32)  : i32 {
      %shift_right_logical3A = arith.constant 2 : i32
      %shift_right_logical3A_371 = arith.shrui %scan3A_369, %shift_right_logical3A : i32
      %and3A = arith.constant 3 : i32
      %and3A_372 = arith.andi %scan3A_369, %and3A : i32
      %mul3A_373 = arith.constant 16 : i32
      %mul3A_374 = arith.muli %and3A_372, %mul3A_373 : i32
      %add3A_375 = arith.constant 0 : i32
      %add3A_376 = arith.addi %mul3A_374, %add3A_375 : i32
      %mul3A_377 = arith.constant 16 : i32
      %mul3A_378 = arith.muli %add3A_376, %mul3A_377 : i32
      %get3A = arith.index_cast %shift_right_logical3A_371 : i32 to index
      %get3A_379 = arith.index_cast %mul3A_378 : i32 to index
      %get3A_380 = tpu.vector_load %arg8[%get3A, %get3A_379] {strides = array<i32>} : memref<40x1024xf32, #tpu.memory_space<vmem>>, vector<1x16xf32>,
      %get3A_381 = vector.shape_cast %get3A_380 : vector<1x16xf32> to vector<16xf32>
      %mul3A_382 = arith.constant 3.200000e+01 : f32
      %mul3A_383 = vector.broadcast %mul3A_382 : f32 to vector<16xf32>
      %mul3A_384 = arith.mulf %get3A_381, %mul3A_383 : vector<16xf32>
      %swap3A = arith.index_cast %shift_right_logical3A_371 : i32 to index
      %swap3A_385 = arith.index_cast %mul3A_378 : i32 to index
      %swap3A_386 = tpu.vector_load %arg8[%swap3A, %swap3A_385] {strides = array<i32>} : memref<40x1024xf32, #tpu.memory_space<vmem>>, vector<1x16xf32>,
      %swap3A_387 = vector.shape_cast %swap3A_386 : vector<1x16xf32> to vector<16xf32>
      %swap3A_388 = vector.shape_cast %mul3A_384 : vector<16xf32> to vector<1x16xf32>
      tpu.vector_store %arg8[%swap3A, %swap3A_385], %swap3A_388 {strides = array<i32>} : memref<40x1024xf32, #tpu.memory_space<vmem>>, vector<1x16xf32>,
      %add3A_389 = arith.constant 1 : i32
      %add3A_390 = arith.addi %mul3A_374, %add3A_389 : i32
      %mul3A_391 = arith.constant 16 : i32
      %mul3A_392 = arith.muli %add3A_390, %mul3A_391 : i32
      %get3A_393 = arith.index_cast %shift_right_logical3A_371 : i32 to index
      %get3A_394 = arith.index_cast %mul3A_392 : i32 to index
      %get3A_395 = tpu.vector_load %arg8[%get3A_393, %get3A_394] {strides = array<i32>} : memref<40x1024xf32, #tpu.memory_space<vmem>>, vector<1x16xf32>,
      %get3A_396 = vector.shape_cast %get3A_395 : vector<1x16xf32> to vector<16xf32>
      %mul3A_397 = arith.constant 3.200000e+01 : f32
      %mul3A_398 = vector.broadcast %mul3A_397 : f32 to vector<16xf32>
      %mul3A_399 = arith.mulf %get3A_396, %mul3A_398 : vector<16xf32>
      %swap3A_400 = arith.index_cast %shift_right_logical3A_371 : i32 to index
      %swap3A_401 = arith.index_cast %mul3A_392 : i32 to index
      %swap3A_402 = tpu.vector_load %arg8[%swap3A_400, %swap3A_401] {strides = array<i32>} : memref<40x1024xf32, #tpu.memory_space<vmem>>, vector<1x16xf32>,
      %swap3A_403 = vector.shape_cast %swap3A_402 : vector<1x16xf32> to vector<16xf32>
      %swap3A_404 = vector.shape_cast %mul3A_399 : vector<16xf32> to vector<1x16xf32>
      tpu.vector_store %arg8[%swap3A_400, %swap3A_401], %swap3A_404 {strides = array<i32>} : memref<40x1024xf32, #tpu.memory_space<vmem>>, vector<1x16xf32>,
      %add3A_405 = arith.constant 2 : i32
      %add3A_406 = arith.addi %mul3A_374, %add3A_405 : i32
      %mul3A_407 = arith.constant 16 : i32
      %mul3A_408 = arith.muli %add3A_406, %mul3A_407 : i32
      %get3A_409 = arith.index_cast %shift_right_logical3A_371 : i32 to index
      %get3A_410 = arith.index_cast %mul3A_408 : i32 to index
      %get3A_411 = tpu.vector_load %arg8[%get3A_409, %get3A_410] {strides = array<i32>} : memref<40x1024xf32, #tpu.memory_space<vmem>>, vector<1x16xf32>,
      %get3A_412 = vector.shape_cast %get3A_411 : vector<1x16xf32> to vector<16xf32>
      %mul3A_413 = arith.constant 3.200000e+01 : f32
      %mul3A_414 = vector.broadcast %mul3A_413 : f32 to vector<16xf32>
      %mul3A_415 = arith.mulf %get3A_412, %mul3A_414 : vector<16xf32>
      %swap3A_416 = arith.index_cast %shift_right_logical3A_371 : i32 to index
      %swap3A_417 = arith.index_cast %mul3A_408 : i32 to index
      %swap3A_418 = tpu.vector_load %arg8[%swap3A_416, %swap3A_417] {strides = array<i32>} : memref<40x1024xf32, #tpu.memory_space<vmem>>, vector<1x16xf32>,
      %swap3A_419 = vector.shape_cast %swap3A_418 : vector<1x16xf32> to vector<16xf32>
      %swap3A_420 = vector.shape_cast %mul3A_415 : vector<16xf32> to vector<1x16xf32>
      tpu.vector_store %arg8[%swap3A_416, %swap3A_417], %swap3A_420 {strides = array<i32>} : memref<40x1024xf32, #tpu.memory_space<vmem>>, vector<1x16xf32>,
      %add3A_421 = arith.constant 3 : i32
      %add3A_422 = arith.addi %mul3A_374, %add3A_421 : i32
      %mul3A_423 = arith.constant 16 : i32
      %mul3A_424 = arith.muli %add3A_422, %mul3A_423 : i32
      %get3A_425 = arith.index_cast %shift_right_logical3A_371 : i32 to index
      %get3A_426 = arith.index_cast %mul3A_424 : i32 to index
      %get3A_427 = tpu.vector_load %arg8[%get3A_425, %get3A_426] {strides = array<i32>} : memref<40x1024xf32, #tpu.memory_space<vmem>>, vector<1x16xf32>,
      %get3A_428 = vector.shape_cast %get3A_427 : vector<1x16xf32> to vector<16xf32>
      %mul3A_429 = arith.constant 3.200000e+01 : f32
      %mul3A_430 = vector.broadcast %mul3A_429 : f32 to vector<16xf32>
      %mul3A_431 = arith.mulf %get3A_428, %mul3A_430 : vector<16xf32>
      %swap3A_432 = arith.index_cast %shift_right_logical3A_371 : i32 to index
      %swap3A_433 = arith.index_cast %mul3A_424 : i32 to index
      %swap3A_434 = tpu.vector_load %arg8[%swap3A_432, %swap3A_433] {strides = array<i32>} : memref<40x1024xf32, #tpu.memory_space<vmem>>, vector<1x16xf32>,
      %swap3A_435 = vector.shape_cast %swap3A_434 : vector<1x16xf32> to vector<16xf32>
      %swap3A_436 = vector.shape_cast %mul3A_431 : vector<16xf32> to vector<1x16xf32>
      tpu.vector_store %arg8[%swap3A_432, %swap3A_433], %swap3A_436 {strides = array<i32>} : memref<40x1024xf32, #tpu.memory_space<vmem>>, vector<1x16xf32>,
      %add3A_437 = arith.constant 4 : i32
      %add3A_438 = arith.addi %mul3A_374, %add3A_437 : i32
      %mul3A_439 = arith.constant 16 : i32
      %mul3A_440 = arith.muli %add3A_438, %mul3A_439 : i32
      %get3A_441 = arith.index_cast %shift_right_logical3A_371 : i32 to index
      %get3A_442 = arith.index_cast %mul3A_440 : i32 to index
      %get3A_443 = tpu.vector_load %arg8[%get3A_441, %get3A_442] {strides = array<i32>} : memref<40x1024xf32, #tpu.memory_space<vmem>>, vector<1x16xf32>,
      %get3A_444 = vector.shape_cast %get3A_443 : vector<1x16xf32> to vector<16xf32>
      %mul3A_445 = arith.constant 3.200000e+01 : f32
      %mul3A_446 = vector.broadcast %mul3A_445 : f32 to vector<16xf32>
      %mul3A_447 = arith.mulf %get3A_444, %mul3A_446 : vector<16xf32>
      %swap3A_448 = arith.index_cast %shift_right_logical3A_371 : i32 to index
      %swap3A_449 = arith.index_cast %mul3A_440 : i32 to index
      %swap3A_450 = tpu.vector_load %arg8[%swap3A_448, %swap3A_449] {strides = array<i32>} : memref<40x1024xf32, #tpu.memory_space<vmem>>, vector<1x16xf32>,
      %swap3A_451 = vector.shape_cast %swap3A_450 : vector<1x16xf32> to vector<16xf32>
      %swap3A_452 = vector.shape_cast %mul3A_447 : vector<16xf32> to vector<1x16xf32>
      tpu.vector_store %arg8[%swap3A_448, %swap3A_449], %swap3A_452 {strides = array<i32>} : memref<40x1024xf32, #tpu.memory_space<vmem>>, vector<1x16xf32>,
      %add3A_453 = arith.constant 5 : i32
      %add3A_454 = arith.addi %mul3A_374, %add3A_453 : i32
      %mul3A_455 = arith.constant 16 : i32
      %mul3A_456 = arith.muli %add3A_454, %mul3A_455 : i32
      %get3A_457 = arith.index_cast %shift_right_logical3A_371 : i32 to index
      %get3A_458 = arith.index_cast %mul3A_456 : i32 to index
      %get3A_459 = tpu.vector_load %arg8[%get3A_457, %get3A_458] {strides = array<i32>} : memref<40x1024xf32, #tpu.memory_space<vmem>>, vector<1x16xf32>,
      %get3A_460 = vector.shape_cast %get3A_459 : vector<1x16xf32> to vector<16xf32>
      %mul3A_461 = arith.constant 3.200000e+01 : f32
      %mul3A_462 = vector.broadcast %mul3A_461 : f32 to vector<16xf32>
      %mul3A_463 = arith.mulf %get3A_460, %mul3A_462 : vector<16xf32>
      %swap3A_464 = arith.index_cast %shift_right_logical3A_371 : i32 to index
      %swap3A_465 = arith.index_cast %mul3A_456 : i32 to index
      %swap3A_466 = tpu.vector_load %arg8[%swap3A_464, %swap3A_465] {strides = array<i32>} : memref<40x1024xf32, #tpu.memory_space<vmem>>, vector<1x16xf32>,
      %swap3A_467 = vector.shape_cast %swap3A_466 : vector<1x16xf32> to vector<16xf32>
      %swap3A_468 = vector.shape_cast %mul3A_463 : vector<16xf32> to vector<1x16xf32>
      tpu.vector_store %arg8[%swap3A_464, %swap3A_465], %swap3A_468 {strides = array<i32>} : memref<40x1024xf32, #tpu.memory_space<vmem>>, vector<1x16xf32>,
      %add3A_469 = arith.constant 6 : i32
      %add3A_470 = arith.addi %mul3A_374, %add3A_469 : i32
      %mul3A_471 = arith.constant 16 : i32
      %mul3A_472 = arith.muli %add3A_470, %mul3A_471 : i32
      %get3A_473 = arith.index_cast %shift_right_logical3A_371 : i32 to index
      %get3A_474 = arith.index_cast %mul3A_472 : i32 to index
      %get3A_475 = tpu.vector_load %arg8[%get3A_473, %get3A_474] {strides = array<i32>} : memref<40x1024xf32, #tpu.memory_space<vmem>>, vector<1x16xf32>,
      %get3A_476 = vector.shape_cast %get3A_475 : vector<1x16xf32> to vector<16xf32>
      %mul3A_477 = arith.constant 3.200000e+01 : f32
      %mul3A_478 = vector.broadcast %mul3A_477 : f32 to vector<16xf32>
      %mul3A_479 = arith.mulf %get3A_476, %mul3A_478 : vector<16xf32>
      %swap3A_480 = arith.index_cast %shift_right_logical3A_371 : i32 to index
      %swap3A_481 = arith.index_cast %mul3A_472 : i32 to index
      %swap3A_482 = tpu.vector_load %arg8[%swap3A_480, %swap3A_481] {strides = array<i32>} : memref<40x1024xf32, #tpu.memory_space<vmem>>, vector<1x16xf32>,
      %swap3A_483 = vector.shape_cast %swap3A_482 : vector<1x16xf32> to vector<16xf32>
      %swap3A_484 = vector.shape_cast %mul3A_479 : vector<16xf32> to vector<1x16xf32>
      tpu.vector_store %arg8[%swap3A_480, %swap3A_481], %swap3A_484 {strides = array<i32>} : memref<40x1024xf32, #tpu.memory_space<vmem>>, vector<1x16xf32>,
      %add3A_485 = arith.constant 7 : i32
      %add3A_486 = arith.addi %mul3A_374, %add3A_485 : i32
      %mul3A_487 = arith.constant 16 : i32
      %mul3A_488 = arith.muli %add3A_486, %mul3A_487 : i32
      %get3A_489 = arith.index_cast %shift_right_logical3A_371 : i32 to index
      %get3A_490 = arith.index_cast %mul3A_488 : i32 to index
      %get3A_491 = tpu.vector_load %arg8[%get3A_489, %get3A_490] {strides = array<i32>} : memref<40x1024xf32, #tpu.memory_space<vmem>>, vector<1x16xf32>,
      %get3A_492 = vector.shape_cast %get3A_491 : vector<1x16xf32> to vector<16xf32>
      %mul3A_493 = arith.constant 3.200000e+01 : f32
      %mul3A_494 = vector.broadcast %mul3A_493 : f32 to vector<16xf32>
      %mul3A_495 = arith.mulf %get3A_492, %mul3A_494 : vector<16xf32>
      %swap3A_496 = arith.index_cast %shift_right_logical3A_371 : i32 to index
      %swap3A_497 = arith.index_cast %mul3A_488 : i32 to index
      %swap3A_498 = tpu.vector_load %arg8[%swap3A_496, %swap3A_497] {strides = array<i32>} : memref<40x1024xf32, #tpu.memory_space<vmem>>, vector<1x16xf32>,
      %swap3A_499 = vector.shape_cast %swap3A_498 : vector<1x16xf32> to vector<16xf32>
      %swap3A_500 = vector.shape_cast %mul3A_495 : vector<16xf32> to vector<1x16xf32>
      tpu.vector_store %arg8[%swap3A_496, %swap3A_497], %swap3A_500 {strides = array<i32>} : memref<40x1024xf32, #tpu.memory_space<vmem>>, vector<1x16xf32>,
      %add3A_501 = arith.constant 8 : i32
      %add3A_502 = arith.addi %mul3A_374, %add3A_501 : i32
      %mul3A_503 = arith.constant 16 : i32
      %mul3A_504 = arith.muli %add3A_502, %mul3A_503 : i32
      %get3A_505 = arith.index_cast %shift_right_logical3A_371 : i32 to index
      %get3A_506 = arith.index_cast %mul3A_504 : i32 to index
      %get3A_507 = tpu.vector_load %arg8[%get3A_505, %get3A_506] {strides = array<i32>} : memref<40x1024xf32, #tpu.memory_space<vmem>>, vector<1x16xf32>,
      %get3A_508 = vector.shape_cast %get3A_507 : vector<1x16xf32> to vector<16xf32>
      %mul3A_509 = arith.constant 3.200000e+01 : f32
      %mul3A_510 = vector.broadcast %mul3A_509 : f32 to vector<16xf32>
      %mul3A_511 = arith.mulf %get3A_508, %mul3A_510 : vector<16xf32>
      %swap3A_512 = arith.index_cast %shift_right_logical3A_371 : i32 to index
      %swap3A_513 = arith.index_cast %mul3A_504 : i32 to index
      %swap3A_514 = tpu.vector_load %arg8[%swap3A_512, %swap3A_513] {strides = array<i32>} : memref<40x1024xf32, #tpu.memory_space<vmem>>, vector<1x16xf32>,
      %swap3A_515 = vector.shape_cast %swap3A_514 : vector<1x16xf32> to vector<16xf32>
      %swap3A_516 = vector.shape_cast %mul3A_511 : vector<16xf32> to vector<1x16xf32>
      tpu.vector_store %arg8[%swap3A_512, %swap3A_513], %swap3A_516 {strides = array<i32>} : memref<40x1024xf32, #tpu.memory_space<vmem>>, vector<1x16xf32>,
      %add3A_517 = arith.constant 9 : i32
      %add3A_518 = arith.addi %mul3A_374, %add3A_517 : i32
      %mul3A_519 = arith.constant 16 : i32
      %mul3A_520 = arith.muli %add3A_518, %mul3A_519 : i32
      %get3A_521 = arith.index_cast %shift_right_logical3A_371 : i32 to index
      %get3A_522 = arith.index_cast %mul3A_520 : i32 to index
      %get3A_523 = tpu.vector_load %arg8[%get3A_521, %get3A_522] {strides = array<i32>} : memref<40x1024xf32, #tpu.memory_space<vmem>>, vector<1x16xf32>,
      %get3A_524 = vector.shape_cast %get3A_523 : vector<1x16xf32> to vector<16xf32>
      %mul3A_525 = arith.constant 3.200000e+01 : f32
      %mul3A_526 = vector.broadcast %mul3A_525 : f32 to vector<16xf32>
      %mul3A_527 = arith.mulf %get3A_524, %mul3A_526 : vector<16xf32>
      %swap3A_528 = arith.index_cast %shift_right_logical3A_371 : i32 to index
      %swap3A_529 = arith.index_cast %mul3A_520 : i32 to index
      %swap3A_530 = tpu.vector_load %arg8[%swap3A_528, %swap3A_529] {strides = array<i32>} : memref<40x1024xf32, #tpu.memory_space<vmem>>, vector<1x16xf32>,
      %swap3A_531 = vector.shape_cast %swap3A_530 : vector<1x16xf32> to vector<16xf32>
      %swap3A_532 = vector.shape_cast %mul3A_527 : vector<16xf32> to vector<1x16xf32>
      tpu.vector_store %arg8[%swap3A_528, %swap3A_529], %swap3A_532 {strides = array<i32>} : memref<40x1024xf32, #tpu.memory_space<vmem>>, vector<1x16xf32>,
      %add3A_533 = arith.constant 10 : i32
      %add3A_534 = arith.addi %mul3A_374, %add3A_533 : i32
      %mul3A_535 = arith.constant 16 : i32
      %mul3A_536 = arith.muli %add3A_534, %mul3A_535 : i32
      %get3A_537 = arith.index_cast %shift_right_logical3A_371 : i32 to index
      %get3A_538 = arith.index_cast %mul3A_536 : i32 to index
      %get3A_539 = tpu.vector_load %arg8[%get3A_537, %get3A_538] {strides = array<i32>} : memref<40x1024xf32, #tpu.memory_space<vmem>>, vector<1x16xf32>,
      %get3A_540 = vector.shape_cast %get3A_539 : vector<1x16xf32> to vector<16xf32>
      %mul3A_541 = arith.constant 3.200000e+01 : f32
      %mul3A_542 = vector.broadcast %mul3A_541 : f32 to vector<16xf32>
      %mul3A_543 = arith.mulf %get3A_540, %mul3A_542 : vector<16xf32>
      %swap3A_544 = arith.index_cast %shift_right_logical3A_371 : i32 to index
      %swap3A_545 = arith.index_cast %mul3A_536 : i32 to index
      %swap3A_546 = tpu.vector_load %arg8[%swap3A_544, %swap3A_545] {strides = array<i32>} : memref<40x1024xf32, #tpu.memory_space<vmem>>, vector<1x16xf32>,
      %swap3A_547 = vector.shape_cast %swap3A_546 : vector<1x16xf32> to vector<16xf32>
      %swap3A_548 = vector.shape_cast %mul3A_543 : vector<16xf32> to vector<1x16xf32>
      tpu.vector_store %arg8[%swap3A_544, %swap3A_545], %swap3A_548 {strides = array<i32>} : memref<40x1024xf32, #tpu.memory_space<vmem>>, vector<1x16xf32>,
      %add3A_549 = arith.constant 11 : i32
      %add3A_550 = arith.addi %mul3A_374, %add3A_549 : i32
      %mul3A_551 = arith.constant 16 : i32
      %mul3A_552 = arith.muli %add3A_550, %mul3A_551 : i32
      %get3A_553 = arith.index_cast %shift_right_logical3A_371 : i32 to index
      %get3A_554 = arith.index_cast %mul3A_552 : i32 to index
      %get3A_555 = tpu.vector_load %arg8[%get3A_553, %get3A_554] {strides = array<i32>} : memref<40x1024xf32, #tpu.memory_space<vmem>>, vector<1x16xf32>,
      %get3A_556 = vector.shape_cast %get3A_555 : vector<1x16xf32> to vector<16xf32>
      %mul3A_557 = arith.constant 3.200000e+01 : f32
      %mul3A_558 = vector.broadcast %mul3A_557 : f32 to vector<16xf32>
      %mul3A_559 = arith.mulf %get3A_556, %mul3A_558 : vector<16xf32>
      %swap3A_560 = arith.index_cast %shift_right_logical3A_371 : i32 to index
      %swap3A_561 = arith.index_cast %mul3A_552 : i32 to index
      %swap3A_562 = tpu.vector_load %arg8[%swap3A_560, %swap3A_561] {strides = array<i32>} : memref<40x1024xf32, #tpu.memory_space<vmem>>, vector<1x16xf32>,
      %swap3A_563 = vector.shape_cast %swap3A_562 : vector<1x16xf32> to vector<16xf32>
      %swap3A_564 = vector.shape_cast %mul3A_559 : vector<16xf32> to vector<1x16xf32>
      tpu.vector_store %arg8[%swap3A_560, %swap3A_561], %swap3A_564 {strides = array<i32>} : memref<40x1024xf32, #tpu.memory_space<vmem>>, vector<1x16xf32>,
      %add3A_565 = arith.constant 12 : i32
      %add3A_566 = arith.addi %mul3A_374, %add3A_565 : i32
      %mul3A_567 = arith.constant 16 : i32
      %mul3A_568 = arith.muli %add3A_566, %mul3A_567 : i32
      %get3A_569 = arith.index_cast %shift_right_logical3A_371 : i32 to index
      %get3A_570 = arith.index_cast %mul3A_568 : i32 to index
      %get3A_571 = tpu.vector_load %arg8[%get3A_569, %get3A_570] {strides = array<i32>} : memref<40x1024xf32, #tpu.memory_space<vmem>>, vector<1x16xf32>,
      %get3A_572 = vector.shape_cast %get3A_571 : vector<1x16xf32> to vector<16xf32>
      %mul3A_573 = arith.constant 3.200000e+01 : f32
      %mul3A_574 = vector.broadcast %mul3A_573 : f32 to vector<16xf32>
      %mul3A_575 = arith.mulf %get3A_572, %mul3A_574 : vector<16xf32>
      %swap3A_576 = arith.index_cast %shift_right_logical3A_371 : i32 to index
      %swap3A_577 = arith.index_cast %mul3A_568 : i32 to index
      %swap3A_578 = tpu.vector_load %arg8[%swap3A_576, %swap3A_577] {strides = array<i32>} : memref<40x1024xf32, #tpu.memory_space<vmem>>, vector<1x16xf32>,
      %swap3A_579 = vector.shape_cast %swap3A_578 : vector<1x16xf32> to vector<16xf32>
      %swap3A_580 = vector.shape_cast %mul3A_575 : vector<16xf32> to vector<1x16xf32>
      tpu.vector_store %arg8[%swap3A_576, %swap3A_577], %swap3A_580 {strides = array<i32>} : memref<40x1024xf32, #tpu.memory_space<vmem>>, vector<1x16xf32>,
      %add3A_581 = arith.constant 13 : i32
      %add3A_582 = arith.addi %mul3A_374, %add3A_581 : i32
      %mul3A_583 = arith.constant 16 : i32
      %mul3A_584 = arith.muli %add3A_582, %mul3A_583 : i32
      %get3A_585 = arith.index_cast %shift_right_logical3A_371 : i32 to index
      %get3A_586 = arith.index_cast %mul3A_584 : i32 to index
      %get3A_587 = tpu.vector_load %arg8[%get3A_585, %get3A_586] {strides = array<i32>} : memref<40x1024xf32, #tpu.memory_space<vmem>>, vector<1x16xf32>,
      %get3A_588 = vector.shape_cast %get3A_587 : vector<1x16xf32> to vector<16xf32>
      %mul3A_589 = arith.constant 3.200000e+01 : f32
      %mul3A_590 = vector.broadcast %mul3A_589 : f32 to vector<16xf32>
      %mul3A_591 = arith.mulf %get3A_588, %mul3A_590 : vector<16xf32>
      %swap3A_592 = arith.index_cast %shift_right_logical3A_371 : i32 to index
      %swap3A_593 = arith.index_cast %mul3A_584 : i32 to index
      %swap3A_594 = tpu.vector_load %arg8[%swap3A_592, %swap3A_593] {strides = array<i32>} : memref<40x1024xf32, #tpu.memory_space<vmem>>, vector<1x16xf32>,
      %swap3A_595 = vector.shape_cast %swap3A_594 : vector<1x16xf32> to vector<16xf32>
      %swap3A_596 = vector.shape_cast %mul3A_591 : vector<16xf32> to vector<1x16xf32>
      tpu.vector_store %arg8[%swap3A_592, %swap3A_593], %swap3A_596 {strides = array<i32>} : memref<40x1024xf32, #tpu.memory_space<vmem>>, vector<1x16xf32>,
      %add3A_597 = arith.constant 14 : i32
      %add3A_598 = arith.addi %mul3A_374, %add3A_597 : i32
      %mul3A_599 = arith.constant 16 : i32
      %mul3A_600 = arith.muli %add3A_598, %mul3A_599 : i32
      %get3A_601 = arith.index_cast %shift_right_logical3A_371 : i32 to index
      %get3A_602 = arith.index_cast %mul3A_600 : i32 to index
      %get3A_603 = tpu.vector_load %arg8[%get3A_601, %get3A_602] {strides = array<i32>} : memref<40x1024xf32, #tpu.memory_space<vmem>>, vector<1x16xf32>,
      %get3A_604 = vector.shape_cast %get3A_603 : vector<1x16xf32> to vector<16xf32>
      %mul3A_605 = arith.constant 3.200000e+01 : f32
      %mul3A_606 = vector.broadcast %mul3A_605 : f32 to vector<16xf32>
      %mul3A_607 = arith.mulf %get3A_604, %mul3A_606 : vector<16xf32>
      %swap3A_608 = arith.index_cast %shift_right_logical3A_371 : i32 to index
      %swap3A_609 = arith.index_cast %mul3A_600 : i32 to index
      %swap3A_610 = tpu.vector_load %arg8[%swap3A_608, %swap3A_609] {strides = array<i32>} : memref<40x1024xf32, #tpu.memory_space<vmem>>, vector<1x16xf32>,
      %swap3A_611 = vector.shape_cast %swap3A_610 : vector<1x16xf32> to vector<16xf32>
      %swap3A_612 = vector.shape_cast %mul3A_607 : vector<16xf32> to vector<1x16xf32>
      tpu.vector_store %arg8[%swap3A_608, %swap3A_609], %swap3A_612 {strides = array<i32>} : memref<40x1024xf32, #tpu.memory_space<vmem>>, vector<1x16xf32>,
      %add3A_613 = arith.constant 15 : i32
      %add3A_614 = arith.addi %mul3A_374, %add3A_613 : i32
      %mul3A_615 = arith.constant 16 : i32
      %mul3A_616 = arith.muli %add3A_614, %mul3A_615 : i32
      %get3A_617 = arith.index_cast %shift_right_logical3A_371 : i32 to index
      %get3A_618 = arith.index_cast %mul3A_616 : i32 to index
      %get3A_619 = tpu.vector_load %arg8[%get3A_617, %get3A_618] {strides = array<i32>} : memref<40x1024xf32, #tpu.memory_space<vmem>>, vector<1x16xf32>,
      %get3A_620 = vector.shape_cast %get3A_619 : vector<1x16xf32> to vector<16xf32>
      %mul3A_621 = arith.constant 3.200000e+01 : f32
      %mul3A_622 = vector.broadcast %mul3A_621 : f32 to vector<16xf32>
      %mul3A_623 = arith.mulf %get3A_620, %mul3A_622 : vector<16xf32>
      %swap3A_624 = arith.index_cast %shift_right_logical3A_371 : i32 to index
      %swap3A_625 = arith.index_cast %mul3A_616 : i32 to index
      %swap3A_626 = tpu.vector_load %arg8[%swap3A_624, %swap3A_625] {strides = array<i32>} : memref<40x1024xf32, #tpu.memory_space<vmem>>, vector<1x16xf32>,
      %swap3A_627 = vector.shape_cast %swap3A_626 : vector<1x16xf32> to vector<16xf32>
      %swap3A_628 = vector.shape_cast %mul3A_623 : vector<16xf32> to vector<1x16xf32>
      tpu.vector_store %arg8[%swap3A_624, %swap3A_625], %swap3A_628 {strides = array<i32>} : memref<40x1024xf32, #tpu.memory_space<vmem>>, vector<1x16xf32>,
      %scan3A_629 = arith.constant 0 : i32
      scf.yield %scan3A_629 : i32
    }
    %scan3A_152 = arith.constant 160 : i32
    %add3A_153 = arith.constant 200 : i32
    %add3A_154 = arith.addi %mul3A_2, %add3A_153 : i32
    %dma_start3A_155 = arith.constant 0 : i32
    %dma_start3A_156 = tpu.memref_slice %arg4[%add3A_154, %dma_start3A_155] : memref<16384x1024xf32, #tpu.memory_space<hbm>> -> memref<40x1024xf32, #tpu.memory_space<hbm>>
    %dma_start3A_157 = arith.constant 0 : i32
    %dma_start3A_158 = tpu.memref_slice %arg4[%add3A_154, %dma_start3A_157] : memref<16384x1024xf32, #tpu.memory_space<hbm>> -> memref<40x1024xf32, #tpu.memory_space<hbm>>
    tpu.enqueue_dma source(%arg8 : memref<40x1024xf32, #tpu.memory_space<vmem>>) target(%dma_start3A_158 : memref<40x1024xf32, #tpu.memory_space<hbm>>) target_semaphore(%arg14 : memref<!tpu.dma_semaphore, #tpu.memory_space<semaphore_mem>>)
    %dma_wait3A_159 = arith.constant 0 : i32
    %dma_wait3A_160 = tpu.memref_slice %arg4[%add3A_127, %dma_wait3A_159] : memref<16384x1024xf32, #tpu.memory_space<hbm>> -> memref<40x1024xf32, #tpu.memory_space<hbm>>
    %dma_wait3A_161 = arith.constant 0 : i32
    %dma_wait3A_162 = tpu.memref_slice %arg4[%add3A_127, %dma_wait3A_161] : memref<16384x1024xf32, #tpu.memory_space<hbm>> -> memref<40x1024xf32, #tpu.memory_space<hbm>>
    tpu.wait_dma2 semaphore(%arg13 : memref<!tpu.dma_semaphore, #tpu.memory_space<semaphore_mem>>) src(%arg7 : memref<40x1024xf32, #tpu.memory_space<vmem>>) dst(%dma_wait3A_162 : memref<40x1024xf32, #tpu.memory_space<hbm>>)
    %dma_start3A_163 = arith.constant 280 : i32
    %dma_start3A_164 = tpu.memref_slice %arg5[%dma_start3A_163] : memref<512xi32, #tpu.memory_space<vmem>> -> memref<40xi32, #tpu.memory_space<vmem>>
    %dma_start3A_165 = arith.constant 0 : i32
    %dma_start3A_166 = arith.constant 0 : i32
    %dma_start3A_167 = tpu.memref_slice %arg3[%dma_start3A_165, %dma_start3A_166] : memref<100000x1024xf32, #tpu.memory_space<hbm>> -> memref<100000x1024xf32, #tpu.memory_space<hbm>>
    tpu.enqueue_indirect_dma source(%dma_start3A_167 : memref<100000x1024xf32, #tpu.memory_space<hbm>>) target(%arg7 : memref<40x1024xf32, #tpu.memory_space<vmem>>) offsets(%dma_start3A_164 : memref<40xi32, #tpu.memory_space<vmem>>) semaphore(%arg10 : memref<!tpu.dma_semaphore, #tpu.memory_space<semaphore_mem>>)
    %dma_wait3A_168 = arith.constant 240 : i32
    %dma_wait3A_169 = tpu.memref_slice %arg5[%dma_wait3A_168] : memref<512xi32, #tpu.memory_space<vmem>> -> memref<40xi32, #tpu.memory_space<vmem>>
    %dma_wait3A_170 = arith.constant 0 : i32
    %dma_wait3A_171 = arith.constant 0 : i32
    %dma_wait3A_172 = tpu.memref_slice %arg3[%dma_wait3A_170, %dma_wait3A_171] : memref<100000x1024xf32, #tpu.memory_space<hbm>> -> memref<100000x1024xf32, #tpu.memory_space<hbm>>
    tpu.wait_indirect_dma semaphore(%arg9 : memref<!tpu.dma_semaphore, #tpu.memory_space<semaphore_mem>>) src(%dma_wait3A_172 : memref<100000x1024xf32, #tpu.memory_space<hbm>>) dst(%arg6 : memref<40x1024xf32, #tpu.memory_space<vmem>>)
    %scan3A_173 = arith.constant 0 : i32
    %scan3A_174 = arith.constant 0 : i32
    %scan3A_175 = arith.constant 160 : i32
    %scan3A_176 = arith.addi %scan3A_174, %scan3A_175 : i32
    %scan3A_177 = arith.constant 1 : i32
    %scan3A_178 = scf.for %scan3A_369 = %scan3A_174 to %scan3A_176 step %scan3A_177 iter_args(%scan3A_370 = %scan3A_173) -> (i32)  : i32 {
      %shift_right_logical3A = arith.constant 2 : i32
      %shift_right_logical3A_371 = arith.shrui %scan3A_369, %shift_right_logical3A : i32
      %and3A = arith.constant 3 : i32
      %and3A_372 = arith.andi %scan3A_369, %and3A : i32
      %mul3A_373 = arith.constant 16 : i32
      %mul3A_374 = arith.muli %and3A_372, %mul3A_373 : i32
      %add3A_375 = arith.constant 0 : i32
      %add3A_376 = arith.addi %mul3A_374, %add3A_375 : i32
      %mul3A_377 = arith.constant 16 : i32
      %mul3A_378 = arith.muli %add3A_376, %mul3A_377 : i32
      %get3A = arith.index_cast %shift_right_logical3A_371 : i32 to index
      %get3A_379 = arith.index_cast %mul3A_378 : i32 to index
      %get3A_380 = tpu.vector_load %arg6[%get3A, %get3A_379] {strides = array<i32>} : memref<40x1024xf32, #tpu.memory_space<vmem>>, vector<1x16xf32>,
      %get3A_381 = vector.shape_cast %get3A_380 : vector<1x16xf32> to vector<16xf32>
      %mul3A_382 = arith.constant 3.200000e+01 : f32
      %mul3A_383 = vector.broadcast %mul3A_382 : f32 to vector<16xf32>
      %mul3A_384 = arith.mulf %get3A_381, %mul3A_383 : vector<16xf32>
      %swap3A = arith.index_cast %shift_right_logical3A_371 : i32 to index
      %swap3A_385 = arith.index_cast %mul3A_378 : i32 to index
      %swap3A_386 = tpu.vector_load %arg6[%swap3A, %swap3A_385] {strides = array<i32>} : memref<40x1024xf32, #tpu.memory_space<vmem>>, vector<1x16xf32>,
      %swap3A_387 = vector.shape_cast %swap3A_386 : vector<1x16xf32> to vector<16xf32>
      %swap3A_388 = vector.shape_cast %mul3A_384 : vector<16xf32> to vector<1x16xf32>
      tpu.vector_store %arg6[%swap3A, %swap3A_385], %swap3A_388 {strides = array<i32>} : memref<40x1024xf32, #tpu.memory_space<vmem>>, vector<1x16xf32>,
      %add3A_389 = arith.constant 1 : i32
      %add3A_390 = arith.addi %mul3A_374, %add3A_389 : i32
      %mul3A_391 = arith.constant 16 : i32
      %mul3A_392 = arith.muli %add3A_390, %mul3A_391 : i32
      %get3A_393 = arith.index_cast %shift_right_logical3A_371 : i32 to index
      %get3A_394 = arith.index_cast %mul3A_392 : i32 to index
      %get3A_395 = tpu.vector_load %arg6[%get3A_393, %get3A_394] {strides = array<i32>} : memref<40x1024xf32, #tpu.memory_space<vmem>>, vector<1x16xf32>,
      %get3A_396 = vector.shape_cast %get3A_395 : vector<1x16xf32> to vector<16xf32>
      %mul3A_397 = arith.constant 3.200000e+01 : f32
      %mul3A_398 = vector.broadcast %mul3A_397 : f32 to vector<16xf32>
      %mul3A_399 = arith.mulf %get3A_396, %mul3A_398 : vector<16xf32>
      %swap3A_400 = arith.index_cast %shift_right_logical3A_371 : i32 to index
      %swap3A_401 = arith.index_cast %mul3A_392 : i32 to index
      %swap3A_402 = tpu.vector_load %arg6[%swap3A_400, %swap3A_401] {strides = array<i32>} : memref<40x1024xf32, #tpu.memory_space<vmem>>, vector<1x16xf32>,
      %swap3A_403 = vector.shape_cast %swap3A_402 : vector<1x16xf32> to vector<16xf32>
      %swap3A_404 = vector.shape_cast %mul3A_399 : vector<16xf32> to vector<1x16xf32>
      tpu.vector_store %arg6[%swap3A_400, %swap3A_401], %swap3A_404 {strides = array<i32>} : memref<40x1024xf32, #tpu.memory_space<vmem>>, vector<1x16xf32>,
      %add3A_405 = arith.constant 2 : i32
      %add3A_406 = arith.addi %mul3A_374, %add3A_405 : i32
      %mul3A_407 = arith.constant 16 : i32
      %mul3A_408 = arith.muli %add3A_406, %mul3A_407 : i32
      %get3A_409 = arith.index_cast %shift_right_logical3A_371 : i32 to index
      %get3A_410 = arith.index_cast %mul3A_408 : i32 to index
      %get3A_411 = tpu.vector_load %arg6[%get3A_409, %get3A_410] {strides = array<i32>} : memref<40x1024xf32, #tpu.memory_space<vmem>>, vector<1x16xf32>,
      %get3A_412 = vector.shape_cast %get3A_411 : vector<1x16xf32> to vector<16xf32>
      %mul3A_413 = arith.constant 3.200000e+01 : f32
      %mul3A_414 = vector.broadcast %mul3A_413 : f32 to vector<16xf32>
      %mul3A_415 = arith.mulf %get3A_412, %mul3A_414 : vector<16xf32>
      %swap3A_416 = arith.index_cast %shift_right_logical3A_371 : i32 to index
      %swap3A_417 = arith.index_cast %mul3A_408 : i32 to index
      %swap3A_418 = tpu.vector_load %arg6[%swap3A_416, %swap3A_417] {strides = array<i32>} : memref<40x1024xf32, #tpu.memory_space<vmem>>, vector<1x16xf32>,
      %swap3A_419 = vector.shape_cast %swap3A_418 : vector<1x16xf32> to vector<16xf32>
      %swap3A_420 = vector.shape_cast %mul3A_415 : vector<16xf32> to vector<1x16xf32>
      tpu.vector_store %arg6[%swap3A_416, %swap3A_417], %swap3A_420 {strides = array<i32>} : memref<40x1024xf32, #tpu.memory_space<vmem>>, vector<1x16xf32>,
      %add3A_421 = arith.constant 3 : i32
      %add3A_422 = arith.addi %mul3A_374, %add3A_421 : i32
      %mul3A_423 = arith.constant 16 : i32
      %mul3A_424 = arith.muli %add3A_422, %mul3A_423 : i32
      %get3A_425 = arith.index_cast %shift_right_logical3A_371 : i32 to index
      %get3A_426 = arith.index_cast %mul3A_424 : i32 to index
      %get3A_427 = tpu.vector_load %arg6[%get3A_425, %get3A_426] {strides = array<i32>} : memref<40x1024xf32, #tpu.memory_space<vmem>>, vector<1x16xf32>,
      %get3A_428 = vector.shape_cast %get3A_427 : vector<1x16xf32> to vector<16xf32>
      %mul3A_429 = arith.constant 3.200000e+01 : f32
      %mul3A_430 = vector.broadcast %mul3A_429 : f32 to vector<16xf32>
      %mul3A_431 = arith.mulf %get3A_428, %mul3A_430 : vector<16xf32>
      %swap3A_432 = arith.index_cast %shift_right_logical3A_371 : i32 to index
      %swap3A_433 = arith.index_cast %mul3A_424 : i32 to index
      %swap3A_434 = tpu.vector_load %arg6[%swap3A_432, %swap3A_433] {strides = array<i32>} : memref<40x1024xf32, #tpu.memory_space<vmem>>, vector<1x16xf32>,
      %swap3A_435 = vector.shape_cast %swap3A_434 : vector<1x16xf32> to vector<16xf32>
      %swap3A_436 = vector.shape_cast %mul3A_431 : vector<16xf32> to vector<1x16xf32>
      tpu.vector_store %arg6[%swap3A_432, %swap3A_433], %swap3A_436 {strides = array<i32>} : memref<40x1024xf32, #tpu.memory_space<vmem>>, vector<1x16xf32>,
      %add3A_437 = arith.constant 4 : i32
      %add3A_438 = arith.addi %mul3A_374, %add3A_437 : i32
      %mul3A_439 = arith.constant 16 : i32
      %mul3A_440 = arith.muli %add3A_438, %mul3A_439 : i32
      %get3A_441 = arith.index_cast %shift_right_logical3A_371 : i32 to index
      %get3A_442 = arith.index_cast %mul3A_440 : i32 to index
      %get3A_443 = tpu.vector_load %arg6[%get3A_441, %get3A_442] {strides = array<i32>} : memref<40x1024xf32, #tpu.memory_space<vmem>>, vector<1x16xf32>,
      %get3A_444 = vector.shape_cast %get3A_443 : vector<1x16xf32> to vector<16xf32>
      %mul3A_445 = arith.constant 3.200000e+01 : f32
      %mul3A_446 = vector.broadcast %mul3A_445 : f32 to vector<16xf32>
      %mul3A_447 = arith.mulf %get3A_444, %mul3A_446 : vector<16xf32>
      %swap3A_448 = arith.index_cast %shift_right_logical3A_371 : i32 to index
      %swap3A_449 = arith.index_cast %mul3A_440 : i32 to index
      %swap3A_450 = tpu.vector_load %arg6[%swap3A_448, %swap3A_449] {strides = array<i32>} : memref<40x1024xf32, #tpu.memory_space<vmem>>, vector<1x16xf32>,
      %swap3A_451 = vector.shape_cast %swap3A_450 : vector<1x16xf32> to vector<16xf32>
      %swap3A_452 = vector.shape_cast %mul3A_447 : vector<16xf32> to vector<1x16xf32>
      tpu.vector_store %arg6[%swap3A_448, %swap3A_449], %swap3A_452 {strides = array<i32>} : memref<40x1024xf32, #tpu.memory_space<vmem>>, vector<1x16xf32>,
      %add3A_453 = arith.constant 5 : i32
      %add3A_454 = arith.addi %mul3A_374, %add3A_453 : i32
      %mul3A_455 = arith.constant 16 : i32
      %mul3A_456 = arith.muli %add3A_454, %mul3A_455 : i32
      %get3A_457 = arith.index_cast %shift_right_logical3A_371 : i32 to index
      %get3A_458 = arith.index_cast %mul3A_456 : i32 to index
      %get3A_459 = tpu.vector_load %arg6[%get3A_457, %get3A_458] {strides = array<i32>} : memref<40x1024xf32, #tpu.memory_space<vmem>>, vector<1x16xf32>,
      %get3A_460 = vector.shape_cast %get3A_459 : vector<1x16xf32> to vector<16xf32>
      %mul3A_461 = arith.constant 3.200000e+01 : f32
      %mul3A_462 = vector.broadcast %mul3A_461 : f32 to vector<16xf32>
      %mul3A_463 = arith.mulf %get3A_460, %mul3A_462 : vector<16xf32>
      %swap3A_464 = arith.index_cast %shift_right_logical3A_371 : i32 to index
      %swap3A_465 = arith.index_cast %mul3A_456 : i32 to index
      %swap3A_466 = tpu.vector_load %arg6[%swap3A_464, %swap3A_465] {strides = array<i32>} : memref<40x1024xf32, #tpu.memory_space<vmem>>, vector<1x16xf32>,
      %swap3A_467 = vector.shape_cast %swap3A_466 : vector<1x16xf32> to vector<16xf32>
      %swap3A_468 = vector.shape_cast %mul3A_463 : vector<16xf32> to vector<1x16xf32>
      tpu.vector_store %arg6[%swap3A_464, %swap3A_465], %swap3A_468 {strides = array<i32>} : memref<40x1024xf32, #tpu.memory_space<vmem>>, vector<1x16xf32>,
      %add3A_469 = arith.constant 6 : i32
      %add3A_470 = arith.addi %mul3A_374, %add3A_469 : i32
      %mul3A_471 = arith.constant 16 : i32
      %mul3A_472 = arith.muli %add3A_470, %mul3A_471 : i32
      %get3A_473 = arith.index_cast %shift_right_logical3A_371 : i32 to index
      %get3A_474 = arith.index_cast %mul3A_472 : i32 to index
      %get3A_475 = tpu.vector_load %arg6[%get3A_473, %get3A_474] {strides = array<i32>} : memref<40x1024xf32, #tpu.memory_space<vmem>>, vector<1x16xf32>,
      %get3A_476 = vector.shape_cast %get3A_475 : vector<1x16xf32> to vector<16xf32>
      %mul3A_477 = arith.constant 3.200000e+01 : f32
      %mul3A_478 = vector.broadcast %mul3A_477 : f32 to vector<16xf32>
      %mul3A_479 = arith.mulf %get3A_476, %mul3A_478 : vector<16xf32>
      %swap3A_480 = arith.index_cast %shift_right_logical3A_371 : i32 to index
      %swap3A_481 = arith.index_cast %mul3A_472 : i32 to index
      %swap3A_482 = tpu.vector_load %arg6[%swap3A_480, %swap3A_481] {strides = array<i32>} : memref<40x1024xf32, #tpu.memory_space<vmem>>, vector<1x16xf32>,
      %swap3A_483 = vector.shape_cast %swap3A_482 : vector<1x16xf32> to vector<16xf32>
      %swap3A_484 = vector.shape_cast %mul3A_479 : vector<16xf32> to vector<1x16xf32>
      tpu.vector_store %arg6[%swap3A_480, %swap3A_481], %swap3A_484 {strides = array<i32>} : memref<40x1024xf32, #tpu.memory_space<vmem>>, vector<1x16xf32>,
      %add3A_485 = arith.constant 7 : i32
      %add3A_486 = arith.addi %mul3A_374, %add3A_485 : i32
      %mul3A_487 = arith.constant 16 : i32
      %mul3A_488 = arith.muli %add3A_486, %mul3A_487 : i32
      %get3A_489 = arith.index_cast %shift_right_logical3A_371 : i32 to index
      %get3A_490 = arith.index_cast %mul3A_488 : i32 to index
      %get3A_491 = tpu.vector_load %arg6[%get3A_489, %get3A_490] {strides = array<i32>} : memref<40x1024xf32, #tpu.memory_space<vmem>>, vector<1x16xf32>,
      %get3A_492 = vector.shape_cast %get3A_491 : vector<1x16xf32> to vector<16xf32>
      %mul3A_493 = arith.constant 3.200000e+01 : f32
      %mul3A_494 = vector.broadcast %mul3A_493 : f32 to vector<16xf32>
      %mul3A_495 = arith.mulf %get3A_492, %mul3A_494 : vector<16xf32>
      %swap3A_496 = arith.index_cast %shift_right_logical3A_371 : i32 to index
      %swap3A_497 = arith.index_cast %mul3A_488 : i32 to index
      %swap3A_498 = tpu.vector_load %arg6[%swap3A_496, %swap3A_497] {strides = array<i32>} : memref<40x1024xf32, #tpu.memory_space<vmem>>, vector<1x16xf32>,
      %swap3A_499 = vector.shape_cast %swap3A_498 : vector<1x16xf32> to vector<16xf32>
      %swap3A_500 = vector.shape_cast %mul3A_495 : vector<16xf32> to vector<1x16xf32>
      tpu.vector_store %arg6[%swap3A_496, %swap3A_497], %swap3A_500 {strides = array<i32>} : memref<40x1024xf32, #tpu.memory_space<vmem>>, vector<1x16xf32>,
      %add3A_501 = arith.constant 8 : i32
      %add3A_502 = arith.addi %mul3A_374, %add3A_501 : i32
      %mul3A_503 = arith.constant 16 : i32
      %mul3A_504 = arith.muli %add3A_502, %mul3A_503 : i32
      %get3A_505 = arith.index_cast %shift_right_logical3A_371 : i32 to index
      %get3A_506 = arith.index_cast %mul3A_504 : i32 to index
      %get3A_507 = tpu.vector_load %arg6[%get3A_505, %get3A_506] {strides = array<i32>} : memref<40x1024xf32, #tpu.memory_space<vmem>>, vector<1x16xf32>,
      %get3A_508 = vector.shape_cast %get3A_507 : vector<1x16xf32> to vector<16xf32>
      %mul3A_509 = arith.constant 3.200000e+01 : f32
      %mul3A_510 = vector.broadcast %mul3A_509 : f32 to vector<16xf32>
      %mul3A_511 = arith.mulf %get3A_508, %mul3A_510 : vector<16xf32>
      %swap3A_512 = arith.index_cast %shift_right_logical3A_371 : i32 to index
      %swap3A_513 = arith.index_cast %mul3A_504 : i32 to index
      %swap3A_514 = tpu.vector_load %arg6[%swap3A_512, %swap3A_513] {strides = array<i32>} : memref<40x1024xf32, #tpu.memory_space<vmem>>, vector<1x16xf32>,
      %swap3A_515 = vector.shape_cast %swap3A_514 : vector<1x16xf32> to vector<16xf32>
      %swap3A_516 = vector.shape_cast %mul3A_511 : vector<16xf32> to vector<1x16xf32>
      tpu.vector_store %arg6[%swap3A_512, %swap3A_513], %swap3A_516 {strides = array<i32>} : memref<40x1024xf32, #tpu.memory_space<vmem>>, vector<1x16xf32>,
      %add3A_517 = arith.constant 9 : i32
      %add3A_518 = arith.addi %mul3A_374, %add3A_517 : i32
      %mul3A_519 = arith.constant 16 : i32
      %mul3A_520 = arith.muli %add3A_518, %mul3A_519 : i32
      %get3A_521 = arith.index_cast %shift_right_logical3A_371 : i32 to index
      %get3A_522 = arith.index_cast %mul3A_520 : i32 to index
      %get3A_523 = tpu.vector_load %arg6[%get3A_521, %get3A_522] {strides = array<i32>} : memref<40x1024xf32, #tpu.memory_space<vmem>>, vector<1x16xf32>,
      %get3A_524 = vector.shape_cast %get3A_523 : vector<1x16xf32> to vector<16xf32>
      %mul3A_525 = arith.constant 3.200000e+01 : f32
      %mul3A_526 = vector.broadcast %mul3A_525 : f32 to vector<16xf32>
      %mul3A_527 = arith.mulf %get3A_524, %mul3A_526 : vector<16xf32>
      %swap3A_528 = arith.index_cast %shift_right_logical3A_371 : i32 to index
      %swap3A_529 = arith.index_cast %mul3A_520 : i32 to index
      %swap3A_530 = tpu.vector_load %arg6[%swap3A_528, %swap3A_529] {strides = array<i32>} : memref<40x1024xf32, #tpu.memory_space<vmem>>, vector<1x16xf32>,
      %swap3A_531 = vector.shape_cast %swap3A_530 : vector<1x16xf32> to vector<16xf32>
      %swap3A_532 = vector.shape_cast %mul3A_527 : vector<16xf32> to vector<1x16xf32>
      tpu.vector_store %arg6[%swap3A_528, %swap3A_529], %swap3A_532 {strides = array<i32>} : memref<40x1024xf32, #tpu.memory_space<vmem>>, vector<1x16xf32>,
      %add3A_533 = arith.constant 10 : i32
      %add3A_534 = arith.addi %mul3A_374, %add3A_533 : i32
      %mul3A_535 = arith.constant 16 : i32
      %mul3A_536 = arith.muli %add3A_534, %mul3A_535 : i32
      %get3A_537 = arith.index_cast %shift_right_logical3A_371 : i32 to index
      %get3A_538 = arith.index_cast %mul3A_536 : i32 to index
      %get3A_539 = tpu.vector_load %arg6[%get3A_537, %get3A_538] {strides = array<i32>} : memref<40x1024xf32, #tpu.memory_space<vmem>>, vector<1x16xf32>,
      %get3A_540 = vector.shape_cast %get3A_539 : vector<1x16xf32> to vector<16xf32>
      %mul3A_541 = arith.constant 3.200000e+01 : f32
      %mul3A_542 = vector.broadcast %mul3A_541 : f32 to vector<16xf32>
      %mul3A_543 = arith.mulf %get3A_540, %mul3A_542 : vector<16xf32>
      %swap3A_544 = arith.index_cast %shift_right_logical3A_371 : i32 to index
      %swap3A_545 = arith.index_cast %mul3A_536 : i32 to index
      %swap3A_546 = tpu.vector_load %arg6[%swap3A_544, %swap3A_545] {strides = array<i32>} : memref<40x1024xf32, #tpu.memory_space<vmem>>, vector<1x16xf32>,
      %swap3A_547 = vector.shape_cast %swap3A_546 : vector<1x16xf32> to vector<16xf32>
      %swap3A_548 = vector.shape_cast %mul3A_543 : vector<16xf32> to vector<1x16xf32>
      tpu.vector_store %arg6[%swap3A_544, %swap3A_545], %swap3A_548 {strides = array<i32>} : memref<40x1024xf32, #tpu.memory_space<vmem>>, vector<1x16xf32>,
      %add3A_549 = arith.constant 11 : i32
      %add3A_550 = arith.addi %mul3A_374, %add3A_549 : i32
      %mul3A_551 = arith.constant 16 : i32
      %mul3A_552 = arith.muli %add3A_550, %mul3A_551 : i32
      %get3A_553 = arith.index_cast %shift_right_logical3A_371 : i32 to index
      %get3A_554 = arith.index_cast %mul3A_552 : i32 to index
      %get3A_555 = tpu.vector_load %arg6[%get3A_553, %get3A_554] {strides = array<i32>} : memref<40x1024xf32, #tpu.memory_space<vmem>>, vector<1x16xf32>,
      %get3A_556 = vector.shape_cast %get3A_555 : vector<1x16xf32> to vector<16xf32>
      %mul3A_557 = arith.constant 3.200000e+01 : f32
      %mul3A_558 = vector.broadcast %mul3A_557 : f32 to vector<16xf32>
      %mul3A_559 = arith.mulf %get3A_556, %mul3A_558 : vector<16xf32>
      %swap3A_560 = arith.index_cast %shift_right_logical3A_371 : i32 to index
      %swap3A_561 = arith.index_cast %mul3A_552 : i32 to index
      %swap3A_562 = tpu.vector_load %arg6[%swap3A_560, %swap3A_561] {strides = array<i32>} : memref<40x1024xf32, #tpu.memory_space<vmem>>, vector<1x16xf32>,
      %swap3A_563 = vector.shape_cast %swap3A_562 : vector<1x16xf32> to vector<16xf32>
      %swap3A_564 = vector.shape_cast %mul3A_559 : vector<16xf32> to vector<1x16xf32>
      tpu.vector_store %arg6[%swap3A_560, %swap3A_561], %swap3A_564 {strides = array<i32>} : memref<40x1024xf32, #tpu.memory_space<vmem>>, vector<1x16xf32>,
      %add3A_565 = arith.constant 12 : i32
      %add3A_566 = arith.addi %mul3A_374, %add3A_565 : i32
      %mul3A_567 = arith.constant 16 : i32
      %mul3A_568 = arith.muli %add3A_566, %mul3A_567 : i32
      %get3A_569 = arith.index_cast %shift_right_logical3A_371 : i32 to index
      %get3A_570 = arith.index_cast %mul3A_568 : i32 to index
      %get3A_571 = tpu.vector_load %arg6[%get3A_569, %get3A_570] {strides = array<i32>} : memref<40x1024xf32, #tpu.memory_space<vmem>>, vector<1x16xf32>,
      %get3A_572 = vector.shape_cast %get3A_571 : vector<1x16xf32> to vector<16xf32>
      %mul3A_573 = arith.constant 3.200000e+01 : f32
      %mul3A_574 = vector.broadcast %mul3A_573 : f32 to vector<16xf32>
      %mul3A_575 = arith.mulf %get3A_572, %mul3A_574 : vector<16xf32>
      %swap3A_576 = arith.index_cast %shift_right_logical3A_371 : i32 to index
      %swap3A_577 = arith.index_cast %mul3A_568 : i32 to index
      %swap3A_578 = tpu.vector_load %arg6[%swap3A_576, %swap3A_577] {strides = array<i32>} : memref<40x1024xf32, #tpu.memory_space<vmem>>, vector<1x16xf32>,
      %swap3A_579 = vector.shape_cast %swap3A_578 : vector<1x16xf32> to vector<16xf32>
      %swap3A_580 = vector.shape_cast %mul3A_575 : vector<16xf32> to vector<1x16xf32>
      tpu.vector_store %arg6[%swap3A_576, %swap3A_577], %swap3A_580 {strides = array<i32>} : memref<40x1024xf32, #tpu.memory_space<vmem>>, vector<1x16xf32>,
      %add3A_581 = arith.constant 13 : i32
      %add3A_582 = arith.addi %mul3A_374, %add3A_581 : i32
      %mul3A_583 = arith.constant 16 : i32
      %mul3A_584 = arith.muli %add3A_582, %mul3A_583 : i32
      %get3A_585 = arith.index_cast %shift_right_logical3A_371 : i32 to index
      %get3A_586 = arith.index_cast %mul3A_584 : i32 to index
      %get3A_587 = tpu.vector_load %arg6[%get3A_585, %get3A_586] {strides = array<i32>} : memref<40x1024xf32, #tpu.memory_space<vmem>>, vector<1x16xf32>,
      %get3A_588 = vector.shape_cast %get3A_587 : vector<1x16xf32> to vector<16xf32>
      %mul3A_589 = arith.constant 3.200000e+01 : f32
      %mul3A_590 = vector.broadcast %mul3A_589 : f32 to vector<16xf32>
      %mul3A_591 = arith.mulf %get3A_588, %mul3A_590 : vector<16xf32>
      %swap3A_592 = arith.index_cast %shift_right_logical3A_371 : i32 to index
      %swap3A_593 = arith.index_cast %mul3A_584 : i32 to index
      %swap3A_594 = tpu.vector_load %arg6[%swap3A_592, %swap3A_593] {strides = array<i32>} : memref<40x1024xf32, #tpu.memory_space<vmem>>, vector<1x16xf32>,
      %swap3A_595 = vector.shape_cast %swap3A_594 : vector<1x16xf32> to vector<16xf32>
      %swap3A_596 = vector.shape_cast %mul3A_591 : vector<16xf32> to vector<1x16xf32>
      tpu.vector_store %arg6[%swap3A_592, %swap3A_593], %swap3A_596 {strides = array<i32>} : memref<40x1024xf32, #tpu.memory_space<vmem>>, vector<1x16xf32>,
      %add3A_597 = arith.constant 14 : i32
      %add3A_598 = arith.addi %mul3A_374, %add3A_597 : i32
      %mul3A_599 = arith.constant 16 : i32
      %mul3A_600 = arith.muli %add3A_598, %mul3A_599 : i32
      %get3A_601 = arith.index_cast %shift_right_logical3A_371 : i32 to index
      %get3A_602 = arith.index_cast %mul3A_600 : i32 to index
      %get3A_603 = tpu.vector_load %arg6[%get3A_601, %get3A_602] {strides = array<i32>} : memref<40x1024xf32, #tpu.memory_space<vmem>>, vector<1x16xf32>,
      %get3A_604 = vector.shape_cast %get3A_603 : vector<1x16xf32> to vector<16xf32>
      %mul3A_605 = arith.constant 3.200000e+01 : f32
      %mul3A_606 = vector.broadcast %mul3A_605 : f32 to vector<16xf32>
      %mul3A_607 = arith.mulf %get3A_604, %mul3A_606 : vector<16xf32>
      %swap3A_608 = arith.index_cast %shift_right_logical3A_371 : i32 to index
      %swap3A_609 = arith.index_cast %mul3A_600 : i32 to index
      %swap3A_610 = tpu.vector_load %arg6[%swap3A_608, %swap3A_609] {strides = array<i32>} : memref<40x1024xf32, #tpu.memory_space<vmem>>, vector<1x16xf32>,
      %swap3A_611 = vector.shape_cast %swap3A_610 : vector<1x16xf32> to vector<16xf32>
      %swap3A_612 = vector.shape_cast %mul3A_607 : vector<16xf32> to vector<1x16xf32>
      tpu.vector_store %arg6[%swap3A_608, %swap3A_609], %swap3A_612 {strides = array<i32>} : memref<40x1024xf32, #tpu.memory_space<vmem>>, vector<1x16xf32>,
      %add3A_613 = arith.constant 15 : i32
      %add3A_614 = arith.addi %mul3A_374, %add3A_613 : i32
      %mul3A_615 = arith.constant 16 : i32
      %mul3A_616 = arith.muli %add3A_614, %mul3A_615 : i32
      %get3A_617 = arith.index_cast %shift_right_logical3A_371 : i32 to index
      %get3A_618 = arith.index_cast %mul3A_616 : i32 to index
      %get3A_619 = tpu.vector_load %arg6[%get3A_617, %get3A_618] {strides = array<i32>} : memref<40x1024xf32, #tpu.memory_space<vmem>>, vector<1x16xf32>,
      %get3A_620 = vector.shape_cast %get3A_619 : vector<1x16xf32> to vector<16xf32>
      %mul3A_621 = arith.constant 3.200000e+01 : f32
      %mul3A_622 = vector.broadcast %mul3A_621 : f32 to vector<16xf32>
      %mul3A_623 = arith.mulf %get3A_620, %mul3A_622 : vector<16xf32>
      %swap3A_624 = arith.index_cast %shift_right_logical3A_371 : i32 to index
      %swap3A_625 = arith.index_cast %mul3A_616 : i32 to index
      %swap3A_626 = tpu.vector_load %arg6[%swap3A_624, %swap3A_625] {strides = array<i32>} : memref<40x1024xf32, #tpu.memory_space<vmem>>, vector<1x16xf32>,
      %swap3A_627 = vector.shape_cast %swap3A_626 : vector<1x16xf32> to vector<16xf32>
      %swap3A_628 = vector.shape_cast %mul3A_623 : vector<16xf32> to vector<1x16xf32>
      tpu.vector_store %arg6[%swap3A_624, %swap3A_625], %swap3A_628 {strides = array<i32>} : memref<40x1024xf32, #tpu.memory_space<vmem>>, vector<1x16xf32>,
      %scan3A_629 = arith.constant 0 : i32
      scf.yield %scan3A_629 : i32
    }
    %scan3A_179 = arith.constant 160 : i32
    %add3A_180 = arith.constant 240 : i32
    %add3A_181 = arith.addi %mul3A_2, %add3A_180 : i32
    %dma_start3A_182 = arith.constant 0 : i32
    %dma_start3A_183 = tpu.memref_slice %arg4[%add3A_181, %dma_start3A_182] : memref<16384x1024xf32, #tpu.memory_space<hbm>> -> memref<40x1024xf32, #tpu.memory_space<hbm>>
    %dma_start3A_184 = arith.constant 0 : i32
    %dma_start3A_185 = tpu.memref_slice %arg4[%add3A_181, %dma_start3A_184] : memref<16384x1024xf32, #tpu.memory_space<hbm>> -> memref<40x1024xf32, #tpu.memory_space<hbm>>
    tpu.enqueue_dma source(%arg6 : memref<40x1024xf32, #tpu.memory_space<vmem>>) target(%dma_start3A_185 : memref<40x1024xf32, #tpu.memory_space<hbm>>) target_semaphore(%arg12 : memref<!tpu.dma_semaphore, #tpu.memory_space<semaphore_mem>>)
    %dma_wait3A_186 = arith.constant 0 : i32
    %dma_wait3A_187 = tpu.memref_slice %arg4[%add3A_154, %dma_wait3A_186] : memref<16384x1024xf32, #tpu.memory_space<hbm>> -> memref<40x1024xf32, #tpu.memory_space<hbm>>
    %dma_wait3A_188 = arith.constant 0 : i32
    %dma_wait3A_189 = tpu.memref_slice %arg4[%add3A_154, %dma_wait3A_188] : memref<16384x1024xf32, #tpu.memory_space<hbm>> -> memref<40x1024xf32, #tpu.memory_space<hbm>>
    tpu.wait_dma2 semaphore(%arg14 : memref<!tpu.dma_semaphore, #tpu.memory_space<semaphore_mem>>) src(%arg8 : memref<40x1024xf32, #tpu.memory_space<vmem>>) dst(%dma_wait3A_189 : memref<40x1024xf32, #tpu.memory_space<hbm>>)
    %dma_start3A_190 = arith.constant 320 : i32
    %dma_start3A_191 = tpu.memref_slice %arg5[%dma_start3A_190] : memref<512xi32, #tpu.memory_space<vmem>> -> memref<40xi32, #tpu.memory_space<vmem>>
    %dma_start3A_192 = arith.constant 0 : i32
    %dma_start3A_193 = arith.constant 0 : i32
    %dma_start3A_194 = tpu.memref_slice %arg3[%dma_start3A_192, %dma_start3A_193] : memref<100000x1024xf32, #tpu.memory_space<hbm>> -> memref<100000x1024xf32, #tpu.memory_space<hbm>>
    tpu.enqueue_indirect_dma source(%dma_start3A_194 : memref<100000x1024xf32, #tpu.memory_space<hbm>>) target(%arg8 : memref<40x1024xf32, #tpu.memory_space<vmem>>) offsets(%dma_start3A_191 : memref<40xi32, #tpu.memory_space<vmem>>) semaphore(%arg11 : memref<!tpu.dma_semaphore, #tpu.memory_space<semaphore_mem>>)
    %dma_wait3A_195 = arith.constant 280 : i32
    %dma_wait3A_196 = tpu.memref_slice %arg5[%dma_wait3A_195] : memref<512xi32, #tpu.memory_space<vmem>> -> memref<40xi32, #tpu.memory_space<vmem>>
    %dma_wait3A_197 = arith.constant 0 : i32
    %dma_wait3A_198 = arith.constant 0 : i32
    %dma_wait3A_199 = tpu.memref_slice %arg3[%dma_wait3A_197, %dma_wait3A_198] : memref<100000x1024xf32, #tpu.memory_space<hbm>> -> memref<100000x1024xf32, #tpu.memory_space<hbm>>
    tpu.wait_indirect_dma semaphore(%arg10 : memref<!tpu.dma_semaphore, #tpu.memory_space<semaphore_mem>>) src(%dma_wait3A_199 : memref<100000x1024xf32, #tpu.memory_space<hbm>>) dst(%arg7 : memref<40x1024xf32, #tpu.memory_space<vmem>>)
    %scan3A_200 = arith.constant 0 : i32
    %scan3A_201 = arith.constant 0 : i32
    %scan3A_202 = arith.constant 160 : i32
    %scan3A_203 = arith.addi %scan3A_201, %scan3A_202 : i32
    %scan3A_204 = arith.constant 1 : i32
    %scan3A_205 = scf.for %scan3A_369 = %scan3A_201 to %scan3A_203 step %scan3A_204 iter_args(%scan3A_370 = %scan3A_200) -> (i32)  : i32 {
      %shift_right_logical3A = arith.constant 2 : i32
      %shift_right_logical3A_371 = arith.shrui %scan3A_369, %shift_right_logical3A : i32
      %and3A = arith.constant 3 : i32
      %and3A_372 = arith.andi %scan3A_369, %and3A : i32
      %mul3A_373 = arith.constant 16 : i32
      %mul3A_374 = arith.muli %and3A_372, %mul3A_373 : i32
      %add3A_375 = arith.constant 0 : i32
      %add3A_376 = arith.addi %mul3A_374, %add3A_375 : i32
      %mul3A_377 = arith.constant 16 : i32
      %mul3A_378 = arith.muli %add3A_376, %mul3A_377 : i32
      %get3A = arith.index_cast %shift_right_logical3A_371 : i32 to index
      %get3A_379 = arith.index_cast %mul3A_378 : i32 to index
      %get3A_380 = tpu.vector_load %arg7[%get3A, %get3A_379] {strides = array<i32>} : memref<40x1024xf32, #tpu.memory_space<vmem>>, vector<1x16xf32>,
      %get3A_381 = vector.shape_cast %get3A_380 : vector<1x16xf32> to vector<16xf32>
      %mul3A_382 = arith.constant 3.200000e+01 : f32
      %mul3A_383 = vector.broadcast %mul3A_382 : f32 to vector<16xf32>
      %mul3A_384 = arith.mulf %get3A_381, %mul3A_383 : vector<16xf32>
      %swap3A = arith.index_cast %shift_right_logical3A_371 : i32 to index
      %swap3A_385 = arith.index_cast %mul3A_378 : i32 to index
      %swap3A_386 = tpu.vector_load %arg7[%swap3A, %swap3A_385] {strides = array<i32>} : memref<40x1024xf32, #tpu.memory_space<vmem>>, vector<1x16xf32>,
      %swap3A_387 = vector.shape_cast %swap3A_386 : vector<1x16xf32> to vector<16xf32>
      %swap3A_388 = vector.shape_cast %mul3A_384 : vector<16xf32> to vector<1x16xf32>
      tpu.vector_store %arg7[%swap3A, %swap3A_385], %swap3A_388 {strides = array<i32>} : memref<40x1024xf32, #tpu.memory_space<vmem>>, vector<1x16xf32>,
      %add3A_389 = arith.constant 1 : i32
      %add3A_390 = arith.addi %mul3A_374, %add3A_389 : i32
      %mul3A_391 = arith.constant 16 : i32
      %mul3A_392 = arith.muli %add3A_390, %mul3A_391 : i32
      %get3A_393 = arith.index_cast %shift_right_logical3A_371 : i32 to index
      %get3A_394 = arith.index_cast %mul3A_392 : i32 to index
      %get3A_395 = tpu.vector_load %arg7[%get3A_393, %get3A_394] {strides = array<i32>} : memref<40x1024xf32, #tpu.memory_space<vmem>>, vector<1x16xf32>,
      %get3A_396 = vector.shape_cast %get3A_395 : vector<1x16xf32> to vector<16xf32>
      %mul3A_397 = arith.constant 3.200000e+01 : f32
      %mul3A_398 = vector.broadcast %mul3A_397 : f32 to vector<16xf32>
      %mul3A_399 = arith.mulf %get3A_396, %mul3A_398 : vector<16xf32>
      %swap3A_400 = arith.index_cast %shift_right_logical3A_371 : i32 to index
      %swap3A_401 = arith.index_cast %mul3A_392 : i32 to index
      %swap3A_402 = tpu.vector_load %arg7[%swap3A_400, %swap3A_401] {strides = array<i32>} : memref<40x1024xf32, #tpu.memory_space<vmem>>, vector<1x16xf32>,
      %swap3A_403 = vector.shape_cast %swap3A_402 : vector<1x16xf32> to vector<16xf32>
      %swap3A_404 = vector.shape_cast %mul3A_399 : vector<16xf32> to vector<1x16xf32>
      tpu.vector_store %arg7[%swap3A_400, %swap3A_401], %swap3A_404 {strides = array<i32>} : memref<40x1024xf32, #tpu.memory_space<vmem>>, vector<1x16xf32>,
      %add3A_405 = arith.constant 2 : i32
      %add3A_406 = arith.addi %mul3A_374, %add3A_405 : i32
      %mul3A_407 = arith.constant 16 : i32
      %mul3A_408 = arith.muli %add3A_406, %mul3A_407 : i32
      %get3A_409 = arith.index_cast %shift_right_logical3A_371 : i32 to index
      %get3A_410 = arith.index_cast %mul3A_408 : i32 to index
      %get3A_411 = tpu.vector_load %arg7[%get3A_409, %get3A_410] {strides = array<i32>} : memref<40x1024xf32, #tpu.memory_space<vmem>>, vector<1x16xf32>,
      %get3A_412 = vector.shape_cast %get3A_411 : vector<1x16xf32> to vector<16xf32>
      %mul3A_413 = arith.constant 3.200000e+01 : f32
      %mul3A_414 = vector.broadcast %mul3A_413 : f32 to vector<16xf32>
      %mul3A_415 = arith.mulf %get3A_412, %mul3A_414 : vector<16xf32>
      %swap3A_416 = arith.index_cast %shift_right_logical3A_371 : i32 to index
      %swap3A_417 = arith.index_cast %mul3A_408 : i32 to index
      %swap3A_418 = tpu.vector_load %arg7[%swap3A_416, %swap3A_417] {strides = array<i32>} : memref<40x1024xf32, #tpu.memory_space<vmem>>, vector<1x16xf32>,
      %swap3A_419 = vector.shape_cast %swap3A_418 : vector<1x16xf32> to vector<16xf32>
      %swap3A_420 = vector.shape_cast %mul3A_415 : vector<16xf32> to vector<1x16xf32>
      tpu.vector_store %arg7[%swap3A_416, %swap3A_417], %swap3A_420 {strides = array<i32>} : memref<40x1024xf32, #tpu.memory_space<vmem>>, vector<1x16xf32>,
      %add3A_421 = arith.constant 3 : i32
      %add3A_422 = arith.addi %mul3A_374, %add3A_421 : i32
      %mul3A_423 = arith.constant 16 : i32
      %mul3A_424 = arith.muli %add3A_422, %mul3A_423 : i32
      %get3A_425 = arith.index_cast %shift_right_logical3A_371 : i32 to index
      %get3A_426 = arith.index_cast %mul3A_424 : i32 to index
      %get3A_427 = tpu.vector_load %arg7[%get3A_425, %get3A_426] {strides = array<i32>} : memref<40x1024xf32, #tpu.memory_space<vmem>>, vector<1x16xf32>,
      %get3A_428 = vector.shape_cast %get3A_427 : vector<1x16xf32> to vector<16xf32>
      %mul3A_429 = arith.constant 3.200000e+01 : f32
      %mul3A_430 = vector.broadcast %mul3A_429 : f32 to vector<16xf32>
      %mul3A_431 = arith.mulf %get3A_428, %mul3A_430 : vector<16xf32>
      %swap3A_432 = arith.index_cast %shift_right_logical3A_371 : i32 to index
      %swap3A_433 = arith.index_cast %mul3A_424 : i32 to index
      %swap3A_434 = tpu.vector_load %arg7[%swap3A_432, %swap3A_433] {strides = array<i32>} : memref<40x1024xf32, #tpu.memory_space<vmem>>, vector<1x16xf32>,
      %swap3A_435 = vector.shape_cast %swap3A_434 : vector<1x16xf32> to vector<16xf32>
      %swap3A_436 = vector.shape_cast %mul3A_431 : vector<16xf32> to vector<1x16xf32>
      tpu.vector_store %arg7[%swap3A_432, %swap3A_433], %swap3A_436 {strides = array<i32>} : memref<40x1024xf32, #tpu.memory_space<vmem>>, vector<1x16xf32>,
      %add3A_437 = arith.constant 4 : i32
      %add3A_438 = arith.addi %mul3A_374, %add3A_437 : i32
      %mul3A_439 = arith.constant 16 : i32
      %mul3A_440 = arith.muli %add3A_438, %mul3A_439 : i32
      %get3A_441 = arith.index_cast %shift_right_logical3A_371 : i32 to index
      %get3A_442 = arith.index_cast %mul3A_440 : i32 to index
      %get3A_443 = tpu.vector_load %arg7[%get3A_441, %get3A_442] {strides = array<i32>} : memref<40x1024xf32, #tpu.memory_space<vmem>>, vector<1x16xf32>,
      %get3A_444 = vector.shape_cast %get3A_443 : vector<1x16xf32> to vector<16xf32>
      %mul3A_445 = arith.constant 3.200000e+01 : f32
      %mul3A_446 = vector.broadcast %mul3A_445 : f32 to vector<16xf32>
      %mul3A_447 = arith.mulf %get3A_444, %mul3A_446 : vector<16xf32>
      %swap3A_448 = arith.index_cast %shift_right_logical3A_371 : i32 to index
      %swap3A_449 = arith.index_cast %mul3A_440 : i32 to index
      %swap3A_450 = tpu.vector_load %arg7[%swap3A_448, %swap3A_449] {strides = array<i32>} : memref<40x1024xf32, #tpu.memory_space<vmem>>, vector<1x16xf32>,
      %swap3A_451 = vector.shape_cast %swap3A_450 : vector<1x16xf32> to vector<16xf32>
      %swap3A_452 = vector.shape_cast %mul3A_447 : vector<16xf32> to vector<1x16xf32>
      tpu.vector_store %arg7[%swap3A_448, %swap3A_449], %swap3A_452 {strides = array<i32>} : memref<40x1024xf32, #tpu.memory_space<vmem>>, vector<1x16xf32>,
      %add3A_453 = arith.constant 5 : i32
      %add3A_454 = arith.addi %mul3A_374, %add3A_453 : i32
      %mul3A_455 = arith.constant 16 : i32
      %mul3A_456 = arith.muli %add3A_454, %mul3A_455 : i32
      %get3A_457 = arith.index_cast %shift_right_logical3A_371 : i32 to index
      %get3A_458 = arith.index_cast %mul3A_456 : i32 to index
      %get3A_459 = tpu.vector_load %arg7[%get3A_457, %get3A_458] {strides = array<i32>} : memref<40x1024xf32, #tpu.memory_space<vmem>>, vector<1x16xf32>,
      %get3A_460 = vector.shape_cast %get3A_459 : vector<1x16xf32> to vector<16xf32>
      %mul3A_461 = arith.constant 3.200000e+01 : f32
      %mul3A_462 = vector.broadcast %mul3A_461 : f32 to vector<16xf32>
      %mul3A_463 = arith.mulf %get3A_460, %mul3A_462 : vector<16xf32>
      %swap3A_464 = arith.index_cast %shift_right_logical3A_371 : i32 to index
      %swap3A_465 = arith.index_cast %mul3A_456 : i32 to index
      %swap3A_466 = tpu.vector_load %arg7[%swap3A_464, %swap3A_465] {strides = array<i32>} : memref<40x1024xf32, #tpu.memory_space<vmem>>, vector<1x16xf32>,
      %swap3A_467 = vector.shape_cast %swap3A_466 : vector<1x16xf32> to vector<16xf32>
      %swap3A_468 = vector.shape_cast %mul3A_463 : vector<16xf32> to vector<1x16xf32>
      tpu.vector_store %arg7[%swap3A_464, %swap3A_465], %swap3A_468 {strides = array<i32>} : memref<40x1024xf32, #tpu.memory_space<vmem>>, vector<1x16xf32>,
      %add3A_469 = arith.constant 6 : i32
      %add3A_470 = arith.addi %mul3A_374, %add3A_469 : i32
      %mul3A_471 = arith.constant 16 : i32
      %mul3A_472 = arith.muli %add3A_470, %mul3A_471 : i32
      %get3A_473 = arith.index_cast %shift_right_logical3A_371 : i32 to index
      %get3A_474 = arith.index_cast %mul3A_472 : i32 to index
      %get3A_475 = tpu.vector_load %arg7[%get3A_473, %get3A_474] {strides = array<i32>} : memref<40x1024xf32, #tpu.memory_space<vmem>>, vector<1x16xf32>,
      %get3A_476 = vector.shape_cast %get3A_475 : vector<1x16xf32> to vector<16xf32>
      %mul3A_477 = arith.constant 3.200000e+01 : f32
      %mul3A_478 = vector.broadcast %mul3A_477 : f32 to vector<16xf32>
      %mul3A_479 = arith.mulf %get3A_476, %mul3A_478 : vector<16xf32>
      %swap3A_480 = arith.index_cast %shift_right_logical3A_371 : i32 to index
      %swap3A_481 = arith.index_cast %mul3A_472 : i32 to index
      %swap3A_482 = tpu.vector_load %arg7[%swap3A_480, %swap3A_481] {strides = array<i32>} : memref<40x1024xf32, #tpu.memory_space<vmem>>, vector<1x16xf32>,
      %swap3A_483 = vector.shape_cast %swap3A_482 : vector<1x16xf32> to vector<16xf32>
      %swap3A_484 = vector.shape_cast %mul3A_479 : vector<16xf32> to vector<1x16xf32>
      tpu.vector_store %arg7[%swap3A_480, %swap3A_481], %swap3A_484 {strides = array<i32>} : memref<40x1024xf32, #tpu.memory_space<vmem>>, vector<1x16xf32>,
      %add3A_485 = arith.constant 7 : i32
      %add3A_486 = arith.addi %mul3A_374, %add3A_485 : i32
      %mul3A_487 = arith.constant 16 : i32
      %mul3A_488 = arith.muli %add3A_486, %mul3A_487 : i32
      %get3A_489 = arith.index_cast %shift_right_logical3A_371 : i32 to index
      %get3A_490 = arith.index_cast %mul3A_488 : i32 to index
      %get3A_491 = tpu.vector_load %arg7[%get3A_489, %get3A_490] {strides = array<i32>} : memref<40x1024xf32, #tpu.memory_space<vmem>>, vector<1x16xf32>,
      %get3A_492 = vector.shape_cast %get3A_491 : vector<1x16xf32> to vector<16xf32>
      %mul3A_493 = arith.constant 3.200000e+01 : f32
      %mul3A_494 = vector.broadcast %mul3A_493 : f32 to vector<16xf32>
      %mul3A_495 = arith.mulf %get3A_492, %mul3A_494 : vector<16xf32>
      %swap3A_496 = arith.index_cast %shift_right_logical3A_371 : i32 to index
      %swap3A_497 = arith.index_cast %mul3A_488 : i32 to index
      %swap3A_498 = tpu.vector_load %arg7[%swap3A_496, %swap3A_497] {strides = array<i32>} : memref<40x1024xf32, #tpu.memory_space<vmem>>, vector<1x16xf32>,
      %swap3A_499 = vector.shape_cast %swap3A_498 : vector<1x16xf32> to vector<16xf32>
      %swap3A_500 = vector.shape_cast %mul3A_495 : vector<16xf32> to vector<1x16xf32>
      tpu.vector_store %arg7[%swap3A_496, %swap3A_497], %swap3A_500 {strides = array<i32>} : memref<40x1024xf32, #tpu.memory_space<vmem>>, vector<1x16xf32>,
      %add3A_501 = arith.constant 8 : i32
      %add3A_502 = arith.addi %mul3A_374, %add3A_501 : i32
      %mul3A_503 = arith.constant 16 : i32
      %mul3A_504 = arith.muli %add3A_502, %mul3A_503 : i32
      %get3A_505 = arith.index_cast %shift_right_logical3A_371 : i32 to index
      %get3A_506 = arith.index_cast %mul3A_504 : i32 to index
      %get3A_507 = tpu.vector_load %arg7[%get3A_505, %get3A_506] {strides = array<i32>} : memref<40x1024xf32, #tpu.memory_space<vmem>>, vector<1x16xf32>,
      %get3A_508 = vector.shape_cast %get3A_507 : vector<1x16xf32> to vector<16xf32>
      %mul3A_509 = arith.constant 3.200000e+01 : f32
      %mul3A_510 = vector.broadcast %mul3A_509 : f32 to vector<16xf32>
      %mul3A_511 = arith.mulf %get3A_508, %mul3A_510 : vector<16xf32>
      %swap3A_512 = arith.index_cast %shift_right_logical3A_371 : i32 to index
      %swap3A_513 = arith.index_cast %mul3A_504 : i32 to index
      %swap3A_514 = tpu.vector_load %arg7[%swap3A_512, %swap3A_513] {strides = array<i32>} : memref<40x1024xf32, #tpu.memory_space<vmem>>, vector<1x16xf32>,
      %swap3A_515 = vector.shape_cast %swap3A_514 : vector<1x16xf32> to vector<16xf32>
      %swap3A_516 = vector.shape_cast %mul3A_511 : vector<16xf32> to vector<1x16xf32>
      tpu.vector_store %arg7[%swap3A_512, %swap3A_513], %swap3A_516 {strides = array<i32>} : memref<40x1024xf32, #tpu.memory_space<vmem>>, vector<1x16xf32>,
      %add3A_517 = arith.constant 9 : i32
      %add3A_518 = arith.addi %mul3A_374, %add3A_517 : i32
      %mul3A_519 = arith.constant 16 : i32
      %mul3A_520 = arith.muli %add3A_518, %mul3A_519 : i32
      %get3A_521 = arith.index_cast %shift_right_logical3A_371 : i32 to index
      %get3A_522 = arith.index_cast %mul3A_520 : i32 to index
      %get3A_523 = tpu.vector_load %arg7[%get3A_521, %get3A_522] {strides = array<i32>} : memref<40x1024xf32, #tpu.memory_space<vmem>>, vector<1x16xf32>,
      %get3A_524 = vector.shape_cast %get3A_523 : vector<1x16xf32> to vector<16xf32>
      %mul3A_525 = arith.constant 3.200000e+01 : f32
      %mul3A_526 = vector.broadcast %mul3A_525 : f32 to vector<16xf32>
      %mul3A_527 = arith.mulf %get3A_524, %mul3A_526 : vector<16xf32>
      %swap3A_528 = arith.index_cast %shift_right_logical3A_371 : i32 to index
      %swap3A_529 = arith.index_cast %mul3A_520 : i32 to index
      %swap3A_530 = tpu.vector_load %arg7[%swap3A_528, %swap3A_529] {strides = array<i32>} : memref<40x1024xf32, #tpu.memory_space<vmem>>, vector<1x16xf32>,
      %swap3A_531 = vector.shape_cast %swap3A_530 : vector<1x16xf32> to vector<16xf32>
      %swap3A_532 = vector.shape_cast %mul3A_527 : vector<16xf32> to vector<1x16xf32>
      tpu.vector_store %arg7[%swap3A_528, %swap3A_529], %swap3A_532 {strides = array<i32>} : memref<40x1024xf32, #tpu.memory_space<vmem>>, vector<1x16xf32>,
      %add3A_533 = arith.constant 10 : i32
      %add3A_534 = arith.addi %mul3A_374, %add3A_533 : i32
      %mul3A_535 = arith.constant 16 : i32
      %mul3A_536 = arith.muli %add3A_534, %mul3A_535 : i32
      %get3A_537 = arith.index_cast %shift_right_logical3A_371 : i32 to index
      %get3A_538 = arith.index_cast %mul3A_536 : i32 to index
      %get3A_539 = tpu.vector_load %arg7[%get3A_537, %get3A_538] {strides = array<i32>} : memref<40x1024xf32, #tpu.memory_space<vmem>>, vector<1x16xf32>,
      %get3A_540 = vector.shape_cast %get3A_539 : vector<1x16xf32> to vector<16xf32>
      %mul3A_541 = arith.constant 3.200000e+01 : f32
      %mul3A_542 = vector.broadcast %mul3A_541 : f32 to vector<16xf32>
      %mul3A_543 = arith.mulf %get3A_540, %mul3A_542 : vector<16xf32>
      %swap3A_544 = arith.index_cast %shift_right_logical3A_371 : i32 to index
      %swap3A_545 = arith.index_cast %mul3A_536 : i32 to index
      %swap3A_546 = tpu.vector_load %arg7[%swap3A_544, %swap3A_545] {strides = array<i32>} : memref<40x1024xf32, #tpu.memory_space<vmem>>, vector<1x16xf32>,
      %swap3A_547 = vector.shape_cast %swap3A_546 : vector<1x16xf32> to vector<16xf32>
      %swap3A_548 = vector.shape_cast %mul3A_543 : vector<16xf32> to vector<1x16xf32>
      tpu.vector_store %arg7[%swap3A_544, %swap3A_545], %swap3A_548 {strides = array<i32>} : memref<40x1024xf32, #tpu.memory_space<vmem>>, vector<1x16xf32>,
      %add3A_549 = arith.constant 11 : i32
      %add3A_550 = arith.addi %mul3A_374, %add3A_549 : i32
      %mul3A_551 = arith.constant 16 : i32
      %mul3A_552 = arith.muli %add3A_550, %mul3A_551 : i32
      %get3A_553 = arith.index_cast %shift_right_logical3A_371 : i32 to index
      %get3A_554 = arith.index_cast %mul3A_552 : i32 to index
      %get3A_555 = tpu.vector_load %arg7[%get3A_553, %get3A_554] {strides = array<i32>} : memref<40x1024xf32, #tpu.memory_space<vmem>>, vector<1x16xf32>,
      %get3A_556 = vector.shape_cast %get3A_555 : vector<1x16xf32> to vector<16xf32>
      %mul3A_557 = arith.constant 3.200000e+01 : f32
      %mul3A_558 = vector.broadcast %mul3A_557 : f32 to vector<16xf32>
      %mul3A_559 = arith.mulf %get3A_556, %mul3A_558 : vector<16xf32>
      %swap3A_560 = arith.index_cast %shift_right_logical3A_371 : i32 to index
      %swap3A_561 = arith.index_cast %mul3A_552 : i32 to index
      %swap3A_562 = tpu.vector_load %arg7[%swap3A_560, %swap3A_561] {strides = array<i32>} : memref<40x1024xf32, #tpu.memory_space<vmem>>, vector<1x16xf32>,
      %swap3A_563 = vector.shape_cast %swap3A_562 : vector<1x16xf32> to vector<16xf32>
      %swap3A_564 = vector.shape_cast %mul3A_559 : vector<16xf32> to vector<1x16xf32>
      tpu.vector_store %arg7[%swap3A_560, %swap3A_561], %swap3A_564 {strides = array<i32>} : memref<40x1024xf32, #tpu.memory_space<vmem>>, vector<1x16xf32>,
      %add3A_565 = arith.constant 12 : i32
      %add3A_566 = arith.addi %mul3A_374, %add3A_565 : i32
      %mul3A_567 = arith.constant 16 : i32
      %mul3A_568 = arith.muli %add3A_566, %mul3A_567 : i32
      %get3A_569 = arith.index_cast %shift_right_logical3A_371 : i32 to index
      %get3A_570 = arith.index_cast %mul3A_568 : i32 to index
      %get3A_571 = tpu.vector_load %arg7[%get3A_569, %get3A_570] {strides = array<i32>} : memref<40x1024xf32, #tpu.memory_space<vmem>>, vector<1x16xf32>,
      %get3A_572 = vector.shape_cast %get3A_571 : vector<1x16xf32> to vector<16xf32>
      %mul3A_573 = arith.constant 3.200000e+01 : f32
      %mul3A_574 = vector.broadcast %mul3A_573 : f32 to vector<16xf32>
      %mul3A_575 = arith.mulf %get3A_572, %mul3A_574 : vector<16xf32>
      %swap3A_576 = arith.index_cast %shift_right_logical3A_371 : i32 to index
      %swap3A_577 = arith.index_cast %mul3A_568 : i32 to index
      %swap3A_578 = tpu.vector_load %arg7[%swap3A_576, %swap3A_577] {strides = array<i32>} : memref<40x1024xf32, #tpu.memory_space<vmem>>, vector<1x16xf32>,
      %swap3A_579 = vector.shape_cast %swap3A_578 : vector<1x16xf32> to vector<16xf32>
      %swap3A_580 = vector.shape_cast %mul3A_575 : vector<16xf32> to vector<1x16xf32>
      tpu.vector_store %arg7[%swap3A_576, %swap3A_577], %swap3A_580 {strides = array<i32>} : memref<40x1024xf32, #tpu.memory_space<vmem>>, vector<1x16xf32>,
      %add3A_581 = arith.constant 13 : i32
      %add3A_582 = arith.addi %mul3A_374, %add3A_581 : i32
      %mul3A_583 = arith.constant 16 : i32
      %mul3A_584 = arith.muli %add3A_582, %mul3A_583 : i32
      %get3A_585 = arith.index_cast %shift_right_logical3A_371 : i32 to index
      %get3A_586 = arith.index_cast %mul3A_584 : i32 to index
      %get3A_587 = tpu.vector_load %arg7[%get3A_585, %get3A_586] {strides = array<i32>} : memref<40x1024xf32, #tpu.memory_space<vmem>>, vector<1x16xf32>,
      %get3A_588 = vector.shape_cast %get3A_587 : vector<1x16xf32> to vector<16xf32>
      %mul3A_589 = arith.constant 3.200000e+01 : f32
      %mul3A_590 = vector.broadcast %mul3A_589 : f32 to vector<16xf32>
      %mul3A_591 = arith.mulf %get3A_588, %mul3A_590 : vector<16xf32>
      %swap3A_592 = arith.index_cast %shift_right_logical3A_371 : i32 to index
      %swap3A_593 = arith.index_cast %mul3A_584 : i32 to index
      %swap3A_594 = tpu.vector_load %arg7[%swap3A_592, %swap3A_593] {strides = array<i32>} : memref<40x1024xf32, #tpu.memory_space<vmem>>, vector<1x16xf32>,
      %swap3A_595 = vector.shape_cast %swap3A_594 : vector<1x16xf32> to vector<16xf32>
      %swap3A_596 = vector.shape_cast %mul3A_591 : vector<16xf32> to vector<1x16xf32>
      tpu.vector_store %arg7[%swap3A_592, %swap3A_593], %swap3A_596 {strides = array<i32>} : memref<40x1024xf32, #tpu.memory_space<vmem>>, vector<1x16xf32>,
      %add3A_597 = arith.constant 14 : i32
      %add3A_598 = arith.addi %mul3A_374, %add3A_597 : i32
      %mul3A_599 = arith.constant 16 : i32
      %mul3A_600 = arith.muli %add3A_598, %mul3A_599 : i32
      %get3A_601 = arith.index_cast %shift_right_logical3A_371 : i32 to index
      %get3A_602 = arith.index_cast %mul3A_600 : i32 to index
      %get3A_603 = tpu.vector_load %arg7[%get3A_601, %get3A_602] {strides = array<i32>} : memref<40x1024xf32, #tpu.memory_space<vmem>>, vector<1x16xf32>,
      %get3A_604 = vector.shape_cast %get3A_603 : vector<1x16xf32> to vector<16xf32>
      %mul3A_605 = arith.constant 3.200000e+01 : f32
      %mul3A_606 = vector.broadcast %mul3A_605 : f32 to vector<16xf32>
      %mul3A_607 = arith.mulf %get3A_604, %mul3A_606 : vector<16xf32>
      %swap3A_608 = arith.index_cast %shift_right_logical3A_371 : i32 to index
      %swap3A_609 = arith.index_cast %mul3A_600 : i32 to index
      %swap3A_610 = tpu.vector_load %arg7[%swap3A_608, %swap3A_609] {strides = array<i32>} : memref<40x1024xf32, #tpu.memory_space<vmem>>, vector<1x16xf32>,
      %swap3A_611 = vector.shape_cast %swap3A_610 : vector<1x16xf32> to vector<16xf32>
      %swap3A_612 = vector.shape_cast %mul3A_607 : vector<16xf32> to vector<1x16xf32>
      tpu.vector_store %arg7[%swap3A_608, %swap3A_609], %swap3A_612 {strides = array<i32>} : memref<40x1024xf32, #tpu.memory_space<vmem>>, vector<1x16xf32>,
      %add3A_613 = arith.constant 15 : i32
      %add3A_614 = arith.addi %mul3A_374, %add3A_613 : i32
      %mul3A_615 = arith.constant 16 : i32
      %mul3A_616 = arith.muli %add3A_614, %mul3A_615 : i32
      %get3A_617 = arith.index_cast %shift_right_logical3A_371 : i32 to index
      %get3A_618 = arith.index_cast %mul3A_616 : i32 to index
      %get3A_619 = tpu.vector_load %arg7[%get3A_617, %get3A_618] {strides = array<i32>} : memref<40x1024xf32, #tpu.memory_space<vmem>>, vector<1x16xf32>,
      %get3A_620 = vector.shape_cast %get3A_619 : vector<1x16xf32> to vector<16xf32>
      %mul3A_621 = arith.constant 3.200000e+01 : f32
      %mul3A_622 = vector.broadcast %mul3A_621 : f32 to vector<16xf32>
      %mul3A_623 = arith.mulf %get3A_620, %mul3A_622 : vector<16xf32>
      %swap3A_624 = arith.index_cast %shift_right_logical3A_371 : i32 to index
      %swap3A_625 = arith.index_cast %mul3A_616 : i32 to index
      %swap3A_626 = tpu.vector_load %arg7[%swap3A_624, %swap3A_625] {strides = array<i32>} : memref<40x1024xf32, #tpu.memory_space<vmem>>, vector<1x16xf32>,
      %swap3A_627 = vector.shape_cast %swap3A_626 : vector<1x16xf32> to vector<16xf32>
      %swap3A_628 = vector.shape_cast %mul3A_623 : vector<16xf32> to vector<1x16xf32>
      tpu.vector_store %arg7[%swap3A_624, %swap3A_625], %swap3A_628 {strides = array<i32>} : memref<40x1024xf32, #tpu.memory_space<vmem>>, vector<1x16xf32>,
      %scan3A_629 = arith.constant 0 : i32
      scf.yield %scan3A_629 : i32
    }
    %scan3A_206 = arith.constant 160 : i32
    %add3A_207 = arith.constant 280 : i32
    %add3A_208 = arith.addi %mul3A_2, %add3A_207 : i32
    %dma_start3A_209 = arith.constant 0 : i32
    %dma_start3A_210 = tpu.memref_slice %arg4[%add3A_208, %dma_start3A_209] : memref<16384x1024xf32, #tpu.memory_space<hbm>> -> memref<40x1024xf32, #tpu.memory_space<hbm>>
    %dma_start3A_211 = arith.constant 0 : i32
    %dma_start3A_212 = tpu.memref_slice %arg4[%add3A_208, %dma_start3A_211] : memref<16384x1024xf32, #tpu.memory_space<hbm>> -> memref<40x1024xf32, #tpu.memory_space<hbm>>
    tpu.enqueue_dma source(%arg7 : memref<40x1024xf32, #tpu.memory_space<vmem>>) target(%dma_start3A_212 : memref<40x1024xf32, #tpu.memory_space<hbm>>) target_semaphore(%arg13 : memref<!tpu.dma_semaphore, #tpu.memory_space<semaphore_mem>>)
    %dma_wait3A_213 = arith.constant 0 : i32
    %dma_wait3A_214 = tpu.memref_slice %arg4[%add3A_181, %dma_wait3A_213] : memref<16384x1024xf32, #tpu.memory_space<hbm>> -> memref<40x1024xf32, #tpu.memory_space<hbm>>
    %dma_wait3A_215 = arith.constant 0 : i32
    %dma_wait3A_216 = tpu.memref_slice %arg4[%add3A_181, %dma_wait3A_215] : memref<16384x1024xf32, #tpu.memory_space<hbm>> -> memref<40x1024xf32, #tpu.memory_space<hbm>>
    tpu.wait_dma2 semaphore(%arg12 : memref<!tpu.dma_semaphore, #tpu.memory_space<semaphore_mem>>) src(%arg6 : memref<40x1024xf32, #tpu.memory_space<vmem>>) dst(%dma_wait3A_216 : memref<40x1024xf32, #tpu.memory_space<hbm>>)
    %dma_start3A_217 = arith.constant 360 : i32
    %dma_start3A_218 = tpu.memref_slice %arg5[%dma_start3A_217] : memref<512xi32, #tpu.memory_space<vmem>> -> memref<40xi32, #tpu.memory_space<vmem>>
    %dma_start3A_219 = arith.constant 0 : i32
    %dma_start3A_220 = arith.constant 0 : i32
    %dma_start3A_221 = tpu.memref_slice %arg3[%dma_start3A_219, %dma_start3A_220] : memref<100000x1024xf32, #tpu.memory_space<hbm>> -> memref<100000x1024xf32, #tpu.memory_space<hbm>>
    tpu.enqueue_indirect_dma source(%dma_start3A_221 : memref<100000x1024xf32, #tpu.memory_space<hbm>>) target(%arg6 : memref<40x1024xf32, #tpu.memory_space<vmem>>) offsets(%dma_start3A_218 : memref<40xi32, #tpu.memory_space<vmem>>) semaphore(%arg9 : memref<!tpu.dma_semaphore, #tpu.memory_space<semaphore_mem>>)
    %dma_wait3A_222 = arith.constant 320 : i32
    %dma_wait3A_223 = tpu.memref_slice %arg5[%dma_wait3A_222] : memref<512xi32, #tpu.memory_space<vmem>> -> memref<40xi32, #tpu.memory_space<vmem>>
    %dma_wait3A_224 = arith.constant 0 : i32
    %dma_wait3A_225 = arith.constant 0 : i32
    %dma_wait3A_226 = tpu.memref_slice %arg3[%dma_wait3A_224, %dma_wait3A_225] : memref<100000x1024xf32, #tpu.memory_space<hbm>> -> memref<100000x1024xf32, #tpu.memory_space<hbm>>
    tpu.wait_indirect_dma semaphore(%arg11 : memref<!tpu.dma_semaphore, #tpu.memory_space<semaphore_mem>>) src(%dma_wait3A_226 : memref<100000x1024xf32, #tpu.memory_space<hbm>>) dst(%arg8 : memref<40x1024xf32, #tpu.memory_space<vmem>>)
    %scan3A_227 = arith.constant 0 : i32
    %scan3A_228 = arith.constant 0 : i32
    %scan3A_229 = arith.constant 160 : i32
    %scan3A_230 = arith.addi %scan3A_228, %scan3A_229 : i32
    %scan3A_231 = arith.constant 1 : i32
    %scan3A_232 = scf.for %scan3A_369 = %scan3A_228 to %scan3A_230 step %scan3A_231 iter_args(%scan3A_370 = %scan3A_227) -> (i32)  : i32 {
      %shift_right_logical3A = arith.constant 2 : i32
      %shift_right_logical3A_371 = arith.shrui %scan3A_369, %shift_right_logical3A : i32
      %and3A = arith.constant 3 : i32
      %and3A_372 = arith.andi %scan3A_369, %and3A : i32
      %mul3A_373 = arith.constant 16 : i32
      %mul3A_374 = arith.muli %and3A_372, %mul3A_373 : i32
      %add3A_375 = arith.constant 0 : i32
      %add3A_376 = arith.addi %mul3A_374, %add3A_375 : i32
      %mul3A_377 = arith.constant 16 : i32
      %mul3A_378 = arith.muli %add3A_376, %mul3A_377 : i32
      %get3A = arith.index_cast %shift_right_logical3A_371 : i32 to index
      %get3A_379 = arith.index_cast %mul3A_378 : i32 to index
      %get3A_380 = tpu.vector_load %arg8[%get3A, %get3A_379] {strides = array<i32>} : memref<40x1024xf32, #tpu.memory_space<vmem>>, vector<1x16xf32>,
      %get3A_381 = vector.shape_cast %get3A_380 : vector<1x16xf32> to vector<16xf32>
      %mul3A_382 = arith.constant 3.200000e+01 : f32
      %mul3A_383 = vector.broadcast %mul3A_382 : f32 to vector<16xf32>
      %mul3A_384 = arith.mulf %get3A_381, %mul3A_383 : vector<16xf32>
      %swap3A = arith.index_cast %shift_right_logical3A_371 : i32 to index
      %swap3A_385 = arith.index_cast %mul3A_378 : i32 to index
      %swap3A_386 = tpu.vector_load %arg8[%swap3A, %swap3A_385] {strides = array<i32>} : memref<40x1024xf32, #tpu.memory_space<vmem>>, vector<1x16xf32>,
      %swap3A_387 = vector.shape_cast %swap3A_386 : vector<1x16xf32> to vector<16xf32>
      %swap3A_388 = vector.shape_cast %mul3A_384 : vector<16xf32> to vector<1x16xf32>
      tpu.vector_store %arg8[%swap3A, %swap3A_385], %swap3A_388 {strides = array<i32>} : memref<40x1024xf32, #tpu.memory_space<vmem>>, vector<1x16xf32>,
      %add3A_389 = arith.constant 1 : i32
      %add3A_390 = arith.addi %mul3A_374, %add3A_389 : i32
      %mul3A_391 = arith.constant 16 : i32
      %mul3A_392 = arith.muli %add3A_390, %mul3A_391 : i32
      %get3A_393 = arith.index_cast %shift_right_logical3A_371 : i32 to index
      %get3A_394 = arith.index_cast %mul3A_392 : i32 to index
      %get3A_395 = tpu.vector_load %arg8[%get3A_393, %get3A_394] {strides = array<i32>} : memref<40x1024xf32, #tpu.memory_space<vmem>>, vector<1x16xf32>,
      %get3A_396 = vector.shape_cast %get3A_395 : vector<1x16xf32> to vector<16xf32>
      %mul3A_397 = arith.constant 3.200000e+01 : f32
      %mul3A_398 = vector.broadcast %mul3A_397 : f32 to vector<16xf32>
      %mul3A_399 = arith.mulf %get3A_396, %mul3A_398 : vector<16xf32>
      %swap3A_400 = arith.index_cast %shift_right_logical3A_371 : i32 to index
      %swap3A_401 = arith.index_cast %mul3A_392 : i32 to index
      %swap3A_402 = tpu.vector_load %arg8[%swap3A_400, %swap3A_401] {strides = array<i32>} : memref<40x1024xf32, #tpu.memory_space<vmem>>, vector<1x16xf32>,
      %swap3A_403 = vector.shape_cast %swap3A_402 : vector<1x16xf32> to vector<16xf32>
      %swap3A_404 = vector.shape_cast %mul3A_399 : vector<16xf32> to vector<1x16xf32>
      tpu.vector_store %arg8[%swap3A_400, %swap3A_401], %swap3A_404 {strides = array<i32>} : memref<40x1024xf32, #tpu.memory_space<vmem>>, vector<1x16xf32>,
      %add3A_405 = arith.constant 2 : i32
      %add3A_406 = arith.addi %mul3A_374, %add3A_405 : i32
      %mul3A_407 = arith.constant 16 : i32
      %mul3A_408 = arith.muli %add3A_406, %mul3A_407 : i32
      %get3A_409 = arith.index_cast %shift_right_logical3A_371 : i32 to index
      %get3A_410 = arith.index_cast %mul3A_408 : i32 to index
      %get3A_411 = tpu.vector_load %arg8[%get3A_409, %get3A_410] {strides = array<i32>} : memref<40x1024xf32, #tpu.memory_space<vmem>>, vector<1x16xf32>,
      %get3A_412 = vector.shape_cast %get3A_411 : vector<1x16xf32> to vector<16xf32>
      %mul3A_413 = arith.constant 3.200000e+01 : f32
      %mul3A_414 = vector.broadcast %mul3A_413 : f32 to vector<16xf32>
      %mul3A_415 = arith.mulf %get3A_412, %mul3A_414 : vector<16xf32>
      %swap3A_416 = arith.index_cast %shift_right_logical3A_371 : i32 to index
      %swap3A_417 = arith.index_cast %mul3A_408 : i32 to index
      %swap3A_418 = tpu.vector_load %arg8[%swap3A_416, %swap3A_417] {strides = array<i32>} : memref<40x1024xf32, #tpu.memory_space<vmem>>, vector<1x16xf32>,
      %swap3A_419 = vector.shape_cast %swap3A_418 : vector<1x16xf32> to vector<16xf32>
      %swap3A_420 = vector.shape_cast %mul3A_415 : vector<16xf32> to vector<1x16xf32>
      tpu.vector_store %arg8[%swap3A_416, %swap3A_417], %swap3A_420 {strides = array<i32>} : memref<40x1024xf32, #tpu.memory_space<vmem>>, vector<1x16xf32>,
      %add3A_421 = arith.constant 3 : i32
      %add3A_422 = arith.addi %mul3A_374, %add3A_421 : i32
      %mul3A_423 = arith.constant 16 : i32
      %mul3A_424 = arith.muli %add3A_422, %mul3A_423 : i32
      %get3A_425 = arith.index_cast %shift_right_logical3A_371 : i32 to index
      %get3A_426 = arith.index_cast %mul3A_424 : i32 to index
      %get3A_427 = tpu.vector_load %arg8[%get3A_425, %get3A_426] {strides = array<i32>} : memref<40x1024xf32, #tpu.memory_space<vmem>>, vector<1x16xf32>,
      %get3A_428 = vector.shape_cast %get3A_427 : vector<1x16xf32> to vector<16xf32>
      %mul3A_429 = arith.constant 3.200000e+01 : f32
      %mul3A_430 = vector.broadcast %mul3A_429 : f32 to vector<16xf32>
      %mul3A_431 = arith.mulf %get3A_428, %mul3A_430 : vector<16xf32>
      %swap3A_432 = arith.index_cast %shift_right_logical3A_371 : i32 to index
      %swap3A_433 = arith.index_cast %mul3A_424 : i32 to index
      %swap3A_434 = tpu.vector_load %arg8[%swap3A_432, %swap3A_433] {strides = array<i32>} : memref<40x1024xf32, #tpu.memory_space<vmem>>, vector<1x16xf32>,
      %swap3A_435 = vector.shape_cast %swap3A_434 : vector<1x16xf32> to vector<16xf32>
      %swap3A_436 = vector.shape_cast %mul3A_431 : vector<16xf32> to vector<1x16xf32>
      tpu.vector_store %arg8[%swap3A_432, %swap3A_433], %swap3A_436 {strides = array<i32>} : memref<40x1024xf32, #tpu.memory_space<vmem>>, vector<1x16xf32>,
      %add3A_437 = arith.constant 4 : i32
      %add3A_438 = arith.addi %mul3A_374, %add3A_437 : i32
      %mul3A_439 = arith.constant 16 : i32
      %mul3A_440 = arith.muli %add3A_438, %mul3A_439 : i32
      %get3A_441 = arith.index_cast %shift_right_logical3A_371 : i32 to index
      %get3A_442 = arith.index_cast %mul3A_440 : i32 to index
      %get3A_443 = tpu.vector_load %arg8[%get3A_441, %get3A_442] {strides = array<i32>} : memref<40x1024xf32, #tpu.memory_space<vmem>>, vector<1x16xf32>,
      %get3A_444 = vector.shape_cast %get3A_443 : vector<1x16xf32> to vector<16xf32>
      %mul3A_445 = arith.constant 3.200000e+01 : f32
      %mul3A_446 = vector.broadcast %mul3A_445 : f32 to vector<16xf32>
      %mul3A_447 = arith.mulf %get3A_444, %mul3A_446 : vector<16xf32>
      %swap3A_448 = arith.index_cast %shift_right_logical3A_371 : i32 to index
      %swap3A_449 = arith.index_cast %mul3A_440 : i32 to index
      %swap3A_450 = tpu.vector_load %arg8[%swap3A_448, %swap3A_449] {strides = array<i32>} : memref<40x1024xf32, #tpu.memory_space<vmem>>, vector<1x16xf32>,
      %swap3A_451 = vector.shape_cast %swap3A_450 : vector<1x16xf32> to vector<16xf32>
      %swap3A_452 = vector.shape_cast %mul3A_447 : vector<16xf32> to vector<1x16xf32>
      tpu.vector_store %arg8[%swap3A_448, %swap3A_449], %swap3A_452 {strides = array<i32>} : memref<40x1024xf32, #tpu.memory_space<vmem>>, vector<1x16xf32>,
      %add3A_453 = arith.constant 5 : i32
      %add3A_454 = arith.addi %mul3A_374, %add3A_453 : i32
      %mul3A_455 = arith.constant 16 : i32
      %mul3A_456 = arith.muli %add3A_454, %mul3A_455 : i32
      %get3A_457 = arith.index_cast %shift_right_logical3A_371 : i32 to index
      %get3A_458 = arith.index_cast %mul3A_456 : i32 to index
      %get3A_459 = tpu.vector_load %arg8[%get3A_457, %get3A_458] {strides = array<i32>} : memref<40x1024xf32, #tpu.memory_space<vmem>>, vector<1x16xf32>,
      %get3A_460 = vector.shape_cast %get3A_459 : vector<1x16xf32> to vector<16xf32>
      %mul3A_461 = arith.constant 3.200000e+01 : f32
      %mul3A_462 = vector.broadcast %mul3A_461 : f32 to vector<16xf32>
      %mul3A_463 = arith.mulf %get3A_460, %mul3A_462 : vector<16xf32>
      %swap3A_464 = arith.index_cast %shift_right_logical3A_371 : i32 to index
      %swap3A_465 = arith.index_cast %mul3A_456 : i32 to index
      %swap3A_466 = tpu.vector_load %arg8[%swap3A_464, %swap3A_465] {strides = array<i32>} : memref<40x1024xf32, #tpu.memory_space<vmem>>, vector<1x16xf32>,
      %swap3A_467 = vector.shape_cast %swap3A_466 : vector<1x16xf32> to vector<16xf32>
      %swap3A_468 = vector.shape_cast %mul3A_463 : vector<16xf32> to vector<1x16xf32>
      tpu.vector_store %arg8[%swap3A_464, %swap3A_465], %swap3A_468 {strides = array<i32>} : memref<40x1024xf32, #tpu.memory_space<vmem>>, vector<1x16xf32>,
      %add3A_469 = arith.constant 6 : i32
      %add3A_470 = arith.addi %mul3A_374, %add3A_469 : i32
      %mul3A_471 = arith.constant 16 : i32
      %mul3A_472 = arith.muli %add3A_470, %mul3A_471 : i32
      %get3A_473 = arith.index_cast %shift_right_logical3A_371 : i32 to index
      %get3A_474 = arith.index_cast %mul3A_472 : i32 to index
      %get3A_475 = tpu.vector_load %arg8[%get3A_473, %get3A_474] {strides = array<i32>} : memref<40x1024xf32, #tpu.memory_space<vmem>>, vector<1x16xf32>,
      %get3A_476 = vector.shape_cast %get3A_475 : vector<1x16xf32> to vector<16xf32>
      %mul3A_477 = arith.constant 3.200000e+01 : f32
      %mul3A_478 = vector.broadcast %mul3A_477 : f32 to vector<16xf32>
      %mul3A_479 = arith.mulf %get3A_476, %mul3A_478 : vector<16xf32>
      %swap3A_480 = arith.index_cast %shift_right_logical3A_371 : i32 to index
      %swap3A_481 = arith.index_cast %mul3A_472 : i32 to index
      %swap3A_482 = tpu.vector_load %arg8[%swap3A_480, %swap3A_481] {strides = array<i32>} : memref<40x1024xf32, #tpu.memory_space<vmem>>, vector<1x16xf32>,
      %swap3A_483 = vector.shape_cast %swap3A_482 : vector<1x16xf32> to vector<16xf32>
      %swap3A_484 = vector.shape_cast %mul3A_479 : vector<16xf32> to vector<1x16xf32>
      tpu.vector_store %arg8[%swap3A_480, %swap3A_481], %swap3A_484 {strides = array<i32>} : memref<40x1024xf32, #tpu.memory_space<vmem>>, vector<1x16xf32>,
      %add3A_485 = arith.constant 7 : i32
      %add3A_486 = arith.addi %mul3A_374, %add3A_485 : i32
      %mul3A_487 = arith.constant 16 : i32
      %mul3A_488 = arith.muli %add3A_486, %mul3A_487 : i32
      %get3A_489 = arith.index_cast %shift_right_logical3A_371 : i32 to index
      %get3A_490 = arith.index_cast %mul3A_488 : i32 to index
      %get3A_491 = tpu.vector_load %arg8[%get3A_489, %get3A_490] {strides = array<i32>} : memref<40x1024xf32, #tpu.memory_space<vmem>>, vector<1x16xf32>,
      %get3A_492 = vector.shape_cast %get3A_491 : vector<1x16xf32> to vector<16xf32>
      %mul3A_493 = arith.constant 3.200000e+01 : f32
      %mul3A_494 = vector.broadcast %mul3A_493 : f32 to vector<16xf32>
      %mul3A_495 = arith.mulf %get3A_492, %mul3A_494 : vector<16xf32>
      %swap3A_496 = arith.index_cast %shift_right_logical3A_371 : i32 to index
      %swap3A_497 = arith.index_cast %mul3A_488 : i32 to index
      %swap3A_498 = tpu.vector_load %arg8[%swap3A_496, %swap3A_497] {strides = array<i32>} : memref<40x1024xf32, #tpu.memory_space<vmem>>, vector<1x16xf32>,
      %swap3A_499 = vector.shape_cast %swap3A_498 : vector<1x16xf32> to vector<16xf32>
      %swap3A_500 = vector.shape_cast %mul3A_495 : vector<16xf32> to vector<1x16xf32>
      tpu.vector_store %arg8[%swap3A_496, %swap3A_497], %swap3A_500 {strides = array<i32>} : memref<40x1024xf32, #tpu.memory_space<vmem>>, vector<1x16xf32>,
      %add3A_501 = arith.constant 8 : i32
      %add3A_502 = arith.addi %mul3A_374, %add3A_501 : i32
      %mul3A_503 = arith.constant 16 : i32
      %mul3A_504 = arith.muli %add3A_502, %mul3A_503 : i32
      %get3A_505 = arith.index_cast %shift_right_logical3A_371 : i32 to index
      %get3A_506 = arith.index_cast %mul3A_504 : i32 to index
      %get3A_507 = tpu.vector_load %arg8[%get3A_505, %get3A_506] {strides = array<i32>} : memref<40x1024xf32, #tpu.memory_space<vmem>>, vector<1x16xf32>,
      %get3A_508 = vector.shape_cast %get3A_507 : vector<1x16xf32> to vector<16xf32>
      %mul3A_509 = arith.constant 3.200000e+01 : f32
      %mul3A_510 = vector.broadcast %mul3A_509 : f32 to vector<16xf32>
      %mul3A_511 = arith.mulf %get3A_508, %mul3A_510 : vector<16xf32>
      %swap3A_512 = arith.index_cast %shift_right_logical3A_371 : i32 to index
      %swap3A_513 = arith.index_cast %mul3A_504 : i32 to index
      %swap3A_514 = tpu.vector_load %arg8[%swap3A_512, %swap3A_513] {strides = array<i32>} : memref<40x1024xf32, #tpu.memory_space<vmem>>, vector<1x16xf32>,
      %swap3A_515 = vector.shape_cast %swap3A_514 : vector<1x16xf32> to vector<16xf32>
      %swap3A_516 = vector.shape_cast %mul3A_511 : vector<16xf32> to vector<1x16xf32>
      tpu.vector_store %arg8[%swap3A_512, %swap3A_513], %swap3A_516 {strides = array<i32>} : memref<40x1024xf32, #tpu.memory_space<vmem>>, vector<1x16xf32>,
      %add3A_517 = arith.constant 9 : i32
      %add3A_518 = arith.addi %mul3A_374, %add3A_517 : i32
      %mul3A_519 = arith.constant 16 : i32
      %mul3A_520 = arith.muli %add3A_518, %mul3A_519 : i32
      %get3A_521 = arith.index_cast %shift_right_logical3A_371 : i32 to index
      %get3A_522 = arith.index_cast %mul3A_520 : i32 to index
      %get3A_523 = tpu.vector_load %arg8[%get3A_521, %get3A_522] {strides = array<i32>} : memref<40x1024xf32, #tpu.memory_space<vmem>>, vector<1x16xf32>,
      %get3A_524 = vector.shape_cast %get3A_523 : vector<1x16xf32> to vector<16xf32>
      %mul3A_525 = arith.constant 3.200000e+01 : f32
      %mul3A_526 = vector.broadcast %mul3A_525 : f32 to vector<16xf32>
      %mul3A_527 = arith.mulf %get3A_524, %mul3A_526 : vector<16xf32>
      %swap3A_528 = arith.index_cast %shift_right_logical3A_371 : i32 to index
      %swap3A_529 = arith.index_cast %mul3A_520 : i32 to index
      %swap3A_530 = tpu.vector_load %arg8[%swap3A_528, %swap3A_529] {strides = array<i32>} : memref<40x1024xf32, #tpu.memory_space<vmem>>, vector<1x16xf32>,
      %swap3A_531 = vector.shape_cast %swap3A_530 : vector<1x16xf32> to vector<16xf32>
      %swap3A_532 = vector.shape_cast %mul3A_527 : vector<16xf32> to vector<1x16xf32>
      tpu.vector_store %arg8[%swap3A_528, %swap3A_529], %swap3A_532 {strides = array<i32>} : memref<40x1024xf32, #tpu.memory_space<vmem>>, vector<1x16xf32>,
      %add3A_533 = arith.constant 10 : i32
      %add3A_534 = arith.addi %mul3A_374, %add3A_533 : i32
      %mul3A_535 = arith.constant 16 : i32
      %mul3A_536 = arith.muli %add3A_534, %mul3A_535 : i32
      %get3A_537 = arith.index_cast %shift_right_logical3A_371 : i32 to index
      %get3A_538 = arith.index_cast %mul3A_536 : i32 to index
      %get3A_539 = tpu.vector_load %arg8[%get3A_537, %get3A_538] {strides = array<i32>} : memref<40x1024xf32, #tpu.memory_space<vmem>>, vector<1x16xf32>,
      %get3A_540 = vector.shape_cast %get3A_539 : vector<1x16xf32> to vector<16xf32>
      %mul3A_541 = arith.constant 3.200000e+01 : f32
      %mul3A_542 = vector.broadcast %mul3A_541 : f32 to vector<16xf32>
      %mul3A_543 = arith.mulf %get3A_540, %mul3A_542 : vector<16xf32>
      %swap3A_544 = arith.index_cast %shift_right_logical3A_371 : i32 to index
      %swap3A_545 = arith.index_cast %mul3A_536 : i32 to index
      %swap3A_546 = tpu.vector_load %arg8[%swap3A_544, %swap3A_545] {strides = array<i32>} : memref<40x1024xf32, #tpu.memory_space<vmem>>, vector<1x16xf32>,
      %swap3A_547 = vector.shape_cast %swap3A_546 : vector<1x16xf32> to vector<16xf32>
      %swap3A_548 = vector.shape_cast %mul3A_543 : vector<16xf32> to vector<1x16xf32>
      tpu.vector_store %arg8[%swap3A_544, %swap3A_545], %swap3A_548 {strides = array<i32>} : memref<40x1024xf32, #tpu.memory_space<vmem>>, vector<1x16xf32>,
      %add3A_549 = arith.constant 11 : i32
      %add3A_550 = arith.addi %mul3A_374, %add3A_549 : i32
      %mul3A_551 = arith.constant 16 : i32
      %mul3A_552 = arith.muli %add3A_550, %mul3A_551 : i32
      %get3A_553 = arith.index_cast %shift_right_logical3A_371 : i32 to index
      %get3A_554 = arith.index_cast %mul3A_552 : i32 to index
      %get3A_555 = tpu.vector_load %arg8[%get3A_553, %get3A_554] {strides = array<i32>} : memref<40x1024xf32, #tpu.memory_space<vmem>>, vector<1x16xf32>,
      %get3A_556 = vector.shape_cast %get3A_555 : vector<1x16xf32> to vector<16xf32>
      %mul3A_557 = arith.constant 3.200000e+01 : f32
      %mul3A_558 = vector.broadcast %mul3A_557 : f32 to vector<16xf32>
      %mul3A_559 = arith.mulf %get3A_556, %mul3A_558 : vector<16xf32>
      %swap3A_560 = arith.index_cast %shift_right_logical3A_371 : i32 to index
      %swap3A_561 = arith.index_cast %mul3A_552 : i32 to index
      %swap3A_562 = tpu.vector_load %arg8[%swap3A_560, %swap3A_561] {strides = array<i32>} : memref<40x1024xf32, #tpu.memory_space<vmem>>, vector<1x16xf32>,
      %swap3A_563 = vector.shape_cast %swap3A_562 : vector<1x16xf32> to vector<16xf32>
      %swap3A_564 = vector.shape_cast %mul3A_559 : vector<16xf32> to vector<1x16xf32>
      tpu.vector_store %arg8[%swap3A_560, %swap3A_561], %swap3A_564 {strides = array<i32>} : memref<40x1024xf32, #tpu.memory_space<vmem>>, vector<1x16xf32>,
      %add3A_565 = arith.constant 12 : i32
      %add3A_566 = arith.addi %mul3A_374, %add3A_565 : i32
      %mul3A_567 = arith.constant 16 : i32
      %mul3A_568 = arith.muli %add3A_566, %mul3A_567 : i32
      %get3A_569 = arith.index_cast %shift_right_logical3A_371 : i32 to index
      %get3A_570 = arith.index_cast %mul3A_568 : i32 to index
      %get3A_571 = tpu.vector_load %arg8[%get3A_569, %get3A_570] {strides = array<i32>} : memref<40x1024xf32, #tpu.memory_space<vmem>>, vector<1x16xf32>,
      %get3A_572 = vector.shape_cast %get3A_571 : vector<1x16xf32> to vector<16xf32>
      %mul3A_573 = arith.constant 3.200000e+01 : f32
      %mul3A_574 = vector.broadcast %mul3A_573 : f32 to vector<16xf32>
      %mul3A_575 = arith.mulf %get3A_572, %mul3A_574 : vector<16xf32>
      %swap3A_576 = arith.index_cast %shift_right_logical3A_371 : i32 to index
      %swap3A_577 = arith.index_cast %mul3A_568 : i32 to index
      %swap3A_578 = tpu.vector_load %arg8[%swap3A_576, %swap3A_577] {strides = array<i32>} : memref<40x1024xf32, #tpu.memory_space<vmem>>, vector<1x16xf32>,
      %swap3A_579 = vector.shape_cast %swap3A_578 : vector<1x16xf32> to vector<16xf32>
      %swap3A_580 = vector.shape_cast %mul3A_575 : vector<16xf32> to vector<1x16xf32>
      tpu.vector_store %arg8[%swap3A_576, %swap3A_577], %swap3A_580 {strides = array<i32>} : memref<40x1024xf32, #tpu.memory_space<vmem>>, vector<1x16xf32>,
      %add3A_581 = arith.constant 13 : i32
      %add3A_582 = arith.addi %mul3A_374, %add3A_581 : i32
      %mul3A_583 = arith.constant 16 : i32
      %mul3A_584 = arith.muli %add3A_582, %mul3A_583 : i32
      %get3A_585 = arith.index_cast %shift_right_logical3A_371 : i32 to index
      %get3A_586 = arith.index_cast %mul3A_584 : i32 to index
      %get3A_587 = tpu.vector_load %arg8[%get3A_585, %get3A_586] {strides = array<i32>} : memref<40x1024xf32, #tpu.memory_space<vmem>>, vector<1x16xf32>,
      %get3A_588 = vector.shape_cast %get3A_587 : vector<1x16xf32> to vector<16xf32>
      %mul3A_589 = arith.constant 3.200000e+01 : f32
      %mul3A_590 = vector.broadcast %mul3A_589 : f32 to vector<16xf32>
      %mul3A_591 = arith.mulf %get3A_588, %mul3A_590 : vector<16xf32>
      %swap3A_592 = arith.index_cast %shift_right_logical3A_371 : i32 to index
      %swap3A_593 = arith.index_cast %mul3A_584 : i32 to index
      %swap3A_594 = tpu.vector_load %arg8[%swap3A_592, %swap3A_593] {strides = array<i32>} : memref<40x1024xf32, #tpu.memory_space<vmem>>, vector<1x16xf32>,
      %swap3A_595 = vector.shape_cast %swap3A_594 : vector<1x16xf32> to vector<16xf32>
      %swap3A_596 = vector.shape_cast %mul3A_591 : vector<16xf32> to vector<1x16xf32>
      tpu.vector_store %arg8[%swap3A_592, %swap3A_593], %swap3A_596 {strides = array<i32>} : memref<40x1024xf32, #tpu.memory_space<vmem>>, vector<1x16xf32>,
      %add3A_597 = arith.constant 14 : i32
      %add3A_598 = arith.addi %mul3A_374, %add3A_597 : i32
      %mul3A_599 = arith.constant 16 : i32
      %mul3A_600 = arith.muli %add3A_598, %mul3A_599 : i32
      %get3A_601 = arith.index_cast %shift_right_logical3A_371 : i32 to index
      %get3A_602 = arith.index_cast %mul3A_600 : i32 to index
      %get3A_603 = tpu.vector_load %arg8[%get3A_601, %get3A_602] {strides = array<i32>} : memref<40x1024xf32, #tpu.memory_space<vmem>>, vector<1x16xf32>,
      %get3A_604 = vector.shape_cast %get3A_603 : vector<1x16xf32> to vector<16xf32>
      %mul3A_605 = arith.constant 3.200000e+01 : f32
      %mul3A_606 = vector.broadcast %mul3A_605 : f32 to vector<16xf32>
      %mul3A_607 = arith.mulf %get3A_604, %mul3A_606 : vector<16xf32>
      %swap3A_608 = arith.index_cast %shift_right_logical3A_371 : i32 to index
      %swap3A_609 = arith.index_cast %mul3A_600 : i32 to index
      %swap3A_610 = tpu.vector_load %arg8[%swap3A_608, %swap3A_609] {strides = array<i32>} : memref<40x1024xf32, #tpu.memory_space<vmem>>, vector<1x16xf32>,
      %swap3A_611 = vector.shape_cast %swap3A_610 : vector<1x16xf32> to vector<16xf32>
      %swap3A_612 = vector.shape_cast %mul3A_607 : vector<16xf32> to vector<1x16xf32>
      tpu.vector_store %arg8[%swap3A_608, %swap3A_609], %swap3A_612 {strides = array<i32>} : memref<40x1024xf32, #tpu.memory_space<vmem>>, vector<1x16xf32>,
      %add3A_613 = arith.constant 15 : i32
      %add3A_614 = arith.addi %mul3A_374, %add3A_613 : i32
      %mul3A_615 = arith.constant 16 : i32
      %mul3A_616 = arith.muli %add3A_614, %mul3A_615 : i32
      %get3A_617 = arith.index_cast %shift_right_logical3A_371 : i32 to index
      %get3A_618 = arith.index_cast %mul3A_616 : i32 to index
      %get3A_619 = tpu.vector_load %arg8[%get3A_617, %get3A_618] {strides = array<i32>} : memref<40x1024xf32, #tpu.memory_space<vmem>>, vector<1x16xf32>,
      %get3A_620 = vector.shape_cast %get3A_619 : vector<1x16xf32> to vector<16xf32>
      %mul3A_621 = arith.constant 3.200000e+01 : f32
      %mul3A_622 = vector.broadcast %mul3A_621 : f32 to vector<16xf32>
      %mul3A_623 = arith.mulf %get3A_620, %mul3A_622 : vector<16xf32>
      %swap3A_624 = arith.index_cast %shift_right_logical3A_371 : i32 to index
      %swap3A_625 = arith.index_cast %mul3A_616 : i32 to index
      %swap3A_626 = tpu.vector_load %arg8[%swap3A_624, %swap3A_625] {strides = array<i32>} : memref<40x1024xf32, #tpu.memory_space<vmem>>, vector<1x16xf32>,
      %swap3A_627 = vector.shape_cast %swap3A_626 : vector<1x16xf32> to vector<16xf32>
      %swap3A_628 = vector.shape_cast %mul3A_623 : vector<16xf32> to vector<1x16xf32>
      tpu.vector_store %arg8[%swap3A_624, %swap3A_625], %swap3A_628 {strides = array<i32>} : memref<40x1024xf32, #tpu.memory_space<vmem>>, vector<1x16xf32>,
      %scan3A_629 = arith.constant 0 : i32
      scf.yield %scan3A_629 : i32
    }
    %scan3A_233 = arith.constant 160 : i32
    %add3A_234 = arith.constant 320 : i32
    %add3A_235 = arith.addi %mul3A_2, %add3A_234 : i32
    %dma_start3A_236 = arith.constant 0 : i32
    %dma_start3A_237 = tpu.memref_slice %arg4[%add3A_235, %dma_start3A_236] : memref<16384x1024xf32, #tpu.memory_space<hbm>> -> memref<40x1024xf32, #tpu.memory_space<hbm>>
    %dma_start3A_238 = arith.constant 0 : i32
    %dma_start3A_239 = tpu.memref_slice %arg4[%add3A_235, %dma_start3A_238] : memref<16384x1024xf32, #tpu.memory_space<hbm>> -> memref<40x1024xf32, #tpu.memory_space<hbm>>
    tpu.enqueue_dma source(%arg8 : memref<40x1024xf32, #tpu.memory_space<vmem>>) target(%dma_start3A_239 : memref<40x1024xf32, #tpu.memory_space<hbm>>) target_semaphore(%arg14 : memref<!tpu.dma_semaphore, #tpu.memory_space<semaphore_mem>>)
    %dma_wait3A_240 = arith.constant 0 : i32
    %dma_wait3A_241 = tpu.memref_slice %arg4[%add3A_208, %dma_wait3A_240] : memref<16384x1024xf32, #tpu.memory_space<hbm>> -> memref<40x1024xf32, #tpu.memory_space<hbm>>
    %dma_wait3A_242 = arith.constant 0 : i32
    %dma_wait3A_243 = tpu.memref_slice %arg4[%add3A_208, %dma_wait3A_242] : memref<16384x1024xf32, #tpu.memory_space<hbm>> -> memref<40x1024xf32, #tpu.memory_space<hbm>>
    tpu.wait_dma2 semaphore(%arg13 : memref<!tpu.dma_semaphore, #tpu.memory_space<semaphore_mem>>) src(%arg7 : memref<40x1024xf32, #tpu.memory_space<vmem>>) dst(%dma_wait3A_243 : memref<40x1024xf32, #tpu.memory_space<hbm>>)
    %dma_start3A_244 = arith.constant 400 : i32
    %dma_start3A_245 = tpu.memref_slice %arg5[%dma_start3A_244] : memref<512xi32, #tpu.memory_space<vmem>> -> memref<40xi32, #tpu.memory_space<vmem>>
    %dma_start3A_246 = arith.constant 0 : i32
    %dma_start3A_247 = arith.constant 0 : i32
    %dma_start3A_248 = tpu.memref_slice %arg3[%dma_start3A_246, %dma_start3A_247] : memref<100000x1024xf32, #tpu.memory_space<hbm>> -> memref<100000x1024xf32, #tpu.memory_space<hbm>>
    tpu.enqueue_indirect_dma source(%dma_start3A_248 : memref<100000x1024xf32, #tpu.memory_space<hbm>>) target(%arg7 : memref<40x1024xf32, #tpu.memory_space<vmem>>) offsets(%dma_start3A_245 : memref<40xi32, #tpu.memory_space<vmem>>) semaphore(%arg10 : memref<!tpu.dma_semaphore, #tpu.memory_space<semaphore_mem>>)
    %dma_wait3A_249 = arith.constant 360 : i32
    %dma_wait3A_250 = tpu.memref_slice %arg5[%dma_wait3A_249] : memref<512xi32, #tpu.memory_space<vmem>> -> memref<40xi32, #tpu.memory_space<vmem>>
    %dma_wait3A_251 = arith.constant 0 : i32
    %dma_wait3A_252 = arith.constant 0 : i32
    %dma_wait3A_253 = tpu.memref_slice %arg3[%dma_wait3A_251, %dma_wait3A_252] : memref<100000x1024xf32, #tpu.memory_space<hbm>> -> memref<100000x1024xf32, #tpu.memory_space<hbm>>
    tpu.wait_indirect_dma semaphore(%arg9 : memref<!tpu.dma_semaphore, #tpu.memory_space<semaphore_mem>>) src(%dma_wait3A_253 : memref<100000x1024xf32, #tpu.memory_space<hbm>>) dst(%arg6 : memref<40x1024xf32, #tpu.memory_space<vmem>>)
    %scan3A_254 = arith.constant 0 : i32
    %scan3A_255 = arith.constant 0 : i32
    %scan3A_256 = arith.constant 160 : i32
    %scan3A_257 = arith.addi %scan3A_255, %scan3A_256 : i32
    %scan3A_258 = arith.constant 1 : i32
    %scan3A_259 = scf.for %scan3A_369 = %scan3A_255 to %scan3A_257 step %scan3A_258 iter_args(%scan3A_370 = %scan3A_254) -> (i32)  : i32 {
      %shift_right_logical3A = arith.constant 2 : i32
      %shift_right_logical3A_371 = arith.shrui %scan3A_369, %shift_right_logical3A : i32
      %and3A = arith.constant 3 : i32
      %and3A_372 = arith.andi %scan3A_369, %and3A : i32
      %mul3A_373 = arith.constant 16 : i32
      %mul3A_374 = arith.muli %and3A_372, %mul3A_373 : i32
      %add3A_375 = arith.constant 0 : i32
      %add3A_376 = arith.addi %mul3A_374, %add3A_375 : i32
      %mul3A_377 = arith.constant 16 : i32
      %mul3A_378 = arith.muli %add3A_376, %mul3A_377 : i32
      %get3A = arith.index_cast %shift_right_logical3A_371 : i32 to index
      %get3A_379 = arith.index_cast %mul3A_378 : i32 to index
      %get3A_380 = tpu.vector_load %arg6[%get3A, %get3A_379] {strides = array<i32>} : memref<40x1024xf32, #tpu.memory_space<vmem>>, vector<1x16xf32>,
      %get3A_381 = vector.shape_cast %get3A_380 : vector<1x16xf32> to vector<16xf32>
      %mul3A_382 = arith.constant 3.200000e+01 : f32
      %mul3A_383 = vector.broadcast %mul3A_382 : f32 to vector<16xf32>
      %mul3A_384 = arith.mulf %get3A_381, %mul3A_383 : vector<16xf32>
      %swap3A = arith.index_cast %shift_right_logical3A_371 : i32 to index
      %swap3A_385 = arith.index_cast %mul3A_378 : i32 to index
      %swap3A_386 = tpu.vector_load %arg6[%swap3A, %swap3A_385] {strides = array<i32>} : memref<40x1024xf32, #tpu.memory_space<vmem>>, vector<1x16xf32>,
      %swap3A_387 = vector.shape_cast %swap3A_386 : vector<1x16xf32> to vector<16xf32>
      %swap3A_388 = vector.shape_cast %mul3A_384 : vector<16xf32> to vector<1x16xf32>
      tpu.vector_store %arg6[%swap3A, %swap3A_385], %swap3A_388 {strides = array<i32>} : memref<40x1024xf32, #tpu.memory_space<vmem>>, vector<1x16xf32>,
      %add3A_389 = arith.constant 1 : i32
      %add3A_390 = arith.addi %mul3A_374, %add3A_389 : i32
      %mul3A_391 = arith.constant 16 : i32
      %mul3A_392 = arith.muli %add3A_390, %mul3A_391 : i32
      %get3A_393 = arith.index_cast %shift_right_logical3A_371 : i32 to index
      %get3A_394 = arith.index_cast %mul3A_392 : i32 to index
      %get3A_395 = tpu.vector_load %arg6[%get3A_393, %get3A_394] {strides = array<i32>} : memref<40x1024xf32, #tpu.memory_space<vmem>>, vector<1x16xf32>,
      %get3A_396 = vector.shape_cast %get3A_395 : vector<1x16xf32> to vector<16xf32>
      %mul3A_397 = arith.constant 3.200000e+01 : f32
      %mul3A_398 = vector.broadcast %mul3A_397 : f32 to vector<16xf32>
      %mul3A_399 = arith.mulf %get3A_396, %mul3A_398 : vector<16xf32>
      %swap3A_400 = arith.index_cast %shift_right_logical3A_371 : i32 to index
      %swap3A_401 = arith.index_cast %mul3A_392 : i32 to index
      %swap3A_402 = tpu.vector_load %arg6[%swap3A_400, %swap3A_401] {strides = array<i32>} : memref<40x1024xf32, #tpu.memory_space<vmem>>, vector<1x16xf32>,
      %swap3A_403 = vector.shape_cast %swap3A_402 : vector<1x16xf32> to vector<16xf32>
      %swap3A_404 = vector.shape_cast %mul3A_399 : vector<16xf32> to vector<1x16xf32>
      tpu.vector_store %arg6[%swap3A_400, %swap3A_401], %swap3A_404 {strides = array<i32>} : memref<40x1024xf32, #tpu.memory_space<vmem>>, vector<1x16xf32>,
      %add3A_405 = arith.constant 2 : i32
      %add3A_406 = arith.addi %mul3A_374, %add3A_405 : i32
      %mul3A_407 = arith.constant 16 : i32
      %mul3A_408 = arith.muli %add3A_406, %mul3A_407 : i32
      %get3A_409 = arith.index_cast %shift_right_logical3A_371 : i32 to index
      %get3A_410 = arith.index_cast %mul3A_408 : i32 to index
      %get3A_411 = tpu.vector_load %arg6[%get3A_409, %get3A_410] {strides = array<i32>} : memref<40x1024xf32, #tpu.memory_space<vmem>>, vector<1x16xf32>,
      %get3A_412 = vector.shape_cast %get3A_411 : vector<1x16xf32> to vector<16xf32>
      %mul3A_413 = arith.constant 3.200000e+01 : f32
      %mul3A_414 = vector.broadcast %mul3A_413 : f32 to vector<16xf32>
      %mul3A_415 = arith.mulf %get3A_412, %mul3A_414 : vector<16xf32>
      %swap3A_416 = arith.index_cast %shift_right_logical3A_371 : i32 to index
      %swap3A_417 = arith.index_cast %mul3A_408 : i32 to index
      %swap3A_418 = tpu.vector_load %arg6[%swap3A_416, %swap3A_417] {strides = array<i32>} : memref<40x1024xf32, #tpu.memory_space<vmem>>, vector<1x16xf32>,
      %swap3A_419 = vector.shape_cast %swap3A_418 : vector<1x16xf32> to vector<16xf32>
      %swap3A_420 = vector.shape_cast %mul3A_415 : vector<16xf32> to vector<1x16xf32>
      tpu.vector_store %arg6[%swap3A_416, %swap3A_417], %swap3A_420 {strides = array<i32>} : memref<40x1024xf32, #tpu.memory_space<vmem>>, vector<1x16xf32>,
      %add3A_421 = arith.constant 3 : i32
      %add3A_422 = arith.addi %mul3A_374, %add3A_421 : i32
      %mul3A_423 = arith.constant 16 : i32
      %mul3A_424 = arith.muli %add3A_422, %mul3A_423 : i32
      %get3A_425 = arith.index_cast %shift_right_logical3A_371 : i32 to index
      %get3A_426 = arith.index_cast %mul3A_424 : i32 to index
      %get3A_427 = tpu.vector_load %arg6[%get3A_425, %get3A_426] {strides = array<i32>} : memref<40x1024xf32, #tpu.memory_space<vmem>>, vector<1x16xf32>,
      %get3A_428 = vector.shape_cast %get3A_427 : vector<1x16xf32> to vector<16xf32>
      %mul3A_429 = arith.constant 3.200000e+01 : f32
      %mul3A_430 = vector.broadcast %mul3A_429 : f32 to vector<16xf32>
      %mul3A_431 = arith.mulf %get3A_428, %mul3A_430 : vector<16xf32>
      %swap3A_432 = arith.index_cast %shift_right_logical3A_371 : i32 to index
      %swap3A_433 = arith.index_cast %mul3A_424 : i32 to index
      %swap3A_434 = tpu.vector_load %arg6[%swap3A_432, %swap3A_433] {strides = array<i32>} : memref<40x1024xf32, #tpu.memory_space<vmem>>, vector<1x16xf32>,
      %swap3A_435 = vector.shape_cast %swap3A_434 : vector<1x16xf32> to vector<16xf32>
      %swap3A_436 = vector.shape_cast %mul3A_431 : vector<16xf32> to vector<1x16xf32>
      tpu.vector_store %arg6[%swap3A_432, %swap3A_433], %swap3A_436 {strides = array<i32>} : memref<40x1024xf32, #tpu.memory_space<vmem>>, vector<1x16xf32>,
      %add3A_437 = arith.constant 4 : i32
      %add3A_438 = arith.addi %mul3A_374, %add3A_437 : i32
      %mul3A_439 = arith.constant 16 : i32
      %mul3A_440 = arith.muli %add3A_438, %mul3A_439 : i32
      %get3A_441 = arith.index_cast %shift_right_logical3A_371 : i32 to index
      %get3A_442 = arith.index_cast %mul3A_440 : i32 to index
      %get3A_443 = tpu.vector_load %arg6[%get3A_441, %get3A_442] {strides = array<i32>} : memref<40x1024xf32, #tpu.memory_space<vmem>>, vector<1x16xf32>,
      %get3A_444 = vector.shape_cast %get3A_443 : vector<1x16xf32> to vector<16xf32>
      %mul3A_445 = arith.constant 3.200000e+01 : f32
      %mul3A_446 = vector.broadcast %mul3A_445 : f32 to vector<16xf32>
      %mul3A_447 = arith.mulf %get3A_444, %mul3A_446 : vector<16xf32>
      %swap3A_448 = arith.index_cast %shift_right_logical3A_371 : i32 to index
      %swap3A_449 = arith.index_cast %mul3A_440 : i32 to index
      %swap3A_450 = tpu.vector_load %arg6[%swap3A_448, %swap3A_449] {strides = array<i32>} : memref<40x1024xf32, #tpu.memory_space<vmem>>, vector<1x16xf32>,
      %swap3A_451 = vector.shape_cast %swap3A_450 : vector<1x16xf32> to vector<16xf32>
      %swap3A_452 = vector.shape_cast %mul3A_447 : vector<16xf32> to vector<1x16xf32>
      tpu.vector_store %arg6[%swap3A_448, %swap3A_449], %swap3A_452 {strides = array<i32>} : memref<40x1024xf32, #tpu.memory_space<vmem>>, vector<1x16xf32>,
      %add3A_453 = arith.constant 5 : i32
      %add3A_454 = arith.addi %mul3A_374, %add3A_453 : i32
      %mul3A_455 = arith.constant 16 : i32
      %mul3A_456 = arith.muli %add3A_454, %mul3A_455 : i32
      %get3A_457 = arith.index_cast %shift_right_logical3A_371 : i32 to index
      %get3A_458 = arith.index_cast %mul3A_456 : i32 to index
      %get3A_459 = tpu.vector_load %arg6[%get3A_457, %get3A_458] {strides = array<i32>} : memref<40x1024xf32, #tpu.memory_space<vmem>>, vector<1x16xf32>,
      %get3A_460 = vector.shape_cast %get3A_459 : vector<1x16xf32> to vector<16xf32>
      %mul3A_461 = arith.constant 3.200000e+01 : f32
      %mul3A_462 = vector.broadcast %mul3A_461 : f32 to vector<16xf32>
      %mul3A_463 = arith.mulf %get3A_460, %mul3A_462 : vector<16xf32>
      %swap3A_464 = arith.index_cast %shift_right_logical3A_371 : i32 to index
      %swap3A_465 = arith.index_cast %mul3A_456 : i32 to index
      %swap3A_466 = tpu.vector_load %arg6[%swap3A_464, %swap3A_465] {strides = array<i32>} : memref<40x1024xf32, #tpu.memory_space<vmem>>, vector<1x16xf32>,
      %swap3A_467 = vector.shape_cast %swap3A_466 : vector<1x16xf32> to vector<16xf32>
      %swap3A_468 = vector.shape_cast %mul3A_463 : vector<16xf32> to vector<1x16xf32>
      tpu.vector_store %arg6[%swap3A_464, %swap3A_465], %swap3A_468 {strides = array<i32>} : memref<40x1024xf32, #tpu.memory_space<vmem>>, vector<1x16xf32>,
      %add3A_469 = arith.constant 6 : i32
      %add3A_470 = arith.addi %mul3A_374, %add3A_469 : i32
      %mul3A_471 = arith.constant 16 : i32
      %mul3A_472 = arith.muli %add3A_470, %mul3A_471 : i32
      %get3A_473 = arith.index_cast %shift_right_logical3A_371 : i32 to index
      %get3A_474 = arith.index_cast %mul3A_472 : i32 to index
      %get3A_475 = tpu.vector_load %arg6[%get3A_473, %get3A_474] {strides = array<i32>} : memref<40x1024xf32, #tpu.memory_space<vmem>>, vector<1x16xf32>,
      %get3A_476 = vector.shape_cast %get3A_475 : vector<1x16xf32> to vector<16xf32>
      %mul3A_477 = arith.constant 3.200000e+01 : f32
      %mul3A_478 = vector.broadcast %mul3A_477 : f32 to vector<16xf32>
      %mul3A_479 = arith.mulf %get3A_476, %mul3A_478 : vector<16xf32>
      %swap3A_480 = arith.index_cast %shift_right_logical3A_371 : i32 to index
      %swap3A_481 = arith.index_cast %mul3A_472 : i32 to index
      %swap3A_482 = tpu.vector_load %arg6[%swap3A_480, %swap3A_481] {strides = array<i32>} : memref<40x1024xf32, #tpu.memory_space<vmem>>, vector<1x16xf32>,
      %swap3A_483 = vector.shape_cast %swap3A_482 : vector<1x16xf32> to vector<16xf32>
      %swap3A_484 = vector.shape_cast %mul3A_479 : vector<16xf32> to vector<1x16xf32>
      tpu.vector_store %arg6[%swap3A_480, %swap3A_481], %swap3A_484 {strides = array<i32>} : memref<40x1024xf32, #tpu.memory_space<vmem>>, vector<1x16xf32>,
      %add3A_485 = arith.constant 7 : i32
      %add3A_486 = arith.addi %mul3A_374, %add3A_485 : i32
      %mul3A_487 = arith.constant 16 : i32
      %mul3A_488 = arith.muli %add3A_486, %mul3A_487 : i32
      %get3A_489 = arith.index_cast %shift_right_logical3A_371 : i32 to index
      %get3A_490 = arith.index_cast %mul3A_488 : i32 to index
      %get3A_491 = tpu.vector_load %arg6[%get3A_489, %get3A_490] {strides = array<i32>} : memref<40x1024xf32, #tpu.memory_space<vmem>>, vector<1x16xf32>,
      %get3A_492 = vector.shape_cast %get3A_491 : vector<1x16xf32> to vector<16xf32>
      %mul3A_493 = arith.constant 3.200000e+01 : f32
      %mul3A_494 = vector.broadcast %mul3A_493 : f32 to vector<16xf32>
      %mul3A_495 = arith.mulf %get3A_492, %mul3A_494 : vector<16xf32>
      %swap3A_496 = arith.index_cast %shift_right_logical3A_371 : i32 to index
      %swap3A_497 = arith.index_cast %mul3A_488 : i32 to index
      %swap3A_498 = tpu.vector_load %arg6[%swap3A_496, %swap3A_497] {strides = array<i32>} : memref<40x1024xf32, #tpu.memory_space<vmem>>, vector<1x16xf32>,
      %swap3A_499 = vector.shape_cast %swap3A_498 : vector<1x16xf32> to vector<16xf32>
      %swap3A_500 = vector.shape_cast %mul3A_495 : vector<16xf32> to vector<1x16xf32>
      tpu.vector_store %arg6[%swap3A_496, %swap3A_497], %swap3A_500 {strides = array<i32>} : memref<40x1024xf32, #tpu.memory_space<vmem>>, vector<1x16xf32>,
      %add3A_501 = arith.constant 8 : i32
      %add3A_502 = arith.addi %mul3A_374, %add3A_501 : i32
      %mul3A_503 = arith.constant 16 : i32
      %mul3A_504 = arith.muli %add3A_502, %mul3A_503 : i32
      %get3A_505 = arith.index_cast %shift_right_logical3A_371 : i32 to index
      %get3A_506 = arith.index_cast %mul3A_504 : i32 to index
      %get3A_507 = tpu.vector_load %arg6[%get3A_505, %get3A_506] {strides = array<i32>} : memref<40x1024xf32, #tpu.memory_space<vmem>>, vector<1x16xf32>,
      %get3A_508 = vector.shape_cast %get3A_507 : vector<1x16xf32> to vector<16xf32>
      %mul3A_509 = arith.constant 3.200000e+01 : f32
      %mul3A_510 = vector.broadcast %mul3A_509 : f32 to vector<16xf32>
      %mul3A_511 = arith.mulf %get3A_508, %mul3A_510 : vector<16xf32>
      %swap3A_512 = arith.index_cast %shift_right_logical3A_371 : i32 to index
      %swap3A_513 = arith.index_cast %mul3A_504 : i32 to index
      %swap3A_514 = tpu.vector_load %arg6[%swap3A_512, %swap3A_513] {strides = array<i32>} : memref<40x1024xf32, #tpu.memory_space<vmem>>, vector<1x16xf32>,
      %swap3A_515 = vector.shape_cast %swap3A_514 : vector<1x16xf32> to vector<16xf32>
      %swap3A_516 = vector.shape_cast %mul3A_511 : vector<16xf32> to vector<1x16xf32>
      tpu.vector_store %arg6[%swap3A_512, %swap3A_513], %swap3A_516 {strides = array<i32>} : memref<40x1024xf32, #tpu.memory_space<vmem>>, vector<1x16xf32>,
      %add3A_517 = arith.constant 9 : i32
      %add3A_518 = arith.addi %mul3A_374, %add3A_517 : i32
      %mul3A_519 = arith.constant 16 : i32
      %mul3A_520 = arith.muli %add3A_518, %mul3A_519 : i32
      %get3A_521 = arith.index_cast %shift_right_logical3A_371 : i32 to index
      %get3A_522 = arith.index_cast %mul3A_520 : i32 to index
      %get3A_523 = tpu.vector_load %arg6[%get3A_521, %get3A_522] {strides = array<i32>} : memref<40x1024xf32, #tpu.memory_space<vmem>>, vector<1x16xf32>,
      %get3A_524 = vector.shape_cast %get3A_523 : vector<1x16xf32> to vector<16xf32>
      %mul3A_525 = arith.constant 3.200000e+01 : f32
      %mul3A_526 = vector.broadcast %mul3A_525 : f32 to vector<16xf32>
      %mul3A_527 = arith.mulf %get3A_524, %mul3A_526 : vector<16xf32>
      %swap3A_528 = arith.index_cast %shift_right_logical3A_371 : i32 to index
      %swap3A_529 = arith.index_cast %mul3A_520 : i32 to index
      %swap3A_530 = tpu.vector_load %arg6[%swap3A_528, %swap3A_529] {strides = array<i32>} : memref<40x1024xf32, #tpu.memory_space<vmem>>, vector<1x16xf32>,
      %swap3A_531 = vector.shape_cast %swap3A_530 : vector<1x16xf32> to vector<16xf32>
      %swap3A_532 = vector.shape_cast %mul3A_527 : vector<16xf32> to vector<1x16xf32>
      tpu.vector_store %arg6[%swap3A_528, %swap3A_529], %swap3A_532 {strides = array<i32>} : memref<40x1024xf32, #tpu.memory_space<vmem>>, vector<1x16xf32>,
      %add3A_533 = arith.constant 10 : i32
      %add3A_534 = arith.addi %mul3A_374, %add3A_533 : i32
      %mul3A_535 = arith.constant 16 : i32
      %mul3A_536 = arith.muli %add3A_534, %mul3A_535 : i32
      %get3A_537 = arith.index_cast %shift_right_logical3A_371 : i32 to index
      %get3A_538 = arith.index_cast %mul3A_536 : i32 to index
      %get3A_539 = tpu.vector_load %arg6[%get3A_537, %get3A_538] {strides = array<i32>} : memref<40x1024xf32, #tpu.memory_space<vmem>>, vector<1x16xf32>,
      %get3A_540 = vector.shape_cast %get3A_539 : vector<1x16xf32> to vector<16xf32>
      %mul3A_541 = arith.constant 3.200000e+01 : f32
      %mul3A_542 = vector.broadcast %mul3A_541 : f32 to vector<16xf32>
      %mul3A_543 = arith.mulf %get3A_540, %mul3A_542 : vector<16xf32>
      %swap3A_544 = arith.index_cast %shift_right_logical3A_371 : i32 to index
      %swap3A_545 = arith.index_cast %mul3A_536 : i32 to index
      %swap3A_546 = tpu.vector_load %arg6[%swap3A_544, %swap3A_545] {strides = array<i32>} : memref<40x1024xf32, #tpu.memory_space<vmem>>, vector<1x16xf32>,
      %swap3A_547 = vector.shape_cast %swap3A_546 : vector<1x16xf32> to vector<16xf32>
      %swap3A_548 = vector.shape_cast %mul3A_543 : vector<16xf32> to vector<1x16xf32>
      tpu.vector_store %arg6[%swap3A_544, %swap3A_545], %swap3A_548 {strides = array<i32>} : memref<40x1024xf32, #tpu.memory_space<vmem>>, vector<1x16xf32>,
      %add3A_549 = arith.constant 11 : i32
      %add3A_550 = arith.addi %mul3A_374, %add3A_549 : i32
      %mul3A_551 = arith.constant 16 : i32
      %mul3A_552 = arith.muli %add3A_550, %mul3A_551 : i32
      %get3A_553 = arith.index_cast %shift_right_logical3A_371 : i32 to index
      %get3A_554 = arith.index_cast %mul3A_552 : i32 to index
      %get3A_555 = tpu.vector_load %arg6[%get3A_553, %get3A_554] {strides = array<i32>} : memref<40x1024xf32, #tpu.memory_space<vmem>>, vector<1x16xf32>,
      %get3A_556 = vector.shape_cast %get3A_555 : vector<1x16xf32> to vector<16xf32>
      %mul3A_557 = arith.constant 3.200000e+01 : f32
      %mul3A_558 = vector.broadcast %mul3A_557 : f32 to vector<16xf32>
      %mul3A_559 = arith.mulf %get3A_556, %mul3A_558 : vector<16xf32>
      %swap3A_560 = arith.index_cast %shift_right_logical3A_371 : i32 to index
      %swap3A_561 = arith.index_cast %mul3A_552 : i32 to index
      %swap3A_562 = tpu.vector_load %arg6[%swap3A_560, %swap3A_561] {strides = array<i32>} : memref<40x1024xf32, #tpu.memory_space<vmem>>, vector<1x16xf32>,
      %swap3A_563 = vector.shape_cast %swap3A_562 : vector<1x16xf32> to vector<16xf32>
      %swap3A_564 = vector.shape_cast %mul3A_559 : vector<16xf32> to vector<1x16xf32>
      tpu.vector_store %arg6[%swap3A_560, %swap3A_561], %swap3A_564 {strides = array<i32>} : memref<40x1024xf32, #tpu.memory_space<vmem>>, vector<1x16xf32>,
      %add3A_565 = arith.constant 12 : i32
      %add3A_566 = arith.addi %mul3A_374, %add3A_565 : i32
      %mul3A_567 = arith.constant 16 : i32
      %mul3A_568 = arith.muli %add3A_566, %mul3A_567 : i32
      %get3A_569 = arith.index_cast %shift_right_logical3A_371 : i32 to index
      %get3A_570 = arith.index_cast %mul3A_568 : i32 to index
      %get3A_571 = tpu.vector_load %arg6[%get3A_569, %get3A_570] {strides = array<i32>} : memref<40x1024xf32, #tpu.memory_space<vmem>>, vector<1x16xf32>,
      %get3A_572 = vector.shape_cast %get3A_571 : vector<1x16xf32> to vector<16xf32>
      %mul3A_573 = arith.constant 3.200000e+01 : f32
      %mul3A_574 = vector.broadcast %mul3A_573 : f32 to vector<16xf32>
      %mul3A_575 = arith.mulf %get3A_572, %mul3A_574 : vector<16xf32>
      %swap3A_576 = arith.index_cast %shift_right_logical3A_371 : i32 to index
      %swap3A_577 = arith.index_cast %mul3A_568 : i32 to index
      %swap3A_578 = tpu.vector_load %arg6[%swap3A_576, %swap3A_577] {strides = array<i32>} : memref<40x1024xf32, #tpu.memory_space<vmem>>, vector<1x16xf32>,
      %swap3A_579 = vector.shape_cast %swap3A_578 : vector<1x16xf32> to vector<16xf32>
      %swap3A_580 = vector.shape_cast %mul3A_575 : vector<16xf32> to vector<1x16xf32>
      tpu.vector_store %arg6[%swap3A_576, %swap3A_577], %swap3A_580 {strides = array<i32>} : memref<40x1024xf32, #tpu.memory_space<vmem>>, vector<1x16xf32>,
      %add3A_581 = arith.constant 13 : i32
      %add3A_582 = arith.addi %mul3A_374, %add3A_581 : i32
      %mul3A_583 = arith.constant 16 : i32
      %mul3A_584 = arith.muli %add3A_582, %mul3A_583 : i32
      %get3A_585 = arith.index_cast %shift_right_logical3A_371 : i32 to index
      %get3A_586 = arith.index_cast %mul3A_584 : i32 to index
      %get3A_587 = tpu.vector_load %arg6[%get3A_585, %get3A_586] {strides = array<i32>} : memref<40x1024xf32, #tpu.memory_space<vmem>>, vector<1x16xf32>,
      %get3A_588 = vector.shape_cast %get3A_587 : vector<1x16xf32> to vector<16xf32>
      %mul3A_589 = arith.constant 3.200000e+01 : f32
      %mul3A_590 = vector.broadcast %mul3A_589 : f32 to vector<16xf32>
      %mul3A_591 = arith.mulf %get3A_588, %mul3A_590 : vector<16xf32>
      %swap3A_592 = arith.index_cast %shift_right_logical3A_371 : i32 to index
      %swap3A_593 = arith.index_cast %mul3A_584 : i32 to index
      %swap3A_594 = tpu.vector_load %arg6[%swap3A_592, %swap3A_593] {strides = array<i32>} : memref<40x1024xf32, #tpu.memory_space<vmem>>, vector<1x16xf32>,
      %swap3A_595 = vector.shape_cast %swap3A_594 : vector<1x16xf32> to vector<16xf32>
      %swap3A_596 = vector.shape_cast %mul3A_591 : vector<16xf32> to vector<1x16xf32>
      tpu.vector_store %arg6[%swap3A_592, %swap3A_593], %swap3A_596 {strides = array<i32>} : memref<40x1024xf32, #tpu.memory_space<vmem>>, vector<1x16xf32>,
      %add3A_597 = arith.constant 14 : i32
      %add3A_598 = arith.addi %mul3A_374, %add3A_597 : i32
      %mul3A_599 = arith.constant 16 : i32
      %mul3A_600 = arith.muli %add3A_598, %mul3A_599 : i32
      %get3A_601 = arith.index_cast %shift_right_logical3A_371 : i32 to index
      %get3A_602 = arith.index_cast %mul3A_600 : i32 to index
      %get3A_603 = tpu.vector_load %arg6[%get3A_601, %get3A_602] {strides = array<i32>} : memref<40x1024xf32, #tpu.memory_space<vmem>>, vector<1x16xf32>,
      %get3A_604 = vector.shape_cast %get3A_603 : vector<1x16xf32> to vector<16xf32>
      %mul3A_605 = arith.constant 3.200000e+01 : f32
      %mul3A_606 = vector.broadcast %mul3A_605 : f32 to vector<16xf32>
      %mul3A_607 = arith.mulf %get3A_604, %mul3A_606 : vector<16xf32>
      %swap3A_608 = arith.index_cast %shift_right_logical3A_371 : i32 to index
      %swap3A_609 = arith.index_cast %mul3A_600 : i32 to index
      %swap3A_610 = tpu.vector_load %arg6[%swap3A_608, %swap3A_609] {strides = array<i32>} : memref<40x1024xf32, #tpu.memory_space<vmem>>, vector<1x16xf32>,
      %swap3A_611 = vector.shape_cast %swap3A_610 : vector<1x16xf32> to vector<16xf32>
      %swap3A_612 = vector.shape_cast %mul3A_607 : vector<16xf32> to vector<1x16xf32>
      tpu.vector_store %arg6[%swap3A_608, %swap3A_609], %swap3A_612 {strides = array<i32>} : memref<40x1024xf32, #tpu.memory_space<vmem>>, vector<1x16xf32>,
      %add3A_613 = arith.constant 15 : i32
      %add3A_614 = arith.addi %mul3A_374, %add3A_613 : i32
      %mul3A_615 = arith.constant 16 : i32
      %mul3A_616 = arith.muli %add3A_614, %mul3A_615 : i32
      %get3A_617 = arith.index_cast %shift_right_logical3A_371 : i32 to index
      %get3A_618 = arith.index_cast %mul3A_616 : i32 to index
      %get3A_619 = tpu.vector_load %arg6[%get3A_617, %get3A_618] {strides = array<i32>} : memref<40x1024xf32, #tpu.memory_space<vmem>>, vector<1x16xf32>,
      %get3A_620 = vector.shape_cast %get3A_619 : vector<1x16xf32> to vector<16xf32>
      %mul3A_621 = arith.constant 3.200000e+01 : f32
      %mul3A_622 = vector.broadcast %mul3A_621 : f32 to vector<16xf32>
      %mul3A_623 = arith.mulf %get3A_620, %mul3A_622 : vector<16xf32>
      %swap3A_624 = arith.index_cast %shift_right_logical3A_371 : i32 to index
      %swap3A_625 = arith.index_cast %mul3A_616 : i32 to index
      %swap3A_626 = tpu.vector_load %arg6[%swap3A_624, %swap3A_625] {strides = array<i32>} : memref<40x1024xf32, #tpu.memory_space<vmem>>, vector<1x16xf32>,
      %swap3A_627 = vector.shape_cast %swap3A_626 : vector<1x16xf32> to vector<16xf32>
      %swap3A_628 = vector.shape_cast %mul3A_623 : vector<16xf32> to vector<1x16xf32>
      tpu.vector_store %arg6[%swap3A_624, %swap3A_625], %swap3A_628 {strides = array<i32>} : memref<40x1024xf32, #tpu.memory_space<vmem>>, vector<1x16xf32>,
      %scan3A_629 = arith.constant 0 : i32
      scf.yield %scan3A_629 : i32
    }
    %scan3A_260 = arith.constant 160 : i32
    %add3A_261 = arith.constant 360 : i32
    %add3A_262 = arith.addi %mul3A_2, %add3A_261 : i32
    %dma_start3A_263 = arith.constant 0 : i32
    %dma_start3A_264 = tpu.memref_slice %arg4[%add3A_262, %dma_start3A_263] : memref<16384x1024xf32, #tpu.memory_space<hbm>> -> memref<40x1024xf32, #tpu.memory_space<hbm>>
    %dma_start3A_265 = arith.constant 0 : i32
    %dma_start3A_266 = tpu.memref_slice %arg4[%add3A_262, %dma_start3A_265] : memref<16384x1024xf32, #tpu.memory_space<hbm>> -> memref<40x1024xf32, #tpu.memory_space<hbm>>
    tpu.enqueue_dma source(%arg6 : memref<40x1024xf32, #tpu.memory_space<vmem>>) target(%dma_start3A_266 : memref<40x1024xf32, #tpu.memory_space<hbm>>) target_semaphore(%arg12 : memref<!tpu.dma_semaphore, #tpu.memory_space<semaphore_mem>>)
    %dma_wait3A_267 = arith.constant 0 : i32
    %dma_wait3A_268 = tpu.memref_slice %arg4[%add3A_235, %dma_wait3A_267] : memref<16384x1024xf32, #tpu.memory_space<hbm>> -> memref<40x1024xf32, #tpu.memory_space<hbm>>
    %dma_wait3A_269 = arith.constant 0 : i32
    %dma_wait3A_270 = tpu.memref_slice %arg4[%add3A_235, %dma_wait3A_269] : memref<16384x1024xf32, #tpu.memory_space<hbm>> -> memref<40x1024xf32, #tpu.memory_space<hbm>>
    tpu.wait_dma2 semaphore(%arg14 : memref<!tpu.dma_semaphore, #tpu.memory_space<semaphore_mem>>) src(%arg8 : memref<40x1024xf32, #tpu.memory_space<vmem>>) dst(%dma_wait3A_270 : memref<40x1024xf32, #tpu.memory_space<hbm>>)
    %dma_start3A_271 = arith.constant 440 : i32
    %dma_start3A_272 = tpu.memref_slice %arg5[%dma_start3A_271] : memref<512xi32, #tpu.memory_space<vmem>> -> memref<40xi32, #tpu.memory_space<vmem>>
    %dma_start3A_273 = arith.constant 0 : i32
    %dma_start3A_274 = arith.constant 0 : i32
    %dma_start3A_275 = tpu.memref_slice %arg3[%dma_start3A_273, %dma_start3A_274] : memref<100000x1024xf32, #tpu.memory_space<hbm>> -> memref<100000x1024xf32, #tpu.memory_space<hbm>>
    tpu.enqueue_indirect_dma source(%dma_start3A_275 : memref<100000x1024xf32, #tpu.memory_space<hbm>>) target(%arg8 : memref<40x1024xf32, #tpu.memory_space<vmem>>) offsets(%dma_start3A_272 : memref<40xi32, #tpu.memory_space<vmem>>) semaphore(%arg11 : memref<!tpu.dma_semaphore, #tpu.memory_space<semaphore_mem>>)
    %dma_wait3A_276 = arith.constant 400 : i32
    %dma_wait3A_277 = tpu.memref_slice %arg5[%dma_wait3A_276] : memref<512xi32, #tpu.memory_space<vmem>> -> memref<40xi32, #tpu.memory_space<vmem>>
    %dma_wait3A_278 = arith.constant 0 : i32
    %dma_wait3A_279 = arith.constant 0 : i32
    %dma_wait3A_280 = tpu.memref_slice %arg3[%dma_wait3A_278, %dma_wait3A_279] : memref<100000x1024xf32, #tpu.memory_space<hbm>> -> memref<100000x1024xf32, #tpu.memory_space<hbm>>
    tpu.wait_indirect_dma semaphore(%arg10 : memref<!tpu.dma_semaphore, #tpu.memory_space<semaphore_mem>>) src(%dma_wait3A_280 : memref<100000x1024xf32, #tpu.memory_space<hbm>>) dst(%arg7 : memref<40x1024xf32, #tpu.memory_space<vmem>>)
    %scan3A_281 = arith.constant 0 : i32
    %scan3A_282 = arith.constant 0 : i32
    %scan3A_283 = arith.constant 160 : i32
    %scan3A_284 = arith.addi %scan3A_282, %scan3A_283 : i32
    %scan3A_285 = arith.constant 1 : i32
    %scan3A_286 = scf.for %scan3A_369 = %scan3A_282 to %scan3A_284 step %scan3A_285 iter_args(%scan3A_370 = %scan3A_281) -> (i32)  : i32 {
      %shift_right_logical3A = arith.constant 2 : i32
      %shift_right_logical3A_371 = arith.shrui %scan3A_369, %shift_right_logical3A : i32
      %and3A = arith.constant 3 : i32
      %and3A_372 = arith.andi %scan3A_369, %and3A : i32
      %mul3A_373 = arith.constant 16 : i32
      %mul3A_374 = arith.muli %and3A_372, %mul3A_373 : i32
      %add3A_375 = arith.constant 0 : i32
      %add3A_376 = arith.addi %mul3A_374, %add3A_375 : i32
      %mul3A_377 = arith.constant 16 : i32
      %mul3A_378 = arith.muli %add3A_376, %mul3A_377 : i32
      %get3A = arith.index_cast %shift_right_logical3A_371 : i32 to index
      %get3A_379 = arith.index_cast %mul3A_378 : i32 to index
      %get3A_380 = tpu.vector_load %arg7[%get3A, %get3A_379] {strides = array<i32>} : memref<40x1024xf32, #tpu.memory_space<vmem>>, vector<1x16xf32>,
      %get3A_381 = vector.shape_cast %get3A_380 : vector<1x16xf32> to vector<16xf32>
      %mul3A_382 = arith.constant 3.200000e+01 : f32
      %mul3A_383 = vector.broadcast %mul3A_382 : f32 to vector<16xf32>
      %mul3A_384 = arith.mulf %get3A_381, %mul3A_383 : vector<16xf32>
      %swap3A = arith.index_cast %shift_right_logical3A_371 : i32 to index
      %swap3A_385 = arith.index_cast %mul3A_378 : i32 to index
      %swap3A_386 = tpu.vector_load %arg7[%swap3A, %swap3A_385] {strides = array<i32>} : memref<40x1024xf32, #tpu.memory_space<vmem>>, vector<1x16xf32>,
      %swap3A_387 = vector.shape_cast %swap3A_386 : vector<1x16xf32> to vector<16xf32>
      %swap3A_388 = vector.shape_cast %mul3A_384 : vector<16xf32> to vector<1x16xf32>
      tpu.vector_store %arg7[%swap3A, %swap3A_385], %swap3A_388 {strides = array<i32>} : memref<40x1024xf32, #tpu.memory_space<vmem>>, vector<1x16xf32>,
      %add3A_389 = arith.constant 1 : i32
      %add3A_390 = arith.addi %mul3A_374, %add3A_389 : i32
      %mul3A_391 = arith.constant 16 : i32
      %mul3A_392 = arith.muli %add3A_390, %mul3A_391 : i32
      %get3A_393 = arith.index_cast %shift_right_logical3A_371 : i32 to index
      %get3A_394 = arith.index_cast %mul3A_392 : i32 to index
      %get3A_395 = tpu.vector_load %arg7[%get3A_393, %get3A_394] {strides = array<i32>} : memref<40x1024xf32, #tpu.memory_space<vmem>>, vector<1x16xf32>,
      %get3A_396 = vector.shape_cast %get3A_395 : vector<1x16xf32> to vector<16xf32>
      %mul3A_397 = arith.constant 3.200000e+01 : f32
      %mul3A_398 = vector.broadcast %mul3A_397 : f32 to vector<16xf32>
      %mul3A_399 = arith.mulf %get3A_396, %mul3A_398 : vector<16xf32>
      %swap3A_400 = arith.index_cast %shift_right_logical3A_371 : i32 to index
      %swap3A_401 = arith.index_cast %mul3A_392 : i32 to index
      %swap3A_402 = tpu.vector_load %arg7[%swap3A_400, %swap3A_401] {strides = array<i32>} : memref<40x1024xf32, #tpu.memory_space<vmem>>, vector<1x16xf32>,
      %swap3A_403 = vector.shape_cast %swap3A_402 : vector<1x16xf32> to vector<16xf32>
      %swap3A_404 = vector.shape_cast %mul3A_399 : vector<16xf32> to vector<1x16xf32>
      tpu.vector_store %arg7[%swap3A_400, %swap3A_401], %swap3A_404 {strides = array<i32>} : memref<40x1024xf32, #tpu.memory_space<vmem>>, vector<1x16xf32>,
      %add3A_405 = arith.constant 2 : i32
      %add3A_406 = arith.addi %mul3A_374, %add3A_405 : i32
      %mul3A_407 = arith.constant 16 : i32
      %mul3A_408 = arith.muli %add3A_406, %mul3A_407 : i32
      %get3A_409 = arith.index_cast %shift_right_logical3A_371 : i32 to index
      %get3A_410 = arith.index_cast %mul3A_408 : i32 to index
      %get3A_411 = tpu.vector_load %arg7[%get3A_409, %get3A_410] {strides = array<i32>} : memref<40x1024xf32, #tpu.memory_space<vmem>>, vector<1x16xf32>,
      %get3A_412 = vector.shape_cast %get3A_411 : vector<1x16xf32> to vector<16xf32>
      %mul3A_413 = arith.constant 3.200000e+01 : f32
      %mul3A_414 = vector.broadcast %mul3A_413 : f32 to vector<16xf32>
      %mul3A_415 = arith.mulf %get3A_412, %mul3A_414 : vector<16xf32>
      %swap3A_416 = arith.index_cast %shift_right_logical3A_371 : i32 to index
      %swap3A_417 = arith.index_cast %mul3A_408 : i32 to index
      %swap3A_418 = tpu.vector_load %arg7[%swap3A_416, %swap3A_417] {strides = array<i32>} : memref<40x1024xf32, #tpu.memory_space<vmem>>, vector<1x16xf32>,
      %swap3A_419 = vector.shape_cast %swap3A_418 : vector<1x16xf32> to vector<16xf32>
      %swap3A_420 = vector.shape_cast %mul3A_415 : vector<16xf32> to vector<1x16xf32>
      tpu.vector_store %arg7[%swap3A_416, %swap3A_417], %swap3A_420 {strides = array<i32>} : memref<40x1024xf32, #tpu.memory_space<vmem>>, vector<1x16xf32>,
      %add3A_421 = arith.constant 3 : i32
      %add3A_422 = arith.addi %mul3A_374, %add3A_421 : i32
      %mul3A_423 = arith.constant 16 : i32
      %mul3A_424 = arith.muli %add3A_422, %mul3A_423 : i32
      %get3A_425 = arith.index_cast %shift_right_logical3A_371 : i32 to index
      %get3A_426 = arith.index_cast %mul3A_424 : i32 to index
      %get3A_427 = tpu.vector_load %arg7[%get3A_425, %get3A_426] {strides = array<i32>} : memref<40x1024xf32, #tpu.memory_space<vmem>>, vector<1x16xf32>,
      %get3A_428 = vector.shape_cast %get3A_427 : vector<1x16xf32> to vector<16xf32>
      %mul3A_429 = arith.constant 3.200000e+01 : f32
      %mul3A_430 = vector.broadcast %mul3A_429 : f32 to vector<16xf32>
      %mul3A_431 = arith.mulf %get3A_428, %mul3A_430 : vector<16xf32>
      %swap3A_432 = arith.index_cast %shift_right_logical3A_371 : i32 to index
      %swap3A_433 = arith.index_cast %mul3A_424 : i32 to index
      %swap3A_434 = tpu.vector_load %arg7[%swap3A_432, %swap3A_433] {strides = array<i32>} : memref<40x1024xf32, #tpu.memory_space<vmem>>, vector<1x16xf32>,
      %swap3A_435 = vector.shape_cast %swap3A_434 : vector<1x16xf32> to vector<16xf32>
      %swap3A_436 = vector.shape_cast %mul3A_431 : vector<16xf32> to vector<1x16xf32>
      tpu.vector_store %arg7[%swap3A_432, %swap3A_433], %swap3A_436 {strides = array<i32>} : memref<40x1024xf32, #tpu.memory_space<vmem>>, vector<1x16xf32>,
      %add3A_437 = arith.constant 4 : i32
      %add3A_438 = arith.addi %mul3A_374, %add3A_437 : i32
      %mul3A_439 = arith.constant 16 : i32
      %mul3A_440 = arith.muli %add3A_438, %mul3A_439 : i32
      %get3A_441 = arith.index_cast %shift_right_logical3A_371 : i32 to index
      %get3A_442 = arith.index_cast %mul3A_440 : i32 to index
      %get3A_443 = tpu.vector_load %arg7[%get3A_441, %get3A_442] {strides = array<i32>} : memref<40x1024xf32, #tpu.memory_space<vmem>>, vector<1x16xf32>,
      %get3A_444 = vector.shape_cast %get3A_443 : vector<1x16xf32> to vector<16xf32>
      %mul3A_445 = arith.constant 3.200000e+01 : f32
      %mul3A_446 = vector.broadcast %mul3A_445 : f32 to vector<16xf32>
      %mul3A_447 = arith.mulf %get3A_444, %mul3A_446 : vector<16xf32>
      %swap3A_448 = arith.index_cast %shift_right_logical3A_371 : i32 to index
      %swap3A_449 = arith.index_cast %mul3A_440 : i32 to index
      %swap3A_450 = tpu.vector_load %arg7[%swap3A_448, %swap3A_449] {strides = array<i32>} : memref<40x1024xf32, #tpu.memory_space<vmem>>, vector<1x16xf32>,
      %swap3A_451 = vector.shape_cast %swap3A_450 : vector<1x16xf32> to vector<16xf32>
      %swap3A_452 = vector.shape_cast %mul3A_447 : vector<16xf32> to vector<1x16xf32>
      tpu.vector_store %arg7[%swap3A_448, %swap3A_449], %swap3A_452 {strides = array<i32>} : memref<40x1024xf32, #tpu.memory_space<vmem>>, vector<1x16xf32>,
      %add3A_453 = arith.constant 5 : i32
      %add3A_454 = arith.addi %mul3A_374, %add3A_453 : i32
      %mul3A_455 = arith.constant 16 : i32
      %mul3A_456 = arith.muli %add3A_454, %mul3A_455 : i32
      %get3A_457 = arith.index_cast %shift_right_logical3A_371 : i32 to index
      %get3A_458 = arith.index_cast %mul3A_456 : i32 to index
      %get3A_459 = tpu.vector_load %arg7[%get3A_457, %get3A_458] {strides = array<i32>} : memref<40x1024xf32, #tpu.memory_space<vmem>>, vector<1x16xf32>,
      %get3A_460 = vector.shape_cast %get3A_459 : vector<1x16xf32> to vector<16xf32>
      %mul3A_461 = arith.constant 3.200000e+01 : f32
      %mul3A_462 = vector.broadcast %mul3A_461 : f32 to vector<16xf32>
      %mul3A_463 = arith.mulf %get3A_460, %mul3A_462 : vector<16xf32>
      %swap3A_464 = arith.index_cast %shift_right_logical3A_371 : i32 to index
      %swap3A_465 = arith.index_cast %mul3A_456 : i32 to index
      %swap3A_466 = tpu.vector_load %arg7[%swap3A_464, %swap3A_465] {strides = array<i32>} : memref<40x1024xf32, #tpu.memory_space<vmem>>, vector<1x16xf32>,
      %swap3A_467 = vector.shape_cast %swap3A_466 : vector<1x16xf32> to vector<16xf32>
      %swap3A_468 = vector.shape_cast %mul3A_463 : vector<16xf32> to vector<1x16xf32>
      tpu.vector_store %arg7[%swap3A_464, %swap3A_465], %swap3A_468 {strides = array<i32>} : memref<40x1024xf32, #tpu.memory_space<vmem>>, vector<1x16xf32>,
      %add3A_469 = arith.constant 6 : i32
      %add3A_470 = arith.addi %mul3A_374, %add3A_469 : i32
      %mul3A_471 = arith.constant 16 : i32
      %mul3A_472 = arith.muli %add3A_470, %mul3A_471 : i32
      %get3A_473 = arith.index_cast %shift_right_logical3A_371 : i32 to index
      %get3A_474 = arith.index_cast %mul3A_472 : i32 to index
      %get3A_475 = tpu.vector_load %arg7[%get3A_473, %get3A_474] {strides = array<i32>} : memref<40x1024xf32, #tpu.memory_space<vmem>>, vector<1x16xf32>,
      %get3A_476 = vector.shape_cast %get3A_475 : vector<1x16xf32> to vector<16xf32>
      %mul3A_477 = arith.constant 3.200000e+01 : f32
      %mul3A_478 = vector.broadcast %mul3A_477 : f32 to vector<16xf32>
      %mul3A_479 = arith.mulf %get3A_476, %mul3A_478 : vector<16xf32>
      %swap3A_480 = arith.index_cast %shift_right_logical3A_371 : i32 to index
      %swap3A_481 = arith.index_cast %mul3A_472 : i32 to index
      %swap3A_482 = tpu.vector_load %arg7[%swap3A_480, %swap3A_481] {strides = array<i32>} : memref<40x1024xf32, #tpu.memory_space<vmem>>, vector<1x16xf32>,
      %swap3A_483 = vector.shape_cast %swap3A_482 : vector<1x16xf32> to vector<16xf32>
      %swap3A_484 = vector.shape_cast %mul3A_479 : vector<16xf32> to vector<1x16xf32>
      tpu.vector_store %arg7[%swap3A_480, %swap3A_481], %swap3A_484 {strides = array<i32>} : memref<40x1024xf32, #tpu.memory_space<vmem>>, vector<1x16xf32>,
      %add3A_485 = arith.constant 7 : i32
      %add3A_486 = arith.addi %mul3A_374, %add3A_485 : i32
      %mul3A_487 = arith.constant 16 : i32
      %mul3A_488 = arith.muli %add3A_486, %mul3A_487 : i32
      %get3A_489 = arith.index_cast %shift_right_logical3A_371 : i32 to index
      %get3A_490 = arith.index_cast %mul3A_488 : i32 to index
      %get3A_491 = tpu.vector_load %arg7[%get3A_489, %get3A_490] {strides = array<i32>} : memref<40x1024xf32, #tpu.memory_space<vmem>>, vector<1x16xf32>,
      %get3A_492 = vector.shape_cast %get3A_491 : vector<1x16xf32> to vector<16xf32>
      %mul3A_493 = arith.constant 3.200000e+01 : f32
      %mul3A_494 = vector.broadcast %mul3A_493 : f32 to vector<16xf32>
      %mul3A_495 = arith.mulf %get3A_492, %mul3A_494 : vector<16xf32>
      %swap3A_496 = arith.index_cast %shift_right_logical3A_371 : i32 to index
      %swap3A_497 = arith.index_cast %mul3A_488 : i32 to index
      %swap3A_498 = tpu.vector_load %arg7[%swap3A_496, %swap3A_497] {strides = array<i32>} : memref<40x1024xf32, #tpu.memory_space<vmem>>, vector<1x16xf32>,
      %swap3A_499 = vector.shape_cast %swap3A_498 : vector<1x16xf32> to vector<16xf32>
      %swap3A_500 = vector.shape_cast %mul3A_495 : vector<16xf32> to vector<1x16xf32>
      tpu.vector_store %arg7[%swap3A_496, %swap3A_497], %swap3A_500 {strides = array<i32>} : memref<40x1024xf32, #tpu.memory_space<vmem>>, vector<1x16xf32>,
      %add3A_501 = arith.constant 8 : i32
      %add3A_502 = arith.addi %mul3A_374, %add3A_501 : i32
      %mul3A_503 = arith.constant 16 : i32
      %mul3A_504 = arith.muli %add3A_502, %mul3A_503 : i32
      %get3A_505 = arith.index_cast %shift_right_logical3A_371 : i32 to index
      %get3A_506 = arith.index_cast %mul3A_504 : i32 to index
      %get3A_507 = tpu.vector_load %arg7[%get3A_505, %get3A_506] {strides = array<i32>} : memref<40x1024xf32, #tpu.memory_space<vmem>>, vector<1x16xf32>,
      %get3A_508 = vector.shape_cast %get3A_507 : vector<1x16xf32> to vector<16xf32>
      %mul3A_509 = arith.constant 3.200000e+01 : f32
      %mul3A_510 = vector.broadcast %mul3A_509 : f32 to vector<16xf32>
      %mul3A_511 = arith.mulf %get3A_508, %mul3A_510 : vector<16xf32>
      %swap3A_512 = arith.index_cast %shift_right_logical3A_371 : i32 to index
      %swap3A_513 = arith.index_cast %mul3A_504 : i32 to index
      %swap3A_514 = tpu.vector_load %arg7[%swap3A_512, %swap3A_513] {strides = array<i32>} : memref<40x1024xf32, #tpu.memory_space<vmem>>, vector<1x16xf32>,
      %swap3A_515 = vector.shape_cast %swap3A_514 : vector<1x16xf32> to vector<16xf32>
      %swap3A_516 = vector.shape_cast %mul3A_511 : vector<16xf32> to vector<1x16xf32>
      tpu.vector_store %arg7[%swap3A_512, %swap3A_513], %swap3A_516 {strides = array<i32>} : memref<40x1024xf32, #tpu.memory_space<vmem>>, vector<1x16xf32>,
      %add3A_517 = arith.constant 9 : i32
      %add3A_518 = arith.addi %mul3A_374, %add3A_517 : i32
      %mul3A_519 = arith.constant 16 : i32
      %mul3A_520 = arith.muli %add3A_518, %mul3A_519 : i32
      %get3A_521 = arith.index_cast %shift_right_logical3A_371 : i32 to index
      %get3A_522 = arith.index_cast %mul3A_520 : i32 to index
      %get3A_523 = tpu.vector_load %arg7[%get3A_521, %get3A_522] {strides = array<i32>} : memref<40x1024xf32, #tpu.memory_space<vmem>>, vector<1x16xf32>,
      %get3A_524 = vector.shape_cast %get3A_523 : vector<1x16xf32> to vector<16xf32>
      %mul3A_525 = arith.constant 3.200000e+01 : f32
      %mul3A_526 = vector.broadcast %mul3A_525 : f32 to vector<16xf32>
      %mul3A_527 = arith.mulf %get3A_524, %mul3A_526 : vector<16xf32>
      %swap3A_528 = arith.index_cast %shift_right_logical3A_371 : i32 to index
      %swap3A_529 = arith.index_cast %mul3A_520 : i32 to index
      %swap3A_530 = tpu.vector_load %arg7[%swap3A_528, %swap3A_529] {strides = array<i32>} : memref<40x1024xf32, #tpu.memory_space<vmem>>, vector<1x16xf32>,
      %swap3A_531 = vector.shape_cast %swap3A_530 : vector<1x16xf32> to vector<16xf32>
      %swap3A_532 = vector.shape_cast %mul3A_527 : vector<16xf32> to vector<1x16xf32>
      tpu.vector_store %arg7[%swap3A_528, %swap3A_529], %swap3A_532 {strides = array<i32>} : memref<40x1024xf32, #tpu.memory_space<vmem>>, vector<1x16xf32>,
      %add3A_533 = arith.constant 10 : i32
      %add3A_534 = arith.addi %mul3A_374, %add3A_533 : i32
      %mul3A_535 = arith.constant 16 : i32
      %mul3A_536 = arith.muli %add3A_534, %mul3A_535 : i32
      %get3A_537 = arith.index_cast %shift_right_logical3A_371 : i32 to index
      %get3A_538 = arith.index_cast %mul3A_536 : i32 to index
      %get3A_539 = tpu.vector_load %arg7[%get3A_537, %get3A_538] {strides = array<i32>} : memref<40x1024xf32, #tpu.memory_space<vmem>>, vector<1x16xf32>,
      %get3A_540 = vector.shape_cast %get3A_539 : vector<1x16xf32> to vector<16xf32>
      %mul3A_541 = arith.constant 3.200000e+01 : f32
      %mul3A_542 = vector.broadcast %mul3A_541 : f32 to vector<16xf32>
      %mul3A_543 = arith.mulf %get3A_540, %mul3A_542 : vector<16xf32>
      %swap3A_544 = arith.index_cast %shift_right_logical3A_371 : i32 to index
      %swap3A_545 = arith.index_cast %mul3A_536 : i32 to index
      %swap3A_546 = tpu.vector_load %arg7[%swap3A_544, %swap3A_545] {strides = array<i32>} : memref<40x1024xf32, #tpu.memory_space<vmem>>, vector<1x16xf32>,
      %swap3A_547 = vector.shape_cast %swap3A_546 : vector<1x16xf32> to vector<16xf32>
      %swap3A_548 = vector.shape_cast %mul3A_543 : vector<16xf32> to vector<1x16xf32>
      tpu.vector_store %arg7[%swap3A_544, %swap3A_545], %swap3A_548 {strides = array<i32>} : memref<40x1024xf32, #tpu.memory_space<vmem>>, vector<1x16xf32>,
      %add3A_549 = arith.constant 11 : i32
      %add3A_550 = arith.addi %mul3A_374, %add3A_549 : i32
      %mul3A_551 = arith.constant 16 : i32
      %mul3A_552 = arith.muli %add3A_550, %mul3A_551 : i32
      %get3A_553 = arith.index_cast %shift_right_logical3A_371 : i32 to index
      %get3A_554 = arith.index_cast %mul3A_552 : i32 to index
      %get3A_555 = tpu.vector_load %arg7[%get3A_553, %get3A_554] {strides = array<i32>} : memref<40x1024xf32, #tpu.memory_space<vmem>>, vector<1x16xf32>,
      %get3A_556 = vector.shape_cast %get3A_555 : vector<1x16xf32> to vector<16xf32>
      %mul3A_557 = arith.constant 3.200000e+01 : f32
      %mul3A_558 = vector.broadcast %mul3A_557 : f32 to vector<16xf32>
      %mul3A_559 = arith.mulf %get3A_556, %mul3A_558 : vector<16xf32>
      %swap3A_560 = arith.index_cast %shift_right_logical3A_371 : i32 to index
      %swap3A_561 = arith.index_cast %mul3A_552 : i32 to index
      %swap3A_562 = tpu.vector_load %arg7[%swap3A_560, %swap3A_561] {strides = array<i32>} : memref<40x1024xf32, #tpu.memory_space<vmem>>, vector<1x16xf32>,
      %swap3A_563 = vector.shape_cast %swap3A_562 : vector<1x16xf32> to vector<16xf32>
      %swap3A_564 = vector.shape_cast %mul3A_559 : vector<16xf32> to vector<1x16xf32>
      tpu.vector_store %arg7[%swap3A_560, %swap3A_561], %swap3A_564 {strides = array<i32>} : memref<40x1024xf32, #tpu.memory_space<vmem>>, vector<1x16xf32>,
      %add3A_565 = arith.constant 12 : i32
      %add3A_566 = arith.addi %mul3A_374, %add3A_565 : i32
      %mul3A_567 = arith.constant 16 : i32
      %mul3A_568 = arith.muli %add3A_566, %mul3A_567 : i32
      %get3A_569 = arith.index_cast %shift_right_logical3A_371 : i32 to index
      %get3A_570 = arith.index_cast %mul3A_568 : i32 to index
      %get3A_571 = tpu.vector_load %arg7[%get3A_569, %get3A_570] {strides = array<i32>} : memref<40x1024xf32, #tpu.memory_space<vmem>>, vector<1x16xf32>,
      %get3A_572 = vector.shape_cast %get3A_571 : vector<1x16xf32> to vector<16xf32>
      %mul3A_573 = arith.constant 3.200000e+01 : f32
      %mul3A_574 = vector.broadcast %mul3A_573 : f32 to vector<16xf32>
      %mul3A_575 = arith.mulf %get3A_572, %mul3A_574 : vector<16xf32>
      %swap3A_576 = arith.index_cast %shift_right_logical3A_371 : i32 to index
      %swap3A_577 = arith.index_cast %mul3A_568 : i32 to index
      %swap3A_578 = tpu.vector_load %arg7[%swap3A_576, %swap3A_577] {strides = array<i32>} : memref<40x1024xf32, #tpu.memory_space<vmem>>, vector<1x16xf32>,
      %swap3A_579 = vector.shape_cast %swap3A_578 : vector<1x16xf32> to vector<16xf32>
      %swap3A_580 = vector.shape_cast %mul3A_575 : vector<16xf32> to vector<1x16xf32>
      tpu.vector_store %arg7[%swap3A_576, %swap3A_577], %swap3A_580 {strides = array<i32>} : memref<40x1024xf32, #tpu.memory_space<vmem>>, vector<1x16xf32>,
      %add3A_581 = arith.constant 13 : i32
      %add3A_582 = arith.addi %mul3A_374, %add3A_581 : i32
      %mul3A_583 = arith.constant 16 : i32
      %mul3A_584 = arith.muli %add3A_582, %mul3A_583 : i32
      %get3A_585 = arith.index_cast %shift_right_logical3A_371 : i32 to index
      %get3A_586 = arith.index_cast %mul3A_584 : i32 to index
      %get3A_587 = tpu.vector_load %arg7[%get3A_585, %get3A_586] {strides = array<i32>} : memref<40x1024xf32, #tpu.memory_space<vmem>>, vector<1x16xf32>,
      %get3A_588 = vector.shape_cast %get3A_587 : vector<1x16xf32> to vector<16xf32>
      %mul3A_589 = arith.constant 3.200000e+01 : f32
      %mul3A_590 = vector.broadcast %mul3A_589 : f32 to vector<16xf32>
      %mul3A_591 = arith.mulf %get3A_588, %mul3A_590 : vector<16xf32>
      %swap3A_592 = arith.index_cast %shift_right_logical3A_371 : i32 to index
      %swap3A_593 = arith.index_cast %mul3A_584 : i32 to index
      %swap3A_594 = tpu.vector_load %arg7[%swap3A_592, %swap3A_593] {strides = array<i32>} : memref<40x1024xf32, #tpu.memory_space<vmem>>, vector<1x16xf32>,
      %swap3A_595 = vector.shape_cast %swap3A_594 : vector<1x16xf32> to vector<16xf32>
      %swap3A_596 = vector.shape_cast %mul3A_591 : vector<16xf32> to vector<1x16xf32>
      tpu.vector_store %arg7[%swap3A_592, %swap3A_593], %swap3A_596 {strides = array<i32>} : memref<40x1024xf32, #tpu.memory_space<vmem>>, vector<1x16xf32>,
      %add3A_597 = arith.constant 14 : i32
      %add3A_598 = arith.addi %mul3A_374, %add3A_597 : i32
      %mul3A_599 = arith.constant 16 : i32
      %mul3A_600 = arith.muli %add3A_598, %mul3A_599 : i32
      %get3A_601 = arith.index_cast %shift_right_logical3A_371 : i32 to index
      %get3A_602 = arith.index_cast %mul3A_600 : i32 to index
      %get3A_603 = tpu.vector_load %arg7[%get3A_601, %get3A_602] {strides = array<i32>} : memref<40x1024xf32, #tpu.memory_space<vmem>>, vector<1x16xf32>,
      %get3A_604 = vector.shape_cast %get3A_603 : vector<1x16xf32> to vector<16xf32>
      %mul3A_605 = arith.constant 3.200000e+01 : f32
      %mul3A_606 = vector.broadcast %mul3A_605 : f32 to vector<16xf32>
      %mul3A_607 = arith.mulf %get3A_604, %mul3A_606 : vector<16xf32>
      %swap3A_608 = arith.index_cast %shift_right_logical3A_371 : i32 to index
      %swap3A_609 = arith.index_cast %mul3A_600 : i32 to index
      %swap3A_610 = tpu.vector_load %arg7[%swap3A_608, %swap3A_609] {strides = array<i32>} : memref<40x1024xf32, #tpu.memory_space<vmem>>, vector<1x16xf32>,
      %swap3A_611 = vector.shape_cast %swap3A_610 : vector<1x16xf32> to vector<16xf32>
      %swap3A_612 = vector.shape_cast %mul3A_607 : vector<16xf32> to vector<1x16xf32>
      tpu.vector_store %arg7[%swap3A_608, %swap3A_609], %swap3A_612 {strides = array<i32>} : memref<40x1024xf32, #tpu.memory_space<vmem>>, vector<1x16xf32>,
      %add3A_613 = arith.constant 15 : i32
      %add3A_614 = arith.addi %mul3A_374, %add3A_613 : i32
      %mul3A_615 = arith.constant 16 : i32
      %mul3A_616 = arith.muli %add3A_614, %mul3A_615 : i32
      %get3A_617 = arith.index_cast %shift_right_logical3A_371 : i32 to index
      %get3A_618 = arith.index_cast %mul3A_616 : i32 to index
      %get3A_619 = tpu.vector_load %arg7[%get3A_617, %get3A_618] {strides = array<i32>} : memref<40x1024xf32, #tpu.memory_space<vmem>>, vector<1x16xf32>,
      %get3A_620 = vector.shape_cast %get3A_619 : vector<1x16xf32> to vector<16xf32>
      %mul3A_621 = arith.constant 3.200000e+01 : f32
      %mul3A_622 = vector.broadcast %mul3A_621 : f32 to vector<16xf32>
      %mul3A_623 = arith.mulf %get3A_620, %mul3A_622 : vector<16xf32>
      %swap3A_624 = arith.index_cast %shift_right_logical3A_371 : i32 to index
      %swap3A_625 = arith.index_cast %mul3A_616 : i32 to index
      %swap3A_626 = tpu.vector_load %arg7[%swap3A_624, %swap3A_625] {strides = array<i32>} : memref<40x1024xf32, #tpu.memory_space<vmem>>, vector<1x16xf32>,
      %swap3A_627 = vector.shape_cast %swap3A_626 : vector<1x16xf32> to vector<16xf32>
      %swap3A_628 = vector.shape_cast %mul3A_623 : vector<16xf32> to vector<1x16xf32>
      tpu.vector_store %arg7[%swap3A_624, %swap3A_625], %swap3A_628 {strides = array<i32>} : memref<40x1024xf32, #tpu.memory_space<vmem>>, vector<1x16xf32>,
      %scan3A_629 = arith.constant 0 : i32
      scf.yield %scan3A_629 : i32
    }
    %scan3A_287 = arith.constant 160 : i32
    %add3A_288 = arith.constant 400 : i32
    %add3A_289 = arith.addi %mul3A_2, %add3A_288 : i32
    %dma_start3A_290 = arith.constant 0 : i32
    %dma_start3A_291 = tpu.memref_slice %arg4[%add3A_289, %dma_start3A_290] : memref<16384x1024xf32, #tpu.memory_space<hbm>> -> memref<40x1024xf32, #tpu.memory_space<hbm>>
    %dma_start3A_292 = arith.constant 0 : i32
    %dma_start3A_293 = tpu.memref_slice %arg4[%add3A_289, %dma_start3A_292] : memref<16384x1024xf32, #tpu.memory_space<hbm>> -> memref<40x1024xf32, #tpu.memory_space<hbm>>
    tpu.enqueue_dma source(%arg7 : memref<40x1024xf32, #tpu.memory_space<vmem>>) target(%dma_start3A_293 : memref<40x1024xf32, #tpu.memory_space<hbm>>) target_semaphore(%arg13 : memref<!tpu.dma_semaphore, #tpu.memory_space<semaphore_mem>>)
    %dma_wait3A_294 = arith.constant 0 : i32
    %dma_wait3A_295 = tpu.memref_slice %arg4[%add3A_262, %dma_wait3A_294] : memref<16384x1024xf32, #tpu.memory_space<hbm>> -> memref<40x1024xf32, #tpu.memory_space<hbm>>
    %dma_wait3A_296 = arith.constant 0 : i32
    %dma_wait3A_297 = tpu.memref_slice %arg4[%add3A_262, %dma_wait3A_296] : memref<16384x1024xf32, #tpu.memory_space<hbm>> -> memref<40x1024xf32, #tpu.memory_space<hbm>>
    tpu.wait_dma2 semaphore(%arg12 : memref<!tpu.dma_semaphore, #tpu.memory_space<semaphore_mem>>) src(%arg6 : memref<40x1024xf32, #tpu.memory_space<vmem>>) dst(%dma_wait3A_297 : memref<40x1024xf32, #tpu.memory_space<hbm>>)
    %dma_start3A_298 = arith.constant 0 : i32
    %dma_start3A_299 = arith.constant 0 : i32
    %dma_start3A_300 = tpu.memref_slice %arg6[%dma_start3A_298, %dma_start3A_299] : memref<40x1024xf32, #tpu.memory_space<vmem>> -> memref<32x1024xf32, #tpu.memory_space<vmem>>
    %dma_start3A_301 = arith.constant 480 : i32
    %dma_start3A_302 = tpu.memref_slice %arg5[%dma_start3A_301] : memref<512xi32, #tpu.memory_space<vmem>> -> memref<32xi32, #tpu.memory_space<vmem>>
    %dma_start3A_303 = arith.constant 0 : i32
    %dma_start3A_304 = arith.constant 0 : i32
    %dma_start3A_305 = tpu.memref_slice %arg3[%dma_start3A_303, %dma_start3A_304] : memref<100000x1024xf32, #tpu.memory_space<hbm>> -> memref<100000x1024xf32, #tpu.memory_space<hbm>>
    tpu.enqueue_indirect_dma source(%dma_start3A_305 : memref<100000x1024xf32, #tpu.memory_space<hbm>>) target(%dma_start3A_300 : memref<32x1024xf32, #tpu.memory_space<vmem>>) offsets(%dma_start3A_302 : memref<32xi32, #tpu.memory_space<vmem>>) semaphore(%arg9 : memref<!tpu.dma_semaphore, #tpu.memory_space<semaphore_mem>>)
    %dma_wait3A_306 = arith.constant 440 : i32
    %dma_wait3A_307 = tpu.memref_slice %arg5[%dma_wait3A_306] : memref<512xi32, #tpu.memory_space<vmem>> -> memref<40xi32, #tpu.memory_space<vmem>>
    %dma_wait3A_308 = arith.constant 0 : i32
    %dma_wait3A_309 = arith.constant 0 : i32
    %dma_wait3A_310 = tpu.memref_slice %arg3[%dma_wait3A_308, %dma_wait3A_309] : memref<100000x1024xf32, #tpu.memory_space<hbm>> -> memref<100000x1024xf32, #tpu.memory_space<hbm>>
    tpu.wait_indirect_dma semaphore(%arg11 : memref<!tpu.dma_semaphore, #tpu.memory_space<semaphore_mem>>) src(%dma_wait3A_310 : memref<100000x1024xf32, #tpu.memory_space<hbm>>) dst(%arg8 : memref<40x1024xf32, #tpu.memory_space<vmem>>)
    %scan3A_311 = arith.constant 0 : i32
    %scan3A_312 = arith.constant 0 : i32
    %scan3A_313 = arith.constant 160 : i32
    %scan3A_314 = arith.addi %scan3A_312, %scan3A_313 : i32
    %scan3A_315 = arith.constant 1 : i32
    %scan3A_316 = scf.for %scan3A_369 = %scan3A_312 to %scan3A_314 step %scan3A_315 iter_args(%scan3A_370 = %scan3A_311) -> (i32)  : i32 {
      %shift_right_logical3A = arith.constant 2 : i32
      %shift_right_logical3A_371 = arith.shrui %scan3A_369, %shift_right_logical3A : i32
      %and3A = arith.constant 3 : i32
      %and3A_372 = arith.andi %scan3A_369, %and3A : i32
      %mul3A_373 = arith.constant 16 : i32
      %mul3A_374 = arith.muli %and3A_372, %mul3A_373 : i32
      %add3A_375 = arith.constant 0 : i32
      %add3A_376 = arith.addi %mul3A_374, %add3A_375 : i32
      %mul3A_377 = arith.constant 16 : i32
      %mul3A_378 = arith.muli %add3A_376, %mul3A_377 : i32
      %get3A = arith.index_cast %shift_right_logical3A_371 : i32 to index
      %get3A_379 = arith.index_cast %mul3A_378 : i32 to index
      %get3A_380 = tpu.vector_load %arg8[%get3A, %get3A_379] {strides = array<i32>} : memref<40x1024xf32, #tpu.memory_space<vmem>>, vector<1x16xf32>,
      %get3A_381 = vector.shape_cast %get3A_380 : vector<1x16xf32> to vector<16xf32>
      %mul3A_382 = arith.constant 3.200000e+01 : f32
      %mul3A_383 = vector.broadcast %mul3A_382 : f32 to vector<16xf32>
      %mul3A_384 = arith.mulf %get3A_381, %mul3A_383 : vector<16xf32>
      %swap3A = arith.index_cast %shift_right_logical3A_371 : i32 to index
      %swap3A_385 = arith.index_cast %mul3A_378 : i32 to index
      %swap3A_386 = tpu.vector_load %arg8[%swap3A, %swap3A_385] {strides = array<i32>} : memref<40x1024xf32, #tpu.memory_space<vmem>>, vector<1x16xf32>,
      %swap3A_387 = vector.shape_cast %swap3A_386 : vector<1x16xf32> to vector<16xf32>
      %swap3A_388 = vector.shape_cast %mul3A_384 : vector<16xf32> to vector<1x16xf32>
      tpu.vector_store %arg8[%swap3A, %swap3A_385], %swap3A_388 {strides = array<i32>} : memref<40x1024xf32, #tpu.memory_space<vmem>>, vector<1x16xf32>,
      %add3A_389 = arith.constant 1 : i32
      %add3A_390 = arith.addi %mul3A_374, %add3A_389 : i32
      %mul3A_391 = arith.constant 16 : i32
      %mul3A_392 = arith.muli %add3A_390, %mul3A_391 : i32
      %get3A_393 = arith.index_cast %shift_right_logical3A_371 : i32 to index
      %get3A_394 = arith.index_cast %mul3A_392 : i32 to index
      %get3A_395 = tpu.vector_load %arg8[%get3A_393, %get3A_394] {strides = array<i32>} : memref<40x1024xf32, #tpu.memory_space<vmem>>, vector<1x16xf32>,
      %get3A_396 = vector.shape_cast %get3A_395 : vector<1x16xf32> to vector<16xf32>
      %mul3A_397 = arith.constant 3.200000e+01 : f32
      %mul3A_398 = vector.broadcast %mul3A_397 : f32 to vector<16xf32>
      %mul3A_399 = arith.mulf %get3A_396, %mul3A_398 : vector<16xf32>
      %swap3A_400 = arith.index_cast %shift_right_logical3A_371 : i32 to index
      %swap3A_401 = arith.index_cast %mul3A_392 : i32 to index
      %swap3A_402 = tpu.vector_load %arg8[%swap3A_400, %swap3A_401] {strides = array<i32>} : memref<40x1024xf32, #tpu.memory_space<vmem>>, vector<1x16xf32>,
      %swap3A_403 = vector.shape_cast %swap3A_402 : vector<1x16xf32> to vector<16xf32>
      %swap3A_404 = vector.shape_cast %mul3A_399 : vector<16xf32> to vector<1x16xf32>
      tpu.vector_store %arg8[%swap3A_400, %swap3A_401], %swap3A_404 {strides = array<i32>} : memref<40x1024xf32, #tpu.memory_space<vmem>>, vector<1x16xf32>,
      %add3A_405 = arith.constant 2 : i32
      %add3A_406 = arith.addi %mul3A_374, %add3A_405 : i32
      %mul3A_407 = arith.constant 16 : i32
      %mul3A_408 = arith.muli %add3A_406, %mul3A_407 : i32
      %get3A_409 = arith.index_cast %shift_right_logical3A_371 : i32 to index
      %get3A_410 = arith.index_cast %mul3A_408 : i32 to index
      %get3A_411 = tpu.vector_load %arg8[%get3A_409, %get3A_410] {strides = array<i32>} : memref<40x1024xf32, #tpu.memory_space<vmem>>, vector<1x16xf32>,
      %get3A_412 = vector.shape_cast %get3A_411 : vector<1x16xf32> to vector<16xf32>
      %mul3A_413 = arith.constant 3.200000e+01 : f32
      %mul3A_414 = vector.broadcast %mul3A_413 : f32 to vector<16xf32>
      %mul3A_415 = arith.mulf %get3A_412, %mul3A_414 : vector<16xf32>
      %swap3A_416 = arith.index_cast %shift_right_logical3A_371 : i32 to index
      %swap3A_417 = arith.index_cast %mul3A_408 : i32 to index
      %swap3A_418 = tpu.vector_load %arg8[%swap3A_416, %swap3A_417] {strides = array<i32>} : memref<40x1024xf32, #tpu.memory_space<vmem>>, vector<1x16xf32>,
      %swap3A_419 = vector.shape_cast %swap3A_418 : vector<1x16xf32> to vector<16xf32>
      %swap3A_420 = vector.shape_cast %mul3A_415 : vector<16xf32> to vector<1x16xf32>
      tpu.vector_store %arg8[%swap3A_416, %swap3A_417], %swap3A_420 {strides = array<i32>} : memref<40x1024xf32, #tpu.memory_space<vmem>>, vector<1x16xf32>,
      %add3A_421 = arith.constant 3 : i32
      %add3A_422 = arith.addi %mul3A_374, %add3A_421 : i32
      %mul3A_423 = arith.constant 16 : i32
      %mul3A_424 = arith.muli %add3A_422, %mul3A_423 : i32
      %get3A_425 = arith.index_cast %shift_right_logical3A_371 : i32 to index
      %get3A_426 = arith.index_cast %mul3A_424 : i32 to index
      %get3A_427 = tpu.vector_load %arg8[%get3A_425, %get3A_426] {strides = array<i32>} : memref<40x1024xf32, #tpu.memory_space<vmem>>, vector<1x16xf32>,
      %get3A_428 = vector.shape_cast %get3A_427 : vector<1x16xf32> to vector<16xf32>
      %mul3A_429 = arith.constant 3.200000e+01 : f32
      %mul3A_430 = vector.broadcast %mul3A_429 : f32 to vector<16xf32>
      %mul3A_431 = arith.mulf %get3A_428, %mul3A_430 : vector<16xf32>
      %swap3A_432 = arith.index_cast %shift_right_logical3A_371 : i32 to index
      %swap3A_433 = arith.index_cast %mul3A_424 : i32 to index
      %swap3A_434 = tpu.vector_load %arg8[%swap3A_432, %swap3A_433] {strides = array<i32>} : memref<40x1024xf32, #tpu.memory_space<vmem>>, vector<1x16xf32>,
      %swap3A_435 = vector.shape_cast %swap3A_434 : vector<1x16xf32> to vector<16xf32>
      %swap3A_436 = vector.shape_cast %mul3A_431 : vector<16xf32> to vector<1x16xf32>
      tpu.vector_store %arg8[%swap3A_432, %swap3A_433], %swap3A_436 {strides = array<i32>} : memref<40x1024xf32, #tpu.memory_space<vmem>>, vector<1x16xf32>,
      %add3A_437 = arith.constant 4 : i32
      %add3A_438 = arith.addi %mul3A_374, %add3A_437 : i32
      %mul3A_439 = arith.constant 16 : i32
      %mul3A_440 = arith.muli %add3A_438, %mul3A_439 : i32
      %get3A_441 = arith.index_cast %shift_right_logical3A_371 : i32 to index
      %get3A_442 = arith.index_cast %mul3A_440 : i32 to index
      %get3A_443 = tpu.vector_load %arg8[%get3A_441, %get3A_442] {strides = array<i32>} : memref<40x1024xf32, #tpu.memory_space<vmem>>, vector<1x16xf32>,
      %get3A_444 = vector.shape_cast %get3A_443 : vector<1x16xf32> to vector<16xf32>
      %mul3A_445 = arith.constant 3.200000e+01 : f32
      %mul3A_446 = vector.broadcast %mul3A_445 : f32 to vector<16xf32>
      %mul3A_447 = arith.mulf %get3A_444, %mul3A_446 : vector<16xf32>
      %swap3A_448 = arith.index_cast %shift_right_logical3A_371 : i32 to index
      %swap3A_449 = arith.index_cast %mul3A_440 : i32 to index
      %swap3A_450 = tpu.vector_load %arg8[%swap3A_448, %swap3A_449] {strides = array<i32>} : memref<40x1024xf32, #tpu.memory_space<vmem>>, vector<1x16xf32>,
      %swap3A_451 = vector.shape_cast %swap3A_450 : vector<1x16xf32> to vector<16xf32>
      %swap3A_452 = vector.shape_cast %mul3A_447 : vector<16xf32> to vector<1x16xf32>
      tpu.vector_store %arg8[%swap3A_448, %swap3A_449], %swap3A_452 {strides = array<i32>} : memref<40x1024xf32, #tpu.memory_space<vmem>>, vector<1x16xf32>,
      %add3A_453 = arith.constant 5 : i32
      %add3A_454 = arith.addi %mul3A_374, %add3A_453 : i32
      %mul3A_455 = arith.constant 16 : i32
      %mul3A_456 = arith.muli %add3A_454, %mul3A_455 : i32
      %get3A_457 = arith.index_cast %shift_right_logical3A_371 : i32 to index
      %get3A_458 = arith.index_cast %mul3A_456 : i32 to index
      %get3A_459 = tpu.vector_load %arg8[%get3A_457, %get3A_458] {strides = array<i32>} : memref<40x1024xf32, #tpu.memory_space<vmem>>, vector<1x16xf32>,
      %get3A_460 = vector.shape_cast %get3A_459 : vector<1x16xf32> to vector<16xf32>
      %mul3A_461 = arith.constant 3.200000e+01 : f32
      %mul3A_462 = vector.broadcast %mul3A_461 : f32 to vector<16xf32>
      %mul3A_463 = arith.mulf %get3A_460, %mul3A_462 : vector<16xf32>
      %swap3A_464 = arith.index_cast %shift_right_logical3A_371 : i32 to index
      %swap3A_465 = arith.index_cast %mul3A_456 : i32 to index
      %swap3A_466 = tpu.vector_load %arg8[%swap3A_464, %swap3A_465] {strides = array<i32>} : memref<40x1024xf32, #tpu.memory_space<vmem>>, vector<1x16xf32>,
      %swap3A_467 = vector.shape_cast %swap3A_466 : vector<1x16xf32> to vector<16xf32>
      %swap3A_468 = vector.shape_cast %mul3A_463 : vector<16xf32> to vector<1x16xf32>
      tpu.vector_store %arg8[%swap3A_464, %swap3A_465], %swap3A_468 {strides = array<i32>} : memref<40x1024xf32, #tpu.memory_space<vmem>>, vector<1x16xf32>,
      %add3A_469 = arith.constant 6 : i32
      %add3A_470 = arith.addi %mul3A_374, %add3A_469 : i32
      %mul3A_471 = arith.constant 16 : i32
      %mul3A_472 = arith.muli %add3A_470, %mul3A_471 : i32
      %get3A_473 = arith.index_cast %shift_right_logical3A_371 : i32 to index
      %get3A_474 = arith.index_cast %mul3A_472 : i32 to index
      %get3A_475 = tpu.vector_load %arg8[%get3A_473, %get3A_474] {strides = array<i32>} : memref<40x1024xf32, #tpu.memory_space<vmem>>, vector<1x16xf32>,
      %get3A_476 = vector.shape_cast %get3A_475 : vector<1x16xf32> to vector<16xf32>
      %mul3A_477 = arith.constant 3.200000e+01 : f32
      %mul3A_478 = vector.broadcast %mul3A_477 : f32 to vector<16xf32>
      %mul3A_479 = arith.mulf %get3A_476, %mul3A_478 : vector<16xf32>
      %swap3A_480 = arith.index_cast %shift_right_logical3A_371 : i32 to index
      %swap3A_481 = arith.index_cast %mul3A_472 : i32 to index
      %swap3A_482 = tpu.vector_load %arg8[%swap3A_480, %swap3A_481] {strides = array<i32>} : memref<40x1024xf32, #tpu.memory_space<vmem>>, vector<1x16xf32>,
      %swap3A_483 = vector.shape_cast %swap3A_482 : vector<1x16xf32> to vector<16xf32>
      %swap3A_484 = vector.shape_cast %mul3A_479 : vector<16xf32> to vector<1x16xf32>
      tpu.vector_store %arg8[%swap3A_480, %swap3A_481], %swap3A_484 {strides = array<i32>} : memref<40x1024xf32, #tpu.memory_space<vmem>>, vector<1x16xf32>,
      %add3A_485 = arith.constant 7 : i32
      %add3A_486 = arith.addi %mul3A_374, %add3A_485 : i32
      %mul3A_487 = arith.constant 16 : i32
      %mul3A_488 = arith.muli %add3A_486, %mul3A_487 : i32
      %get3A_489 = arith.index_cast %shift_right_logical3A_371 : i32 to index
      %get3A_490 = arith.index_cast %mul3A_488 : i32 to index
      %get3A_491 = tpu.vector_load %arg8[%get3A_489, %get3A_490] {strides = array<i32>} : memref<40x1024xf32, #tpu.memory_space<vmem>>, vector<1x16xf32>,
      %get3A_492 = vector.shape_cast %get3A_491 : vector<1x16xf32> to vector<16xf32>
      %mul3A_493 = arith.constant 3.200000e+01 : f32
      %mul3A_494 = vector.broadcast %mul3A_493 : f32 to vector<16xf32>
      %mul3A_495 = arith.mulf %get3A_492, %mul3A_494 : vector<16xf32>
      %swap3A_496 = arith.index_cast %shift_right_logical3A_371 : i32 to index
      %swap3A_497 = arith.index_cast %mul3A_488 : i32 to index
      %swap3A_498 = tpu.vector_load %arg8[%swap3A_496, %swap3A_497] {strides = array<i32>} : memref<40x1024xf32, #tpu.memory_space<vmem>>, vector<1x16xf32>,
      %swap3A_499 = vector.shape_cast %swap3A_498 : vector<1x16xf32> to vector<16xf32>
      %swap3A_500 = vector.shape_cast %mul3A_495 : vector<16xf32> to vector<1x16xf32>
      tpu.vector_store %arg8[%swap3A_496, %swap3A_497], %swap3A_500 {strides = array<i32>} : memref<40x1024xf32, #tpu.memory_space<vmem>>, vector<1x16xf32>,
      %add3A_501 = arith.constant 8 : i32
      %add3A_502 = arith.addi %mul3A_374, %add3A_501 : i32
      %mul3A_503 = arith.constant 16 : i32
      %mul3A_504 = arith.muli %add3A_502, %mul3A_503 : i32
      %get3A_505 = arith.index_cast %shift_right_logical3A_371 : i32 to index
      %get3A_506 = arith.index_cast %mul3A_504 : i32 to index
      %get3A_507 = tpu.vector_load %arg8[%get3A_505, %get3A_506] {strides = array<i32>} : memref<40x1024xf32, #tpu.memory_space<vmem>>, vector<1x16xf32>,
      %get3A_508 = vector.shape_cast %get3A_507 : vector<1x16xf32> to vector<16xf32>
      %mul3A_509 = arith.constant 3.200000e+01 : f32
      %mul3A_510 = vector.broadcast %mul3A_509 : f32 to vector<16xf32>
      %mul3A_511 = arith.mulf %get3A_508, %mul3A_510 : vector<16xf32>
      %swap3A_512 = arith.index_cast %shift_right_logical3A_371 : i32 to index
      %swap3A_513 = arith.index_cast %mul3A_504 : i32 to index
      %swap3A_514 = tpu.vector_load %arg8[%swap3A_512, %swap3A_513] {strides = array<i32>} : memref<40x1024xf32, #tpu.memory_space<vmem>>, vector<1x16xf32>,
      %swap3A_515 = vector.shape_cast %swap3A_514 : vector<1x16xf32> to vector<16xf32>
      %swap3A_516 = vector.shape_cast %mul3A_511 : vector<16xf32> to vector<1x16xf32>
      tpu.vector_store %arg8[%swap3A_512, %swap3A_513], %swap3A_516 {strides = array<i32>} : memref<40x1024xf32, #tpu.memory_space<vmem>>, vector<1x16xf32>,
      %add3A_517 = arith.constant 9 : i32
      %add3A_518 = arith.addi %mul3A_374, %add3A_517 : i32
      %mul3A_519 = arith.constant 16 : i32
      %mul3A_520 = arith.muli %add3A_518, %mul3A_519 : i32
      %get3A_521 = arith.index_cast %shift_right_logical3A_371 : i32 to index
      %get3A_522 = arith.index_cast %mul3A_520 : i32 to index
      %get3A_523 = tpu.vector_load %arg8[%get3A_521, %get3A_522] {strides = array<i32>} : memref<40x1024xf32, #tpu.memory_space<vmem>>, vector<1x16xf32>,
      %get3A_524 = vector.shape_cast %get3A_523 : vector<1x16xf32> to vector<16xf32>
      %mul3A_525 = arith.constant 3.200000e+01 : f32
      %mul3A_526 = vector.broadcast %mul3A_525 : f32 to vector<16xf32>
      %mul3A_527 = arith.mulf %get3A_524, %mul3A_526 : vector<16xf32>
      %swap3A_528 = arith.index_cast %shift_right_logical3A_371 : i32 to index
      %swap3A_529 = arith.index_cast %mul3A_520 : i32 to index
      %swap3A_530 = tpu.vector_load %arg8[%swap3A_528, %swap3A_529] {strides = array<i32>} : memref<40x1024xf32, #tpu.memory_space<vmem>>, vector<1x16xf32>,
      %swap3A_531 = vector.shape_cast %swap3A_530 : vector<1x16xf32> to vector<16xf32>
      %swap3A_532 = vector.shape_cast %mul3A_527 : vector<16xf32> to vector<1x16xf32>
      tpu.vector_store %arg8[%swap3A_528, %swap3A_529], %swap3A_532 {strides = array<i32>} : memref<40x1024xf32, #tpu.memory_space<vmem>>, vector<1x16xf32>,
      %add3A_533 = arith.constant 10 : i32
      %add3A_534 = arith.addi %mul3A_374, %add3A_533 : i32
      %mul3A_535 = arith.constant 16 : i32
      %mul3A_536 = arith.muli %add3A_534, %mul3A_535 : i32
      %get3A_537 = arith.index_cast %shift_right_logical3A_371 : i32 to index
      %get3A_538 = arith.index_cast %mul3A_536 : i32 to index
      %get3A_539 = tpu.vector_load %arg8[%get3A_537, %get3A_538] {strides = array<i32>} : memref<40x1024xf32, #tpu.memory_space<vmem>>, vector<1x16xf32>,
      %get3A_540 = vector.shape_cast %get3A_539 : vector<1x16xf32> to vector<16xf32>
      %mul3A_541 = arith.constant 3.200000e+01 : f32
      %mul3A_542 = vector.broadcast %mul3A_541 : f32 to vector<16xf32>
      %mul3A_543 = arith.mulf %get3A_540, %mul3A_542 : vector<16xf32>
      %swap3A_544 = arith.index_cast %shift_right_logical3A_371 : i32 to index
      %swap3A_545 = arith.index_cast %mul3A_536 : i32 to index
      %swap3A_546 = tpu.vector_load %arg8[%swap3A_544, %swap3A_545] {strides = array<i32>} : memref<40x1024xf32, #tpu.memory_space<vmem>>, vector<1x16xf32>,
      %swap3A_547 = vector.shape_cast %swap3A_546 : vector<1x16xf32> to vector<16xf32>
      %swap3A_548 = vector.shape_cast %mul3A_543 : vector<16xf32> to vector<1x16xf32>
      tpu.vector_store %arg8[%swap3A_544, %swap3A_545], %swap3A_548 {strides = array<i32>} : memref<40x1024xf32, #tpu.memory_space<vmem>>, vector<1x16xf32>,
      %add3A_549 = arith.constant 11 : i32
      %add3A_550 = arith.addi %mul3A_374, %add3A_549 : i32
      %mul3A_551 = arith.constant 16 : i32
      %mul3A_552 = arith.muli %add3A_550, %mul3A_551 : i32
      %get3A_553 = arith.index_cast %shift_right_logical3A_371 : i32 to index
      %get3A_554 = arith.index_cast %mul3A_552 : i32 to index
      %get3A_555 = tpu.vector_load %arg8[%get3A_553, %get3A_554] {strides = array<i32>} : memref<40x1024xf32, #tpu.memory_space<vmem>>, vector<1x16xf32>,
      %get3A_556 = vector.shape_cast %get3A_555 : vector<1x16xf32> to vector<16xf32>
      %mul3A_557 = arith.constant 3.200000e+01 : f32
      %mul3A_558 = vector.broadcast %mul3A_557 : f32 to vector<16xf32>
      %mul3A_559 = arith.mulf %get3A_556, %mul3A_558 : vector<16xf32>
      %swap3A_560 = arith.index_cast %shift_right_logical3A_371 : i32 to index
      %swap3A_561 = arith.index_cast %mul3A_552 : i32 to index
      %swap3A_562 = tpu.vector_load %arg8[%swap3A_560, %swap3A_561] {strides = array<i32>} : memref<40x1024xf32, #tpu.memory_space<vmem>>, vector<1x16xf32>,
      %swap3A_563 = vector.shape_cast %swap3A_562 : vector<1x16xf32> to vector<16xf32>
      %swap3A_564 = vector.shape_cast %mul3A_559 : vector<16xf32> to vector<1x16xf32>
      tpu.vector_store %arg8[%swap3A_560, %swap3A_561], %swap3A_564 {strides = array<i32>} : memref<40x1024xf32, #tpu.memory_space<vmem>>, vector<1x16xf32>,
      %add3A_565 = arith.constant 12 : i32
      %add3A_566 = arith.addi %mul3A_374, %add3A_565 : i32
      %mul3A_567 = arith.constant 16 : i32
      %mul3A_568 = arith.muli %add3A_566, %mul3A_567 : i32
      %get3A_569 = arith.index_cast %shift_right_logical3A_371 : i32 to index
      %get3A_570 = arith.index_cast %mul3A_568 : i32 to index
      %get3A_571 = tpu.vector_load %arg8[%get3A_569, %get3A_570] {strides = array<i32>} : memref<40x1024xf32, #tpu.memory_space<vmem>>, vector<1x16xf32>,
      %get3A_572 = vector.shape_cast %get3A_571 : vector<1x16xf32> to vector<16xf32>
      %mul3A_573 = arith.constant 3.200000e+01 : f32
      %mul3A_574 = vector.broadcast %mul3A_573 : f32 to vector<16xf32>
      %mul3A_575 = arith.mulf %get3A_572, %mul3A_574 : vector<16xf32>
      %swap3A_576 = arith.index_cast %shift_right_logical3A_371 : i32 to index
      %swap3A_577 = arith.index_cast %mul3A_568 : i32 to index
      %swap3A_578 = tpu.vector_load %arg8[%swap3A_576, %swap3A_577] {strides = array<i32>} : memref<40x1024xf32, #tpu.memory_space<vmem>>, vector<1x16xf32>,
      %swap3A_579 = vector.shape_cast %swap3A_578 : vector<1x16xf32> to vector<16xf32>
      %swap3A_580 = vector.shape_cast %mul3A_575 : vector<16xf32> to vector<1x16xf32>
      tpu.vector_store %arg8[%swap3A_576, %swap3A_577], %swap3A_580 {strides = array<i32>} : memref<40x1024xf32, #tpu.memory_space<vmem>>, vector<1x16xf32>,
      %add3A_581 = arith.constant 13 : i32
      %add3A_582 = arith.addi %mul3A_374, %add3A_581 : i32
      %mul3A_583 = arith.constant 16 : i32
      %mul3A_584 = arith.muli %add3A_582, %mul3A_583 : i32
      %get3A_585 = arith.index_cast %shift_right_logical3A_371 : i32 to index
      %get3A_586 = arith.index_cast %mul3A_584 : i32 to index
      %get3A_587 = tpu.vector_load %arg8[%get3A_585, %get3A_586] {strides = array<i32>} : memref<40x1024xf32, #tpu.memory_space<vmem>>, vector<1x16xf32>,
      %get3A_588 = vector.shape_cast %get3A_587 : vector<1x16xf32> to vector<16xf32>
      %mul3A_589 = arith.constant 3.200000e+01 : f32
      %mul3A_590 = vector.broadcast %mul3A_589 : f32 to vector<16xf32>
      %mul3A_591 = arith.mulf %get3A_588, %mul3A_590 : vector<16xf32>
      %swap3A_592 = arith.index_cast %shift_right_logical3A_371 : i32 to index
      %swap3A_593 = arith.index_cast %mul3A_584 : i32 to index
      %swap3A_594 = tpu.vector_load %arg8[%swap3A_592, %swap3A_593] {strides = array<i32>} : memref<40x1024xf32, #tpu.memory_space<vmem>>, vector<1x16xf32>,
      %swap3A_595 = vector.shape_cast %swap3A_594 : vector<1x16xf32> to vector<16xf32>
      %swap3A_596 = vector.shape_cast %mul3A_591 : vector<16xf32> to vector<1x16xf32>
      tpu.vector_store %arg8[%swap3A_592, %swap3A_593], %swap3A_596 {strides = array<i32>} : memref<40x1024xf32, #tpu.memory_space<vmem>>, vector<1x16xf32>,
      %add3A_597 = arith.constant 14 : i32
      %add3A_598 = arith.addi %mul3A_374, %add3A_597 : i32
      %mul3A_599 = arith.constant 16 : i32
      %mul3A_600 = arith.muli %add3A_598, %mul3A_599 : i32
      %get3A_601 = arith.index_cast %shift_right_logical3A_371 : i32 to index
      %get3A_602 = arith.index_cast %mul3A_600 : i32 to index
      %get3A_603 = tpu.vector_load %arg8[%get3A_601, %get3A_602] {strides = array<i32>} : memref<40x1024xf32, #tpu.memory_space<vmem>>, vector<1x16xf32>,
      %get3A_604 = vector.shape_cast %get3A_603 : vector<1x16xf32> to vector<16xf32>
      %mul3A_605 = arith.constant 3.200000e+01 : f32
      %mul3A_606 = vector.broadcast %mul3A_605 : f32 to vector<16xf32>
      %mul3A_607 = arith.mulf %get3A_604, %mul3A_606 : vector<16xf32>
      %swap3A_608 = arith.index_cast %shift_right_logical3A_371 : i32 to index
      %swap3A_609 = arith.index_cast %mul3A_600 : i32 to index
      %swap3A_610 = tpu.vector_load %arg8[%swap3A_608, %swap3A_609] {strides = array<i32>} : memref<40x1024xf32, #tpu.memory_space<vmem>>, vector<1x16xf32>,
      %swap3A_611 = vector.shape_cast %swap3A_610 : vector<1x16xf32> to vector<16xf32>
      %swap3A_612 = vector.shape_cast %mul3A_607 : vector<16xf32> to vector<1x16xf32>
      tpu.vector_store %arg8[%swap3A_608, %swap3A_609], %swap3A_612 {strides = array<i32>} : memref<40x1024xf32, #tpu.memory_space<vmem>>, vector<1x16xf32>,
      %add3A_613 = arith.constant 15 : i32
      %add3A_614 = arith.addi %mul3A_374, %add3A_613 : i32
      %mul3A_615 = arith.constant 16 : i32
      %mul3A_616 = arith.muli %add3A_614, %mul3A_615 : i32
      %get3A_617 = arith.index_cast %shift_right_logical3A_371 : i32 to index
      %get3A_618 = arith.index_cast %mul3A_616 : i32 to index
      %get3A_619 = tpu.vector_load %arg8[%get3A_617, %get3A_618] {strides = array<i32>} : memref<40x1024xf32, #tpu.memory_space<vmem>>, vector<1x16xf32>,
      %get3A_620 = vector.shape_cast %get3A_619 : vector<1x16xf32> to vector<16xf32>
      %mul3A_621 = arith.constant 3.200000e+01 : f32
      %mul3A_622 = vector.broadcast %mul3A_621 : f32 to vector<16xf32>
      %mul3A_623 = arith.mulf %get3A_620, %mul3A_622 : vector<16xf32>
      %swap3A_624 = arith.index_cast %shift_right_logical3A_371 : i32 to index
      %swap3A_625 = arith.index_cast %mul3A_616 : i32 to index
      %swap3A_626 = tpu.vector_load %arg8[%swap3A_624, %swap3A_625] {strides = array<i32>} : memref<40x1024xf32, #tpu.memory_space<vmem>>, vector<1x16xf32>,
      %swap3A_627 = vector.shape_cast %swap3A_626 : vector<1x16xf32> to vector<16xf32>
      %swap3A_628 = vector.shape_cast %mul3A_623 : vector<16xf32> to vector<1x16xf32>
      tpu.vector_store %arg8[%swap3A_624, %swap3A_625], %swap3A_628 {strides = array<i32>} : memref<40x1024xf32, #tpu.memory_space<vmem>>, vector<1x16xf32>,
      %scan3A_629 = arith.constant 0 : i32
      scf.yield %scan3A_629 : i32
    }
    %scan3A_317 = arith.constant 160 : i32
    %add3A_318 = arith.constant 440 : i32
    %add3A_319 = arith.addi %mul3A_2, %add3A_318 : i32
    %dma_start3A_320 = arith.constant 0 : i32
    %dma_start3A_321 = tpu.memref_slice %arg4[%add3A_319, %dma_start3A_320] : memref<16384x1024xf32, #tpu.memory_space<hbm>> -> memref<40x1024xf32, #tpu.memory_space<hbm>>
    %dma_start3A_322 = arith.constant 0 : i32
    %dma_start3A_323 = tpu.memref_slice %arg4[%add3A_319, %dma_start3A_322] : memref<16384x1024xf32, #tpu.memory_space<hbm>> -> memref<40x1024xf32, #tpu.memory_space<hbm>>
    tpu.enqueue_dma source(%arg8 : memref<40x1024xf32, #tpu.memory_space<vmem>>) target(%dma_start3A_323 : memref<40x1024xf32, #tpu.memory_space<hbm>>) target_semaphore(%arg14 : memref<!tpu.dma_semaphore, #tpu.memory_space<semaphore_mem>>)
    %dma_wait3A_324 = arith.constant 0 : i32
    %dma_wait3A_325 = arith.constant 0 : i32
    %dma_wait3A_326 = tpu.memref_slice %arg6[%dma_wait3A_324, %dma_wait3A_325] : memref<40x1024xf32, #tpu.memory_space<vmem>> -> memref<32x1024xf32, #tpu.memory_space<vmem>>
    %dma_wait3A_327 = arith.constant 480 : i32
    %dma_wait3A_328 = tpu.memref_slice %arg5[%dma_wait3A_327] : memref<512xi32, #tpu.memory_space<vmem>> -> memref<32xi32, #tpu.memory_space<vmem>>
    %dma_wait3A_329 = arith.constant 0 : i32
    %dma_wait3A_330 = arith.constant 0 : i32
    %dma_wait3A_331 = tpu.memref_slice %arg3[%dma_wait3A_329, %dma_wait3A_330] : memref<100000x1024xf32, #tpu.memory_space<hbm>> -> memref<100000x1024xf32, #tpu.memory_space<hbm>>
    tpu.wait_indirect_dma semaphore(%arg9 : memref<!tpu.dma_semaphore, #tpu.memory_space<semaphore_mem>>) src(%dma_wait3A_331 : memref<100000x1024xf32, #tpu.memory_space<hbm>>) dst(%dma_wait3A_326 : memref<32x1024xf32, #tpu.memory_space<vmem>>)
    %scan3A_332 = arith.constant 0 : i32
    %scan3A_333 = arith.constant 0 : i32
    %scan3A_334 = arith.constant 128 : i32
    %scan3A_335 = arith.addi %scan3A_333, %scan3A_334 : i32
    %scan3A_336 = arith.constant 1 : i32
    %scan3A_337 = scf.for %scan3A_369 = %scan3A_333 to %scan3A_335 step %scan3A_336 iter_args(%scan3A_370 = %scan3A_332) -> (i32)  : i32 {
      %shift_right_logical3A = arith.constant 2 : i32
      %shift_right_logical3A_371 = arith.shrui %scan3A_369, %shift_right_logical3A : i32
      %and3A = arith.constant 3 : i32
      %and3A_372 = arith.andi %scan3A_369, %and3A : i32
      %mul3A_373 = arith.constant 16 : i32
      %mul3A_374 = arith.muli %and3A_372, %mul3A_373 : i32
      %add3A_375 = arith.constant 0 : i32
      %add3A_376 = arith.addi %mul3A_374, %add3A_375 : i32
      %mul3A_377 = arith.constant 16 : i32
      %mul3A_378 = arith.muli %add3A_376, %mul3A_377 : i32
      %get3A = arith.index_cast %shift_right_logical3A_371 : i32 to index
      %get3A_379 = arith.index_cast %mul3A_378 : i32 to index
      %get3A_380 = tpu.vector_load %arg6[%get3A, %get3A_379] {strides = array<i32>} : memref<40x1024xf32, #tpu.memory_space<vmem>>, vector<1x16xf32>,
      %get3A_381 = vector.shape_cast %get3A_380 : vector<1x16xf32> to vector<16xf32>
      %mul3A_382 = arith.constant 3.200000e+01 : f32
      %mul3A_383 = vector.broadcast %mul3A_382 : f32 to vector<16xf32>
      %mul3A_384 = arith.mulf %get3A_381, %mul3A_383 : vector<16xf32>
      %swap3A = arith.index_cast %shift_right_logical3A_371 : i32 to index
      %swap3A_385 = arith.index_cast %mul3A_378 : i32 to index
      %swap3A_386 = tpu.vector_load %arg6[%swap3A, %swap3A_385] {strides = array<i32>} : memref<40x1024xf32, #tpu.memory_space<vmem>>, vector<1x16xf32>,
      %swap3A_387 = vector.shape_cast %swap3A_386 : vector<1x16xf32> to vector<16xf32>
      %swap3A_388 = vector.shape_cast %mul3A_384 : vector<16xf32> to vector<1x16xf32>
      tpu.vector_store %arg6[%swap3A, %swap3A_385], %swap3A_388 {strides = array<i32>} : memref<40x1024xf32, #tpu.memory_space<vmem>>, vector<1x16xf32>,
      %add3A_389 = arith.constant 1 : i32
      %add3A_390 = arith.addi %mul3A_374, %add3A_389 : i32
      %mul3A_391 = arith.constant 16 : i32
      %mul3A_392 = arith.muli %add3A_390, %mul3A_391 : i32
      %get3A_393 = arith.index_cast %shift_right_logical3A_371 : i32 to index
      %get3A_394 = arith.index_cast %mul3A_392 : i32 to index
      %get3A_395 = tpu.vector_load %arg6[%get3A_393, %get3A_394] {strides = array<i32>} : memref<40x1024xf32, #tpu.memory_space<vmem>>, vector<1x16xf32>,
      %get3A_396 = vector.shape_cast %get3A_395 : vector<1x16xf32> to vector<16xf32>
      %mul3A_397 = arith.constant 3.200000e+01 : f32
      %mul3A_398 = vector.broadcast %mul3A_397 : f32 to vector<16xf32>
      %mul3A_399 = arith.mulf %get3A_396, %mul3A_398 : vector<16xf32>
      %swap3A_400 = arith.index_cast %shift_right_logical3A_371 : i32 to index
      %swap3A_401 = arith.index_cast %mul3A_392 : i32 to index
      %swap3A_402 = tpu.vector_load %arg6[%swap3A_400, %swap3A_401] {strides = array<i32>} : memref<40x1024xf32, #tpu.memory_space<vmem>>, vector<1x16xf32>,
      %swap3A_403 = vector.shape_cast %swap3A_402 : vector<1x16xf32> to vector<16xf32>
      %swap3A_404 = vector.shape_cast %mul3A_399 : vector<16xf32> to vector<1x16xf32>
      tpu.vector_store %arg6[%swap3A_400, %swap3A_401], %swap3A_404 {strides = array<i32>} : memref<40x1024xf32, #tpu.memory_space<vmem>>, vector<1x16xf32>,
      %add3A_405 = arith.constant 2 : i32
      %add3A_406 = arith.addi %mul3A_374, %add3A_405 : i32
      %mul3A_407 = arith.constant 16 : i32
      %mul3A_408 = arith.muli %add3A_406, %mul3A_407 : i32
      %get3A_409 = arith.index_cast %shift_right_logical3A_371 : i32 to index
      %get3A_410 = arith.index_cast %mul3A_408 : i32 to index
      %get3A_411 = tpu.vector_load %arg6[%get3A_409, %get3A_410] {strides = array<i32>} : memref<40x1024xf32, #tpu.memory_space<vmem>>, vector<1x16xf32>,
      %get3A_412 = vector.shape_cast %get3A_411 : vector<1x16xf32> to vector<16xf32>
      %mul3A_413 = arith.constant 3.200000e+01 : f32
      %mul3A_414 = vector.broadcast %mul3A_413 : f32 to vector<16xf32>
      %mul3A_415 = arith.mulf %get3A_412, %mul3A_414 : vector<16xf32>
      %swap3A_416 = arith.index_cast %shift_right_logical3A_371 : i32 to index
      %swap3A_417 = arith.index_cast %mul3A_408 : i32 to index
      %swap3A_418 = tpu.vector_load %arg6[%swap3A_416, %swap3A_417] {strides = array<i32>} : memref<40x1024xf32, #tpu.memory_space<vmem>>, vector<1x16xf32>,
      %swap3A_419 = vector.shape_cast %swap3A_418 : vector<1x16xf32> to vector<16xf32>
      %swap3A_420 = vector.shape_cast %mul3A_415 : vector<16xf32> to vector<1x16xf32>
      tpu.vector_store %arg6[%swap3A_416, %swap3A_417], %swap3A_420 {strides = array<i32>} : memref<40x1024xf32, #tpu.memory_space<vmem>>, vector<1x16xf32>,
      %add3A_421 = arith.constant 3 : i32
      %add3A_422 = arith.addi %mul3A_374, %add3A_421 : i32
      %mul3A_423 = arith.constant 16 : i32
      %mul3A_424 = arith.muli %add3A_422, %mul3A_423 : i32
      %get3A_425 = arith.index_cast %shift_right_logical3A_371 : i32 to index
      %get3A_426 = arith.index_cast %mul3A_424 : i32 to index
      %get3A_427 = tpu.vector_load %arg6[%get3A_425, %get3A_426] {strides = array<i32>} : memref<40x1024xf32, #tpu.memory_space<vmem>>, vector<1x16xf32>,
      %get3A_428 = vector.shape_cast %get3A_427 : vector<1x16xf32> to vector<16xf32>
      %mul3A_429 = arith.constant 3.200000e+01 : f32
      %mul3A_430 = vector.broadcast %mul3A_429 : f32 to vector<16xf32>
      %mul3A_431 = arith.mulf %get3A_428, %mul3A_430 : vector<16xf32>
      %swap3A_432 = arith.index_cast %shift_right_logical3A_371 : i32 to index
      %swap3A_433 = arith.index_cast %mul3A_424 : i32 to index
      %swap3A_434 = tpu.vector_load %arg6[%swap3A_432, %swap3A_433] {strides = array<i32>} : memref<40x1024xf32, #tpu.memory_space<vmem>>, vector<1x16xf32>,
      %swap3A_435 = vector.shape_cast %swap3A_434 : vector<1x16xf32> to vector<16xf32>
      %swap3A_436 = vector.shape_cast %mul3A_431 : vector<16xf32> to vector<1x16xf32>
      tpu.vector_store %arg6[%swap3A_432, %swap3A_433], %swap3A_436 {strides = array<i32>} : memref<40x1024xf32, #tpu.memory_space<vmem>>, vector<1x16xf32>,
      %add3A_437 = arith.constant 4 : i32
      %add3A_438 = arith.addi %mul3A_374, %add3A_437 : i32
      %mul3A_439 = arith.constant 16 : i32
      %mul3A_440 = arith.muli %add3A_438, %mul3A_439 : i32
      %get3A_441 = arith.index_cast %shift_right_logical3A_371 : i32 to index
      %get3A_442 = arith.index_cast %mul3A_440 : i32 to index
      %get3A_443 = tpu.vector_load %arg6[%get3A_441, %get3A_442] {strides = array<i32>} : memref<40x1024xf32, #tpu.memory_space<vmem>>, vector<1x16xf32>,
      %get3A_444 = vector.shape_cast %get3A_443 : vector<1x16xf32> to vector<16xf32>
      %mul3A_445 = arith.constant 3.200000e+01 : f32
      %mul3A_446 = vector.broadcast %mul3A_445 : f32 to vector<16xf32>
      %mul3A_447 = arith.mulf %get3A_444, %mul3A_446 : vector<16xf32>
      %swap3A_448 = arith.index_cast %shift_right_logical3A_371 : i32 to index
      %swap3A_449 = arith.index_cast %mul3A_440 : i32 to index
      %swap3A_450 = tpu.vector_load %arg6[%swap3A_448, %swap3A_449] {strides = array<i32>} : memref<40x1024xf32, #tpu.memory_space<vmem>>, vector<1x16xf32>,
      %swap3A_451 = vector.shape_cast %swap3A_450 : vector<1x16xf32> to vector<16xf32>
      %swap3A_452 = vector.shape_cast %mul3A_447 : vector<16xf32> to vector<1x16xf32>
      tpu.vector_store %arg6[%swap3A_448, %swap3A_449], %swap3A_452 {strides = array<i32>} : memref<40x1024xf32, #tpu.memory_space<vmem>>, vector<1x16xf32>,
      %add3A_453 = arith.constant 5 : i32
      %add3A_454 = arith.addi %mul3A_374, %add3A_453 : i32
      %mul3A_455 = arith.constant 16 : i32
      %mul3A_456 = arith.muli %add3A_454, %mul3A_455 : i32
      %get3A_457 = arith.index_cast %shift_right_logical3A_371 : i32 to index
      %get3A_458 = arith.index_cast %mul3A_456 : i32 to index
      %get3A_459 = tpu.vector_load %arg6[%get3A_457, %get3A_458] {strides = array<i32>} : memref<40x1024xf32, #tpu.memory_space<vmem>>, vector<1x16xf32>,
      %get3A_460 = vector.shape_cast %get3A_459 : vector<1x16xf32> to vector<16xf32>
      %mul3A_461 = arith.constant 3.200000e+01 : f32
      %mul3A_462 = vector.broadcast %mul3A_461 : f32 to vector<16xf32>
      %mul3A_463 = arith.mulf %get3A_460, %mul3A_462 : vector<16xf32>
      %swap3A_464 = arith.index_cast %shift_right_logical3A_371 : i32 to index
      %swap3A_465 = arith.index_cast %mul3A_456 : i32 to index
      %swap3A_466 = tpu.vector_load %arg6[%swap3A_464, %swap3A_465] {strides = array<i32>} : memref<40x1024xf32, #tpu.memory_space<vmem>>, vector<1x16xf32>,
      %swap3A_467 = vector.shape_cast %swap3A_466 : vector<1x16xf32> to vector<16xf32>
      %swap3A_468 = vector.shape_cast %mul3A_463 : vector<16xf32> to vector<1x16xf32>
      tpu.vector_store %arg6[%swap3A_464, %swap3A_465], %swap3A_468 {strides = array<i32>} : memref<40x1024xf32, #tpu.memory_space<vmem>>, vector<1x16xf32>,
      %add3A_469 = arith.constant 6 : i32
      %add3A_470 = arith.addi %mul3A_374, %add3A_469 : i32
      %mul3A_471 = arith.constant 16 : i32
      %mul3A_472 = arith.muli %add3A_470, %mul3A_471 : i32
      %get3A_473 = arith.index_cast %shift_right_logical3A_371 : i32 to index
      %get3A_474 = arith.index_cast %mul3A_472 : i32 to index
      %get3A_475 = tpu.vector_load %arg6[%get3A_473, %get3A_474] {strides = array<i32>} : memref<40x1024xf32, #tpu.memory_space<vmem>>, vector<1x16xf32>,
      %get3A_476 = vector.shape_cast %get3A_475 : vector<1x16xf32> to vector<16xf32>
      %mul3A_477 = arith.constant 3.200000e+01 : f32
      %mul3A_478 = vector.broadcast %mul3A_477 : f32 to vector<16xf32>
      %mul3A_479 = arith.mulf %get3A_476, %mul3A_478 : vector<16xf32>
      %swap3A_480 = arith.index_cast %shift_right_logical3A_371 : i32 to index
      %swap3A_481 = arith.index_cast %mul3A_472 : i32 to index
      %swap3A_482 = tpu.vector_load %arg6[%swap3A_480, %swap3A_481] {strides = array<i32>} : memref<40x1024xf32, #tpu.memory_space<vmem>>, vector<1x16xf32>,
      %swap3A_483 = vector.shape_cast %swap3A_482 : vector<1x16xf32> to vector<16xf32>
      %swap3A_484 = vector.shape_cast %mul3A_479 : vector<16xf32> to vector<1x16xf32>
      tpu.vector_store %arg6[%swap3A_480, %swap3A_481], %swap3A_484 {strides = array<i32>} : memref<40x1024xf32, #tpu.memory_space<vmem>>, vector<1x16xf32>,
      %add3A_485 = arith.constant 7 : i32
      %add3A_486 = arith.addi %mul3A_374, %add3A_485 : i32
      %mul3A_487 = arith.constant 16 : i32
      %mul3A_488 = arith.muli %add3A_486, %mul3A_487 : i32
      %get3A_489 = arith.index_cast %shift_right_logical3A_371 : i32 to index
      %get3A_490 = arith.index_cast %mul3A_488 : i32 to index
      %get3A_491 = tpu.vector_load %arg6[%get3A_489, %get3A_490] {strides = array<i32>} : memref<40x1024xf32, #tpu.memory_space<vmem>>, vector<1x16xf32>,
      %get3A_492 = vector.shape_cast %get3A_491 : vector<1x16xf32> to vector<16xf32>
      %mul3A_493 = arith.constant 3.200000e+01 : f32
      %mul3A_494 = vector.broadcast %mul3A_493 : f32 to vector<16xf32>
      %mul3A_495 = arith.mulf %get3A_492, %mul3A_494 : vector<16xf32>
      %swap3A_496 = arith.index_cast %shift_right_logical3A_371 : i32 to index
      %swap3A_497 = arith.index_cast %mul3A_488 : i32 to index
      %swap3A_498 = tpu.vector_load %arg6[%swap3A_496, %swap3A_497] {strides = array<i32>} : memref<40x1024xf32, #tpu.memory_space<vmem>>, vector<1x16xf32>,
      %swap3A_499 = vector.shape_cast %swap3A_498 : vector<1x16xf32> to vector<16xf32>
      %swap3A_500 = vector.shape_cast %mul3A_495 : vector<16xf32> to vector<1x16xf32>
      tpu.vector_store %arg6[%swap3A_496, %swap3A_497], %swap3A_500 {strides = array<i32>} : memref<40x1024xf32, #tpu.memory_space<vmem>>, vector<1x16xf32>,
      %add3A_501 = arith.constant 8 : i32
      %add3A_502 = arith.addi %mul3A_374, %add3A_501 : i32
      %mul3A_503 = arith.constant 16 : i32
      %mul3A_504 = arith.muli %add3A_502, %mul3A_503 : i32
      %get3A_505 = arith.index_cast %shift_right_logical3A_371 : i32 to index
      %get3A_506 = arith.index_cast %mul3A_504 : i32 to index
      %get3A_507 = tpu.vector_load %arg6[%get3A_505, %get3A_506] {strides = array<i32>} : memref<40x1024xf32, #tpu.memory_space<vmem>>, vector<1x16xf32>,
      %get3A_508 = vector.shape_cast %get3A_507 : vector<1x16xf32> to vector<16xf32>
      %mul3A_509 = arith.constant 3.200000e+01 : f32
      %mul3A_510 = vector.broadcast %mul3A_509 : f32 to vector<16xf32>
      %mul3A_511 = arith.mulf %get3A_508, %mul3A_510 : vector<16xf32>
      %swap3A_512 = arith.index_cast %shift_right_logical3A_371 : i32 to index
      %swap3A_513 = arith.index_cast %mul3A_504 : i32 to index
      %swap3A_514 = tpu.vector_load %arg6[%swap3A_512, %swap3A_513] {strides = array<i32>} : memref<40x1024xf32, #tpu.memory_space<vmem>>, vector<1x16xf32>,
      %swap3A_515 = vector.shape_cast %swap3A_514 : vector<1x16xf32> to vector<16xf32>
      %swap3A_516 = vector.shape_cast %mul3A_511 : vector<16xf32> to vector<1x16xf32>
      tpu.vector_store %arg6[%swap3A_512, %swap3A_513], %swap3A_516 {strides = array<i32>} : memref<40x1024xf32, #tpu.memory_space<vmem>>, vector<1x16xf32>,
      %add3A_517 = arith.constant 9 : i32
      %add3A_518 = arith.addi %mul3A_374, %add3A_517 : i32
      %mul3A_519 = arith.constant 16 : i32
      %mul3A_520 = arith.muli %add3A_518, %mul3A_519 : i32
      %get3A_521 = arith.index_cast %shift_right_logical3A_371 : i32 to index
      %get3A_522 = arith.index_cast %mul3A_520 : i32 to index
      %get3A_523 = tpu.vector_load %arg6[%get3A_521, %get3A_522] {strides = array<i32>} : memref<40x1024xf32, #tpu.memory_space<vmem>>, vector<1x16xf32>,
      %get3A_524 = vector.shape_cast %get3A_523 : vector<1x16xf32> to vector<16xf32>
      %mul3A_525 = arith.constant 3.200000e+01 : f32
      %mul3A_526 = vector.broadcast %mul3A_525 : f32 to vector<16xf32>
      %mul3A_527 = arith.mulf %get3A_524, %mul3A_526 : vector<16xf32>
      %swap3A_528 = arith.index_cast %shift_right_logical3A_371 : i32 to index
      %swap3A_529 = arith.index_cast %mul3A_520 : i32 to index
      %swap3A_530 = tpu.vector_load %arg6[%swap3A_528, %swap3A_529] {strides = array<i32>} : memref<40x1024xf32, #tpu.memory_space<vmem>>, vector<1x16xf32>,
      %swap3A_531 = vector.shape_cast %swap3A_530 : vector<1x16xf32> to vector<16xf32>
      %swap3A_532 = vector.shape_cast %mul3A_527 : vector<16xf32> to vector<1x16xf32>
      tpu.vector_store %arg6[%swap3A_528, %swap3A_529], %swap3A_532 {strides = array<i32>} : memref<40x1024xf32, #tpu.memory_space<vmem>>, vector<1x16xf32>,
      %add3A_533 = arith.constant 10 : i32
      %add3A_534 = arith.addi %mul3A_374, %add3A_533 : i32
      %mul3A_535 = arith.constant 16 : i32
      %mul3A_536 = arith.muli %add3A_534, %mul3A_535 : i32
      %get3A_537 = arith.index_cast %shift_right_logical3A_371 : i32 to index
      %get3A_538 = arith.index_cast %mul3A_536 : i32 to index
      %get3A_539 = tpu.vector_load %arg6[%get3A_537, %get3A_538] {strides = array<i32>} : memref<40x1024xf32, #tpu.memory_space<vmem>>, vector<1x16xf32>,
      %get3A_540 = vector.shape_cast %get3A_539 : vector<1x16xf32> to vector<16xf32>
      %mul3A_541 = arith.constant 3.200000e+01 : f32
      %mul3A_542 = vector.broadcast %mul3A_541 : f32 to vector<16xf32>
      %mul3A_543 = arith.mulf %get3A_540, %mul3A_542 : vector<16xf32>
      %swap3A_544 = arith.index_cast %shift_right_logical3A_371 : i32 to index
      %swap3A_545 = arith.index_cast %mul3A_536 : i32 to index
      %swap3A_546 = tpu.vector_load %arg6[%swap3A_544, %swap3A_545] {strides = array<i32>} : memref<40x1024xf32, #tpu.memory_space<vmem>>, vector<1x16xf32>,
      %swap3A_547 = vector.shape_cast %swap3A_546 : vector<1x16xf32> to vector<16xf32>
      %swap3A_548 = vector.shape_cast %mul3A_543 : vector<16xf32> to vector<1x16xf32>
      tpu.vector_store %arg6[%swap3A_544, %swap3A_545], %swap3A_548 {strides = array<i32>} : memref<40x1024xf32, #tpu.memory_space<vmem>>, vector<1x16xf32>,
      %add3A_549 = arith.constant 11 : i32
      %add3A_550 = arith.addi %mul3A_374, %add3A_549 : i32
      %mul3A_551 = arith.constant 16 : i32
      %mul3A_552 = arith.muli %add3A_550, %mul3A_551 : i32
      %get3A_553 = arith.index_cast %shift_right_logical3A_371 : i32 to index
      %get3A_554 = arith.index_cast %mul3A_552 : i32 to index
      %get3A_555 = tpu.vector_load %arg6[%get3A_553, %get3A_554] {strides = array<i32>} : memref<40x1024xf32, #tpu.memory_space<vmem>>, vector<1x16xf32>,
      %get3A_556 = vector.shape_cast %get3A_555 : vector<1x16xf32> to vector<16xf32>
      %mul3A_557 = arith.constant 3.200000e+01 : f32
      %mul3A_558 = vector.broadcast %mul3A_557 : f32 to vector<16xf32>
      %mul3A_559 = arith.mulf %get3A_556, %mul3A_558 : vector<16xf32>
      %swap3A_560 = arith.index_cast %shift_right_logical3A_371 : i32 to index
      %swap3A_561 = arith.index_cast %mul3A_552 : i32 to index
      %swap3A_562 = tpu.vector_load %arg6[%swap3A_560, %swap3A_561] {strides = array<i32>} : memref<40x1024xf32, #tpu.memory_space<vmem>>, vector<1x16xf32>,
      %swap3A_563 = vector.shape_cast %swap3A_562 : vector<1x16xf32> to vector<16xf32>
      %swap3A_564 = vector.shape_cast %mul3A_559 : vector<16xf32> to vector<1x16xf32>
      tpu.vector_store %arg6[%swap3A_560, %swap3A_561], %swap3A_564 {strides = array<i32>} : memref<40x1024xf32, #tpu.memory_space<vmem>>, vector<1x16xf32>,
      %add3A_565 = arith.constant 12 : i32
      %add3A_566 = arith.addi %mul3A_374, %add3A_565 : i32
      %mul3A_567 = arith.constant 16 : i32
      %mul3A_568 = arith.muli %add3A_566, %mul3A_567 : i32
      %get3A_569 = arith.index_cast %shift_right_logical3A_371 : i32 to index
      %get3A_570 = arith.index_cast %mul3A_568 : i32 to index
      %get3A_571 = tpu.vector_load %arg6[%get3A_569, %get3A_570] {strides = array<i32>} : memref<40x1024xf32, #tpu.memory_space<vmem>>, vector<1x16xf32>,
      %get3A_572 = vector.shape_cast %get3A_571 : vector<1x16xf32> to vector<16xf32>
      %mul3A_573 = arith.constant 3.200000e+01 : f32
      %mul3A_574 = vector.broadcast %mul3A_573 : f32 to vector<16xf32>
      %mul3A_575 = arith.mulf %get3A_572, %mul3A_574 : vector<16xf32>
      %swap3A_576 = arith.index_cast %shift_right_logical3A_371 : i32 to index
      %swap3A_577 = arith.index_cast %mul3A_568 : i32 to index
      %swap3A_578 = tpu.vector_load %arg6[%swap3A_576, %swap3A_577] {strides = array<i32>} : memref<40x1024xf32, #tpu.memory_space<vmem>>, vector<1x16xf32>,
      %swap3A_579 = vector.shape_cast %swap3A_578 : vector<1x16xf32> to vector<16xf32>
      %swap3A_580 = vector.shape_cast %mul3A_575 : vector<16xf32> to vector<1x16xf32>
      tpu.vector_store %arg6[%swap3A_576, %swap3A_577], %swap3A_580 {strides = array<i32>} : memref<40x1024xf32, #tpu.memory_space<vmem>>, vector<1x16xf32>,
      %add3A_581 = arith.constant 13 : i32
      %add3A_582 = arith.addi %mul3A_374, %add3A_581 : i32
      %mul3A_583 = arith.constant 16 : i32
      %mul3A_584 = arith.muli %add3A_582, %mul3A_583 : i32
      %get3A_585 = arith.index_cast %shift_right_logical3A_371 : i32 to index
      %get3A_586 = arith.index_cast %mul3A_584 : i32 to index
      %get3A_587 = tpu.vector_load %arg6[%get3A_585, %get3A_586] {strides = array<i32>} : memref<40x1024xf32, #tpu.memory_space<vmem>>, vector<1x16xf32>,
      %get3A_588 = vector.shape_cast %get3A_587 : vector<1x16xf32> to vector<16xf32>
      %mul3A_589 = arith.constant 3.200000e+01 : f32
      %mul3A_590 = vector.broadcast %mul3A_589 : f32 to vector<16xf32>
      %mul3A_591 = arith.mulf %get3A_588, %mul3A_590 : vector<16xf32>
      %swap3A_592 = arith.index_cast %shift_right_logical3A_371 : i32 to index
      %swap3A_593 = arith.index_cast %mul3A_584 : i32 to index
      %swap3A_594 = tpu.vector_load %arg6[%swap3A_592, %swap3A_593] {strides = array<i32>} : memref<40x1024xf32, #tpu.memory_space<vmem>>, vector<1x16xf32>,
      %swap3A_595 = vector.shape_cast %swap3A_594 : vector<1x16xf32> to vector<16xf32>
      %swap3A_596 = vector.shape_cast %mul3A_591 : vector<16xf32> to vector<1x16xf32>
      tpu.vector_store %arg6[%swap3A_592, %swap3A_593], %swap3A_596 {strides = array<i32>} : memref<40x1024xf32, #tpu.memory_space<vmem>>, vector<1x16xf32>,
      %add3A_597 = arith.constant 14 : i32
      %add3A_598 = arith.addi %mul3A_374, %add3A_597 : i32
      %mul3A_599 = arith.constant 16 : i32
      %mul3A_600 = arith.muli %add3A_598, %mul3A_599 : i32
      %get3A_601 = arith.index_cast %shift_right_logical3A_371 : i32 to index
      %get3A_602 = arith.index_cast %mul3A_600 : i32 to index
      %get3A_603 = tpu.vector_load %arg6[%get3A_601, %get3A_602] {strides = array<i32>} : memref<40x1024xf32, #tpu.memory_space<vmem>>, vector<1x16xf32>,
      %get3A_604 = vector.shape_cast %get3A_603 : vector<1x16xf32> to vector<16xf32>
      %mul3A_605 = arith.constant 3.200000e+01 : f32
      %mul3A_606 = vector.broadcast %mul3A_605 : f32 to vector<16xf32>
      %mul3A_607 = arith.mulf %get3A_604, %mul3A_606 : vector<16xf32>
      %swap3A_608 = arith.index_cast %shift_right_logical3A_371 : i32 to index
      %swap3A_609 = arith.index_cast %mul3A_600 : i32 to index
      %swap3A_610 = tpu.vector_load %arg6[%swap3A_608, %swap3A_609] {strides = array<i32>} : memref<40x1024xf32, #tpu.memory_space<vmem>>, vector<1x16xf32>,
      %swap3A_611 = vector.shape_cast %swap3A_610 : vector<1x16xf32> to vector<16xf32>
      %swap3A_612 = vector.shape_cast %mul3A_607 : vector<16xf32> to vector<1x16xf32>
      tpu.vector_store %arg6[%swap3A_608, %swap3A_609], %swap3A_612 {strides = array<i32>} : memref<40x1024xf32, #tpu.memory_space<vmem>>, vector<1x16xf32>,
      %add3A_613 = arith.constant 15 : i32
      %add3A_614 = arith.addi %mul3A_374, %add3A_613 : i32
      %mul3A_615 = arith.constant 16 : i32
      %mul3A_616 = arith.muli %add3A_614, %mul3A_615 : i32
      %get3A_617 = arith.index_cast %shift_right_logical3A_371 : i32 to index
      %get3A_618 = arith.index_cast %mul3A_616 : i32 to index
      %get3A_619 = tpu.vector_load %arg6[%get3A_617, %get3A_618] {strides = array<i32>} : memref<40x1024xf32, #tpu.memory_space<vmem>>, vector<1x16xf32>,
      %get3A_620 = vector.shape_cast %get3A_619 : vector<1x16xf32> to vector<16xf32>
      %mul3A_621 = arith.constant 3.200000e+01 : f32
      %mul3A_622 = vector.broadcast %mul3A_621 : f32 to vector<16xf32>
      %mul3A_623 = arith.mulf %get3A_620, %mul3A_622 : vector<16xf32>
      %swap3A_624 = arith.index_cast %shift_right_logical3A_371 : i32 to index
      %swap3A_625 = arith.index_cast %mul3A_616 : i32 to index
      %swap3A_626 = tpu.vector_load %arg6[%swap3A_624, %swap3A_625] {strides = array<i32>} : memref<40x1024xf32, #tpu.memory_space<vmem>>, vector<1x16xf32>,
      %swap3A_627 = vector.shape_cast %swap3A_626 : vector<1x16xf32> to vector<16xf32>
      %swap3A_628 = vector.shape_cast %mul3A_623 : vector<16xf32> to vector<1x16xf32>
      tpu.vector_store %arg6[%swap3A_624, %swap3A_625], %swap3A_628 {strides = array<i32>} : memref<40x1024xf32, #tpu.memory_space<vmem>>, vector<1x16xf32>,
      %scan3A_629 = arith.constant 0 : i32
      scf.yield %scan3A_629 : i32
    }
    %scan3A_338 = arith.constant 128 : i32
    %add3A_339 = arith.constant 480 : i32
    %add3A_340 = arith.addi %mul3A_2, %add3A_339 : i32
    %dma_start3A_341 = arith.constant 0 : i32
    %dma_start3A_342 = arith.constant 0 : i32
    %dma_start3A_343 = tpu.memref_slice %arg6[%dma_start3A_341, %dma_start3A_342] : memref<40x1024xf32, #tpu.memory_space<vmem>> -> memref<32x1024xf32, #tpu.memory_space<vmem>>
    %dma_start3A_344 = arith.constant 0 : i32
    %dma_start3A_345 = tpu.memref_slice %arg4[%add3A_340, %dma_start3A_344] : memref<16384x1024xf32, #tpu.memory_space<hbm>> -> memref<32x1024xf32, #tpu.memory_space<hbm>>
    %dma_start3A_346 = arith.constant 0 : i32
    %dma_start3A_347 = tpu.memref_slice %arg4[%add3A_340, %dma_start3A_346] : memref<16384x1024xf32, #tpu.memory_space<hbm>> -> memref<32x1024xf32, #tpu.memory_space<hbm>>
    %dma_start3A_348 = arith.constant 0 : i32
    %dma_start3A_349 = arith.constant 0 : i32
    %dma_start3A_350 = tpu.memref_slice %arg6[%dma_start3A_348, %dma_start3A_349] : memref<40x1024xf32, #tpu.memory_space<vmem>> -> memref<32x1024xf32, #tpu.memory_space<vmem>>
    tpu.enqueue_dma source(%dma_start3A_350 : memref<32x1024xf32, #tpu.memory_space<vmem>>) target(%dma_start3A_347 : memref<32x1024xf32, #tpu.memory_space<hbm>>) target_semaphore(%arg12 : memref<!tpu.dma_semaphore, #tpu.memory_space<semaphore_mem>>)
    %dma_wait3A_351 = arith.constant 0 : i32
    %dma_wait3A_352 = tpu.memref_slice %arg4[%add3A_289, %dma_wait3A_351] : memref<16384x1024xf32, #tpu.memory_space<hbm>> -> memref<40x1024xf32, #tpu.memory_space<hbm>>
    %dma_wait3A_353 = arith.constant 0 : i32
    %dma_wait3A_354 = tpu.memref_slice %arg4[%add3A_289, %dma_wait3A_353] : memref<16384x1024xf32, #tpu.memory_space<hbm>> -> memref<40x1024xf32, #tpu.memory_space<hbm>>
    tpu.wait_dma2 semaphore(%arg13 : memref<!tpu.dma_semaphore, #tpu.memory_space<semaphore_mem>>) src(%arg7 : memref<40x1024xf32, #tpu.memory_space<vmem>>) dst(%dma_wait3A_354 : memref<40x1024xf32, #tpu.memory_space<hbm>>)
    %dma_wait3A_355 = arith.constant 0 : i32
    %dma_wait3A_356 = tpu.memref_slice %arg4[%add3A_319, %dma_wait3A_355] : memref<16384x1024xf32, #tpu.memory_space<hbm>> -> memref<40x1024xf32, #tpu.memory_space<hbm>>
    %dma_wait3A_357 = arith.constant 0 : i32
    %dma_wait3A_358 = tpu.memref_slice %arg4[%add3A_319, %dma_wait3A_357] : memref<16384x1024xf32, #tpu.memory_space<hbm>> -> memref<40x1024xf32, #tpu.memory_space<hbm>>
    tpu.wait_dma2 semaphore(%arg14 : memref<!tpu.dma_semaphore, #tpu.memory_space<semaphore_mem>>) src(%arg8 : memref<40x1024xf32, #tpu.memory_space<vmem>>) dst(%dma_wait3A_358 : memref<40x1024xf32, #tpu.memory_space<hbm>>)
    %dma_wait3A_359 = arith.constant 0 : i32
    %dma_wait3A_360 = arith.constant 0 : i32
    %dma_wait3A_361 = tpu.memref_slice %arg6[%dma_wait3A_359, %dma_wait3A_360] : memref<40x1024xf32, #tpu.memory_space<vmem>> -> memref<32x1024xf32, #tpu.memory_space<vmem>>
    %dma_wait3A_362 = arith.constant 0 : i32
    %dma_wait3A_363 = tpu.memref_slice %arg4[%add3A_340, %dma_wait3A_362] : memref<16384x1024xf32, #tpu.memory_space<hbm>> -> memref<32x1024xf32, #tpu.memory_space<hbm>>
    %dma_wait3A_364 = arith.constant 0 : i32
    %dma_wait3A_365 = tpu.memref_slice %arg4[%add3A_340, %dma_wait3A_364] : memref<16384x1024xf32, #tpu.memory_space<hbm>> -> memref<32x1024xf32, #tpu.memory_space<hbm>>
    %dma_wait3A_366 = arith.constant 0 : i32
    %dma_wait3A_367 = arith.constant 0 : i32
    %dma_wait3A_368 = tpu.memref_slice %arg6[%dma_wait3A_366, %dma_wait3A_367] : memref<40x1024xf32, #tpu.memory_space<vmem>> -> memref<32x1024xf32, #tpu.memory_space<vmem>>
    tpu.wait_dma2 semaphore(%arg12 : memref<!tpu.dma_semaphore, #tpu.memory_space<semaphore_mem>>) src(%dma_wait3A_368 : memref<32x1024xf32, #tpu.memory_space<vmem>>) dst(%dma_wait3A_365 : memref<32x1024xf32, #tpu.memory_space<hbm>>)
    return
  }
}

</mosaic_0001>

<sc_bundles>
// kernel: kernel.3.cloned.1.call-start
scs
__scs_entry_jumppad:
0x0: {  	(pc) =	sbr.rel $0x88, $3  }
0x1: {  	(tag) =	ssettag $0x0;
	lr =	simm.s32 $0x1  }
0x2: {  	[smem:$0x3F9F] =	sst lr;
	_ =	strace $0xD0000000  }
0x3: {  	_ = 	snop  }
0x4: {  	_ = 	snop  }
0x5: {  	_ = 	snop  }
0x6: {  	_ = 	snop  }
0x7: {  	_ = 	snop  }
__scs_overlays_trampoline_lowered:
0x8: {  	[smem:$0x3FAE] =	sst s0  }
0x9: {  	[smem:$0x3FAF] =	sst s1  }
0xa: {  	[smem:$0x3FB0] =	sst s2  }
0xb: {  	[smem:$0x3FB1] =	sst s3  }
0xc: {  	[smem:$0x3FB2] =	sst s4  }
0xd: {  	[smem:$0x3FB3] =	sst s5  }
0xe: {  	[smem:$0x3FB4] =	sst s6  }
0xf: {  	[smem:$0x3FB5] =	sst s7  }
0x10: {  	[smem:$0x3FB6] =	sst s8  }
0x11: {  	[smem:$0x3FB7] =	sst s9;
	s0 =	simm.s32 @!p0 $0x0  }
0x12: {  	s1 =	sld [smem:$0x3F9D];
	s0 =	simm.s32 @p0 $0x1  }
0x13: {  	[smem:$0x3FB8] =	sst s0;
	s0 =	simm.s32 @!p1 $0x0  }
0x14: {  	s2 =	sld [smem:$0x3F9C];
	s0 =	simm.s32 @p1 $0x1  }
0x15: {  	[smem:$0x3FB9] =	sst s0;
	s0 =	simm.s32 @!p2 $0x0  }
0x16: {  	s3 =	sld [smem:$0x3FDB];
	s0 =	simm.s32 @p2 $0x1  }
0x17: {  	s4 =	simm.s32 $0x1BF5;
	[smem:$0x3FBB] =	sst s0  }
0x18: {  	s0 =	sld [smem:$0x3F9E];
	_ =	swait.ge [sflag:s4], $0x0  }
0x19: {  	s7 =	sld [smem:$0x3F9F]  }
0x1a: {  	s8 =	sadd.s32 $0xFFFFE003, lr  }
0x1b: {  	s9 =	sadd.s32 $0xFFFFFEF7, lr;
	s5 =	simm.s32 $0xFFFFFFFF;
	p2 =	slt.u32 s8, $0xFFFFF086  }
0x1c: {  	p1 =	slt.u32 s9, $0xF7A;
	s5 =	simm.s32 @!p2 $0x0  }
0x1d: {  	s5 =	simm.s32 @p1 $0x1;
	p0 =	seq.s32 s7, s2  }
0x1e: {  	s7 =	smul.u32 @!p0 $0xF7A, s2;
	p2 =	seq.s32 @!p0 s5, $0x0  }
0x1f: {  	s9 =	smul.u32 $0xF7A, s1;
	s8 =	simm.s32 @!p0 $0x1BF5;
	p2 =	por !p2, p0  }
0x20: {  	[sflag:s8] =	ssyncset.s32 @!p0 $0xFFFFF086;
	s6 =	sadd.s32 @!p0 s3, s7;
	s7 =	simm.s32 @!p0 $0x108  }
0x21: {  	s3 =	sadd.s32 s3, s9;
	s6 =	sadd.s32 @!p0 $0x88, s6;
	s7 =	simm.s32 @p2 $0x1082  }
0x22: {  	[simem:s7], [sflag:s8] =	dma.local @!p0 [hbm:s6], $0xF7A  }
0x23: {  	s9 =	sor.u32 $0xD0000000, s2;
	s6 =	simm.s32 $0x108;
	_ =	swait.ge @!p0 [sflag:s8], $0x0  }
0x24: {  	s3 =	sadd.s32 $0x88, s3;
	s6 =	simm.s32 @!p1 $0x1082;
	[sflag:s4] =	ssyncset.s32 $0xFFFFF086  }
0x25: {  	[simem:s6], [sflag:s4] =	dma.local [hbm:s3], $0xF7A  }
0x26: {  	[smem:$0x3F9F] =	sst s1;
	(tag) =	ssettag s2;
	_ =	strace s9  }
0x27: {  	s1 =	sld [smem:$0x3FAF]  }
0x28: {  	s2 =	sld [smem:$0x3FB0]  }
0x29: {  	s4 =	sld [smem:$0x3FB2]  }
0x2a: {  	p0 =	seq.s32 s5, $0x0;
	s5 =	sld [smem:$0x3FB3]  }
0x2b: {  	s6 =	sld [smem:$0x3FB4]  }
0x2c: {  	s7 =	sld [smem:$0x3FB5]  }
0x2d: {  	s3 =	simm.s32 $0x108;
	s8 =	sld [smem:$0x3FB6]  }
0x2e: {  	s3 =	simm.s32 @!p0 $0x1082;
	s9 =	sld [smem:$0x3FB7]  }
0x2f: {  	lr =	sadd.s32 s0, s3;
	s0 =	sld [smem:$0x3FAE]  }
0x30: {  	s3 =	sld [smem:$0x3FB1]  }
0x31: {  	[smem:$0x3FBA] =	sst s10  }
0x32: {  	s10 =	sld [smem:$0x3FB8];
	_ =	sdelay $0x3  }
0x33: {  	p0 =	seq.s32 s10, $0x1;
	s10 =	sld [smem:$0x3FBA];
	_ =	sdelay $0x3  }
0x34: {  	[smem:$0x3FBA] =	sst s10  }
0x35: {  	s10 =	sld [smem:$0x3FB9];
	_ =	sdelay $0x3  }
0x36: {  	p1 =	seq.s32 s10, $0x1;
	s10 =	sld [smem:$0x3FBA];
	_ =	sdelay $0x3  }
0x37: {  	[smem:$0x3FBA] =	sst s10  }
0x38: {  	s10 =	sld [smem:$0x3FBB]  }
0x39: {  	_ = 	snop;
	(pc) =	sbr.ind lr, $3  }
0x3a: {  	_ = 	snop  }
0x3b: {  	_ = 	snop  }
0x3c: {  	p2 =	seq.s32 s10, $0x1;
	s10 =	sld [smem:$0x3FBA]  }
0x3d: {  	_ =	shalt  }
0x3e: {  	_ =	shalt  }
0x3f: {  	_ =	shalt  }
0x40: {  	_ =	shalt  }
0x41: {  	_ =	shalt  }
0x42: {  	_ =	shalt  }
0x43: {  	_ =	shalt  }
0x44: {  	_ =	shalt  }
0x45: {  	_ =	shalt  }
0x46: {  	_ =	shalt  }
0x47: {  	_ =	shalt  }
0x48: {  	_ =	shalt  }
0x49: {  	_ =	shalt  }
0x4a: {  	_ =	shalt  }
0x4b: {  	_ =	shalt  }
0x4c: {  	_ =	shalt  }
0x4d: {  	_ =	shalt  }
0x4e: {  	_ =	shalt  }
0x4f: {  	_ =	shalt  }
0x50: {  	_ =	shalt  }
0x51: {  	_ =	shalt  }
0x52: {  	_ =	shalt  }
0x53: {  	_ =	shalt  }
0x54: {  	_ =	shalt  }
0x55: {  	_ =	shalt  }
0x56: {  	_ =	shalt  }
0x57: {  	_ =	shalt  }
0x58: {  	_ =	shalt  }
0x59: {  	_ =	shalt  }
0x5a: {  	_ =	shalt  }
0x5b: {  	_ =	shalt  }
0x5c: {  	_ =	shalt  }
0x5d: {  	_ =	shalt  }
0x5e: {  	_ =	shalt  }
0x5f: {  	_ =	shalt  }
0x60: {  	_ =	shalt  }
0x61: {  	_ =	shalt  }
0x62: {  	_ =	shalt  }
0x63: {  	_ =	shalt  }
0x64: {  	_ =	shalt  }
0x65: {  	_ =	shalt  }
0x66: {  	_ =	shalt  }
0x67: {  	_ =	shalt  }
0x68: {  	_ =	shalt  }
0x69: {  	_ =	shalt  }
0x6a: {  	_ =	shalt  }
0x6b: {  	_ =	shalt  }
0x6c: {  	_ =	shalt  }
0x6d: {  	_ =	shalt  }
0x6e: {  	_ =	shalt  }
0x6f: {  	_ =	shalt  }
0x70: {  	_ =	shalt  }
0x71: {  	_ =	shalt  }
0x72: {  	_ =	shalt  }
0x73: {  	_ =	shalt  }
0x74: {  	_ =	shalt  }
0x75: {  	_ =	shalt  }
0x76: {  	_ =	shalt  }
0x77: {  	_ =	shalt  }
0x78: {  	_ =	shalt  }
0x79: {  	_ =	shalt  }
0x7a: {  	_ =	shalt  }
0x7b: {  	_ =	shalt  }
0x7c: {  	_ =	shalt  }
0x7d: {  	_ =	shalt  }
0x7e: {  	_ =	shalt  }
0x7f: {  	_ =	shalt  }
0x80: {  	_ =	shalt  }
0x81: {  	_ =	shalt  }
0x82: {  	_ =	shalt  }
0x83: {  	_ =	shalt  }
0x84: {  	_ =	shalt  }
0x85: {  	_ =	shalt  }
0x86: {  	_ =	shalt  }
0x87: {  	_ =	shalt  }
.Lfunc_end0:
.L_simem_size_0:
called_computation_lowered:
.L_overlay_start_0:
0x88: {  	s2 =	sld [smem:$0x3FD9]  }
0x89: {  	s3 =	sld [smem:$0x3FFE];
	_ =	sdelay $0x1  }
0x8a: {  	s1 =	srdreg.scid  }
0x8b: {  	s0 =	sand.u32 $0x1, s1  }
0x8c: {  	s17 =	sshll.u32 s0, $0xA;
	s2 =	sadd.s32 s3, s2  }
0x8d: {  	s2 =	sadd.s32 s2, s17  }
0x8e: {  	[smem:$0x3FC6] =	sst s2  }
0x8f: {  	_ = 	snop  }
0x90: {  	s2 =	sld [smem:$0x3FC8]  }
0x91: {  	s18 =	sld [smem:$0x3FD0];
	(tm) =	ssettm $0x1  }
0x92: {  	s4 =	sld [smem:$0x3FFB];
	_ =	sdelay $0x3  }
0x93: {  	_ =	strace s4  }
0x94: {  	s4 =	sld [smem:$0x3FFC];
	_ =	sdelay $0x3  }
0x95: {  	_ =	strace s4  }
0x96: {  	s4 =	sld [smem:$0x3FFD];
	_ =	sdelay $0x3  }
0x97: {  	_ =	strace s4  }
0x98: {  	_ =	strace $0x8FFFFFFF  }
0x99: {  	s19 =	sld [smem:$0x3FDB];
	_ =	sdelay $0x1  }
0x9a: {  	s5 =	simm.s32 $_scs_section_size  }
0x9b: {  	s6 =	simm.s32 $_size__tile_overlayer_lowered;
	s7 =	simm.s32 $_tile_overlayer_lowered  }
0x9c: {  	s22 =	simm.s32 $0x1BFF;
	s21 =	sshll.u32 s7, $0x1;
	s4 =	sadd.s32 s5, s19  }
0x9d: {  	s8 =	simm.s32 $0x0;
	s20 =	sshll.u32 s6, $0x1;
	s6 =	sadd.s32 s21, s4  }
0x9e: {  	[timem:s8], [sflag:s22] =	dma.local [hbm:s6], s20  }
0x9f: {  	_ =	swait.ge [sflag:s22], s20  }
0xa0: {  	s5 =	ssub.s32 $0x0, s20;
	[sflag:s22] =	ssyncset.done $0x0  }
0xa1: {  	[sflag:s22] =	ssyncadd.s32 s5;
	_ =	sdelay $0x1  }
0xa2: {  	s23 =	simm.s32 $0x1B8B  }
0xa3: {  	_ =	swait.ge [sflag:s23], $0x1  }
0xa4: {  	[sflag:s23] =	ssyncset.done $0x0  }
0xa5: {  	s25 =	simm.s32 $0x1B8E;
	s24 =	sld [smem:$0x3FFE];
	[sflag:s23] =	ssyncadd.s32 $0xFFFFFFFF  }
0xa6: {  	s26 =	simm.s32 $execute0_lowered;
	[smem:$0x3FD2] =	sst s25  }
0xa7: {  	s6 =	sshll.u32 s26, $0x1;
	_ =	strace $0x80000046;
	[dreg:$0x1] =	wrdreg $0xFFFFFFFF  }
0xa8: {  	s28 =	simm.s32 $_size_execute0_lowered;
	s4 =	sadd.s32 s4, s6;
	[dreg:$0x0] =	wrdreg $0x0  }
0xa9: {  	s6 =	sshll.u32 s28, $0x1;
	[dreg:$0x2] =	wrdreg s4  }
0xaa: {  	[dreg:$0x3] =	wrdreg s6  }
0xab: {  	[dreg:$0x4] =	wrdreg $0xC0  }
0xac: {  	_ =	task [dreg:s8], $0x5FFFF  }
0xad: {  	[dreg:$0x1] =	wrdreg $0xFFFFFFFF  }
0xae: {  	[dreg:$0x0] =	wrdreg $0x60  }
0xaf: {  	[dreg:$0x2] =	wrdreg s24  }
0xb0: {  	[dreg:$0x3] =	wrdreg s2  }
0xb1: {  	[dreg:$0x4] =	wrdreg s18  }
0xb2: {  	[dreg:$0x5] =	wrdreg $0x9  }
0xb3: {  	_ =	task.clear_ibuf [dreg:s8], $0x6FFFF;
	_ =	strace $0x90000046  }
0xb4: {  	s29 =	simm.s32 $0x9;
	_ =	strace $0x80000048  }
0xb5: {  	_ =	swait.ge [sflag:s29], $0x1  }
0xb6: {  	[sflag:s29] =	ssyncadd.s32 $0xFFFFFFFF  }
0xb7: {  	_ =	strace $0x90000048  }
0xb8: {  	_ =	sfence  }
0xb9: {  	s30 =	sld [smem:$0x0];
	_ =	sdelay $0x2  }
0xba: {  	s31 =	sshll.u32 s1, $0xD;
	s1 =	sshrl.u32 s1, $0x2  }
0xbb: {  	s3 =	sand.u32 $0x4000, s31;
	s1 =	sadd.s32 s1, s30  }
0xbc: {  	s0 =	sor.u32 s3, s0;
	s1 =	sshll.u32 s1, $0x11  }
0xbd: {  	s0 =	sor.u32 s1, s0  }
0xbe: {  	s0 =	sadd.s32 $0x8F2B, s0  }
0xbf: {  	[sflag:s0] =	ssyncadd.remote.s32 $0x1  }
0xc0: {  	_ =	sfence.sel $0xFFFF  }
0xc1: {  	[dreg:$0x0] =	wrdreg $0xFFFFFFFF;
	(pc) =	sbr.abs _section_cstart, $3  }
0xc2: {  	[dreg:$0x1] =	wrdreg $0xFFFFFFFF  }
0xc3: {  	_ =	task.clear_ibuf [dreg:s8], $0x2FFFF;
	_ =	strace $0x9FFFFFFF  }
0xc4: {  	(tm) =	ssettm $0x7FFFFFFF  }
0xc5: {  	_ =	shalt  }
tec
execute0_lowered:
.L_overlay_start_1:
0x0: {  	(tag) =	ssettag $0x1  }
0x1: {  	s0 =	rddreg [dreg:$0x0]  }
0x2: {  	s2 =	rddreg [dreg:$0x1];
	s3 =	srdreg.scid  }
0x3: {  	s1 =	rddreg [dreg:$0x2];
	s6 =	stileid.u32;
	s4 =	sand.u32 $0x1, s3  }
0x4: {  	s5 =	sshll.u32 s6, $0x1;
	s3 =	simm.s32 $0x0;
	s6 =	sshll.u32 s6, $0x7  }
0x5: {  	s5 =	sor.u32 s4, s5;
	[smem:$0x7FF] =	sst s3;
	s4 =	ssub.s32 $0x2, s4  }
0x6: {  	s6 =	sand.u32 $0x600, s6;
	s7 =	sshll.u32 s5, $0x4;
	s18 =	sshrl.u32 s4, $0x1  }
0x7: {  	s0 =	sadd.s32 s6, s0;
	s17 =	sand.u32 $0x70, s7;
	s4 =	ssub.s32 s4, s18  }
0x8: {  	_ =	strace $0x80000047;
	s0 =	sadd.s32 s17, s0;
	s31 =	smax.u32 s4, $0x1  }
0x9: {  	s19 =	sshll.u32 s5, $0x10;
	s0 =	sadd.s32 $0x400, s0;
	[dreg:$0x12] =	wrdreg s31  }
0xa: {  	s9 =	simm.s32 $0x5A00;
	[dreg:$0x4] =	wrdreg s0;
	s0 =	sadd.s32 s1, s19  }
0xb: {  	s10 =	simm.s32 $0x6200;
	s1 =	sadd.s32 $0x1400, s0;
	[dreg:$0x5] =	wrdreg s0  }
0xc: {  	s11 =	simm.s32 $0x6A00;
	s20 =	sadd.s32 $0x2800, s0;
	[dreg:$0x6] =	wrdreg s1  }
0xd: {  	s12 =	simm.s32 $0x7200;
	s21 =	sadd.s32 $0x3C00, s0;
	[dreg:$0x7] =	wrdreg s20  }
0xe: {  	s13 =	simm.s32 $0x7A00;
	s22 =	sadd.s32 $0x5000, s0;
	[dreg:$0x8] =	wrdreg s21  }
0xf: {  	s14 =	simm.s32 $0x6;
	s23 =	sadd.s32 $0x6400, s0;
	[dreg:$0x9] =	wrdreg s22  }
0x10: {  	s15 =	simm.s32 $0x0;
	s24 =	sadd.s32 $0x7800, s0;
	[dreg:$0xa] =	wrdreg s23  }
0x11: {  	s8 =	sadd.s32 $0x300, s2;
	s25 =	sadd.s32 $0x8C00, s0;
	[dreg:$0xb] =	wrdreg s24  }
0x12: {  	s5 =	sadd.s32 $0x100, s2;
	s26 =	sadd.s32 $0xA000, s0;
	[dreg:$0xc] =	wrdreg s25  }
0x13: {  	s6 =	sadd.s32 $0x200, s2;
	s28 =	sadd.s32 $0xB400, s0;
	[dreg:$0xd] =	wrdreg s26  }
0x14: {  	s18 =	simm.s32 $0xA200;
	s29 =	sadd.s32 $0xC800, s0;
	[dreg:$0xe] =	wrdreg s28  }
0x15: {  	s7 =	simm.s32 $0x3;
	s30 =	sadd.s32 $0xDC00, s0;
	[dreg:$0xf] =	wrdreg s29  }
0x16: {  	v2 =	vlaneseq.u32;
	s17 =	simm.s32 $0x2;
	s0 =	sadd.s32 $0xF000, s0;
	[dreg:$0x10] =	wrdreg s30  }
0x17: {  	vm0 =	vmmov $0xffff;
	v1 =	vshrl.u32 v2, $0x3;
	s19 =	simm.s32 $0x4;
	[dreg:$0x11] =	wrdreg s0;
	s25 =	simm.s32 $0x200  }
0x18: {  	v0 =	vand.u32 $0x7, v2;
	v2 =	vor.u32 $0x8, v2;
	v1 =	vmul.u32 $0x8, v1;
	s20 =	simm.s32 $0x1;
	s21 =	simm.s32 $0x14200;
	s24 =	simm.s32 $0x5  }
.LBB2_1:
0x19: {  	s0 =	rddreg [dreg:$0x4]  }
0x1a: {  	s1 =	simm.s32 $0x80;
	s4 =	simm.s32 $0x400;
	s23 =	simm.s32 $0x7  }
0x1b: {  	[tilespmem:s3], [sflag:$0x7] =	stream.strided.gather [hbm4b:s0+s1], $0x200, s4, s1, $0x38;
	[tilespmem:$0x1E200] =	vst v63  }
0x1c: {  	_ =	swait.ge [sflag:s23], $0x200  }
0x1d: {  	[sflag:s23] =	ssyncset.done $0x0  }
0x1e: {  	[sflag:s23] =	ssyncadd.s32 $0xFFFFFE00  }
0x1f: {  	v3 =	vld [tilespmem:$0x0];
	_ =	sdelay $0x4  }
0x20: {  	v4 =	vshll.u32 v3, $0x3  }
0x21: {  	v3 =	vand.u32 $0x7, v3;
	v4 =	vand.u32 $0xFFFFFFC0, v4  }
0x22: {  	v3 =	vor.u32 v3, v4  }
0x23: {  	v4 =	vperm.xlane v3, v0;
	_ =	sdelay $0x1  }
0x24: {  	v4 =	vadd.s32 v1, v4;
	_ =	sdelay $0x4  }
0x25: {  	[tilespmem:s25], [sflag:$0x1] =	stream.indirect_vreg.gather [hbm4b:s2+s3], $0x80, v4, vm0, $0xb8;
	[tilespmem:$0x1E200] =	vst v63  }
0x26: {  	s26 =	simm.s32 $0xA00;
	v3 =	vperm.xlane v3, v2  }
0x27: {  	[tilespmem:s26], [sflag:$0x1] =	stream.indirect_vreg.gather [hbm4b:s5+s3], $0x80, v4, vm0, $0xb8;
	[tilespmem:$0x1E200] =	vst v63  }
0x28: {  	s30 =	simm.s32 $0x1200;
	v3 =	vadd.s32 v1, v3  }
0x29: {  	[tilespmem:s30], [sflag:$0x1] =	stream.indirect_vreg.gather [hbm4b:s6+s3], $0x80, v4, vm0, $0xb8;
	[tilespmem:$0x1E200] =	vst v63  }
0x2a: {  	s31 =	simm.s32 $0x1A00  }
0x2b: {  	[tilespmem:s31], [sflag:$0x1] =	stream.indirect_vreg.gather [hbm4b:s8+s3], $0x80, v4, vm0, $0xb8;
	[tilespmem:$0x1E200] =	vst v63  }
0x2c: {  	s1 =	simm.s32 $0x2200  }
0x2d: {  	[tilespmem:s1], [sflag:$0x1] =	stream.indirect_vreg.gather [hbm4b:s2+s3], $0x80, v3, vm0, $0xb8;
	[tilespmem:$0x1E200] =	vst v63  }
0x2e: {  	s4 =	simm.s32 $0x2A00  }
0x2f: {  	[tilespmem:s4], [sflag:$0x1] =	stream.indirect_vreg.gather [hbm4b:s5+s3], $0x80, v3, vm0, $0xb8;
	[tilespmem:$0x1E200] =	vst v63  }
0x30: {  	s16 =	simm.s32 $0x3200  }
0x31: {  	[tilespmem:s16], [sflag:$0x1] =	stream.indirect_vreg.gather [hbm4b:s6+s3], $0x80, v3, vm0, $0xb8;
	[tilespmem:$0x1E200] =	vst v63  }
0x32: {  	s22 =	simm.s32 $0x3A00  }
0x33: {  	[tilespmem:s22], [sflag:$0x1] =	stream.indirect_vreg.gather [hbm4b:s8+s3], $0x80, v3, vm0, $0xb8;
	[tilespmem:$0x1E200] =	vst v63  }
0x34: {  	v3 =	vld [tilespmem:$0x10];
	_ =	sdelay $0x4  }
0x35: {  	v4 =	vshll.u32 v3, $0x3  }
0x36: {  	v3 =	vand.u32 $0x7, v3;
	v4 =	vand.u32 $0xFFFFFFC0, v4  }
0x37: {  	v3 =	vor.u32 v3, v4  }
0x38: {  	v4 =	vperm.xlane v3, v0;
	_ =	sdelay $0x1  }
0x39: {  	v4 =	vadd.s32 v1, v4;
	_ =	sdelay $0x3  }
0x3a: {  	s23 =	simm.s32 $0x4200  }
0x3b: {  	[tilespmem:s23], [sflag:$0x1] =	stream.indirect_vreg.gather [hbm4b:s2+s3], $0x80, v4, vm0, $0xb8;
	[tilespmem:$0x1E200] =	vst v63  }
0x3c: {  	s26 =	simm.s32 $0x4A00;
	v3 =	vperm.xlane v3, v2  }
0x3d: {  	[tilespmem:s26], [sflag:$0x1] =	stream.indirect_vreg.gather [hbm4b:s5+s3], $0x80, v4, vm0, $0xb8;
	[tilespmem:$0x1E200] =	vst v63  }
0x3e: {  	s30 =	simm.s32 $0x5200;
	v3 =	vadd.s32 v1, v3  }
0x3f: {  	[tilespmem:s30], [sflag:$0x1] =	stream.indirect_vreg.gather [hbm4b:s6+s3], $0x80, v4, vm0, $0xb8;
	[tilespmem:$0x1E200] =	vst v63  }
0x40: {  	_ = 	snop  }
0x41: {  	[tilespmem:s9], [sflag:$0x1] =	stream.indirect_vreg.gather [hbm4b:s8+s3], $0x80, v4, vm0, $0xb8;
	[tilespmem:$0x1E200] =	vst v63  }
0x42: {  	_ = 	snop  }
0x43: {  	[tilespmem:s10], [sflag:$0x1] =	stream.indirect_vreg.gather [hbm4b:s2+s3], $0x80, v3, vm0, $0xb8;
	[tilespmem:$0x1E200] =	vst v63  }
0x44: {  	_ = 	snop  }
0x45: {  	[tilespmem:s11], [sflag:$0x1] =	stream.indirect_vreg.gather [hbm4b:s5+s3], $0x80, v3, vm0, $0xb8;
	[tilespmem:$0x1E200] =	vst v63  }
0x46: {  	_ = 	snop  }
0x47: {  	[tilespmem:s12], [sflag:$0x1] =	stream.indirect_vreg.gather [hbm4b:s6+s3], $0x80, v3, vm0, $0xb8;
	[tilespmem:$0x1E200] =	vst v63  }
0x48: {  	_ = 	snop  }
0x49: {  	[tilespmem:s13], [sflag:$0x1] =	stream.indirect_vreg.gather [hbm4b:s8+s3], $0x80, v3, vm0, $0xb8;
	[tilespmem:$0x1E200] =	vst v63  }
0x4a: {  	v3 =	vld.msk [tilespmem:$0x20], $0xff;
	_ =	sdelay $0x4  }
0x4b: {  	v4 =	vshll.u32 v3, $0x3  }
0x4c: {  	v3 =	vand.u32 $0x7, v3;
	v4 =	vand.u32 $0xFFFFFFC0, v4  }
0x4d: {  	v3 =	vor.u32 v3, v4  }
0x4e: {  	v3 =	vperm.xlane v3, v0;
	_ =	sdelay $0x1  }
0x4f: {  	v3 =	vadd.s32 v1, v3;
	_ =	sdelay $0x3  }
0x50: {  	s31 =	simm.s32 $0x8200  }
0x51: {  	[tilespmem:s31], [sflag:$0x1] =	stream.indirect_vreg.gather [hbm4b:s2+s3], $0x80, v3, vm0, $0xb8;
	[tilespmem:$0x1E200] =	vst v63  }
0x52: {  	s1 =	simm.s32 $0x8A00  }
0x53: {  	[tilespmem:s1], [sflag:$0x1] =	stream.indirect_vreg.gather [hbm4b:s5+s3], $0x80, v3, vm0, $0xb8;
	[tilespmem:$0x1E200] =	vst v63  }
0x54: {  	s4 =	simm.s32 $0x9200  }
0x55: {  	[tilespmem:s4], [sflag:$0x1] =	stream.indirect_vreg.gather [hbm4b:s6+s3], $0x80, v3, vm0, $0xb8;
	[tilespmem:$0x1E200] =	vst v63  }
0x56: {  	s16 =	simm.s32 $0x9A00  }
0x57: {  	[tilespmem:s16], [sflag:$0x1] =	stream.indirect_vreg.gather [hbm4b:s8+s3], $0x80, v3, vm0, $0xb8;
	[tilespmem:$0x1E200] =	vst v63  }
0x58: {  	v3 =	vld [tilespmem:$0x28];
	_ =	sdelay $0x4  }
0x59: {  	v4 =	vshll.u32 v3, $0x3  }
0x5a: {  	v3 =	vand.u32 $0x7, v3;
	v4 =	vand.u32 $0xFFFFFFC0, v4  }
0x5b: {  	v3 =	vor.u32 v3, v4  }
0x5c: {  	v4 =	vperm.xlane v3, v0;
	_ =	sdelay $0x1  }
0x5d: {  	v4 =	vadd.s32 v1, v4;
	_ =	sdelay $0x4  }
0x5e: {  	[tilespmem:s18], [sflag:$0x2] =	stream.indirect_vreg.gather [hbm4b:s2+s3], $0x80, v4, vm0, $0xb8;
	[tilespmem:$0x1E200] =	vst v63  }
0x5f: {  	s22 =	simm.s32 $0xAA00;
	v3 =	vperm.xlane v3, v2  }
0x60: {  	[tilespmem:s22], [sflag:$0x2] =	stream.indirect_vreg.gather [hbm4b:s5+s3], $0x80, v4, vm0, $0xb8;
	[tilespmem:$0x1E200] =	vst v63  }
0x61: {  	s23 =	simm.s32 $0xB200;
	v3 =	vadd.s32 v1, v3  }
0x62: {  	[tilespmem:s23], [sflag:$0x2] =	stream.indirect_vreg.gather [hbm4b:s6+s3], $0x80, v4, vm0, $0xb8;
	[tilespmem:$0x1E200] =	vst v63  }
0x63: {  	s26 =	simm.s32 $0xBA00  }
0x64: {  	[tilespmem:s26], [sflag:$0x2] =	stream.indirect_vreg.gather [hbm4b:s8+s3], $0x80, v4, vm0, $0xb8;
	[tilespmem:$0x1E200] =	vst v63  }
0x65: {  	s30 =	simm.s32 $0xC200  }
0x66: {  	[tilespmem:s30], [sflag:$0x2] =	stream.indirect_vreg.gather [hbm4b:s2+s3], $0x80, v3, vm0, $0xb8;
	[tilespmem:$0x1E200] =	vst v63  }
0x67: {  	s31 =	simm.s32 $0xCA00  }
0x68: {  	[tilespmem:s31], [sflag:$0x2] =	stream.indirect_vreg.gather [hbm4b:s5+s3], $0x80, v3, vm0, $0xb8;
	[tilespmem:$0x1E200] =	vst v63  }
0x69: {  	s1 =	simm.s32 $0xD200  }
0x6a: {  	[tilespmem:s1], [sflag:$0x2] =	stream.indirect_vreg.gather [hbm4b:s6+s3], $0x80, v3, vm0, $0xb8;
	[tilespmem:$0x1E200] =	vst v63  }
0x6b: {  	s4 =	simm.s32 $0xDA00  }
0x6c: {  	[tilespmem:s4], [sflag:$0x2] =	stream.indirect_vreg.gather [hbm4b:s8+s3], $0x80, v3, vm0, $0xb8;
	[tilespmem:$0x1E200] =	vst v63  }
0x6d: {  	v3 =	vld [tilespmem:$0x38];
	_ =	sdelay $0x4  }
0x6e: {  	v4 =	vshll.u32 v3, $0x3  }
0x6f: {  	v3 =	vand.u32 $0x7, v3;
	v4 =	vand.u32 $0xFFFFFFC0, v4  }
0x70: {  	v3 =	vor.u32 v3, v4  }
0x71: {  	v4 =	vperm.xlane v3, v0;
	_ =	sdelay $0x1  }
0x72: {  	v4 =	vadd.s32 v1, v4;
	_ =	sdelay $0x3  }
0x73: {  	s16 =	simm.s32 $0xE200  }
0x74: {  	[tilespmem:s16], [sflag:$0x2] =	stream.indirect_vreg.gather [hbm4b:s2+s3], $0x80, v4, vm0, $0xb8;
	[tilespmem:$0x1E200] =	vst v63  }
0x75: {  	s22 =	simm.s32 $0xEA00;
	v3 =	vperm.xlane v3, v2  }
0x76: {  	[tilespmem:s22], [sflag:$0x2] =	stream.indirect_vreg.gather [hbm4b:s5+s3], $0x80, v4, vm0, $0xb8;
	[tilespmem:$0x1E200] =	vst v63  }
0x77: {  	s23 =	simm.s32 $0xF200;
	v3 =	vadd.s32 v1, v3  }
0x78: {  	[tilespmem:s23], [sflag:$0x2] =	stream.indirect_vreg.gather [hbm4b:s6+s3], $0x80, v4, vm0, $0xb8;
	[tilespmem:$0x1E200] =	vst v63  }
0x79: {  	s26 =	simm.s32 $0xFA00  }
0x7a: {  	[tilespmem:s26], [sflag:$0x2] =	stream.indirect_vreg.gather [hbm4b:s8+s3], $0x80, v4, vm0, $0xb8;
	[tilespmem:$0x1E200] =	vst v63  }
0x7b: {  	s30 =	simm.s32 $0x10200  }
0x7c: {  	[tilespmem:s30], [sflag:$0x2] =	stream.indirect_vreg.gather [hbm4b:s2+s3], $0x80, v3, vm0, $0xb8;
	[tilespmem:$0x1E200] =	vst v63  }
0x7d: {  	s31 =	simm.s32 $0x10A00  }
0x7e: {  	[tilespmem:s31], [sflag:$0x2] =	stream.indirect_vreg.gather [hbm4b:s5+s3], $0x80, v3, vm0, $0xb8;
	[tilespmem:$0x1E200] =	vst v63  }
0x7f: {  	s1 =	simm.s32 $0x11200  }
0x80: {  	[tilespmem:s1], [sflag:$0x2] =	stream.indirect_vreg.gather [hbm4b:s6+s3], $0x80, v3, vm0, $0xb8;
	[tilespmem:$0x1E200] =	vst v63  }
0x81: {  	s4 =	simm.s32 $0x11A00  }
0x82: {  	[tilespmem:s4], [sflag:$0x2] =	stream.indirect_vreg.gather [hbm4b:s8+s3], $0x80, v3, vm0, $0xb8;
	[tilespmem:$0x1E200] =	vst v63  }
0x83: {  	v3 =	vld.msk [tilespmem:$0x48], $0xff;
	_ =	sdelay $0x4  }
0x84: {  	v4 =	vshll.u32 v3, $0x3  }
0x85: {  	v3 =	vand.u32 $0x7, v3;
	v4 =	vand.u32 $0xFFFFFFC0, v4  }
0x86: {  	v3 =	vor.u32 v3, v4  }
0x87: {  	v3 =	vperm.xlane v3, v0;
	_ =	sdelay $0x1  }
0x88: {  	v3 =	vadd.s32 v1, v3;
	_ =	sdelay $0x3  }
0x89: {  	s16 =	simm.s32 $0x12200  }
0x8a: {  	[tilespmem:s16], [sflag:$0x2] =	stream.indirect_vreg.gather [hbm4b:s2+s3], $0x80, v3, vm0, $0xb8;
	[tilespmem:$0x1E200] =	vst v63  }
0x8b: {  	s22 =	simm.s32 $0x12A00  }
0x8c: {  	[tilespmem:s22], [sflag:$0x2] =	stream.indirect_vreg.gather [hbm4b:s5+s3], $0x80, v3, vm0, $0xb8;
	[tilespmem:$0x1E200] =	vst v63  }
0x8d: {  	s23 =	simm.s32 $0x13200  }
0x8e: {  	[tilespmem:s23], [sflag:$0x2] =	stream.indirect_vreg.gather [hbm4b:s6+s3], $0x80, v3, vm0, $0xb8;
	[tilespmem:$0x1E200] =	vst v63  }
0x8f: {  	s26 =	simm.s32 $0x13A00;
	s30 =	sand.u32 $0x6000, s3  }
0x90: {  	[tilespmem:s26], [sflag:$0x2] =	stream.indirect_vreg.gather [hbm4b:s8+s3], $0x80, v3, vm0, $0xb8;
	[tilespmem:$0x1E200] =	vst v63  }
0x91: {  	s0 =	sshrl.u32 s30, $0x2;
	s31 =	sand.u32 $0xE000, s3;
	_ =	swait.ge [sflag:s20], $0xA000  }
0x92: {  	s0 =	sor.u32 s0, s31;
	s16 =	sand.u32 $0x380, s3;
	[sflag:s20] =	ssyncset.done $0x0  }
0x93: {  	s16 =	sor.u32 s0, s16;
	[sflag:s20] =	ssyncadd.s32 $0xFFFF6000  }
0x94: {  	v3 =	vld [tilespmem:s16+$0x200]  }
0x95: {  	v4 =	vld [tilespmem:s16+$0x210]  }
0x96: {  	v5 =	vld [tilespmem:s16+$0x220]  }
0x97: {  	v8 =	vld [tilespmem:s16+$0x240]  }
0x98: {  	v6 =	vld [tilespmem:s16+$0x230];
	_ =	sdelay $0x1  }
0x99: {  	v9 =	vld [tilespmem:s16+$0x250];
	v3 =	vmul.f32 $3.200000000e+01, v3  }
0x9a: {  	v10 =	vld [tilespmem:s16+$0x260];
	v4 =	vmul.f32 $3.200000000e+01, v4  }
0x9b: {  	v7 =	vld [tilespmem:s16+$0x270];
	v8 =	vmul.f32 $3.200000000e+01, v8;
	[tilespmem:s16+$0x200] =	vst v3  }
0x9c: {  	v3 =	vmul.f32 $3.200000000e+01, v5;
	[tilespmem:s16+$0x210] =	vst v4;
	v4 =	vmul.f32 $3.200000000e+01, v6;
	v6 =	vld [tilespmem:s16+$0x600]  }
0x9d: {  	v5 =	vld [tilespmem:s16+$0x610];
	[tilespmem:s16+$0x240] =	vst v8  }
0x9e: {  	v9 =	vmul.f32 $3.200000000e+01, v9;
	[tilespmem:s16+$0x220] =	vst v3;
	v3 =	vld [tilespmem:s16+$0x620]  }
0x9f: {  	s28 =	simm.s32 $0x0;
	s29 =	simm.s32 $0x0;
	s26 =	simm.s32 $0x2000;
	v8 =	vmul.f32 $3.200000000e+01, v10;
	[tilespmem:s16+$0x230] =	vst v4;
	v4 =	vld [tilespmem:s16+$0x630]  }
.LBB2_2:
0xa0: {  	s0 =	sand.u32 $0x6000, s26;
	p0 =	sne.s32 s26, $0x13E000;
	[tilespmem:s16+$0x250] =	vst v9;
	v7 =	vmul.f32 $3.200000000e+01, v7;
	v9 =	vld [tilespmem:s16+$0x640];
	s28 =	sadd.s32 $0x100, s28  }
0xa1: {  	s29 =	sadd.s32 $0x20, s29;
	s1 =	sand.u32 $0xE000, s28;
	s0 =	sshrl.u32 s0, $0x2;
	[tilespmem:s16+$0x260] =	vst v8;
	v6 =	vmul.f32 $3.200000000e+01, v6;
	v8 =	vld [tilespmem:s16+$0x650]  }
0xa2: {  	s22 =	sand.u32 $0x380, s29;
	s0 =	sor.u32 s0, s1;
	[tilespmem:s16+$0x270] =	vst v7;
	v5 =	vmul.f32 $3.200000000e+01, v5;
	v7 =	vld [tilespmem:s16+$0x660]  }
0xa3: {  	s0 =	sor.u32 s0, s22;
	[tilespmem:s16+$0x600] =	vst v6;
	v3 =	vmul.f32 $3.200000000e+01, v3;
	v6 =	vld [tilespmem:s16+$0x670]  }
0xa4: {  	v10 =	vld [tilespmem:s0+$0x200];
	[tilespmem:s16+$0x610] =	vst v5;
	v4 =	vmul.f32 $3.200000000e+01, v4  }
0xa5: {  	v5 =	vld [tilespmem:s0+$0x210];
	[tilespmem:s16+$0x620] =	vst v3;
	v3 =	vmul.f32 $3.200000000e+01, v9  }
0xa6: {  	v9 =	vld [tilespmem:s0+$0x220];
	[tilespmem:s16+$0x630] =	vst v4;
	v4 =	vmul.f32 $3.200000000e+01, v8  }
0xa7: {  	v8 =	vld [tilespmem:s0+$0x230];
	[tilespmem:s16+$0x640] =	vst v3;
	v3 =	vmul.f32 $3.200000000e+01, v7  }
0xa8: {  	v11 =	vld [tilespmem:s0+$0x240];
	[tilespmem:s16+$0x650] =	vst v4;
	v4 =	vmul.f32 $3.200000000e+01, v6  }
0xa9: {  	v6 =	vmul.f32 $3.200000000e+01, v10;
	v10 =	vld [tilespmem:s0+$0x250];
	[tilespmem:s16+$0x660] =	vst v3  }
0xaa: {  	v3 =	vmul.f32 $3.200000000e+01, v5;
	v12 =	vld [tilespmem:s0+$0x260];
	[tilespmem:s16+$0x670] =	vst v4;
	s16 =	smov.u32 s0  }
.Ltmp0:
0xab: {  	[tilespmem:s16+$0x200] =	vst v6;
	v4 =	vmul.f32 $3.200000000e+01, v9;
	v7 =	vld [tilespmem:s16+$0x270];
	(pc) =	sbr.rel @p0 .LBB2_2-.Ltmp0, $4  }
0xac: {  	[tilespmem:s16+$0x210] =	vst v3;
	v3 =	vmul.f32 $3.200000000e+01, v8;
	v6 =	vld [tilespmem:s16+$0x600]  }
0xad: {  	[tilespmem:s16+$0x220] =	vst v4;
	v4 =	vmul.f32 $3.200000000e+01, v11;
	v5 =	vld [tilespmem:s16+$0x610]  }
0xae: {  	[tilespmem:s16+$0x230] =	vst v3;
	v9 =	vmul.f32 $3.200000000e+01, v10;
	v3 =	vld [tilespmem:s16+$0x620]  }
0xaf: {  	s26 =	sadd.s32 $0x2000, s26;
	[tilespmem:s16+$0x240] =	vst v4;
	v8 =	vmul.f32 $3.200000000e+01, v12;
	v4 =	vld [tilespmem:s16+$0x630]  }
0xb0: {  	[tilespmem:s16+$0x250] =	vst v9;
	v7 =	vmul.f32 $3.200000000e+01, v7;
	v9 =	vld [tilespmem:s16+$0x640]  }
0xb1: {  	[tilespmem:s16+$0x260] =	vst v8;
	v6 =	vmul.f32 $3.200000000e+01, v6;
	v8 =	vld [tilespmem:s16+$0x650]  }
0xb2: {  	[tilespmem:s16+$0x270] =	vst v7;
	v5 =	vmul.f32 $3.200000000e+01, v5;
	v7 =	vld [tilespmem:s16+$0x660]  }
0xb3: {  	[tilespmem:s16+$0x600] =	vst v6;
	v3 =	vmul.f32 $3.200000000e+01, v3;
	v6 =	vld [tilespmem:s16+$0x670]  }
0xb4: {  	[tilespmem:s16+$0x610] =	vst v5;
	v4 =	vmul.f32 $3.200000000e+01, v4  }
0xb5: {  	[tilespmem:s16+$0x620] =	vst v3;
	v3 =	vmul.f32 $3.200000000e+01, v9  }
0xb6: {  	[tilespmem:s16+$0x630] =	vst v4;
	v4 =	vmul.f32 $3.200000000e+01, v8  }
0xb7: {  	[tilespmem:s16+$0x640] =	vst v3;
	v3 =	vmul.f32 $3.200000000e+01, v7  }
0xb8: {  	[tilespmem:s16+$0x650] =	vst v4;
	v4 =	vmul.f32 $3.200000000e+01, v6  }
0xb9: {  	[tilespmem:s16+$0x660] =	vst v3  }
0xba: {  	s0 =	rddreg [dreg:$0x5];
	[tilespmem:s16+$0x670] =	vst v4;
	s16 =	simm.s32 $0x0  }
0xbb: {  	[hbm4b:s0+s16] =	stream.linear.scatter [tilespmem:s25], [sflag:$0x4], $0xA000, $0x38;
	[tilespmem:$0x1E200] =	vst v63  }
0xbc: {  	v3 =	vld [tilespmem:$0x50];
	_ =	sdelay $0x4  }
0xbd: {  	v4 =	vshll.u32 v3, $0x3  }
0xbe: {  	v3 =	vand.u32 $0x7, v3;
	v4 =	vand.u32 $0xFFFFFFC0, v4  }
0xbf: {  	v3 =	vor.u32 v3, v4  }
0xc0: {  	v4 =	vperm.xlane v3, v0;
	_ =	sdelay $0x1  }
0xc1: {  	v4 =	vadd.s32 v1, v4;
	_ =	sdelay $0x4  }
0xc2: {  	[tilespmem:s21], [sflag:$0x3] =	stream.indirect_vreg.gather [hbm4b:s2+s16], $0x80, v4, vm0, $0xb8;
	[tilespmem:$0x1E200] =	vst v63  }
0xc3: {  	s4 =	simm.s32 $0x14A00;
	v3 =	vperm.xlane v3, v2  }
0xc4: {  	[tilespmem:s4], [sflag:$0x3] =	stream.indirect_vreg.gather [hbm4b:s5+s16], $0x80, v4, vm0, $0xb8;
	[tilespmem:$0x1E200] =	vst v63  }
0xc5: {  	s22 =	simm.s32 $0x15200;
	v3 =	vadd.s32 v1, v3  }
0xc6: {  	[tilespmem:s22], [sflag:$0x3] =	stream.indirect_vreg.gather [hbm4b:s6+s16], $0x80, v4, vm0, $0xb8;
	[tilespmem:$0x1E200] =	vst v63  }
0xc7: {  	s23 =	simm.s32 $0x15A00  }
0xc8: {  	[tilespmem:s23], [sflag:$0x3] =	stream.indirect_vreg.gather [hbm4b:s8+s16], $0x80, v4, vm0, $0xb8;
	[tilespmem:$0x1E200] =	vst v63  }
0xc9: {  	s26 =	simm.s32 $0x16200  }
0xca: {  	[tilespmem:s26], [sflag:$0x3] =	stream.indirect_vreg.gather [hbm4b:s2+s16], $0x80, v3, vm0, $0xb8;
	[tilespmem:$0x1E200] =	vst v63  }
0xcb: {  	s30 =	simm.s32 $0x16A00  }
0xcc: {  	[tilespmem:s30], [sflag:$0x3] =	stream.indirect_vreg.gather [hbm4b:s5+s16], $0x80, v3, vm0, $0xb8;
	[tilespmem:$0x1E200] =	vst v63  }
0xcd: {  	s31 =	simm.s32 $0x17200  }
0xce: {  	[tilespmem:s31], [sflag:$0x3] =	stream.indirect_vreg.gather [hbm4b:s6+s16], $0x80, v3, vm0, $0xb8;
	[tilespmem:$0x1E200] =	vst v63  }
0xcf: {  	s1 =	simm.s32 $0x17A00  }
0xd0: {  	[tilespmem:s1], [sflag:$0x3] =	stream.indirect_vreg.gather [hbm4b:s8+s16], $0x80, v3, vm0, $0xb8;
	[tilespmem:$0x1E200] =	vst v63  }
0xd1: {  	v3 =	vld [tilespmem:$0x60];
	_ =	sdelay $0x4  }
0xd2: {  	v4 =	vshll.u32 v3, $0x3  }
0xd3: {  	v3 =	vand.u32 $0x7, v3;
	v4 =	vand.u32 $0xFFFFFFC0, v4  }
0xd4: {  	v3 =	vor.u32 v3, v4  }
0xd5: {  	v4 =	vperm.xlane v3, v0;
	_ =	sdelay $0x1  }
0xd6: {  	v4 =	vadd.s32 v1, v4;
	_ =	sdelay $0x3  }
0xd7: {  	s4 =	simm.s32 $0x18200  }
0xd8: {  	[tilespmem:s4], [sflag:$0x3] =	stream.indirect_vreg.gather [hbm4b:s2+s16], $0x80, v4, vm0, $0xb8;
	[tilespmem:$0x1E200] =	vst v63  }
0xd9: {  	s22 =	simm.s32 $0x18A00;
	v3 =	vperm.xlane v3, v2  }
0xda: {  	[tilespmem:s22], [sflag:$0x3] =	stream.indirect_vreg.gather [hbm4b:s5+s16], $0x80, v4, vm0, $0xb8;
	[tilespmem:$0x1E200] =	vst v63  }
0xdb: {  	s23 =	simm.s32 $0x19200;
	v3 =	vadd.s32 v1, v3  }
0xdc: {  	[tilespmem:s23], [sflag:$0x3] =	stream.indirect_vreg.gather [hbm4b:s6+s16], $0x80, v4, vm0, $0xb8;
	[tilespmem:$0x1E200] =	vst v63  }
0xdd: {  	s26 =	simm.s32 $0x19A00  }
0xde: {  	[tilespmem:s26], [sflag:$0x3] =	stream.indirect_vreg.gather [hbm4b:s8+s16], $0x80, v4, vm0, $0xb8;
	[tilespmem:$0x1E200] =	vst v63  }
0xdf: {  	s30 =	simm.s32 $0x1A200  }
0xe0: {  	[tilespmem:s30], [sflag:$0x3] =	stream.indirect_vreg.gather [hbm4b:s2+s16], $0x80, v3, vm0, $0xb8;
	[tilespmem:$0x1E200] =	vst v63  }
0xe1: {  	s31 =	simm.s32 $0x1AA00  }
0xe2: {  	[tilespmem:s31], [sflag:$0x3] =	stream.indirect_vreg.gather [hbm4b:s5+s16], $0x80, v3, vm0, $0xb8;
	[tilespmem:$0x1E200] =	vst v63  }
0xe3: {  	s1 =	simm.s32 $0x1B200  }
0xe4: {  	[tilespmem:s1], [sflag:$0x3] =	stream.indirect_vreg.gather [hbm4b:s6+s16], $0x80, v3, vm0, $0xb8;
	[tilespmem:$0x1E200] =	vst v63  }
0xe5: {  	s4 =	simm.s32 $0x1BA00  }
0xe6: {  	[tilespmem:s4], [sflag:$0x3] =	stream.indirect_vreg.gather [hbm4b:s8+s16], $0x80, v3, vm0, $0xb8;
	[tilespmem:$0x1E200] =	vst v63  }
0xe7: {  	v3 =	vld.msk [tilespmem:$0x70], $0xff;
	_ =	sdelay $0x4  }
0xe8: {  	v4 =	vshll.u32 v3, $0x3  }
0xe9: {  	v3 =	vand.u32 $0x7, v3;
	v4 =	vand.u32 $0xFFFFFFC0, v4  }
0xea: {  	v3 =	vor.u32 v3, v4  }
0xeb: {  	v3 =	vperm.xlane v3, v0;
	_ =	sdelay $0x1  }
0xec: {  	v3 =	vadd.s32 v1, v3;
	_ =	sdelay $0x3  }
0xed: {  	s22 =	simm.s32 $0x1C200  }
0xee: {  	[tilespmem:s22], [sflag:$0x3] =	stream.indirect_vreg.gather [hbm4b:s2+s16], $0x80, v3, vm0, $0xb8;
	[tilespmem:$0x1E200] =	vst v63  }
0xef: {  	s23 =	simm.s32 $0x1CA00  }
0xf0: {  	[tilespmem:s23], [sflag:$0x3] =	stream.indirect_vreg.gather [hbm4b:s5+s16], $0x80, v3, vm0, $0xb8;
	[tilespmem:$0x1E200] =	vst v63  }
0xf1: {  	s26 =	simm.s32 $0x1D200  }
0xf2: {  	[tilespmem:s26], [sflag:$0x3] =	stream.indirect_vreg.gather [hbm4b:s6+s16], $0x80, v3, vm0, $0xb8;
	[tilespmem:$0x1E200] =	vst v63  }
0xf3: {  	s30 =	simm.s32 $0x1DA00;
	s31 =	sand.u32 $0x6000, s16  }
0xf4: {  	[tilespmem:s30], [sflag:$0x3] =	stream.indirect_vreg.gather [hbm4b:s8+s16], $0x80, v3, vm0, $0xb8;
	[tilespmem:$0x1E200] =	vst v63  }
0xf5: {  	s0 =	sshrl.u32 s31, $0x2;
	s1 =	sand.u32 $0xE000, s16;
	_ =	swait.ge [sflag:s17], $0xA000  }
0xf6: {  	s0 =	sor.u32 s0, s1;
	s22 =	sand.u32 $0x380, s16;
	[sflag:s17] =	ssyncset.done $0x0  }
0xf7: {  	s26 =	sor.u32 s22, s0;
	[sflag:s17] =	ssyncadd.s32 $0xFFFF6000  }
0xf8: {  	v3 =	vld [tilespmem:s26+$0xA200]  }
0xf9: {  	v4 =	vld [tilespmem:s26+$0xA210]  }
0xfa: {  	v5 =	vld [tilespmem:s26+$0xA220]  }
0xfb: {  	v8 =	vld [tilespmem:s26+$0xA240]  }
0xfc: {  	v6 =	vld [tilespmem:s26+$0xA230];
	_ =	sdelay $0x1  }
0xfd: {  	v9 =	vld [tilespmem:s26+$0xA250];
	v3 =	vmul.f32 $3.200000000e+01, v3  }
0xfe: {  	v10 =	vld [tilespmem:s26+$0xA260];
	v4 =	vmul.f32 $3.200000000e+01, v4  }
0xff: {  	v7 =	vld [tilespmem:s26+$0xA270];
	v8 =	vmul.f32 $3.200000000e+01, v8;
	[tilespmem:s26+$0xA200] =	vst v3  }
0x100: {  	v3 =	vmul.f32 $3.200000000e+01, v5;
	[tilespmem:s26+$0xA210] =	vst v4;
	v4 =	vmul.f32 $3.200000000e+01, v6;
	v6 =	vld [tilespmem:s26+$0xA600]  }
0x101: {  	v5 =	vld [tilespmem:s26+$0xA610];
	[tilespmem:s26+$0xA240] =	vst v8  }
0x102: {  	v9 =	vmul.f32 $3.200000000e+01, v9;
	[tilespmem:s26+$0xA220] =	vst v3;
	v3 =	vld [tilespmem:s26+$0xA620]  }
0x103: {  	s28 =	simm.s32 $0x2000;
	s29 =	simm.s32 $0x0;
	v8 =	vmul.f32 $3.200000000e+01, v10;
	[tilespmem:s26+$0xA230] =	vst v4;
	v4 =	vld [tilespmem:s26+$0xA630]  }
.LBB2_4:
0x104: {  	s0 =	sand.u32 $0x6000, s28;
	p0 =	sne.s32 s28, $0x13E000;
	[tilespmem:s26+$0xA250] =	vst v9;
	v7 =	vmul.f32 $3.200000000e+01, v7;
	v9 =	vld [tilespmem:s26+$0xA640];
	s16 =	sadd.s32 $0x100, s16  }
0x105: {  	s29 =	sadd.s32 $0x20, s29;
	s1 =	sand.u32 $0xE000, s16;
	s0 =	sshrl.u32 s0, $0x2;
	[tilespmem:s26+$0xA260] =	vst v8;
	v6 =	vmul.f32 $3.200000000e+01, v6;
	v8 =	vld [tilespmem:s26+$0xA650]  }
0x106: {  	s22 =	sand.u32 $0x380, s29;
	s0 =	sor.u32 s0, s1;
	[tilespmem:s26+$0xA270] =	vst v7;
	v5 =	vmul.f32 $3.200000000e+01, v5;
	v7 =	vld [tilespmem:s26+$0xA660]  }
0x107: {  	s0 =	sor.u32 s22, s0;
	[tilespmem:s26+$0xA600] =	vst v6;
	v3 =	vmul.f32 $3.200000000e+01, v3;
	v6 =	vld [tilespmem:s26+$0xA670]  }
0x108: {  	v10 =	vld [tilespmem:s0+$0xA200];
	[tilespmem:s26+$0xA610] =	vst v5;
	v4 =	vmul.f32 $3.200000000e+01, v4  }
0x109: {  	v5 =	vld [tilespmem:s0+$0xA210];
	[tilespmem:s26+$0xA620] =	vst v3;
	v3 =	vmul.f32 $3.200000000e+01, v9  }
0x10a: {  	v9 =	vld [tilespmem:s0+$0xA220];
	[tilespmem:s26+$0xA630] =	vst v4;
	v4 =	vmul.f32 $3.200000000e+01, v8  }
0x10b: {  	v8 =	vld [tilespmem:s0+$0xA230];
	[tilespmem:s26+$0xA640] =	vst v3;
	v3 =	vmul.f32 $3.200000000e+01, v7  }
0x10c: {  	v11 =	vld [tilespmem:s0+$0xA240];
	[tilespmem:s26+$0xA650] =	vst v4;
	v4 =	vmul.f32 $3.200000000e+01, v6  }
0x10d: {  	v6 =	vmul.f32 $3.200000000e+01, v10;
	v10 =	vld [tilespmem:s0+$0xA250];
	[tilespmem:s26+$0xA660] =	vst v3  }
0x10e: {  	v3 =	vmul.f32 $3.200000000e+01, v5;
	v12 =	vld [tilespmem:s0+$0xA260];
	[tilespmem:s26+$0xA670] =	vst v4;
	s26 =	smov.u32 s0  }
.Ltmp1:
0x10f: {  	[tilespmem:s26+$0xA200] =	vst v6;
	v4 =	vmul.f32 $3.200000000e+01, v9;
	v7 =	vld [tilespmem:s26+$0xA270];
	(pc) =	sbr.rel @p0 .LBB2_4-.Ltmp1, $4  }
0x110: {  	[tilespmem:s26+$0xA210] =	vst v3;
	v3 =	vmul.f32 $3.200000000e+01, v8;
	v6 =	vld [tilespmem:s26+$0xA600]  }
0x111: {  	[tilespmem:s26+$0xA220] =	vst v4;
	v4 =	vmul.f32 $3.200000000e+01, v11;
	v5 =	vld [tilespmem:s26+$0xA610]  }
0x112: {  	[tilespmem:s26+$0xA230] =	vst v3;
	v9 =	vmul.f32 $3.200000000e+01, v10;
	v3 =	vld [tilespmem:s26+$0xA620]  }
0x113: {  	s28 =	sadd.s32 $0x2000, s28;
	[tilespmem:s26+$0xA240] =	vst v4;
	v8 =	vmul.f32 $3.200000000e+01, v12;
	v4 =	vld [tilespmem:s26+$0xA630]  }
0x114: {  	[tilespmem:s26+$0xA250] =	vst v9;
	v7 =	vmul.f32 $3.200000000e+01, v7;
	v9 =	vld [tilespmem:s26+$0xA640]  }
0x115: {  	[tilespmem:s26+$0xA260] =	vst v8;
	v6 =	vmul.f32 $3.200000000e+01, v6;
	v8 =	vld [tilespmem:s26+$0xA650]  }
0x116: {  	[tilespmem:s26+$0xA270] =	vst v7;
	v5 =	vmul.f32 $3.200000000e+01, v5;
	v7 =	vld [tilespmem:s26+$0xA660]  }
0x117: {  	[tilespmem:s26+$0xA600] =	vst v6;
	v3 =	vmul.f32 $3.200000000e+01, v3;
	v6 =	vld [tilespmem:s26+$0xA670]  }
0x118: {  	[tilespmem:s26+$0xA610] =	vst v5;
	v4 =	vmul.f32 $3.200000000e+01, v4  }
0x119: {  	[tilespmem:s26+$0xA620] =	vst v3;
	v3 =	vmul.f32 $3.200000000e+01, v9  }
0x11a: {  	[tilespmem:s26+$0xA630] =	vst v4;
	v4 =	vmul.f32 $3.200000000e+01, v8  }
0x11b: {  	[tilespmem:s26+$0xA640] =	vst v3;
	v3 =	vmul.f32 $3.200000000e+01, v7  }
0x11c: {  	[tilespmem:s26+$0xA650] =	vst v4;
	v4 =	vmul.f32 $3.200000000e+01, v6  }
0x11d: {  	[tilespmem:s26+$0xA660] =	vst v3  }
0x11e: {  	s0 =	simm.s32 $0x0;
	s1 =	rddreg [dreg:$0x6];
	[tilespmem:s26+$0xA670] =	vst v4  }
0x11f: {  	[hbm4b:s1+s0] =	stream.linear.scatter [tilespmem:s18], [sflag:$0x5], $0xA000, $0x38;
	[tilespmem:$0x1E200] =	vst v63  }
0x120: {  	_ =	swait.ge [sflag:s19], $0xA000  }
0x121: {  	[sflag:s19] =	ssyncset.done $0x0  }
0x122: {  	[sflag:s19] =	ssyncadd.s32 $0xFFFF6000  }
0x123: {  	v3 =	vld [tilespmem:$0x78];
	_ =	sdelay $0x4  }
0x124: {  	v4 =	vshll.u32 v3, $0x3  }
0x125: {  	v3 =	vand.u32 $0x7, v3;
	v4 =	vand.u32 $0xFFFFFFC0, v4  }
0x126: {  	v3 =	vor.u32 v3, v4  }
0x127: {  	v4 =	vperm.xlane v3, v0;
	_ =	sdelay $0x1  }
0x128: {  	v4 =	vadd.s32 v1, v4;
	_ =	sdelay $0x4  }
0x129: {  	[tilespmem:s25], [sflag:$0x1] =	stream.indirect_vreg.gather [hbm4b:s2+s0], $0x80, v4, vm0, $0xb8;
	[tilespmem:$0x1E200] =	vst v63  }
0x12a: {  	s23 =	simm.s32 $0xA00;
	v3 =	vperm.xlane v3, v2  }
0x12b: {  	[tilespmem:s23], [sflag:$0x1] =	stream.indirect_vreg.gather [hbm4b:s5+s0], $0x80, v4, vm0, $0xb8;
	[tilespmem:$0x1E200] =	vst v63  }
0x12c: {  	s26 =	simm.s32 $0x1200;
	v3 =	vadd.s32 v1, v3  }
0x12d: {  	[tilespmem:s26], [sflag:$0x1] =	stream.indirect_vreg.gather [hbm4b:s6+s0], $0x80, v4, vm0, $0xb8;
	[tilespmem:$0x1E200] =	vst v63  }
0x12e: {  	s4 =	simm.s32 $0x1A00  }
0x12f: {  	[tilespmem:s4], [sflag:$0x1] =	stream.indirect_vreg.gather [hbm4b:s8+s0], $0x80, v4, vm0, $0xb8;
	[tilespmem:$0x1E200] =	vst v63  }
0x130: {  	s16 =	simm.s32 $0x2200  }
0x131: {  	[tilespmem:s16], [sflag:$0x1] =	stream.indirect_vreg.gather [hbm4b:s2+s0], $0x80, v3, vm0, $0xb8;
	[tilespmem:$0x1E200] =	vst v63  }
0x132: {  	s22 =	simm.s32 $0x2A00  }
0x133: {  	[tilespmem:s22], [sflag:$0x1] =	stream.indirect_vreg.gather [hbm4b:s5+s0], $0x80, v3, vm0, $0xb8;
	[tilespmem:$0x1E200] =	vst v63  }
0x134: {  	s23 =	simm.s32 $0x3200  }
0x135: {  	[tilespmem:s23], [sflag:$0x1] =	stream.indirect_vreg.gather [hbm4b:s6+s0], $0x80, v3, vm0, $0xb8;
	[tilespmem:$0x1E200] =	vst v63  }
0x136: {  	s26 =	simm.s32 $0x3A00  }
0x137: {  	[tilespmem:s26], [sflag:$0x1] =	stream.indirect_vreg.gather [hbm4b:s8+s0], $0x80, v3, vm0, $0xb8;
	[tilespmem:$0x1E200] =	vst v63  }
0x138: {  	v3 =	vld [tilespmem:$0x88];
	_ =	sdelay $0x4  }
0x139: {  	v4 =	vshll.u32 v3, $0x3  }
0x13a: {  	v3 =	vand.u32 $0x7, v3;
	v4 =	vand.u32 $0xFFFFFFC0, v4  }
0x13b: {  	v3 =	vor.u32 v3, v4  }
0x13c: {  	v4 =	vperm.xlane v3, v0;
	_ =	sdelay $0x1  }
0x13d: {  	v4 =	vadd.s32 v1, v4;
	_ =	sdelay $0x3  }
0x13e: {  	s4 =	simm.s32 $0x4200  }
0x13f: {  	[tilespmem:s4], [sflag:$0x1] =	stream.indirect_vreg.gather [hbm4b:s2+s0], $0x80, v4, vm0, $0xb8;
	[tilespmem:$0x1E200] =	vst v63  }
0x140: {  	s16 =	simm.s32 $0x4A00;
	v3 =	vperm.xlane v3, v2  }
0x141: {  	[tilespmem:s16], [sflag:$0x1] =	stream.indirect_vreg.gather [hbm4b:s5+s0], $0x80, v4, vm0, $0xb8;
	[tilespmem:$0x1E200] =	vst v63  }
0x142: {  	s22 =	simm.s32 $0x5200;
	v3 =	vadd.s32 v1, v3  }
0x143: {  	[tilespmem:s22], [sflag:$0x1] =	stream.indirect_vreg.gather [hbm4b:s6+s0], $0x80, v4, vm0, $0xb8;
	[tilespmem:$0x1E200] =	vst v63  }
0x144: {  	_ = 	snop  }
0x145: {  	[tilespmem:s9], [sflag:$0x1] =	stream.indirect_vreg.gather [hbm4b:s8+s0], $0x80, v4, vm0, $0xb8;
	[tilespmem:$0x1E200] =	vst v63  }
0x146: {  	_ = 	snop  }
0x147: {  	[tilespmem:s10], [sflag:$0x1] =	stream.indirect_vreg.gather [hbm4b:s2+s0], $0x80, v3, vm0, $0xb8;
	[tilespmem:$0x1E200] =	vst v63  }
0x148: {  	_ = 	snop  }
0x149: {  	[tilespmem:s11], [sflag:$0x1] =	stream.indirect_vreg.gather [hbm4b:s5+s0], $0x80, v3, vm0, $0xb8;
	[tilespmem:$0x1E200] =	vst v63  }
0x14a: {  	_ = 	snop  }
0x14b: {  	[tilespmem:s12], [sflag:$0x1] =	stream.indirect_vreg.gather [hbm4b:s6+s0], $0x80, v3, vm0, $0xb8;
	[tilespmem:$0x1E200] =	vst v63  }
0x14c: {  	_ = 	snop  }
0x14d: {  	[tilespmem:s13], [sflag:$0x1] =	stream.indirect_vreg.gather [hbm4b:s8+s0], $0x80, v3, vm0, $0xb8;
	[tilespmem:$0x1E200] =	vst v63  }
0x14e: {  	v3 =	vld.msk [tilespmem:$0x98], $0xff;
	_ =	sdelay $0x4  }
0x14f: {  	v4 =	vshll.u32 v3, $0x3  }
0x150: {  	v3 =	vand.u32 $0x7, v3;
	v4 =	vand.u32 $0xFFFFFFC0, v4  }
0x151: {  	v3 =	vor.u32 v3, v4  }
0x152: {  	v3 =	vperm.xlane v3, v0;
	_ =	sdelay $0x1  }
0x153: {  	v3 =	vadd.s32 v1, v3;
	_ =	sdelay $0x3  }
0x154: {  	s23 =	simm.s32 $0x8200  }
0x155: {  	[tilespmem:s23], [sflag:$0x1] =	stream.indirect_vreg.gather [hbm4b:s2+s0], $0x80, v3, vm0, $0xb8;
	[tilespmem:$0x1E200] =	vst v63  }
0x156: {  	s26 =	simm.s32 $0x8A00  }
0x157: {  	[tilespmem:s26], [sflag:$0x1] =	stream.indirect_vreg.gather [hbm4b:s5+s0], $0x80, v3, vm0, $0xb8;
	[tilespmem:$0x1E200] =	vst v63  }
0x158: {  	s4 =	simm.s32 $0x9200  }
0x159: {  	[tilespmem:s4], [sflag:$0x1] =	stream.indirect_vreg.gather [hbm4b:s6+s0], $0x80, v3, vm0, $0xb8;
	[tilespmem:$0x1E200] =	vst v63  }
0x15a: {  	s16 =	simm.s32 $0x9A00;
	s22 =	sand.u32 $0x6000, s0  }
0x15b: {  	[tilespmem:s16], [sflag:$0x1] =	stream.indirect_vreg.gather [hbm4b:s8+s0], $0x80, v3, vm0, $0xb8;
	[tilespmem:$0x1E200] =	vst v63  }
0x15c: {  	s1 =	sshrl.u32 s22, $0x2;
	s16 =	sand.u32 $0xE000, s0  }
0x15d: {  	s0 =	sand.u32 $0x380, s0;
	_ =	swait.ge [sflag:s7], $0xA000;
	s1 =	sor.u32 s1, s16  }
0x15e: {  	[sflag:s7] =	ssyncset.done $0x0;
	s0 =	sor.u32 s0, s1  }
0x15f: {  	[sflag:s7] =	ssyncadd.s32 $0xFFFF6000;
	s26 =	sadd.s32 $0x14200, s0  }
0x160: {  	v3 =	vld [tilespmem:s26+$0x50]  }
0x161: {  	v4 =	vld [tilespmem:s26+$0x470]  }
0x162: {  	v5 =	vld [tilespmem:s26+$0x430]  }
0x163: {  	v6 =	vld [tilespmem:s26+$0x450]  }
0x164: {  	v7 =	vld [tilespmem:s26+$0x460]  }
0x165: {  	v8 =	vld [tilespmem:s26+$0x410]  }
0x166: {  	v10 =	vld [tilespmem:s26+$0x420]  }
0x167: {  	s23 =	simm.s32 $0x2000;
	v12 =	vld [tilespmem:s0+$0x14200];
	v5 =	vmul.f32 $3.200000000e+01, v5  }
0x168: {  	s4 =	simm.s32 $0x100;
	s1 =	sand.u32 $0x6000, s23;
	v11 =	vld [tilespmem:s26+$0x440];
	v6 =	vmul.f32 $3.200000000e+01, v6  }
0x169: {  	s22 =	simm.s32 $0x20;
	s16 =	sand.u32 $0xE000, s4;
	s1 =	sshrl.u32 s1, $0x2;
	v9 =	vld [tilespmem:s26+$0x400];
	v7 =	vmul.f32 $3.200000000e+01, v7;
	[tilespmem:s26+$0x430] =	vst v5  }
0x16a: {  	s22 =	sand.u32 $0x380, s22;
	s1 =	sor.u32 s1, s16;
	v13 =	vld [tilespmem:s26+$0x70];
	v4 =	vmul.f32 $3.200000000e+01, v4;
	[tilespmem:s26+$0x450] =	vst v6  }
0x16b: {  	s28 =	sor.u32 s22, s1;
	v3 =	vmul.f32 $3.200000000e+01, v3;
	v5 =	vld [tilespmem:s26+$0x60];
	[tilespmem:s26+$0x460] =	vst v7  }
0x16c: {  	s16 =	sadd.s32 $0x14200, s28;
	v6 =	vld [tilespmem:s26+$0x40];
	[tilespmem:s26+$0x470] =	vst v4;
	v4 =	vmul.f32 $3.200000000e+01, v12  }
0x16d: {  	v7 =	vmul.f32 $3.200000000e+01, v11;
	[tilespmem:s26+$0x50] =	vst v3;
	v3 =	vld [tilespmem:s16+$0x470]  }
0x16e: {  	v8 =	vmul.f32 $3.200000000e+01, v8;
	v63 =	vld [tilespmem:s16+$0x50];
	[tilespmem:s0+$0x14200] =	vst v4  }
0x16f: {  	[tilespmem:s26+$0x440] =	vst v7;
	v4 =	vmul.f32 $3.200000000e+01, v9;
	v9 =	vld [tilespmem:s26+$0x10]  }
0x170: {  	v7 =	vmul.f32 $3.200000000e+01, v5;
	v5 =	vld [tilespmem:s16+$0x430];
	[tilespmem:s26+$0x410] =	vst v8  }
0x171: {  	s31 =	simm.s32 $0x300;
	v8 =	vld [tilespmem:s26+$0x20];
	v14 =	vmul.f32 $3.200000000e+01, v6;
	[tilespmem:s26+$0x400] =	vst v4  }
0x172: {  	s30 =	simm.s32 $0x40;
	s23 =	simm.s32 $0x4000;
	s22 =	simm.s32 $0x200;
	v11 =	vmul.f32 $3.200000000e+01, v13;
	v6 =	vld [tilespmem:s16+$0x450];
	[tilespmem:s26+$0x60] =	vst v7  }
0x173: {  	s1 =	sand.u32 $0x6000, s23;
	s29 =	sand.u32 $0xE000, s22;
	s0 =	simm.s32 $0x6000;
	v4 =	vmul.f32 $3.200000000e+01, v63;
	v7 =	vmul.f32 $3.200000000e+01, v10;
	v10 =	vld [tilespmem:s26+$0x30];
	[tilespmem:s26+$0x40] =	vst v14  }
.LBB2_6:
0x174: {  	s23 =	sand.u32 $0xE000, s31  }
0x175: {  	s4 =	sshrl.u32 s1, $0x2;
	v12 =	vld [tilespmem:s16+$0x460];
	[tilespmem:s26+$0x420] =	vst v7;
	s1 =	smov.u32 s0;
	s22 =	sadd.s32 $0x2000, s0  }
0x176: {  	p0 =	sne.s32 s0, $0x13E000;
	s0 =	sand.u32 $0x380, s30;
	s4 =	sor.u32 s4, s29;
	v7 =	vld [tilespmem:s16+$0x60];
	[tilespmem:s26+$0x70] =	vst v11  }
0x177: {  	s29 =	smov.u32 s23;
	s0 =	sor.u32 s0, s4;
	v11 =	vld [tilespmem:s16+$0x410];
	v8 =	vmul.f32 $3.200000000e+01, v8  }
0x178: {  	v5 =	vmul.f32 $3.200000000e+01, v5;
	v13 =	vld [tilespmem:s16+$0x420];
	v9 =	vmul.f32 $3.200000000e+01, v9  }
0x179: {  	v6 =	vmul.f32 $3.200000000e+01, v6;
	v14 =	vld [tilespmem:s16+$0x400];
	[tilespmem:s26+$0x20] =	vst v8;
	v8 =	vmul.f32 $3.200000000e+01, v10  }
0x17a: {  	v10 =	vld [tilespmem:s16+$0x440];
	v12 =	vmul.f32 $3.200000000e+01, v12;
	[tilespmem:s26+$0x10] =	vst v9  }
0x17b: {  	v9 =	vld [tilespmem:s16+$0x40];
	[tilespmem:s26+$0x30] =	vst v8;
	s26 =	smov.u32 s16  }
0x17c: {  	v8 =	vld [tilespmem:s28+$0x14200];
	v15 =	vmul.f32 $3.200000000e+01, v11;
	[tilespmem:s26+$0x430] =	vst v5  }
0x17d: {  	v16 =	vmul.f32 $3.200000000e+01, v7;
	v11 =	vld [tilespmem:s26+$0x70];
	v7 =	vmul.f32 $3.200000000e+01, v13;
	[tilespmem:s26+$0x450] =	vst v6  }
0x17e: {  	v3 =	vmul.f32 $3.200000000e+01, v3;
	[tilespmem:s26+$0x460] =	vst v12  }
0x17f: {  	s16 =	sadd.s32 $0x14200, s0;
	[tilespmem:s26+$0x50] =	vst v4;
	v4 =	vmul.f32 $3.200000000e+01, v10  }
0x180: {  	v12 =	vmul.f32 $3.200000000e+01, v14;
	v10 =	vld [tilespmem:s16+$0x50];
	[tilespmem:s26+$0x470] =	vst v3  }
0x181: {  	v13 =	vmul.f32 $3.200000000e+01, v9;
	v3 =	vld [tilespmem:s16+$0x470];
	v8 =	vmul.f32 $3.200000000e+01, v8;
	[tilespmem:s26+$0x440] =	vst v4  }
.Ltmp2:
0x182: {  	v5 =	vld [tilespmem:s16+$0x430];
	v11 =	vmul.f32 $3.200000000e+01, v11;
	[tilespmem:s26+$0x410] =	vst v15;
	(pc) =	sbr.rel @p0 .LBB2_6-.Ltmp2, $4  }
0x183: {  	v6 =	vld [tilespmem:s16+$0x450];
	[tilespmem:s28+$0x14200] =	vst v8;
	s28 =	smov.u32 s0  }
0x184: {  	v8 =	vld [tilespmem:s26+$0x20];
	[tilespmem:s26+$0x400] =	vst v12  }
0x185: {  	s31 =	sadd.s32 $0x100, s31;
	v4 =	vmul.f32 $3.200000000e+01, v10;
	v9 =	vld [tilespmem:s26+$0x10];
	[tilespmem:s26+$0x60] =	vst v16  }
0x186: {  	s30 =	sadd.s32 $0x20, s30;
	s1 =	sand.u32 $0x6000, s1;
	s0 =	smov.u32 s22;
	v10 =	vld [tilespmem:s26+$0x30];
	[tilespmem:s26+$0x40] =	vst v13  }
0x187: {  	_ =	sdelay $0x1  }
0x188: {  	v12 =	vld [tilespmem:s16+$0x60];
	[tilespmem:s26+$0x70] =	vst v11;
	v8 =	vmul.f32 $3.200000000e+01, v8  }
0x189: {  	[tilespmem:s26+$0x420] =	vst v7;
	v9 =	vmul.f32 $3.200000000e+01, v9  }
0x18a: {  	[tilespmem:s26+$0x20] =	vst v8;
	v10 =	vmul.f32 $3.200000000e+01, v10  }
0x18b: {  	v8 =	vld [tilespmem:s16+$0x460];
	[tilespmem:s26+$0x10] =	vst v9  }
0x18c: {  	v7 =	vld [tilespmem:s16+$0x40];
	[tilespmem:s26+$0x30] =	vst v10  }
0x18d: {  	v5 =	vmul.f32 $3.200000000e+01, v5;
	v10 =	vld [tilespmem:s28+$0x14200]  }
0x18e: {  	v3 =	vmul.f32 $3.200000000e+01, v3;
	v11 =	vld [tilespmem:s16+$0x420]  }
0x18f: {  	s0 =	sshrl.u32 s1, $0x2;
	v13 =	vld [tilespmem:s16+$0x400];
	v6 =	vmul.f32 $3.200000000e+01, v6;
	[tilespmem:s16+$0x430] =	vst v5  }
0x190: {  	v14 =	vld [tilespmem:s16+$0x440];
	s0 =	sor.u32 s0, s29;
	[tilespmem:s16+$0x470] =	vst v3;
	s26 =	sand.u32 $0x380, s30  }
0x191: {  	[tilespmem:s16+$0x450] =	vst v6;
	v9 =	vld [tilespmem:s16+$0x410];
	s0 =	sor.u32 s26, s0;
	v8 =	vmul.f32 $3.200000000e+01, v8  }
0x192: {  	v5 =	vld [tilespmem:s16+$0x70];
	[tilespmem:s16+$0x50] =	vst v4;
	s30 =	sadd.s32 $0x14200, s0;
	v6 =	vmul.f32 $3.200000000e+01, v10  }
0x193: {  	v4 =	vld [tilespmem:s30+$0x50];
	[tilespmem:s16+$0x460] =	vst v8;
	v7 =	vmul.f32 $3.200000000e+01, v7  }
0x194: {  	v63 =	vld [tilespmem:s30+$0x470];
	[tilespmem:s28+$0x14200] =	vst v6;
	v6 =	vmul.f32 $3.200000000e+01, v12  }
0x195: {  	v10 =	vmul.f32 $3.200000000e+01, v14;
	[tilespmem:s16+$0x40] =	vst v7;
	v8 =	vld [tilespmem:s16+$0x20]  }
0x196: {  	v3 =	vld [tilespmem:s16+$0x10];
	[tilespmem:s16+$0x60] =	vst v6;
	v6 =	vmul.f32 $3.200000000e+01, v9  }
0x197: {  	v5 =	vmul.f32 $3.200000000e+01, v5;
	[tilespmem:s16+$0x440] =	vst v10;
	v9 =	vld [tilespmem:s16+$0x30]  }
0x198: {  	v10 =	vld [tilespmem:s30+$0x430];
	[tilespmem:s16+$0x410] =	vst v6  }
0x199: {  	v6 =	vld [tilespmem:s30+$0x60];
	[tilespmem:s16+$0x70] =	vst v5;
	v5 =	vmul.f32 $3.200000000e+01, v13  }
0x19a: {  	v7 =	vmul.f32 $3.200000000e+01, v8  }
0x19b: {  	v3 =	vmul.f32 $3.200000000e+01, v3;
	v8 =	vld [tilespmem:s30+$0x450];
	[tilespmem:s16+$0x400] =	vst v5  }
0x19c: {  	v9 =	vmul.f32 $3.200000000e+01, v9;
	[tilespmem:s16+$0x20] =	vst v7;
	v7 =	vld [tilespmem:s30+$0x460]  }
0x19d: {  	[tilespmem:s16+$0x10] =	vst v3;
	v3 =	vmul.f32 $3.200000000e+01, v11  }
0x19e: {  	v5 =	vld [tilespmem:s30+$0x40];
	[tilespmem:s16+$0x30] =	vst v9  }
0x19f: {  	[tilespmem:s16+$0x420] =	vst v3;
	v3 =	vmul.f32 $3.200000000e+01, v10;
	v9 =	vld [tilespmem:s0+$0x14200]  }
0x1a0: {  	v8 =	vmul.f32 $3.200000000e+01, v8;
	v10 =	vld [tilespmem:s30+$0x440]  }
0x1a1: {  	v11 =	vld [tilespmem:s30+$0x410];
	[tilespmem:s30+$0x430] =	vst v3;
	v7 =	vmul.f32 $3.200000000e+01, v7  }
0x1a2: {  	v3 =	vmul.f32 $3.200000000e+01, v4;
	v4 =	vld [tilespmem:s30+$0x400];
	[tilespmem:s30+$0x450] =	vst v8  }
0x1a3: {  	[tilespmem:s30+$0x460] =	vst v7;
	v7 =	vmul.f32 $3.200000000e+01, v63  }
0x1a4: {  	[tilespmem:s30+$0x50] =	vst v3;
	v3 =	vmul.f32 $3.200000000e+01, v9  }
0x1a5: {  	v6 =	vmul.f32 $3.200000000e+01, v6;
	v8 =	vld [tilespmem:s30+$0x420];
	[tilespmem:s30+$0x470] =	vst v7  }
0x1a6: {  	v9 =	vmul.f32 $3.200000000e+01, v10;
	v10 =	vld [tilespmem:s30+$0x70];
	v7 =	vmul.f32 $3.200000000e+01, v11;
	[tilespmem:s0+$0x14200] =	vst v3  }
0x1a7: {  	[tilespmem:s30+$0x60] =	vst v6;
	v3 =	vmul.f32 $3.200000000e+01, v4;
	v4 =	vld [tilespmem:s30+$0x20]  }
0x1a8: {  	v5 =	vmul.f32 $3.200000000e+01, v5;
	[tilespmem:s30+$0x410] =	vst v7;
	v7 =	vld [tilespmem:s30+$0x10]  }
0x1a9: {  	[tilespmem:s30+$0x400] =	vst v3;
	v3 =	vld [tilespmem:s30+$0x30]  }
0x1aa: {  	[tilespmem:s30+$0x40] =	vst v5;
	v8 =	vmul.f32 $3.200000000e+01, v8  }
0x1ab: {  	[tilespmem:s30+$0x440] =	vst v9;
	v6 =	vmul.f32 $3.200000000e+01, v10  }
0x1ac: {  	[tilespmem:s30+$0x420] =	vst v8;
	v4 =	vmul.f32 $3.200000000e+01, v4  }
0x1ad: {  	[tilespmem:s30+$0x70] =	vst v6;
	v5 =	vmul.f32 $3.200000000e+01, v7  }
0x1ae: {  	v3 =	vmul.f32 $3.200000000e+01, v3;
	[tilespmem:s30+$0x20] =	vst v4  }
0x1af: {  	[tilespmem:s30+$0x10] =	vst v5  }
0x1b0: {  	s31 =	rddreg [dreg:$0x7];
	s16 =	simm.s32 $0x0;
	[tilespmem:s30+$0x30] =	vst v3  }
0x1b1: {  	[hbm4b:s31+s16] =	stream.linear.scatter [tilespmem:s21], [sflag:$0x6], $0xA000, $0x38;
	[tilespmem:$0x1E200] =	vst v63  }
0x1b2: {  	_ =	swait.ge [sflag:s24], $0xA000  }
0x1b3: {  	[sflag:s24] =	ssyncset.done $0x0  }
0x1b4: {  	[sflag:s24] =	ssyncadd.s32 $0xFFFF6000  }
0x1b5: {  	v3 =	vld [tilespmem:$0xA0];
	_ =	sdelay $0x4  }
0x1b6: {  	v4 =	vshll.u32 v3, $0x3  }
0x1b7: {  	v3 =	vand.u32 $0x7, v3;
	v4 =	vand.u32 $0xFFFFFFC0, v4  }
0x1b8: {  	v3 =	vor.u32 v3, v4  }
0x1b9: {  	v4 =	vperm.xlane v3, v0;
	_ =	sdelay $0x1  }
0x1ba: {  	v4 =	vadd.s32 v1, v4;
	_ =	sdelay $0x4  }
0x1bb: {  	[tilespmem:s18], [sflag:$0x2] =	stream.indirect_vreg.gather [hbm4b:s2+s16], $0x80, v4, vm0, $0xb8;
	[tilespmem:$0x1E200] =	vst v63  }
0x1bc: {  	s1 =	simm.s32 $0xAA00;
	v3 =	vperm.xlane v3, v2  }
0x1bd: {  	[tilespmem:s1], [sflag:$0x2] =	stream.indirect_vreg.gather [hbm4b:s5+s16], $0x80, v4, vm0, $0xb8;
	[tilespmem:$0x1E200] =	vst v63  }
0x1be: {  	s4 =	simm.s32 $0xB200;
	v3 =	vadd.s32 v1, v3  }
0x1bf: {  	[tilespmem:s4], [sflag:$0x2] =	stream.indirect_vreg.gather [hbm4b:s6+s16], $0x80, v4, vm0, $0xb8;
	[tilespmem:$0x1E200] =	vst v63  }
0x1c0: {  	s22 =	simm.s32 $0xBA00  }
0x1c1: {  	[tilespmem:s22], [sflag:$0x2] =	stream.indirect_vreg.gather [hbm4b:s8+s16], $0x80, v4, vm0, $0xb8;
	[tilespmem:$0x1E200] =	vst v63  }
0x1c2: {  	s23 =	simm.s32 $0xC200  }
0x1c3: {  	[tilespmem:s23], [sflag:$0x2] =	stream.indirect_vreg.gather [hbm4b:s2+s16], $0x80, v3, vm0, $0xb8;
	[tilespmem:$0x1E200] =	vst v63  }
0x1c4: {  	s26 =	simm.s32 $0xCA00  }
0x1c5: {  	[tilespmem:s26], [sflag:$0x2] =	stream.indirect_vreg.gather [hbm4b:s5+s16], $0x80, v3, vm0, $0xb8;
	[tilespmem:$0x1E200] =	vst v63  }
0x1c6: {  	s30 =	simm.s32 $0xD200  }
0x1c7: {  	[tilespmem:s30], [sflag:$0x2] =	stream.indirect_vreg.gather [hbm4b:s6+s16], $0x80, v3, vm0, $0xb8;
	[tilespmem:$0x1E200] =	vst v63  }
0x1c8: {  	s31 =	simm.s32 $0xDA00  }
0x1c9: {  	[tilespmem:s31], [sflag:$0x2] =	stream.indirect_vreg.gather [hbm4b:s8+s16], $0x80, v3, vm0, $0xb8;
	[tilespmem:$0x1E200] =	vst v63  }
0x1ca: {  	v3 =	vld [tilespmem:$0xB0];
	_ =	sdelay $0x4  }
0x1cb: {  	v4 =	vshll.u32 v3, $0x3  }
0x1cc: {  	v3 =	vand.u32 $0x7, v3;
	v4 =	vand.u32 $0xFFFFFFC0, v4  }
0x1cd: {  	v3 =	vor.u32 v3, v4  }
0x1ce: {  	v4 =	vperm.xlane v3, v0;
	_ =	sdelay $0x1  }
0x1cf: {  	v4 =	vadd.s32 v1, v4;
	_ =	sdelay $0x3  }
0x1d0: {  	s1 =	simm.s32 $0xE200  }
0x1d1: {  	[tilespmem:s1], [sflag:$0x2] =	stream.indirect_vreg.gather [hbm4b:s2+s16], $0x80, v4, vm0, $0xb8;
	[tilespmem:$0x1E200] =	vst v63  }
0x1d2: {  	s4 =	simm.s32 $0xEA00;
	v3 =	vperm.xlane v3, v2  }
0x1d3: {  	[tilespmem:s4], [sflag:$0x2] =	stream.indirect_vreg.gather [hbm4b:s5+s16], $0x80, v4, vm0, $0xb8;
	[tilespmem:$0x1E200] =	vst v63  }
0x1d4: {  	s22 =	simm.s32 $0xF200;
	v3 =	vadd.s32 v1, v3  }
0x1d5: {  	[tilespmem:s22], [sflag:$0x2] =	stream.indirect_vreg.gather [hbm4b:s6+s16], $0x80, v4, vm0, $0xb8;
	[tilespmem:$0x1E200] =	vst v63  }
0x1d6: {  	s23 =	simm.s32 $0xFA00  }
0x1d7: {  	[tilespmem:s23], [sflag:$0x2] =	stream.indirect_vreg.gather [hbm4b:s8+s16], $0x80, v4, vm0, $0xb8;
	[tilespmem:$0x1E200] =	vst v63  }
0x1d8: {  	s26 =	simm.s32 $0x10200  }
0x1d9: {  	[tilespmem:s26], [sflag:$0x2] =	stream.indirect_vreg.gather [hbm4b:s2+s16], $0x80, v3, vm0, $0xb8;
	[tilespmem:$0x1E200] =	vst v63  }
0x1da: {  	s30 =	simm.s32 $0x10A00  }
0x1db: {  	[tilespmem:s30], [sflag:$0x2] =	stream.indirect_vreg.gather [hbm4b:s5+s16], $0x80, v3, vm0, $0xb8;
	[tilespmem:$0x1E200] =	vst v63  }
0x1dc: {  	s31 =	simm.s32 $0x11200  }
0x1dd: {  	[tilespmem:s31], [sflag:$0x2] =	stream.indirect_vreg.gather [hbm4b:s6+s16], $0x80, v3, vm0, $0xb8;
	[tilespmem:$0x1E200] =	vst v63  }
0x1de: {  	s1 =	simm.s32 $0x11A00  }
0x1df: {  	[tilespmem:s1], [sflag:$0x2] =	stream.indirect_vreg.gather [hbm4b:s8+s16], $0x80, v3, vm0, $0xb8;
	[tilespmem:$0x1E200] =	vst v63  }
0x1e0: {  	v3 =	vld.msk [tilespmem:$0xC0], $0xff;
	_ =	sdelay $0x4  }
0x1e1: {  	v4 =	vshll.u32 v3, $0x3  }
0x1e2: {  	v3 =	vand.u32 $0x7, v3;
	v4 =	vand.u32 $0xFFFFFFC0, v4  }
0x1e3: {  	v3 =	vor.u32 v3, v4  }
0x1e4: {  	v3 =	vperm.xlane v3, v0;
	_ =	sdelay $0x1  }
0x1e5: {  	v3 =	vadd.s32 v1, v3;
	_ =	sdelay $0x3  }
0x1e6: {  	s4 =	simm.s32 $0x12200  }
0x1e7: {  	[tilespmem:s4], [sflag:$0x2] =	stream.indirect_vreg.gather [hbm4b:s2+s16], $0x80, v3, vm0, $0xb8;
	[tilespmem:$0x1E200] =	vst v63  }
0x1e8: {  	s22 =	simm.s32 $0x12A00  }
0x1e9: {  	[tilespmem:s22], [sflag:$0x2] =	stream.indirect_vreg.gather [hbm4b:s5+s16], $0x80, v3, vm0, $0xb8;
	[tilespmem:$0x1E200] =	vst v63  }
0x1ea: {  	s23 =	simm.s32 $0x13200  }
0x1eb: {  	[tilespmem:s23], [sflag:$0x2] =	stream.indirect_vreg.gather [hbm4b:s6+s16], $0x80, v3, vm0, $0xb8;
	[tilespmem:$0x1E200] =	vst v63  }
0x1ec: {  	s26 =	simm.s32 $0x13A00;
	s30 =	sand.u32 $0x6000, s16  }
0x1ed: {  	[tilespmem:s26], [sflag:$0x2] =	stream.indirect_vreg.gather [hbm4b:s8+s16], $0x80, v3, vm0, $0xb8;
	[tilespmem:$0x1E200] =	vst v63  }
0x1ee: {  	s0 =	sshrl.u32 s30, $0x2;
	s31 =	sand.u32 $0xE000, s16;
	_ =	swait.ge [sflag:s20], $0xA000  }
0x1ef: {  	s0 =	sor.u32 s0, s31;
	s4 =	sand.u32 $0x380, s16;
	[sflag:s20] =	ssyncset.done $0x0  }
0x1f0: {  	s26 =	sor.u32 s0, s4;
	[sflag:s20] =	ssyncadd.s32 $0xFFFF6000  }
0x1f1: {  	v3 =	vld [tilespmem:s26+$0x200]  }
0x1f2: {  	v4 =	vld [tilespmem:s26+$0x210]  }
0x1f3: {  	v5 =	vld [tilespmem:s26+$0x220]  }
0x1f4: {  	v8 =	vld [tilespmem:s26+$0x240]  }
0x1f5: {  	v6 =	vld [tilespmem:s26+$0x230];
	_ =	sdelay $0x1  }
0x1f6: {  	v9 =	vld [tilespmem:s26+$0x250];
	v3 =	vmul.f32 $3.200000000e+01, v3  }
0x1f7: {  	v10 =	vld [tilespmem:s26+$0x260];
	v4 =	vmul.f32 $3.200000000e+01, v4  }
0x1f8: {  	v7 =	vld [tilespmem:s26+$0x270];
	v8 =	vmul.f32 $3.200000000e+01, v8;
	[tilespmem:s26+$0x200] =	vst v3  }
0x1f9: {  	v3 =	vmul.f32 $3.200000000e+01, v5;
	[tilespmem:s26+$0x210] =	vst v4;
	v4 =	vmul.f32 $3.200000000e+01, v6;
	v6 =	vld [tilespmem:s26+$0x600]  }
0x1fa: {  	v5 =	vld [tilespmem:s26+$0x610];
	[tilespmem:s26+$0x240] =	vst v8  }
0x1fb: {  	v9 =	vmul.f32 $3.200000000e+01, v9;
	[tilespmem:s26+$0x220] =	vst v3;
	v3 =	vld [tilespmem:s26+$0x620]  }
0x1fc: {  	s29 =	simm.s32 $0x0;
	s28 =	simm.s32 $0x2000;
	v8 =	vmul.f32 $3.200000000e+01, v10;
	[tilespmem:s26+$0x230] =	vst v4;
	v4 =	vld [tilespmem:s26+$0x630]  }
.LBB2_8:
0x1fd: {  	s0 =	sand.u32 $0x6000, s28;
	p0 =	sne.s32 s28, $0x13E000;
	[tilespmem:s26+$0x250] =	vst v9;
	v7 =	vmul.f32 $3.200000000e+01, v7;
	v9 =	vld [tilespmem:s26+$0x640];
	s16 =	sadd.s32 $0x100, s16  }
0x1fe: {  	s29 =	sadd.s32 $0x20, s29;
	s1 =	sand.u32 $0xE000, s16;
	s0 =	sshrl.u32 s0, $0x2;
	[tilespmem:s26+$0x260] =	vst v8;
	v6 =	vmul.f32 $3.200000000e+01, v6;
	v8 =	vld [tilespmem:s26+$0x650]  }
0x1ff: {  	s4 =	sand.u32 $0x380, s29;
	s0 =	sor.u32 s0, s1;
	[tilespmem:s26+$0x270] =	vst v7;
	v5 =	vmul.f32 $3.200000000e+01, v5;
	v7 =	vld [tilespmem:s26+$0x660]  }
0x200: {  	s0 =	sor.u32 s0, s4;
	[tilespmem:s26+$0x600] =	vst v6;
	v3 =	vmul.f32 $3.200000000e+01, v3;
	v6 =	vld [tilespmem:s26+$0x670]  }
0x201: {  	v10 =	vld [tilespmem:s0+$0x200];
	[tilespmem:s26+$0x610] =	vst v5;
	v4 =	vmul.f32 $3.200000000e+01, v4  }
0x202: {  	v5 =	vld [tilespmem:s0+$0x210];
	[tilespmem:s26+$0x620] =	vst v3;
	v3 =	vmul.f32 $3.200000000e+01, v9  }
0x203: {  	v9 =	vld [tilespmem:s0+$0x220];
	[tilespmem:s26+$0x630] =	vst v4;
	v4 =	vmul.f32 $3.200000000e+01, v8  }
0x204: {  	v8 =	vld [tilespmem:s0+$0x230];
	[tilespmem:s26+$0x640] =	vst v3;
	v3 =	vmul.f32 $3.200000000e+01, v7  }
0x205: {  	v11 =	vld [tilespmem:s0+$0x240];
	[tilespmem:s26+$0x650] =	vst v4;
	v4 =	vmul.f32 $3.200000000e+01, v6  }
0x206: {  	v6 =	vmul.f32 $3.200000000e+01, v10;
	v10 =	vld [tilespmem:s0+$0x250];
	[tilespmem:s26+$0x660] =	vst v3  }
0x207: {  	v3 =	vmul.f32 $3.200000000e+01, v5;
	v12 =	vld [tilespmem:s0+$0x260];
	[tilespmem:s26+$0x670] =	vst v4;
	s26 =	smov.u32 s0  }
.Ltmp3:
0x208: {  	[tilespmem:s26+$0x200] =	vst v6;
	v4 =	vmul.f32 $3.200000000e+01, v9;
	v7 =	vld [tilespmem:s26+$0x270];
	(pc) =	sbr.rel @p0 .LBB2_8-.Ltmp3, $4  }
0x209: {  	[tilespmem:s26+$0x210] =	vst v3;
	v3 =	vmul.f32 $3.200000000e+01, v8;
	v6 =	vld [tilespmem:s26+$0x600]  }
0x20a: {  	[tilespmem:s26+$0x220] =	vst v4;
	v4 =	vmul.f32 $3.200000000e+01, v11;
	v5 =	vld [tilespmem:s26+$0x610]  }
0x20b: {  	[tilespmem:s26+$0x230] =	vst v3;
	v9 =	vmul.f32 $3.200000000e+01, v10;
	v3 =	vld [tilespmem:s26+$0x620]  }
0x20c: {  	s28 =	sadd.s32 $0x2000, s28;
	[tilespmem:s26+$0x240] =	vst v4;
	v8 =	vmul.f32 $3.200000000e+01, v12;
	v4 =	vld [tilespmem:s26+$0x630]  }
0x20d: {  	[tilespmem:s26+$0x250] =	vst v9;
	v7 =	vmul.f32 $3.200000000e+01, v7;
	v9 =	vld [tilespmem:s26+$0x640]  }
0x20e: {  	[tilespmem:s26+$0x260] =	vst v8;
	v6 =	vmul.f32 $3.200000000e+01, v6;
	v8 =	vld [tilespmem:s26+$0x650]  }
0x20f: {  	[tilespmem:s26+$0x270] =	vst v7;
	v5 =	vmul.f32 $3.200000000e+01, v5;
	v7 =	vld [tilespmem:s26+$0x660]  }
0x210: {  	[tilespmem:s26+$0x600] =	vst v6;
	v3 =	vmul.f32 $3.200000000e+01, v3;
	v6 =	vld [tilespmem:s26+$0x670]  }
0x211: {  	[tilespmem:s26+$0x610] =	vst v5;
	v4 =	vmul.f32 $3.200000000e+01, v4  }
0x212: {  	[tilespmem:s26+$0x620] =	vst v3;
	v3 =	vmul.f32 $3.200000000e+01, v9  }
0x213: {  	[tilespmem:s26+$0x630] =	vst v4;
	v4 =	vmul.f32 $3.200000000e+01, v8  }
0x214: {  	[tilespmem:s26+$0x640] =	vst v3;
	v3 =	vmul.f32 $3.200000000e+01, v7  }
0x215: {  	[tilespmem:s26+$0x650] =	vst v4;
	v4 =	vmul.f32 $3.200000000e+01, v6  }
0x216: {  	[tilespmem:s26+$0x660] =	vst v3  }
0x217: {  	s16 =	simm.s32 $0x0;
	s0 =	rddreg [dreg:$0x8];
	[tilespmem:s26+$0x670] =	vst v4  }
0x218: {  	[hbm4b:s0+s16] =	stream.linear.scatter [tilespmem:s25], [sflag:$0x4], $0xA000, $0x38;
	[tilespmem:$0x1E200] =	vst v63  }
0x219: {  	_ =	swait.ge [sflag:s14], $0xA000  }
0x21a: {  	[sflag:s14] =	ssyncset.done $0x0  }
0x21b: {  	[sflag:s14] =	ssyncadd.s32 $0xFFFF6000  }
0x21c: {  	v3 =	vld [tilespmem:$0xC8];
	_ =	sdelay $0x4  }
0x21d: {  	v4 =	vshll.u32 v3, $0x3  }
0x21e: {  	v3 =	vand.u32 $0x7, v3;
	v4 =	vand.u32 $0xFFFFFFC0, v4  }
0x21f: {  	v3 =	vor.u32 v3, v4  }
0x220: {  	v4 =	vperm.xlane v3, v0;
	_ =	sdelay $0x1  }
0x221: {  	v4 =	vadd.s32 v1, v4;
	_ =	sdelay $0x4  }
0x222: {  	[tilespmem:s21], [sflag:$0x3] =	stream.indirect_vreg.gather [hbm4b:s2+s16], $0x80, v4, vm0, $0xb8;
	[tilespmem:$0x1E200] =	vst v63  }
0x223: {  	s4 =	simm.s32 $0x14A00;
	v3 =	vperm.xlane v3, v2  }
0x224: {  	[tilespmem:s4], [sflag:$0x3] =	stream.indirect_vreg.gather [hbm4b:s5+s16], $0x80, v4, vm0, $0xb8;
	[tilespmem:$0x1E200] =	vst v63  }
0x225: {  	s22 =	simm.s32 $0x15200;
	v3 =	vadd.s32 v1, v3  }
0x226: {  	[tilespmem:s22], [sflag:$0x3] =	stream.indirect_vreg.gather [hbm4b:s6+s16], $0x80, v4, vm0, $0xb8;
	[tilespmem:$0x1E200] =	vst v63  }
0x227: {  	s23 =	simm.s32 $0x15A00  }
0x228: {  	[tilespmem:s23], [sflag:$0x3] =	stream.indirect_vreg.gather [hbm4b:s8+s16], $0x80, v4, vm0, $0xb8;
	[tilespmem:$0x1E200] =	vst v63  }
0x229: {  	s26 =	simm.s32 $0x16200  }
0x22a: {  	[tilespmem:s26], [sflag:$0x3] =	stream.indirect_vreg.gather [hbm4b:s2+s16], $0x80, v3, vm0, $0xb8;
	[tilespmem:$0x1E200] =	vst v63  }
0x22b: {  	s30 =	simm.s32 $0x16A00  }
0x22c: {  	[tilespmem:s30], [sflag:$0x3] =	stream.indirect_vreg.gather [hbm4b:s5+s16], $0x80, v3, vm0, $0xb8;
	[tilespmem:$0x1E200] =	vst v63  }
0x22d: {  	s31 =	simm.s32 $0x17200  }
0x22e: {  	[tilespmem:s31], [sflag:$0x3] =	stream.indirect_vreg.gather [hbm4b:s6+s16], $0x80, v3, vm0, $0xb8;
	[tilespmem:$0x1E200] =	vst v63  }
0x22f: {  	s1 =	simm.s32 $0x17A00  }
0x230: {  	[tilespmem:s1], [sflag:$0x3] =	stream.indirect_vreg.gather [hbm4b:s8+s16], $0x80, v3, vm0, $0xb8;
	[tilespmem:$0x1E200] =	vst v63  }
0x231: {  	v3 =	vld [tilespmem:$0xD8];
	_ =	sdelay $0x4  }
0x232: {  	v4 =	vshll.u32 v3, $0x3  }
0x233: {  	v3 =	vand.u32 $0x7, v3;
	v4 =	vand.u32 $0xFFFFFFC0, v4  }
0x234: {  	v3 =	vor.u32 v3, v4  }
0x235: {  	v4 =	vperm.xlane v3, v0;
	_ =	sdelay $0x1  }
0x236: {  	v4 =	vadd.s32 v1, v4;
	_ =	sdelay $0x3  }
0x237: {  	s4 =	simm.s32 $0x18200  }
0x238: {  	[tilespmem:s4], [sflag:$0x3] =	stream.indirect_vreg.gather [hbm4b:s2+s16], $0x80, v4, vm0, $0xb8;
	[tilespmem:$0x1E200] =	vst v63  }
0x239: {  	s22 =	simm.s32 $0x18A00;
	v3 =	vperm.xlane v3, v2  }
0x23a: {  	[tilespmem:s22], [sflag:$0x3] =	stream.indirect_vreg.gather [hbm4b:s5+s16], $0x80, v4, vm0, $0xb8;
	[tilespmem:$0x1E200] =	vst v63  }
0x23b: {  	s23 =	simm.s32 $0x19200;
	v3 =	vadd.s32 v1, v3  }
0x23c: {  	[tilespmem:s23], [sflag:$0x3] =	stream.indirect_vreg.gather [hbm4b:s6+s16], $0x80, v4, vm0, $0xb8;
	[tilespmem:$0x1E200] =	vst v63  }
0x23d: {  	s26 =	simm.s32 $0x19A00  }
0x23e: {  	[tilespmem:s26], [sflag:$0x3] =	stream.indirect_vreg.gather [hbm4b:s8+s16], $0x80, v4, vm0, $0xb8;
	[tilespmem:$0x1E200] =	vst v63  }
0x23f: {  	s30 =	simm.s32 $0x1A200  }
0x240: {  	[tilespmem:s30], [sflag:$0x3] =	stream.indirect_vreg.gather [hbm4b:s2+s16], $0x80, v3, vm0, $0xb8;
	[tilespmem:$0x1E200] =	vst v63  }
0x241: {  	s31 =	simm.s32 $0x1AA00  }
0x242: {  	[tilespmem:s31], [sflag:$0x3] =	stream.indirect_vreg.gather [hbm4b:s5+s16], $0x80, v3, vm0, $0xb8;
	[tilespmem:$0x1E200] =	vst v63  }
0x243: {  	s1 =	simm.s32 $0x1B200  }
0x244: {  	[tilespmem:s1], [sflag:$0x3] =	stream.indirect_vreg.gather [hbm4b:s6+s16], $0x80, v3, vm0, $0xb8;
	[tilespmem:$0x1E200] =	vst v63  }
0x245: {  	s4 =	simm.s32 $0x1BA00  }
0x246: {  	[tilespmem:s4], [sflag:$0x3] =	stream.indirect_vreg.gather [hbm4b:s8+s16], $0x80, v3, vm0, $0xb8;
	[tilespmem:$0x1E200] =	vst v63  }
0x247: {  	v3 =	vld.msk [tilespmem:$0xE8], $0xff;
	_ =	sdelay $0x4  }
0x248: {  	v4 =	vshll.u32 v3, $0x3  }
0x249: {  	v3 =	vand.u32 $0x7, v3;
	v4 =	vand.u32 $0xFFFFFFC0, v4  }
0x24a: {  	v3 =	vor.u32 v3, v4  }
0x24b: {  	v3 =	vperm.xlane v3, v0;
	_ =	sdelay $0x1  }
0x24c: {  	v3 =	vadd.s32 v1, v3;
	_ =	sdelay $0x3  }
0x24d: {  	s22 =	simm.s32 $0x1C200  }
0x24e: {  	[tilespmem:s22], [sflag:$0x3] =	stream.indirect_vreg.gather [hbm4b:s2+s16], $0x80, v3, vm0, $0xb8;
	[tilespmem:$0x1E200] =	vst v63  }
0x24f: {  	s23 =	simm.s32 $0x1CA00  }
0x250: {  	[tilespmem:s23], [sflag:$0x3] =	stream.indirect_vreg.gather [hbm4b:s5+s16], $0x80, v3, vm0, $0xb8;
	[tilespmem:$0x1E200] =	vst v63  }
0x251: {  	s26 =	simm.s32 $0x1D200  }
0x252: {  	[tilespmem:s26], [sflag:$0x3] =	stream.indirect_vreg.gather [hbm4b:s6+s16], $0x80, v3, vm0, $0xb8;
	[tilespmem:$0x1E200] =	vst v63  }
0x253: {  	s30 =	simm.s32 $0x1DA00;
	s31 =	sand.u32 $0x6000, s16  }
0x254: {  	[tilespmem:s30], [sflag:$0x3] =	stream.indirect_vreg.gather [hbm4b:s8+s16], $0x80, v3, vm0, $0xb8;
	[tilespmem:$0x1E200] =	vst v63  }
0x255: {  	s0 =	sshrl.u32 s31, $0x2;
	s1 =	sand.u32 $0xE000, s16;
	_ =	swait.ge [sflag:s17], $0xA000  }
0x256: {  	s0 =	sor.u32 s0, s1;
	s4 =	sand.u32 $0x380, s16;
	[sflag:s17] =	ssyncset.done $0x0  }
0x257: {  	s26 =	sor.u32 s4, s0;
	[sflag:s17] =	ssyncadd.s32 $0xFFFF6000  }
0x258: {  	v3 =	vld [tilespmem:s26+$0xA200]  }
0x259: {  	v4 =	vld [tilespmem:s26+$0xA210]  }
0x25a: {  	v5 =	vld [tilespmem:s26+$0xA220]  }
0x25b: {  	v8 =	vld [tilespmem:s26+$0xA240]  }
0x25c: {  	v6 =	vld [tilespmem:s26+$0xA230];
	_ =	sdelay $0x1  }
0x25d: {  	v9 =	vld [tilespmem:s26+$0xA250];
	v3 =	vmul.f32 $3.200000000e+01, v3  }
0x25e: {  	v10 =	vld [tilespmem:s26+$0xA260];
	v4 =	vmul.f32 $3.200000000e+01, v4  }
0x25f: {  	v7 =	vld [tilespmem:s26+$0xA270];
	v8 =	vmul.f32 $3.200000000e+01, v8;
	[tilespmem:s26+$0xA200] =	vst v3  }
0x260: {  	v3 =	vmul.f32 $3.200000000e+01, v5;
	[tilespmem:s26+$0xA210] =	vst v4;
	v4 =	vmul.f32 $3.200000000e+01, v6;
	v6 =	vld [tilespmem:s26+$0xA600]  }
0x261: {  	v5 =	vld [tilespmem:s26+$0xA610];
	[tilespmem:s26+$0xA240] =	vst v8  }
0x262: {  	v9 =	vmul.f32 $3.200000000e+01, v9;
	[tilespmem:s26+$0xA220] =	vst v3;
	v3 =	vld [tilespmem:s26+$0xA620]  }
0x263: {  	s28 =	simm.s32 $0x2000;
	s29 =	simm.s32 $0x0;
	v8 =	vmul.f32 $3.200000000e+01, v10;
	[tilespmem:s26+$0xA230] =	vst v4;
	v4 =	vld [tilespmem:s26+$0xA630]  }
.LBB2_10:
0x264: {  	s0 =	sand.u32 $0x6000, s28;
	p0 =	sne.s32 s28, $0x13E000;
	[tilespmem:s26+$0xA250] =	vst v9;
	v7 =	vmul.f32 $3.200000000e+01, v7;
	v9 =	vld [tilespmem:s26+$0xA640];
	s16 =	sadd.s32 $0x100, s16  }
0x265: {  	s29 =	sadd.s32 $0x20, s29;
	s1 =	sand.u32 $0xE000, s16;
	s0 =	sshrl.u32 s0, $0x2;
	[tilespmem:s26+$0xA260] =	vst v8;
	v6 =	vmul.f32 $3.200000000e+01, v6;
	v8 =	vld [tilespmem:s26+$0xA650]  }
0x266: {  	s4 =	sand.u32 $0x380, s29;
	s0 =	sor.u32 s0, s1;
	[tilespmem:s26+$0xA270] =	vst v7;
	v5 =	vmul.f32 $3.200000000e+01, v5;
	v7 =	vld [tilespmem:s26+$0xA660]  }
0x267: {  	s0 =	sor.u32 s4, s0;
	[tilespmem:s26+$0xA600] =	vst v6;
	v3 =	vmul.f32 $3.200000000e+01, v3;
	v6 =	vld [tilespmem:s26+$0xA670]  }
0x268: {  	v10 =	vld [tilespmem:s0+$0xA200];
	[tilespmem:s26+$0xA610] =	vst v5;
	v4 =	vmul.f32 $3.200000000e+01, v4  }
0x269: {  	v5 =	vld [tilespmem:s0+$0xA210];
	[tilespmem:s26+$0xA620] =	vst v3;
	v3 =	vmul.f32 $3.200000000e+01, v9  }
0x26a: {  	v9 =	vld [tilespmem:s0+$0xA220];
	[tilespmem:s26+$0xA630] =	vst v4;
	v4 =	vmul.f32 $3.200000000e+01, v8  }
0x26b: {  	v8 =	vld [tilespmem:s0+$0xA230];
	[tilespmem:s26+$0xA640] =	vst v3;
	v3 =	vmul.f32 $3.200000000e+01, v7  }
0x26c: {  	v11 =	vld [tilespmem:s0+$0xA240];
	[tilespmem:s26+$0xA650] =	vst v4;
	v4 =	vmul.f32 $3.200000000e+01, v6  }
0x26d: {  	v6 =	vmul.f32 $3.200000000e+01, v10;
	v10 =	vld [tilespmem:s0+$0xA250];
	[tilespmem:s26+$0xA660] =	vst v3  }
0x26e: {  	v3 =	vmul.f32 $3.200000000e+01, v5;
	v12 =	vld [tilespmem:s0+$0xA260];
	[tilespmem:s26+$0xA670] =	vst v4;
	s26 =	smov.u32 s0  }
.Ltmp4:
0x26f: {  	[tilespmem:s26+$0xA200] =	vst v6;
	v4 =	vmul.f32 $3.200000000e+01, v9;
	v7 =	vld [tilespmem:s26+$0xA270];
	(pc) =	sbr.rel @p0 .LBB2_10-.Ltmp4, $4  }
0x270: {  	[tilespmem:s26+$0xA210] =	vst v3;
	v3 =	vmul.f32 $3.200000000e+01, v8;
	v6 =	vld [tilespmem:s26+$0xA600]  }
0x271: {  	[tilespmem:s26+$0xA220] =	vst v4;
	v4 =	vmul.f32 $3.200000000e+01, v11;
	v5 =	vld [tilespmem:s26+$0xA610]  }
0x272: {  	[tilespmem:s26+$0xA230] =	vst v3;
	v9 =	vmul.f32 $3.200000000e+01, v10;
	v3 =	vld [tilespmem:s26+$0xA620]  }
0x273: {  	s28 =	sadd.s32 $0x2000, s28;
	[tilespmem:s26+$0xA240] =	vst v4;
	v8 =	vmul.f32 $3.200000000e+01, v12;
	v4 =	vld [tilespmem:s26+$0xA630]  }
0x274: {  	[tilespmem:s26+$0xA250] =	vst v9;
	v7 =	vmul.f32 $3.200000000e+01, v7;
	v9 =	vld [tilespmem:s26+$0xA640]  }
0x275: {  	[tilespmem:s26+$0xA260] =	vst v8;
	v6 =	vmul.f32 $3.200000000e+01, v6;
	v8 =	vld [tilespmem:s26+$0xA650]  }
0x276: {  	[tilespmem:s26+$0xA270] =	vst v7;
	v5 =	vmul.f32 $3.200000000e+01, v5;
	v7 =	vld [tilespmem:s26+$0xA660]  }
0x277: {  	[tilespmem:s26+$0xA600] =	vst v6;
	v3 =	vmul.f32 $3.200000000e+01, v3;
	v6 =	vld [tilespmem:s26+$0xA670]  }
0x278: {  	[tilespmem:s26+$0xA610] =	vst v5;
	v4 =	vmul.f32 $3.200000000e+01, v4  }
0x279: {  	[tilespmem:s26+$0xA620] =	vst v3;
	v3 =	vmul.f32 $3.200000000e+01, v9  }
0x27a: {  	[tilespmem:s26+$0xA630] =	vst v4;
	v4 =	vmul.f32 $3.200000000e+01, v8  }
0x27b: {  	[tilespmem:s26+$0xA640] =	vst v3;
	v3 =	vmul.f32 $3.200000000e+01, v7  }
0x27c: {  	[tilespmem:s26+$0xA650] =	vst v4;
	v4 =	vmul.f32 $3.200000000e+01, v6  }
0x27d: {  	[tilespmem:s26+$0xA660] =	vst v3  }
0x27e: {  	s0 =	simm.s32 $0x0;
	s1 =	rddreg [dreg:$0x9];
	[tilespmem:s26+$0xA670] =	vst v4  }
0x27f: {  	[hbm4b:s1+s0] =	stream.linear.scatter [tilespmem:s18], [sflag:$0x5], $0xA000, $0x38;
	[tilespmem:$0x1E200] =	vst v63  }
0x280: {  	_ =	swait.ge [sflag:s19], $0xA000  }
0x281: {  	[sflag:s19] =	ssyncset.done $0x0  }
0x282: {  	[sflag:s19] =	ssyncadd.s32 $0xFFFF6000  }
0x283: {  	v3 =	vld [tilespmem:$0xF0];
	_ =	sdelay $0x4  }
0x284: {  	v4 =	vshll.u32 v3, $0x3  }
0x285: {  	v3 =	vand.u32 $0x7, v3;
	v4 =	vand.u32 $0xFFFFFFC0, v4  }
0x286: {  	v3 =	vor.u32 v3, v4  }
0x287: {  	v4 =	vperm.xlane v3, v0;
	_ =	sdelay $0x1  }
0x288: {  	v4 =	vadd.s32 v1, v4;
	_ =	sdelay $0x4  }
0x289: {  	[tilespmem:s25], [sflag:$0x1] =	stream.indirect_vreg.gather [hbm4b:s2+s0], $0x80, v4, vm0, $0xb8;
	[tilespmem:$0x1E200] =	vst v63  }
0x28a: {  	s4 =	simm.s32 $0xA00;
	v3 =	vperm.xlane v3, v2  }
0x28b: {  	[tilespmem:s4], [sflag:$0x1] =	stream.indirect_vreg.gather [hbm4b:s5+s0], $0x80, v4, vm0, $0xb8;
	[tilespmem:$0x1E200] =	vst v63  }
0x28c: {  	s16 =	simm.s32 $0x1200;
	v3 =	vadd.s32 v1, v3  }
0x28d: {  	[tilespmem:s16], [sflag:$0x1] =	stream.indirect_vreg.gather [hbm4b:s6+s0], $0x80, v4, vm0, $0xb8;
	[tilespmem:$0x1E200] =	vst v63  }
0x28e: {  	s22 =	simm.s32 $0x1A00  }
0x28f: {  	[tilespmem:s22], [sflag:$0x1] =	stream.indirect_vreg.gather [hbm4b:s8+s0], $0x80, v4, vm0, $0xb8;
	[tilespmem:$0x1E200] =	vst v63  }
0x290: {  	s23 =	simm.s32 $0x2200  }
0x291: {  	[tilespmem:s23], [sflag:$0x1] =	stream.indirect_vreg.gather [hbm4b:s2+s0], $0x80, v3, vm0, $0xb8;
	[tilespmem:$0x1E200] =	vst v63  }
0x292: {  	s26 =	simm.s32 $0x2A00  }
0x293: {  	[tilespmem:s26], [sflag:$0x1] =	stream.indirect_vreg.gather [hbm4b:s5+s0], $0x80, v3, vm0, $0xb8;
	[tilespmem:$0x1E200] =	vst v63  }
0x294: {  	s4 =	simm.s32 $0x3200  }
0x295: {  	[tilespmem:s4], [sflag:$0x1] =	stream.indirect_vreg.gather [hbm4b:s6+s0], $0x80, v3, vm0, $0xb8;
	[tilespmem:$0x1E200] =	vst v63  }
0x296: {  	s16 =	simm.s32 $0x3A00  }
0x297: {  	[tilespmem:s16], [sflag:$0x1] =	stream.indirect_vreg.gather [hbm4b:s8+s0], $0x80, v3, vm0, $0xb8;
	[tilespmem:$0x1E200] =	vst v63  }
0x298: {  	v3 =	vld [tilespmem:$0x100];
	_ =	sdelay $0x4  }
0x299: {  	v4 =	vshll.u32 v3, $0x3  }
0x29a: {  	v3 =	vand.u32 $0x7, v3;
	v4 =	vand.u32 $0xFFFFFFC0, v4  }
0x29b: {  	v3 =	vor.u32 v3, v4  }
0x29c: {  	v4 =	vperm.xlane v3, v0;
	_ =	sdelay $0x1  }
0x29d: {  	v4 =	vadd.s32 v1, v4;
	_ =	sdelay $0x3  }
0x29e: {  	s22 =	simm.s32 $0x4200  }
0x29f: {  	[tilespmem:s22], [sflag:$0x1] =	stream.indirect_vreg.gather [hbm4b:s2+s0], $0x80, v4, vm0, $0xb8;
	[tilespmem:$0x1E200] =	vst v63  }
0x2a0: {  	s23 =	simm.s32 $0x4A00;
	v3 =	vperm.xlane v3, v2  }
0x2a1: {  	[tilespmem:s23], [sflag:$0x1] =	stream.indirect_vreg.gather [hbm4b:s5+s0], $0x80, v4, vm0, $0xb8;
	[tilespmem:$0x1E200] =	vst v63  }
0x2a2: {  	s26 =	simm.s32 $0x5200;
	v3 =	vadd.s32 v1, v3  }
0x2a3: {  	[tilespmem:s26], [sflag:$0x1] =	stream.indirect_vreg.gather [hbm4b:s6+s0], $0x80, v4, vm0, $0xb8;
	[tilespmem:$0x1E200] =	vst v63  }
0x2a4: {  	_ = 	snop  }
0x2a5: {  	[tilespmem:s9], [sflag:$0x1] =	stream.indirect_vreg.gather [hbm4b:s8+s0], $0x80, v4, vm0, $0xb8;
	[tilespmem:$0x1E200] =	vst v63  }
0x2a6: {  	_ = 	snop  }
0x2a7: {  	[tilespmem:s10], [sflag:$0x1] =	stream.indirect_vreg.gather [hbm4b:s2+s0], $0x80, v3, vm0, $0xb8;
	[tilespmem:$0x1E200] =	vst v63  }
0x2a8: {  	_ = 	snop  }
0x2a9: {  	[tilespmem:s11], [sflag:$0x1] =	stream.indirect_vreg.gather [hbm4b:s5+s0], $0x80, v3, vm0, $0xb8;
	[tilespmem:$0x1E200] =	vst v63  }
0x2aa: {  	_ = 	snop  }
0x2ab: {  	[tilespmem:s12], [sflag:$0x1] =	stream.indirect_vreg.gather [hbm4b:s6+s0], $0x80, v3, vm0, $0xb8;
	[tilespmem:$0x1E200] =	vst v63  }
0x2ac: {  	_ = 	snop  }
0x2ad: {  	[tilespmem:s13], [sflag:$0x1] =	stream.indirect_vreg.gather [hbm4b:s8+s0], $0x80, v3, vm0, $0xb8;
	[tilespmem:$0x1E200] =	vst v63  }
0x2ae: {  	v3 =	vld.msk [tilespmem:$0x110], $0xff;
	_ =	sdelay $0x4  }
0x2af: {  	v4 =	vshll.u32 v3, $0x3  }
0x2b0: {  	v3 =	vand.u32 $0x7, v3;
	v4 =	vand.u32 $0xFFFFFFC0, v4  }
0x2b1: {  	v3 =	vor.u32 v3, v4  }
0x2b2: {  	v3 =	vperm.xlane v3, v0;
	_ =	sdelay $0x1  }
0x2b3: {  	v3 =	vadd.s32 v1, v3;
	_ =	sdelay $0x3  }
0x2b4: {  	s4 =	simm.s32 $0x8200  }
0x2b5: {  	[tilespmem:s4], [sflag:$0x1] =	stream.indirect_vreg.gather [hbm4b:s2+s0], $0x80, v3, vm0, $0xb8;
	[tilespmem:$0x1E200] =	vst v63  }
0x2b6: {  	s16 =	simm.s32 $0x8A00  }
0x2b7: {  	[tilespmem:s16], [sflag:$0x1] =	stream.indirect_vreg.gather [hbm4b:s5+s0], $0x80, v3, vm0, $0xb8;
	[tilespmem:$0x1E200] =	vst v63  }
0x2b8: {  	s22 =	simm.s32 $0x9200;
	s26 =	sand.u32 $0x6000, s0  }
0x2b9: {  	[tilespmem:s22], [sflag:$0x1] =	stream.indirect_vreg.gather [hbm4b:s6+s0], $0x80, v3, vm0, $0xb8;
	[tilespmem:$0x1E200] =	vst v63  }
0x2ba: {  	s23 =	simm.s32 $0x9A00;
	s1 =	sshrl.u32 s26, $0x2;
	s4 =	sand.u32 $0xE000, s0  }
0x2bb: {  	[tilespmem:s23], [sflag:$0x1] =	stream.indirect_vreg.gather [hbm4b:s8+s0], $0x80, v3, vm0, $0xb8;
	[tilespmem:$0x1E200] =	vst v63  }
0x2bc: {  	s1 =	sor.u32 s1, s4;
	s0 =	sand.u32 $0x380, s0;
	_ =	swait.ge [sflag:s7], $0xA000  }
0x2bd: {  	s0 =	sor.u32 s0, s1;
	[sflag:s7] =	ssyncset.done $0x0  }
0x2be: {  	s26 =	sadd.s32 $0x14200, s0;
	[sflag:s7] =	ssyncadd.s32 $0xFFFF6000  }
0x2bf: {  	v3 =	vld [tilespmem:s26+$0x50]  }
0x2c0: {  	v4 =	vld [tilespmem:s26+$0x470]  }
0x2c1: {  	v5 =	vld [tilespmem:s26+$0x430]  }
0x2c2: {  	v6 =	vld [tilespmem:s26+$0x450]  }
0x2c3: {  	v7 =	vld [tilespmem:s26+$0x460]  }
0x2c4: {  	v8 =	vld [tilespmem:s26+$0x410]  }
0x2c5: {  	v10 =	vld [tilespmem:s26+$0x420]  }
0x2c6: {  	s4 =	simm.s32 $0x2000;
	v12 =	vld [tilespmem:s0+$0x14200];
	v5 =	vmul.f32 $3.200000000e+01, v5  }
0x2c7: {  	s16 =	simm.s32 $0x100;
	s1 =	sand.u32 $0x6000, s4;
	v11 =	vld [tilespmem:s26+$0x440];
	v6 =	vmul.f32 $3.200000000e+01, v6  }
0x2c8: {  	s4 =	sand.u32 $0xE000, s16;
	s16 =	simm.s32 $0x20;
	s1 =	sshrl.u32 s1, $0x2;
	v9 =	vld [tilespmem:s26+$0x400];
	v7 =	vmul.f32 $3.200000000e+01, v7;
	[tilespmem:s26+$0x430] =	vst v5  }
0x2c9: {  	s16 =	sand.u32 $0x380, s16;
	s1 =	sor.u32 s1, s4;
	v13 =	vld [tilespmem:s26+$0x70];
	v4 =	vmul.f32 $3.200000000e+01, v4;
	[tilespmem:s26+$0x450] =	vst v6  }
0x2ca: {  	s28 =	sor.u32 s16, s1;
	v3 =	vmul.f32 $3.200000000e+01, v3;
	v5 =	vld [tilespmem:s26+$0x60];
	[tilespmem:s26+$0x460] =	vst v7  }
0x2cb: {  	s16 =	sadd.s32 $0x14200, s28;
	v6 =	vld [tilespmem:s26+$0x40];
	[tilespmem:s26+$0x470] =	vst v4;
	v4 =	vmul.f32 $3.200000000e+01, v12  }
0x2cc: {  	v7 =	vmul.f32 $3.200000000e+01, v11;
	[tilespmem:s26+$0x50] =	vst v3;
	v3 =	vld [tilespmem:s16+$0x470]  }
0x2cd: {  	v8 =	vmul.f32 $3.200000000e+01, v8;
	v63 =	vld [tilespmem:s16+$0x50];
	[tilespmem:s0+$0x14200] =	vst v4  }
0x2ce: {  	[tilespmem:s26+$0x440] =	vst v7;
	v4 =	vmul.f32 $3.200000000e+01, v9;
	v9 =	vld [tilespmem:s26+$0x10]  }
0x2cf: {  	v7 =	vmul.f32 $3.200000000e+01, v5;
	v5 =	vld [tilespmem:s16+$0x430];
	[tilespmem:s26+$0x410] =	vst v8  }
0x2d0: {  	s31 =	simm.s32 $0x300;
	v8 =	vld [tilespmem:s26+$0x20];
	v14 =	vmul.f32 $3.200000000e+01, v6;
	[tilespmem:s26+$0x400] =	vst v4  }
0x2d1: {  	s30 =	simm.s32 $0x40;
	s22 =	simm.s32 $0x200;
	s23 =	simm.s32 $0x4000;
	v11 =	vmul.f32 $3.200000000e+01, v13;
	v6 =	vld [tilespmem:s16+$0x450];
	[tilespmem:s26+$0x60] =	vst v7  }
0x2d2: {  	s29 =	sand.u32 $0xE000, s22;
	s22 =	simm.s32 $0x6000;
	s1 =	sand.u32 $0x6000, s23;
	v4 =	vmul.f32 $3.200000000e+01, v63;
	v7 =	vmul.f32 $3.200000000e+01, v10;
	v10 =	vld [tilespmem:s26+$0x30];
	[tilespmem:s26+$0x40] =	vst v14  }
.LBB2_12:
0x2d3: {  	s4 =	sand.u32 $0xE000, s31  }
0x2d4: {  	s23 =	sshrl.u32 s1, $0x2;
	v12 =	vld [tilespmem:s16+$0x460];
	[tilespmem:s26+$0x420] =	vst v7;
	s1 =	smov.u32 s22;
	s0 =	sadd.s32 $0x2000, s22  }
0x2d5: {  	p0 =	sne.s32 s22, $0x13E000;
	s22 =	sand.u32 $0x380, s30;
	s23 =	sor.u32 s23, s29;
	v7 =	vld [tilespmem:s16+$0x60];
	[tilespmem:s26+$0x70] =	vst v11  }
0x2d6: {  	s29 =	smov.u32 s4;
	s22 =	sor.u32 s22, s23;
	v11 =	vld [tilespmem:s16+$0x410];
	v8 =	vmul.f32 $3.200000000e+01, v8  }
0x2d7: {  	v5 =	vmul.f32 $3.200000000e+01, v5;
	v13 =	vld [tilespmem:s16+$0x420];
	v9 =	vmul.f32 $3.200000000e+01, v9  }
0x2d8: {  	v6 =	vmul.f32 $3.200000000e+01, v6;
	v14 =	vld [tilespmem:s16+$0x400];
	[tilespmem:s26+$0x20] =	vst v8;
	v8 =	vmul.f32 $3.200000000e+01, v10  }
0x2d9: {  	v10 =	vld [tilespmem:s16+$0x440];
	v12 =	vmul.f32 $3.200000000e+01, v12;
	[tilespmem:s26+$0x10] =	vst v9  }
0x2da: {  	v9 =	vld [tilespmem:s16+$0x40];
	[tilespmem:s26+$0x30] =	vst v8;
	s26 =	smov.u32 s16  }
0x2db: {  	v8 =	vld [tilespmem:s28+$0x14200];
	v15 =	vmul.f32 $3.200000000e+01, v11;
	[tilespmem:s26+$0x430] =	vst v5  }
0x2dc: {  	v16 =	vmul.f32 $3.200000000e+01, v7;
	v11 =	vld [tilespmem:s26+$0x70];
	v7 =	vmul.f32 $3.200000000e+01, v13;
	[tilespmem:s26+$0x450] =	vst v6  }
0x2dd: {  	v3 =	vmul.f32 $3.200000000e+01, v3;
	[tilespmem:s26+$0x460] =	vst v12  }
0x2de: {  	s16 =	sadd.s32 $0x14200, s22;
	[tilespmem:s26+$0x50] =	vst v4;
	v4 =	vmul.f32 $3.200000000e+01, v10  }
0x2df: {  	v12 =	vmul.f32 $3.200000000e+01, v14;
	v10 =	vld [tilespmem:s16+$0x50];
	[tilespmem:s26+$0x470] =	vst v3  }
0x2e0: {  	v13 =	vmul.f32 $3.200000000e+01, v9;
	v3 =	vld [tilespmem:s16+$0x470];
	v8 =	vmul.f32 $3.200000000e+01, v8;
	[tilespmem:s26+$0x440] =	vst v4  }
.Ltmp5:
0x2e1: {  	v5 =	vld [tilespmem:s16+$0x430];
	v11 =	vmul.f32 $3.200000000e+01, v11;
	[tilespmem:s26+$0x410] =	vst v15;
	(pc) =	sbr.rel @p0 .LBB2_12-.Ltmp5, $4  }
0x2e2: {  	v6 =	vld [tilespmem:s16+$0x450];
	[tilespmem:s28+$0x14200] =	vst v8;
	s28 =	smov.u32 s22  }
0x2e3: {  	v8 =	vld [tilespmem:s26+$0x20];
	[tilespmem:s26+$0x400] =	vst v12  }
0x2e4: {  	s31 =	sadd.s32 $0x100, s31;
	v4 =	vmul.f32 $3.200000000e+01, v10;
	v9 =	vld [tilespmem:s26+$0x10];
	[tilespmem:s26+$0x60] =	vst v16  }
0x2e5: {  	s30 =	sadd.s32 $0x20, s30;
	s1 =	sand.u32 $0x6000, s1;
	s22 =	smov.u32 s0;
	v10 =	vld [tilespmem:s26+$0x30];
	[tilespmem:s26+$0x40] =	vst v13  }
0x2e6: {  	_ =	sdelay $0x1  }
0x2e7: {  	v12 =	vld [tilespmem:s16+$0x60];
	[tilespmem:s26+$0x70] =	vst v11;
	v8 =	vmul.f32 $3.200000000e+01, v8  }
0x2e8: {  	[tilespmem:s26+$0x420] =	vst v7;
	v9 =	vmul.f32 $3.200000000e+01, v9  }
0x2e9: {  	[tilespmem:s26+$0x20] =	vst v8;
	v10 =	vmul.f32 $3.200000000e+01, v10  }
0x2ea: {  	v8 =	vld [tilespmem:s16+$0x460];
	[tilespmem:s26+$0x10] =	vst v9  }
0x2eb: {  	v7 =	vld [tilespmem:s16+$0x40];
	[tilespmem:s26+$0x30] =	vst v10  }
0x2ec: {  	v5 =	vmul.f32 $3.200000000e+01, v5;
	v10 =	vld [tilespmem:s28+$0x14200]  }
0x2ed: {  	v3 =	vmul.f32 $3.200000000e+01, v3;
	v11 =	vld [tilespmem:s16+$0x420]  }
0x2ee: {  	s0 =	sshrl.u32 s1, $0x2;
	v13 =	vld [tilespmem:s16+$0x400];
	v6 =	vmul.f32 $3.200000000e+01, v6;
	[tilespmem:s16+$0x430] =	vst v5  }
0x2ef: {  	v14 =	vld [tilespmem:s16+$0x440];
	s0 =	sor.u32 s0, s29;
	[tilespmem:s16+$0x470] =	vst v3;
	s26 =	sand.u32 $0x380, s30  }
0x2f0: {  	[tilespmem:s16+$0x450] =	vst v6;
	v9 =	vld [tilespmem:s16+$0x410];
	s0 =	sor.u32 s26, s0;
	v8 =	vmul.f32 $3.200000000e+01, v8  }
0x2f1: {  	v5 =	vld [tilespmem:s16+$0x70];
	[tilespmem:s16+$0x50] =	vst v4;
	s30 =	sadd.s32 $0x14200, s0;
	v6 =	vmul.f32 $3.200000000e+01, v10  }
0x2f2: {  	v4 =	vld [tilespmem:s30+$0x50];
	[tilespmem:s16+$0x460] =	vst v8;
	v7 =	vmul.f32 $3.200000000e+01, v7  }
0x2f3: {  	v63 =	vld [tilespmem:s30+$0x470];
	[tilespmem:s28+$0x14200] =	vst v6;
	v6 =	vmul.f32 $3.200000000e+01, v12  }
0x2f4: {  	v10 =	vmul.f32 $3.200000000e+01, v14;
	[tilespmem:s16+$0x40] =	vst v7;
	v8 =	vld [tilespmem:s16+$0x20]  }
0x2f5: {  	v3 =	vld [tilespmem:s16+$0x10];
	[tilespmem:s16+$0x60] =	vst v6;
	v6 =	vmul.f32 $3.200000000e+01, v9  }
0x2f6: {  	v5 =	vmul.f32 $3.200000000e+01, v5;
	[tilespmem:s16+$0x440] =	vst v10;
	v9 =	vld [tilespmem:s16+$0x30]  }
0x2f7: {  	v10 =	vld [tilespmem:s30+$0x430];
	[tilespmem:s16+$0x410] =	vst v6  }
0x2f8: {  	v6 =	vld [tilespmem:s30+$0x60];
	[tilespmem:s16+$0x70] =	vst v5;
	v5 =	vmul.f32 $3.200000000e+01, v13  }
0x2f9: {  	v7 =	vmul.f32 $3.200000000e+01, v8  }
0x2fa: {  	v3 =	vmul.f32 $3.200000000e+01, v3;
	v8 =	vld [tilespmem:s30+$0x450];
	[tilespmem:s16+$0x400] =	vst v5  }
0x2fb: {  	v9 =	vmul.f32 $3.200000000e+01, v9;
	[tilespmem:s16+$0x20] =	vst v7;
	v7 =	vld [tilespmem:s30+$0x460]  }
0x2fc: {  	[tilespmem:s16+$0x10] =	vst v3;
	v3 =	vmul.f32 $3.200000000e+01, v11  }
0x2fd: {  	v5 =	vld [tilespmem:s30+$0x40];
	[tilespmem:s16+$0x30] =	vst v9  }
0x2fe: {  	[tilespmem:s16+$0x420] =	vst v3;
	v3 =	vmul.f32 $3.200000000e+01, v10;
	v9 =	vld [tilespmem:s0+$0x14200]  }
0x2ff: {  	v8 =	vmul.f32 $3.200000000e+01, v8;
	v10 =	vld [tilespmem:s30+$0x440]  }
0x300: {  	v11 =	vld [tilespmem:s30+$0x410];
	[tilespmem:s30+$0x430] =	vst v3;
	v7 =	vmul.f32 $3.200000000e+01, v7  }
0x301: {  	v3 =	vmul.f32 $3.200000000e+01, v4;
	v4 =	vld [tilespmem:s30+$0x400];
	[tilespmem:s30+$0x450] =	vst v8  }
0x302: {  	[tilespmem:s30+$0x460] =	vst v7;
	v7 =	vmul.f32 $3.200000000e+01, v63  }
0x303: {  	[tilespmem:s30+$0x50] =	vst v3;
	v3 =	vmul.f32 $3.200000000e+01, v9  }
0x304: {  	v6 =	vmul.f32 $3.200000000e+01, v6;
	v8 =	vld [tilespmem:s30+$0x420];
	[tilespmem:s30+$0x470] =	vst v7  }
0x305: {  	v9 =	vmul.f32 $3.200000000e+01, v10;
	v10 =	vld [tilespmem:s30+$0x70];
	v7 =	vmul.f32 $3.200000000e+01, v11;
	[tilespmem:s0+$0x14200] =	vst v3  }
0x306: {  	[tilespmem:s30+$0x60] =	vst v6;
	v3 =	vmul.f32 $3.200000000e+01, v4;
	v4 =	vld [tilespmem:s30+$0x20]  }
0x307: {  	v5 =	vmul.f32 $3.200000000e+01, v5;
	[tilespmem:s30+$0x410] =	vst v7;
	v7 =	vld [tilespmem:s30+$0x10]  }
0x308: {  	[tilespmem:s30+$0x400] =	vst v3;
	v3 =	vld [tilespmem:s30+$0x30]  }
0x309: {  	[tilespmem:s30+$0x40] =	vst v5;
	v8 =	vmul.f32 $3.200000000e+01, v8  }
0x30a: {  	[tilespmem:s30+$0x440] =	vst v9;
	v6 =	vmul.f32 $3.200000000e+01, v10  }
0x30b: {  	[tilespmem:s30+$0x420] =	vst v8;
	v4 =	vmul.f32 $3.200000000e+01, v4  }
0x30c: {  	[tilespmem:s30+$0x70] =	vst v6;
	v5 =	vmul.f32 $3.200000000e+01, v7  }
0x30d: {  	v3 =	vmul.f32 $3.200000000e+01, v3;
	[tilespmem:s30+$0x20] =	vst v4  }
0x30e: {  	[tilespmem:s30+$0x10] =	vst v5  }
0x30f: {  	s31 =	rddreg [dreg:$0xa];
	s16 =	simm.s32 $0x0;
	[tilespmem:s30+$0x30] =	vst v3  }
0x310: {  	[hbm4b:s31+s16] =	stream.linear.scatter [tilespmem:s21], [sflag:$0x6], $0xA000, $0x38;
	[tilespmem:$0x1E200] =	vst v63  }
0x311: {  	_ =	swait.ge [sflag:s24], $0xA000  }
0x312: {  	[sflag:s24] =	ssyncset.done $0x0  }
0x313: {  	[sflag:s24] =	ssyncadd.s32 $0xFFFF6000  }
0x314: {  	v3 =	vld [tilespmem:$0x118];
	_ =	sdelay $0x4  }
0x315: {  	v4 =	vshll.u32 v3, $0x3  }
0x316: {  	v3 =	vand.u32 $0x7, v3;
	v4 =	vand.u32 $0xFFFFFFC0, v4  }
0x317: {  	v3 =	vor.u32 v3, v4  }
0x318: {  	v4 =	vperm.xlane v3, v0;
	_ =	sdelay $0x1  }
0x319: {  	v4 =	vadd.s32 v1, v4;
	_ =	sdelay $0x4  }
0x31a: {  	[tilespmem:s18], [sflag:$0x2] =	stream.indirect_vreg.gather [hbm4b:s2+s16], $0x80, v4, vm0, $0xb8;
	[tilespmem:$0x1E200] =	vst v63  }
0x31b: {  	s1 =	simm.s32 $0xAA00;
	v3 =	vperm.xlane v3, v2  }
0x31c: {  	[tilespmem:s1], [sflag:$0x2] =	stream.indirect_vreg.gather [hbm4b:s5+s16], $0x80, v4, vm0, $0xb8;
	[tilespmem:$0x1E200] =	vst v63  }
0x31d: {  	s4 =	simm.s32 $0xB200;
	v3 =	vadd.s32 v1, v3  }
0x31e: {  	[tilespmem:s4], [sflag:$0x2] =	stream.indirect_vreg.gather [hbm4b:s6+s16], $0x80, v4, vm0, $0xb8;
	[tilespmem:$0x1E200] =	vst v63  }
0x31f: {  	s22 =	simm.s32 $0xBA00  }
0x320: {  	[tilespmem:s22], [sflag:$0x2] =	stream.indirect_vreg.gather [hbm4b:s8+s16], $0x80, v4, vm0, $0xb8;
	[tilespmem:$0x1E200] =	vst v63  }
0x321: {  	s23 =	simm.s32 $0xC200  }
0x322: {  	[tilespmem:s23], [sflag:$0x2] =	stream.indirect_vreg.gather [hbm4b:s2+s16], $0x80, v3, vm0, $0xb8;
	[tilespmem:$0x1E200] =	vst v63  }
0x323: {  	s26 =	simm.s32 $0xCA00  }
0x324: {  	[tilespmem:s26], [sflag:$0x2] =	stream.indirect_vreg.gather [hbm4b:s5+s16], $0x80, v3, vm0, $0xb8;
	[tilespmem:$0x1E200] =	vst v63  }
0x325: {  	s30 =	simm.s32 $0xD200  }
0x326: {  	[tilespmem:s30], [sflag:$0x2] =	stream.indirect_vreg.gather [hbm4b:s6+s16], $0x80, v3, vm0, $0xb8;
	[tilespmem:$0x1E200] =	vst v63  }
0x327: {  	s31 =	simm.s32 $0xDA00  }
0x328: {  	[tilespmem:s31], [sflag:$0x2] =	stream.indirect_vreg.gather [hbm4b:s8+s16], $0x80, v3, vm0, $0xb8;
	[tilespmem:$0x1E200] =	vst v63  }
0x329: {  	v3 =	vld [tilespmem:$0x128];
	_ =	sdelay $0x4  }
0x32a: {  	v4 =	vshll.u32 v3, $0x3  }
0x32b: {  	v3 =	vand.u32 $0x7, v3;
	v4 =	vand.u32 $0xFFFFFFC0, v4  }
0x32c: {  	v3 =	vor.u32 v3, v4  }
0x32d: {  	v4 =	vperm.xlane v3, v0;
	_ =	sdelay $0x1  }
0x32e: {  	v4 =	vadd.s32 v1, v4;
	_ =	sdelay $0x3  }
0x32f: {  	s1 =	simm.s32 $0xE200  }
0x330: {  	[tilespmem:s1], [sflag:$0x2] =	stream.indirect_vreg.gather [hbm4b:s2+s16], $0x80, v4, vm0, $0xb8;
	[tilespmem:$0x1E200] =	vst v63  }
0x331: {  	s4 =	simm.s32 $0xEA00;
	v3 =	vperm.xlane v3, v2  }
0x332: {  	[tilespmem:s4], [sflag:$0x2] =	stream.indirect_vreg.gather [hbm4b:s5+s16], $0x80, v4, vm0, $0xb8;
	[tilespmem:$0x1E200] =	vst v63  }
0x333: {  	s22 =	simm.s32 $0xF200;
	v3 =	vadd.s32 v1, v3  }
0x334: {  	[tilespmem:s22], [sflag:$0x2] =	stream.indirect_vreg.gather [hbm4b:s6+s16], $0x80, v4, vm0, $0xb8;
	[tilespmem:$0x1E200] =	vst v63  }
0x335: {  	s23 =	simm.s32 $0xFA00  }
0x336: {  	[tilespmem:s23], [sflag:$0x2] =	stream.indirect_vreg.gather [hbm4b:s8+s16], $0x80, v4, vm0, $0xb8;
	[tilespmem:$0x1E200] =	vst v63  }
0x337: {  	s26 =	simm.s32 $0x10200  }
0x338: {  	[tilespmem:s26], [sflag:$0x2] =	stream.indirect_vreg.gather [hbm4b:s2+s16], $0x80, v3, vm0, $0xb8;
	[tilespmem:$0x1E200] =	vst v63  }
0x339: {  	s30 =	simm.s32 $0x10A00  }
0x33a: {  	[tilespmem:s30], [sflag:$0x2] =	stream.indirect_vreg.gather [hbm4b:s5+s16], $0x80, v3, vm0, $0xb8;
	[tilespmem:$0x1E200] =	vst v63  }
0x33b: {  	s31 =	simm.s32 $0x11200  }
0x33c: {  	[tilespmem:s31], [sflag:$0x2] =	stream.indirect_vreg.gather [hbm4b:s6+s16], $0x80, v3, vm0, $0xb8;
	[tilespmem:$0x1E200] =	vst v63  }
0x33d: {  	s1 =	simm.s32 $0x11A00  }
0x33e: {  	[tilespmem:s1], [sflag:$0x2] =	stream.indirect_vreg.gather [hbm4b:s8+s16], $0x80, v3, vm0, $0xb8;
	[tilespmem:$0x1E200] =	vst v63  }
0x33f: {  	v3 =	vld.msk [tilespmem:$0x138], $0xff;
	_ =	sdelay $0x4  }
0x340: {  	v4 =	vshll.u32 v3, $0x3  }
0x341: {  	v3 =	vand.u32 $0x7, v3;
	v4 =	vand.u32 $0xFFFFFFC0, v4  }
0x342: {  	v3 =	vor.u32 v3, v4  }
0x343: {  	v3 =	vperm.xlane v3, v0;
	_ =	sdelay $0x1  }
0x344: {  	v3 =	vadd.s32 v1, v3;
	_ =	sdelay $0x3  }
0x345: {  	s4 =	simm.s32 $0x12200  }
0x346: {  	[tilespmem:s4], [sflag:$0x2] =	stream.indirect_vreg.gather [hbm4b:s2+s16], $0x80, v3, vm0, $0xb8;
	[tilespmem:$0x1E200] =	vst v63  }
0x347: {  	s22 =	simm.s32 $0x12A00  }
0x348: {  	[tilespmem:s22], [sflag:$0x2] =	stream.indirect_vreg.gather [hbm4b:s5+s16], $0x80, v3, vm0, $0xb8;
	[tilespmem:$0x1E200] =	vst v63  }
0x349: {  	s23 =	simm.s32 $0x13200  }
0x34a: {  	[tilespmem:s23], [sflag:$0x2] =	stream.indirect_vreg.gather [hbm4b:s6+s16], $0x80, v3, vm0, $0xb8;
	[tilespmem:$0x1E200] =	vst v63  }
0x34b: {  	s26 =	simm.s32 $0x13A00;
	s30 =	sand.u32 $0x6000, s16  }
0x34c: {  	[tilespmem:s26], [sflag:$0x2] =	stream.indirect_vreg.gather [hbm4b:s8+s16], $0x80, v3, vm0, $0xb8;
	[tilespmem:$0x1E200] =	vst v63  }
0x34d: {  	s0 =	sshrl.u32 s30, $0x2;
	s31 =	sand.u32 $0xE000, s16;
	_ =	swait.ge [sflag:s20], $0xA000  }
0x34e: {  	s0 =	sor.u32 s0, s31;
	s4 =	sand.u32 $0x380, s16;
	[sflag:s20] =	ssyncset.done $0x0  }
0x34f: {  	s26 =	sor.u32 s0, s4;
	[sflag:s20] =	ssyncadd.s32 $0xFFFF6000  }
0x350: {  	v3 =	vld [tilespmem:s26+$0x200]  }
0x351: {  	v4 =	vld [tilespmem:s26+$0x210]  }
0x352: {  	v5 =	vld [tilespmem:s26+$0x220]  }
0x353: {  	v8 =	vld [tilespmem:s26+$0x240]  }
0x354: {  	v6 =	vld [tilespmem:s26+$0x230];
	_ =	sdelay $0x1  }
0x355: {  	v9 =	vld [tilespmem:s26+$0x250];
	v3 =	vmul.f32 $3.200000000e+01, v3  }
0x356: {  	v10 =	vld [tilespmem:s26+$0x260];
	v4 =	vmul.f32 $3.200000000e+01, v4  }
0x357: {  	v7 =	vld [tilespmem:s26+$0x270];
	v8 =	vmul.f32 $3.200000000e+01, v8;
	[tilespmem:s26+$0x200] =	vst v3  }
0x358: {  	v3 =	vmul.f32 $3.200000000e+01, v5;
	[tilespmem:s26+$0x210] =	vst v4;
	v4 =	vmul.f32 $3.200000000e+01, v6;
	v6 =	vld [tilespmem:s26+$0x600]  }
0x359: {  	v5 =	vld [tilespmem:s26+$0x610];
	[tilespmem:s26+$0x240] =	vst v8  }
0x35a: {  	v9 =	vmul.f32 $3.200000000e+01, v9;
	[tilespmem:s26+$0x220] =	vst v3;
	v3 =	vld [tilespmem:s26+$0x620]  }
0x35b: {  	s29 =	simm.s32 $0x0;
	s28 =	simm.s32 $0x2000;
	v8 =	vmul.f32 $3.200000000e+01, v10;
	[tilespmem:s26+$0x230] =	vst v4;
	v4 =	vld [tilespmem:s26+$0x630]  }
.LBB2_14:
0x35c: {  	s0 =	sand.u32 $0x6000, s28;
	p0 =	sne.s32 s28, $0x13E000;
	[tilespmem:s26+$0x250] =	vst v9;
	v7 =	vmul.f32 $3.200000000e+01, v7;
	v9 =	vld [tilespmem:s26+$0x640];
	s16 =	sadd.s32 $0x100, s16  }
0x35d: {  	s29 =	sadd.s32 $0x20, s29;
	s1 =	sand.u32 $0xE000, s16;
	s0 =	sshrl.u32 s0, $0x2;
	[tilespmem:s26+$0x260] =	vst v8;
	v6 =	vmul.f32 $3.200000000e+01, v6;
	v8 =	vld [tilespmem:s26+$0x650]  }
0x35e: {  	s4 =	sand.u32 $0x380, s29;
	s0 =	sor.u32 s0, s1;
	[tilespmem:s26+$0x270] =	vst v7;
	v5 =	vmul.f32 $3.200000000e+01, v5;
	v7 =	vld [tilespmem:s26+$0x660]  }
0x35f: {  	s0 =	sor.u32 s0, s4;
	[tilespmem:s26+$0x600] =	vst v6;
	v3 =	vmul.f32 $3.200000000e+01, v3;
	v6 =	vld [tilespmem:s26+$0x670]  }
0x360: {  	v10 =	vld [tilespmem:s0+$0x200];
	[tilespmem:s26+$0x610] =	vst v5;
	v4 =	vmul.f32 $3.200000000e+01, v4  }
0x361: {  	v5 =	vld [tilespmem:s0+$0x210];
	[tilespmem:s26+$0x620] =	vst v3;
	v3 =	vmul.f32 $3.200000000e+01, v9  }
0x362: {  	v9 =	vld [tilespmem:s0+$0x220];
	[tilespmem:s26+$0x630] =	vst v4;
	v4 =	vmul.f32 $3.200000000e+01, v8  }
0x363: {  	v8 =	vld [tilespmem:s0+$0x230];
	[tilespmem:s26+$0x640] =	vst v3;
	v3 =	vmul.f32 $3.200000000e+01, v7  }
0x364: {  	v11 =	vld [tilespmem:s0+$0x240];
	[tilespmem:s26+$0x650] =	vst v4;
	v4 =	vmul.f32 $3.200000000e+01, v6  }
0x365: {  	v6 =	vmul.f32 $3.200000000e+01, v10;
	v10 =	vld [tilespmem:s0+$0x250];
	[tilespmem:s26+$0x660] =	vst v3  }
0x366: {  	v3 =	vmul.f32 $3.200000000e+01, v5;
	v12 =	vld [tilespmem:s0+$0x260];
	[tilespmem:s26+$0x670] =	vst v4;
	s26 =	smov.u32 s0  }
.Ltmp6:
0x367: {  	[tilespmem:s26+$0x200] =	vst v6;
	v4 =	vmul.f32 $3.200000000e+01, v9;
	v7 =	vld [tilespmem:s26+$0x270];
	(pc) =	sbr.rel @p0 .LBB2_14-.Ltmp6, $4  }
0x368: {  	[tilespmem:s26+$0x210] =	vst v3;
	v3 =	vmul.f32 $3.200000000e+01, v8;
	v6 =	vld [tilespmem:s26+$0x600]  }
0x369: {  	[tilespmem:s26+$0x220] =	vst v4;
	v4 =	vmul.f32 $3.200000000e+01, v11;
	v5 =	vld [tilespmem:s26+$0x610]  }
0x36a: {  	[tilespmem:s26+$0x230] =	vst v3;
	v9 =	vmul.f32 $3.200000000e+01, v10;
	v3 =	vld [tilespmem:s26+$0x620]  }
0x36b: {  	s28 =	sadd.s32 $0x2000, s28;
	[tilespmem:s26+$0x240] =	vst v4;
	v8 =	vmul.f32 $3.200000000e+01, v12;
	v4 =	vld [tilespmem:s26+$0x630]  }
0x36c: {  	[tilespmem:s26+$0x250] =	vst v9;
	v7 =	vmul.f32 $3.200000000e+01, v7;
	v9 =	vld [tilespmem:s26+$0x640]  }
0x36d: {  	[tilespmem:s26+$0x260] =	vst v8;
	v6 =	vmul.f32 $3.200000000e+01, v6;
	v8 =	vld [tilespmem:s26+$0x650]  }
0x36e: {  	[tilespmem:s26+$0x270] =	vst v7;
	v5 =	vmul.f32 $3.200000000e+01, v5;
	v7 =	vld [tilespmem:s26+$0x660]  }
0x36f: {  	[tilespmem:s26+$0x600] =	vst v6;
	v3 =	vmul.f32 $3.200000000e+01, v3;
	v6 =	vld [tilespmem:s26+$0x670]  }
0x370: {  	[tilespmem:s26+$0x610] =	vst v5;
	v4 =	vmul.f32 $3.200000000e+01, v4  }
0x371: {  	[tilespmem:s26+$0x620] =	vst v3;
	v3 =	vmul.f32 $3.200000000e+01, v9  }
0x372: {  	[tilespmem:s26+$0x630] =	vst v4;
	v4 =	vmul.f32 $3.200000000e+01, v8  }
0x373: {  	[tilespmem:s26+$0x640] =	vst v3;
	v3 =	vmul.f32 $3.200000000e+01, v7  }
0x374: {  	[tilespmem:s26+$0x650] =	vst v4;
	v4 =	vmul.f32 $3.200000000e+01, v6  }
0x375: {  	[tilespmem:s26+$0x660] =	vst v3  }
0x376: {  	s16 =	simm.s32 $0x0;
	s0 =	rddreg [dreg:$0xb];
	[tilespmem:s26+$0x670] =	vst v4  }
0x377: {  	[hbm4b:s0+s16] =	stream.linear.scatter [tilespmem:s25], [sflag:$0x4], $0xA000, $0x38;
	[tilespmem:$0x1E200] =	vst v63  }
0x378: {  	_ =	swait.ge [sflag:s14], $0xA000  }
0x379: {  	[sflag:s14] =	ssyncset.done $0x0  }
0x37a: {  	[sflag:s14] =	ssyncadd.s32 $0xFFFF6000  }
0x37b: {  	v3 =	vld [tilespmem:$0x140];
	_ =	sdelay $0x4  }
0x37c: {  	v4 =	vshll.u32 v3, $0x3  }
0x37d: {  	v3 =	vand.u32 $0x7, v3;
	v4 =	vand.u32 $0xFFFFFFC0, v4  }
0x37e: {  	v3 =	vor.u32 v3, v4  }
0x37f: {  	v4 =	vperm.xlane v3, v0;
	_ =	sdelay $0x1  }
0x380: {  	v4 =	vadd.s32 v1, v4;
	_ =	sdelay $0x4  }
0x381: {  	[tilespmem:s21], [sflag:$0x3] =	stream.indirect_vreg.gather [hbm4b:s2+s16], $0x80, v4, vm0, $0xb8;
	[tilespmem:$0x1E200] =	vst v63  }
0x382: {  	s4 =	simm.s32 $0x14A00;
	v3 =	vperm.xlane v3, v2  }
0x383: {  	[tilespmem:s4], [sflag:$0x3] =	stream.indirect_vreg.gather [hbm4b:s5+s16], $0x80, v4, vm0, $0xb8;
	[tilespmem:$0x1E200] =	vst v63  }
0x384: {  	s22 =	simm.s32 $0x15200;
	v3 =	vadd.s32 v1, v3  }
0x385: {  	[tilespmem:s22], [sflag:$0x3] =	stream.indirect_vreg.gather [hbm4b:s6+s16], $0x80, v4, vm0, $0xb8;
	[tilespmem:$0x1E200] =	vst v63  }
0x386: {  	s23 =	simm.s32 $0x15A00  }
0x387: {  	[tilespmem:s23], [sflag:$0x3] =	stream.indirect_vreg.gather [hbm4b:s8+s16], $0x80, v4, vm0, $0xb8;
	[tilespmem:$0x1E200] =	vst v63  }
0x388: {  	s26 =	simm.s32 $0x16200  }
0x389: {  	[tilespmem:s26], [sflag:$0x3] =	stream.indirect_vreg.gather [hbm4b:s2+s16], $0x80, v3, vm0, $0xb8;
	[tilespmem:$0x1E200] =	vst v63  }
0x38a: {  	s30 =	simm.s32 $0x16A00  }
0x38b: {  	[tilespmem:s30], [sflag:$0x3] =	stream.indirect_vreg.gather [hbm4b:s5+s16], $0x80, v3, vm0, $0xb8;
	[tilespmem:$0x1E200] =	vst v63  }
0x38c: {  	s31 =	simm.s32 $0x17200  }
0x38d: {  	[tilespmem:s31], [sflag:$0x3] =	stream.indirect_vreg.gather [hbm4b:s6+s16], $0x80, v3, vm0, $0xb8;
	[tilespmem:$0x1E200] =	vst v63  }
0x38e: {  	s1 =	simm.s32 $0x17A00  }
0x38f: {  	[tilespmem:s1], [sflag:$0x3] =	stream.indirect_vreg.gather [hbm4b:s8+s16], $0x80, v3, vm0, $0xb8;
	[tilespmem:$0x1E200] =	vst v63  }
0x390: {  	v3 =	vld [tilespmem:$0x150];
	_ =	sdelay $0x4  }
0x391: {  	v4 =	vshll.u32 v3, $0x3  }
0x392: {  	v3 =	vand.u32 $0x7, v3;
	v4 =	vand.u32 $0xFFFFFFC0, v4  }
0x393: {  	v3 =	vor.u32 v3, v4  }
0x394: {  	v4 =	vperm.xlane v3, v0;
	_ =	sdelay $0x1  }
0x395: {  	v4 =	vadd.s32 v1, v4;
	_ =	sdelay $0x3  }
0x396: {  	s4 =	simm.s32 $0x18200  }
0x397: {  	[tilespmem:s4], [sflag:$0x3] =	stream.indirect_vreg.gather [hbm4b:s2+s16], $0x80, v4, vm0, $0xb8;
	[tilespmem:$0x1E200] =	vst v63  }
0x398: {  	s22 =	simm.s32 $0x18A00;
	v3 =	vperm.xlane v3, v2  }
0x399: {  	[tilespmem:s22], [sflag:$0x3] =	stream.indirect_vreg.gather [hbm4b:s5+s16], $0x80, v4, vm0, $0xb8;
	[tilespmem:$0x1E200] =	vst v63  }
0x39a: {  	s23 =	simm.s32 $0x19200;
	v3 =	vadd.s32 v1, v3  }
0x39b: {  	[tilespmem:s23], [sflag:$0x3] =	stream.indirect_vreg.gather [hbm4b:s6+s16], $0x80, v4, vm0, $0xb8;
	[tilespmem:$0x1E200] =	vst v63  }
0x39c: {  	s26 =	simm.s32 $0x19A00  }
0x39d: {  	[tilespmem:s26], [sflag:$0x3] =	stream.indirect_vreg.gather [hbm4b:s8+s16], $0x80, v4, vm0, $0xb8;
	[tilespmem:$0x1E200] =	vst v63  }
0x39e: {  	s30 =	simm.s32 $0x1A200  }
0x39f: {  	[tilespmem:s30], [sflag:$0x3] =	stream.indirect_vreg.gather [hbm4b:s2+s16], $0x80, v3, vm0, $0xb8;
	[tilespmem:$0x1E200] =	vst v63  }
0x3a0: {  	s31 =	simm.s32 $0x1AA00  }
0x3a1: {  	[tilespmem:s31], [sflag:$0x3] =	stream.indirect_vreg.gather [hbm4b:s5+s16], $0x80, v3, vm0, $0xb8;
	[tilespmem:$0x1E200] =	vst v63  }
0x3a2: {  	s1 =	simm.s32 $0x1B200  }
0x3a3: {  	[tilespmem:s1], [sflag:$0x3] =	stream.indirect_vreg.gather [hbm4b:s6+s16], $0x80, v3, vm0, $0xb8;
	[tilespmem:$0x1E200] =	vst v63  }
0x3a4: {  	s4 =	simm.s32 $0x1BA00  }
0x3a5: {  	[tilespmem:s4], [sflag:$0x3] =	stream.indirect_vreg.gather [hbm4b:s8+s16], $0x80, v3, vm0, $0xb8;
	[tilespmem:$0x1E200] =	vst v63  }
0x3a6: {  	v3 =	vld.msk [tilespmem:$0x160], $0xff;
	_ =	sdelay $0x4  }
0x3a7: {  	v4 =	vshll.u32 v3, $0x3  }
0x3a8: {  	v3 =	vand.u32 $0x7, v3;
	v4 =	vand.u32 $0xFFFFFFC0, v4  }
0x3a9: {  	v3 =	vor.u32 v3, v4  }
0x3aa: {  	v3 =	vperm.xlane v3, v0;
	_ =	sdelay $0x1  }
0x3ab: {  	v3 =	vadd.s32 v1, v3;
	_ =	sdelay $0x3  }
0x3ac: {  	s22 =	simm.s32 $0x1C200  }
0x3ad: {  	[tilespmem:s22], [sflag:$0x3] =	stream.indirect_vreg.gather [hbm4b:s2+s16], $0x80, v3, vm0, $0xb8;
	[tilespmem:$0x1E200] =	vst v63  }
0x3ae: {  	s23 =	simm.s32 $0x1CA00  }
0x3af: {  	[tilespmem:s23], [sflag:$0x3] =	stream.indirect_vreg.gather [hbm4b:s5+s16], $0x80, v3, vm0, $0xb8;
	[tilespmem:$0x1E200] =	vst v63  }
0x3b0: {  	s26 =	simm.s32 $0x1D200  }
0x3b1: {  	[tilespmem:s26], [sflag:$0x3] =	stream.indirect_vreg.gather [hbm4b:s6+s16], $0x80, v3, vm0, $0xb8;
	[tilespmem:$0x1E200] =	vst v63  }
0x3b2: {  	s30 =	simm.s32 $0x1DA00;
	s31 =	sand.u32 $0x6000, s16  }
0x3b3: {  	[tilespmem:s30], [sflag:$0x3] =	stream.indirect_vreg.gather [hbm4b:s8+s16], $0x80, v3, vm0, $0xb8;
	[tilespmem:$0x1E200] =	vst v63  }
0x3b4: {  	s0 =	sshrl.u32 s31, $0x2;
	s1 =	sand.u32 $0xE000, s16;
	_ =	swait.ge [sflag:s17], $0xA000  }
0x3b5: {  	s0 =	sor.u32 s0, s1;
	s4 =	sand.u32 $0x380, s16;
	[sflag:s17] =	ssyncset.done $0x0  }
0x3b6: {  	s26 =	sor.u32 s4, s0;
	[sflag:s17] =	ssyncadd.s32 $0xFFFF6000  }
0x3b7: {  	v3 =	vld [tilespmem:s26+$0xA200]  }
0x3b8: {  	v4 =	vld [tilespmem:s26+$0xA210]  }
0x3b9: {  	v5 =	vld [tilespmem:s26+$0xA220]  }
0x3ba: {  	v8 =	vld [tilespmem:s26+$0xA240]  }
0x3bb: {  	v6 =	vld [tilespmem:s26+$0xA230];
	_ =	sdelay $0x1  }
0x3bc: {  	v9 =	vld [tilespmem:s26+$0xA250];
	v3 =	vmul.f32 $3.200000000e+01, v3  }
0x3bd: {  	v10 =	vld [tilespmem:s26+$0xA260];
	v4 =	vmul.f32 $3.200000000e+01, v4  }
0x3be: {  	v7 =	vld [tilespmem:s26+$0xA270];
	v8 =	vmul.f32 $3.200000000e+01, v8;
	[tilespmem:s26+$0xA200] =	vst v3  }
0x3bf: {  	v3 =	vmul.f32 $3.200000000e+01, v5;
	[tilespmem:s26+$0xA210] =	vst v4;
	v4 =	vmul.f32 $3.200000000e+01, v6;
	v6 =	vld [tilespmem:s26+$0xA600]  }
0x3c0: {  	v5 =	vld [tilespmem:s26+$0xA610];
	[tilespmem:s26+$0xA240] =	vst v8  }
0x3c1: {  	v9 =	vmul.f32 $3.200000000e+01, v9;
	[tilespmem:s26+$0xA220] =	vst v3;
	v3 =	vld [tilespmem:s26+$0xA620]  }
0x3c2: {  	s28 =	simm.s32 $0x2000;
	s29 =	simm.s32 $0x0;
	v8 =	vmul.f32 $3.200000000e+01, v10;
	[tilespmem:s26+$0xA230] =	vst v4;
	v4 =	vld [tilespmem:s26+$0xA630]  }
.LBB2_16:
0x3c3: {  	s0 =	sand.u32 $0x6000, s28;
	p0 =	sne.s32 s28, $0x13E000;
	[tilespmem:s26+$0xA250] =	vst v9;
	v7 =	vmul.f32 $3.200000000e+01, v7;
	v9 =	vld [tilespmem:s26+$0xA640];
	s16 =	sadd.s32 $0x100, s16  }
0x3c4: {  	s29 =	sadd.s32 $0x20, s29;
	s1 =	sand.u32 $0xE000, s16;
	s0 =	sshrl.u32 s0, $0x2;
	[tilespmem:s26+$0xA260] =	vst v8;
	v6 =	vmul.f32 $3.200000000e+01, v6;
	v8 =	vld [tilespmem:s26+$0xA650]  }
0x3c5: {  	s4 =	sand.u32 $0x380, s29;
	s0 =	sor.u32 s0, s1;
	[tilespmem:s26+$0xA270] =	vst v7;
	v5 =	vmul.f32 $3.200000000e+01, v5;
	v7 =	vld [tilespmem:s26+$0xA660]  }
0x3c6: {  	s0 =	sor.u32 s4, s0;
	[tilespmem:s26+$0xA600] =	vst v6;
	v3 =	vmul.f32 $3.200000000e+01, v3;
	v6 =	vld [tilespmem:s26+$0xA670]  }
0x3c7: {  	v10 =	vld [tilespmem:s0+$0xA200];
	[tilespmem:s26+$0xA610] =	vst v5;
	v4 =	vmul.f32 $3.200000000e+01, v4  }
0x3c8: {  	v5 =	vld [tilespmem:s0+$0xA210];
	[tilespmem:s26+$0xA620] =	vst v3;
	v3 =	vmul.f32 $3.200000000e+01, v9  }
0x3c9: {  	v9 =	vld [tilespmem:s0+$0xA220];
	[tilespmem:s26+$0xA630] =	vst v4;
	v4 =	vmul.f32 $3.200000000e+01, v8  }
0x3ca: {  	v8 =	vld [tilespmem:s0+$0xA230];
	[tilespmem:s26+$0xA640] =	vst v3;
	v3 =	vmul.f32 $3.200000000e+01, v7  }
0x3cb: {  	v11 =	vld [tilespmem:s0+$0xA240];
	[tilespmem:s26+$0xA650] =	vst v4;
	v4 =	vmul.f32 $3.200000000e+01, v6  }
0x3cc: {  	v6 =	vmul.f32 $3.200000000e+01, v10;
	v10 =	vld [tilespmem:s0+$0xA250];
	[tilespmem:s26+$0xA660] =	vst v3  }
0x3cd: {  	v3 =	vmul.f32 $3.200000000e+01, v5;
	v12 =	vld [tilespmem:s0+$0xA260];
	[tilespmem:s26+$0xA670] =	vst v4;
	s26 =	smov.u32 s0  }
.Ltmp7:
0x3ce: {  	[tilespmem:s26+$0xA200] =	vst v6;
	v4 =	vmul.f32 $3.200000000e+01, v9;
	v7 =	vld [tilespmem:s26+$0xA270];
	(pc) =	sbr.rel @p0 .LBB2_16-.Ltmp7, $4  }
0x3cf: {  	[tilespmem:s26+$0xA210] =	vst v3;
	v3 =	vmul.f32 $3.200000000e+01, v8;
	v6 =	vld [tilespmem:s26+$0xA600]  }
0x3d0: {  	[tilespmem:s26+$0xA220] =	vst v4;
	v4 =	vmul.f32 $3.200000000e+01, v11;
	v5 =	vld [tilespmem:s26+$0xA610]  }
0x3d1: {  	[tilespmem:s26+$0xA230] =	vst v3;
	v9 =	vmul.f32 $3.200000000e+01, v10;
	v3 =	vld [tilespmem:s26+$0xA620]  }
0x3d2: {  	s28 =	sadd.s32 $0x2000, s28;
	[tilespmem:s26+$0xA240] =	vst v4;
	v8 =	vmul.f32 $3.200000000e+01, v12;
	v4 =	vld [tilespmem:s26+$0xA630]  }
0x3d3: {  	[tilespmem:s26+$0xA250] =	vst v9;
	v7 =	vmul.f32 $3.200000000e+01, v7;
	v9 =	vld [tilespmem:s26+$0xA640]  }
0x3d4: {  	[tilespmem:s26+$0xA260] =	vst v8;
	v6 =	vmul.f32 $3.200000000e+01, v6;
	v8 =	vld [tilespmem:s26+$0xA650]  }
0x3d5: {  	[tilespmem:s26+$0xA270] =	vst v7;
	v5 =	vmul.f32 $3.200000000e+01, v5;
	v7 =	vld [tilespmem:s26+$0xA660]  }
0x3d6: {  	[tilespmem:s26+$0xA600] =	vst v6;
	v3 =	vmul.f32 $3.200000000e+01, v3;
	v6 =	vld [tilespmem:s26+$0xA670]  }
0x3d7: {  	[tilespmem:s26+$0xA610] =	vst v5;
	v4 =	vmul.f32 $3.200000000e+01, v4  }
0x3d8: {  	[tilespmem:s26+$0xA620] =	vst v3;
	v3 =	vmul.f32 $3.200000000e+01, v9  }
0x3d9: {  	[tilespmem:s26+$0xA630] =	vst v4;
	v4 =	vmul.f32 $3.200000000e+01, v8  }
0x3da: {  	[tilespmem:s26+$0xA640] =	vst v3;
	v3 =	vmul.f32 $3.200000000e+01, v7  }
0x3db: {  	[tilespmem:s26+$0xA650] =	vst v4;
	v4 =	vmul.f32 $3.200000000e+01, v6  }
0x3dc: {  	[tilespmem:s26+$0xA660] =	vst v3  }
0x3dd: {  	s0 =	simm.s32 $0x0;
	s1 =	rddreg [dreg:$0xc];
	[tilespmem:s26+$0xA670] =	vst v4  }
0x3de: {  	[hbm4b:s1+s0] =	stream.linear.scatter [tilespmem:s18], [sflag:$0x5], $0xA000, $0x38;
	[tilespmem:$0x1E200] =	vst v63  }
0x3df: {  	_ =	swait.ge [sflag:s19], $0xA000  }
0x3e0: {  	[sflag:s19] =	ssyncset.done $0x0  }
0x3e1: {  	[sflag:s19] =	ssyncadd.s32 $0xFFFF6000  }
0x3e2: {  	v3 =	vld [tilespmem:$0x168];
	_ =	sdelay $0x4  }
0x3e3: {  	v4 =	vshll.u32 v3, $0x3  }
0x3e4: {  	v3 =	vand.u32 $0x7, v3;
	v4 =	vand.u32 $0xFFFFFFC0, v4  }
0x3e5: {  	v3 =	vor.u32 v3, v4  }
0x3e6: {  	v4 =	vperm.xlane v3, v0;
	_ =	sdelay $0x1  }
0x3e7: {  	v4 =	vadd.s32 v1, v4;
	_ =	sdelay $0x4  }
0x3e8: {  	[tilespmem:s25], [sflag:$0x1] =	stream.indirect_vreg.gather [hbm4b:s2+s0], $0x80, v4, vm0, $0xb8;
	[tilespmem:$0x1E200] =	vst v63  }
0x3e9: {  	s4 =	simm.s32 $0xA00;
	v3 =	vperm.xlane v3, v2  }
0x3ea: {  	[tilespmem:s4], [sflag:$0x1] =	stream.indirect_vreg.gather [hbm4b:s5+s0], $0x80, v4, vm0, $0xb8;
	[tilespmem:$0x1E200] =	vst v63  }
0x3eb: {  	s16 =	simm.s32 $0x1200;
	v3 =	vadd.s32 v1, v3  }
0x3ec: {  	[tilespmem:s16], [sflag:$0x1] =	stream.indirect_vreg.gather [hbm4b:s6+s0], $0x80, v4, vm0, $0xb8;
	[tilespmem:$0x1E200] =	vst v63  }
0x3ed: {  	s22 =	simm.s32 $0x1A00  }
0x3ee: {  	[tilespmem:s22], [sflag:$0x1] =	stream.indirect_vreg.gather [hbm4b:s8+s0], $0x80, v4, vm0, $0xb8;
	[tilespmem:$0x1E200] =	vst v63  }
0x3ef: {  	s23 =	simm.s32 $0x2200  }
0x3f0: {  	[tilespmem:s23], [sflag:$0x1] =	stream.indirect_vreg.gather [hbm4b:s2+s0], $0x80, v3, vm0, $0xb8;
	[tilespmem:$0x1E200] =	vst v63  }
0x3f1: {  	s26 =	simm.s32 $0x2A00  }
0x3f2: {  	[tilespmem:s26], [sflag:$0x1] =	stream.indirect_vreg.gather [hbm4b:s5+s0], $0x80, v3, vm0, $0xb8;
	[tilespmem:$0x1E200] =	vst v63  }
0x3f3: {  	s4 =	simm.s32 $0x3200  }
0x3f4: {  	[tilespmem:s4], [sflag:$0x1] =	stream.indirect_vreg.gather [hbm4b:s6+s0], $0x80, v3, vm0, $0xb8;
	[tilespmem:$0x1E200] =	vst v63  }
0x3f5: {  	s16 =	simm.s32 $0x3A00  }
0x3f6: {  	[tilespmem:s16], [sflag:$0x1] =	stream.indirect_vreg.gather [hbm4b:s8+s0], $0x80, v3, vm0, $0xb8;
	[tilespmem:$0x1E200] =	vst v63  }
0x3f7: {  	v3 =	vld [tilespmem:$0x178];
	_ =	sdelay $0x4  }
0x3f8: {  	v4 =	vshll.u32 v3, $0x3  }
0x3f9: {  	v3 =	vand.u32 $0x7, v3;
	v4 =	vand.u32 $0xFFFFFFC0, v4  }
0x3fa: {  	v3 =	vor.u32 v3, v4  }
0x3fb: {  	v4 =	vperm.xlane v3, v0;
	_ =	sdelay $0x1  }
0x3fc: {  	v4 =	vadd.s32 v1, v4;
	_ =	sdelay $0x3  }
0x3fd: {  	s22 =	simm.s32 $0x4200  }
0x3fe: {  	[tilespmem:s22], [sflag:$0x1] =	stream.indirect_vreg.gather [hbm4b:s2+s0], $0x80, v4, vm0, $0xb8;
	[tilespmem:$0x1E200] =	vst v63  }
0x3ff: {  	s23 =	simm.s32 $0x4A00;
	v3 =	vperm.xlane v3, v2  }
0x400: {  	[tilespmem:s23], [sflag:$0x1] =	stream.indirect_vreg.gather [hbm4b:s5+s0], $0x80, v4, vm0, $0xb8;
	[tilespmem:$0x1E200] =	vst v63  }
0x401: {  	s26 =	simm.s32 $0x5200;
	v3 =	vadd.s32 v1, v3  }
0x402: {  	[tilespmem:s26], [sflag:$0x1] =	stream.indirect_vreg.gather [hbm4b:s6+s0], $0x80, v4, vm0, $0xb8;
	[tilespmem:$0x1E200] =	vst v63  }
0x403: {  	_ = 	snop  }
0x404: {  	[tilespmem:s9], [sflag:$0x1] =	stream.indirect_vreg.gather [hbm4b:s8+s0], $0x80, v4, vm0, $0xb8;
	[tilespmem:$0x1E200] =	vst v63  }
0x405: {  	_ = 	snop  }
0x406: {  	[tilespmem:s10], [sflag:$0x1] =	stream.indirect_vreg.gather [hbm4b:s2+s0], $0x80, v3, vm0, $0xb8;
	[tilespmem:$0x1E200] =	vst v63  }
0x407: {  	_ = 	snop  }
0x408: {  	[tilespmem:s11], [sflag:$0x1] =	stream.indirect_vreg.gather [hbm4b:s5+s0], $0x80, v3, vm0, $0xb8;
	[tilespmem:$0x1E200] =	vst v63  }
0x409: {  	_ = 	snop  }
0x40a: {  	[tilespmem:s12], [sflag:$0x1] =	stream.indirect_vreg.gather [hbm4b:s6+s0], $0x80, v3, vm0, $0xb8;
	[tilespmem:$0x1E200] =	vst v63  }
0x40b: {  	_ = 	snop  }
0x40c: {  	[tilespmem:s13], [sflag:$0x1] =	stream.indirect_vreg.gather [hbm4b:s8+s0], $0x80, v3, vm0, $0xb8;
	[tilespmem:$0x1E200] =	vst v63  }
0x40d: {  	v3 =	vld.msk [tilespmem:$0x188], $0xff;
	_ =	sdelay $0x4  }
0x40e: {  	v4 =	vshll.u32 v3, $0x3  }
0x40f: {  	v3 =	vand.u32 $0x7, v3;
	v4 =	vand.u32 $0xFFFFFFC0, v4  }
0x410: {  	v3 =	vor.u32 v3, v4  }
0x411: {  	v3 =	vperm.xlane v3, v0;
	_ =	sdelay $0x1  }
0x412: {  	v3 =	vadd.s32 v1, v3;
	_ =	sdelay $0x3  }
0x413: {  	s4 =	simm.s32 $0x8200  }
0x414: {  	[tilespmem:s4], [sflag:$0x1] =	stream.indirect_vreg.gather [hbm4b:s2+s0], $0x80, v3, vm0, $0xb8;
	[tilespmem:$0x1E200] =	vst v63  }
0x415: {  	s16 =	simm.s32 $0x8A00  }
0x416: {  	[tilespmem:s16], [sflag:$0x1] =	stream.indirect_vreg.gather [hbm4b:s5+s0], $0x80, v3, vm0, $0xb8;
	[tilespmem:$0x1E200] =	vst v63  }
0x417: {  	s22 =	simm.s32 $0x9200;
	s26 =	sand.u32 $0x6000, s0  }
0x418: {  	[tilespmem:s22], [sflag:$0x1] =	stream.indirect_vreg.gather [hbm4b:s6+s0], $0x80, v3, vm0, $0xb8;
	[tilespmem:$0x1E200] =	vst v63  }
0x419: {  	s23 =	simm.s32 $0x9A00;
	s1 =	sshrl.u32 s26, $0x2;
	s4 =	sand.u32 $0xE000, s0  }
0x41a: {  	[tilespmem:s23], [sflag:$0x1] =	stream.indirect_vreg.gather [hbm4b:s8+s0], $0x80, v3, vm0, $0xb8;
	[tilespmem:$0x1E200] =	vst v63  }
0x41b: {  	s1 =	sor.u32 s1, s4;
	s0 =	sand.u32 $0x380, s0;
	_ =	swait.ge [sflag:s7], $0xA000  }
0x41c: {  	s0 =	sor.u32 s0, s1;
	[sflag:s7] =	ssyncset.done $0x0  }
0x41d: {  	s26 =	sadd.s32 $0x14200, s0;
	[sflag:s7] =	ssyncadd.s32 $0xFFFF6000  }
0x41e: {  	v3 =	vld [tilespmem:s26+$0x50]  }
0x41f: {  	v4 =	vld [tilespmem:s26+$0x470]  }
0x420: {  	v5 =	vld [tilespmem:s26+$0x430]  }
0x421: {  	v6 =	vld [tilespmem:s26+$0x450]  }
0x422: {  	v7 =	vld [tilespmem:s26+$0x460]  }
0x423: {  	v8 =	vld [tilespmem:s26+$0x410]  }
0x424: {  	v10 =	vld [tilespmem:s26+$0x420]  }
0x425: {  	s4 =	simm.s32 $0x2000;
	v12 =	vld [tilespmem:s0+$0x14200];
	v5 =	vmul.f32 $3.200000000e+01, v5  }
0x426: {  	s16 =	simm.s32 $0x100;
	s1 =	sand.u32 $0x6000, s4;
	v11 =	vld [tilespmem:s26+$0x440];
	v6 =	vmul.f32 $3.200000000e+01, v6  }
0x427: {  	s4 =	sand.u32 $0xE000, s16;
	s16 =	simm.s32 $0x20;
	s1 =	sshrl.u32 s1, $0x2;
	v9 =	vld [tilespmem:s26+$0x400];
	v7 =	vmul.f32 $3.200000000e+01, v7;
	[tilespmem:s26+$0x430] =	vst v5  }
0x428: {  	s16 =	sand.u32 $0x380, s16;
	s1 =	sor.u32 s1, s4;
	v13 =	vld [tilespmem:s26+$0x70];
	v4 =	vmul.f32 $3.200000000e+01, v4;
	[tilespmem:s26+$0x450] =	vst v6  }
0x429: {  	s28 =	sor.u32 s16, s1;
	v3 =	vmul.f32 $3.200000000e+01, v3;
	v5 =	vld [tilespmem:s26+$0x60];
	[tilespmem:s26+$0x460] =	vst v7  }
0x42a: {  	s16 =	sadd.s32 $0x14200, s28;
	v6 =	vld [tilespmem:s26+$0x40];
	[tilespmem:s26+$0x470] =	vst v4;
	v4 =	vmul.f32 $3.200000000e+01, v12  }
0x42b: {  	v7 =	vmul.f32 $3.200000000e+01, v11;
	[tilespmem:s26+$0x50] =	vst v3;
	v3 =	vld [tilespmem:s16+$0x470]  }
0x42c: {  	v8 =	vmul.f32 $3.200000000e+01, v8;
	v63 =	vld [tilespmem:s16+$0x50];
	[tilespmem:s0+$0x14200] =	vst v4  }
0x42d: {  	[tilespmem:s26+$0x440] =	vst v7;
	v4 =	vmul.f32 $3.200000000e+01, v9;
	v9 =	vld [tilespmem:s26+$0x10]  }
0x42e: {  	v7 =	vmul.f32 $3.200000000e+01, v5;
	v5 =	vld [tilespmem:s16+$0x430];
	[tilespmem:s26+$0x410] =	vst v8  }
0x42f: {  	s31 =	simm.s32 $0x300;
	v8 =	vld [tilespmem:s26+$0x20];
	v14 =	vmul.f32 $3.200000000e+01, v6;
	[tilespmem:s26+$0x400] =	vst v4  }
0x430: {  	s30 =	simm.s32 $0x40;
	s22 =	simm.s32 $0x200;
	s23 =	simm.s32 $0x4000;
	v11 =	vmul.f32 $3.200000000e+01, v13;
	v6 =	vld [tilespmem:s16+$0x450];
	[tilespmem:s26+$0x60] =	vst v7  }
0x431: {  	s29 =	sand.u32 $0xE000, s22;
	s22 =	simm.s32 $0x6000;
	s1 =	sand.u32 $0x6000, s23;
	v4 =	vmul.f32 $3.200000000e+01, v63;
	v7 =	vmul.f32 $3.200000000e+01, v10;
	v10 =	vld [tilespmem:s26+$0x30];
	[tilespmem:s26+$0x40] =	vst v14  }
.LBB2_18:
0x432: {  	s4 =	sand.u32 $0xE000, s31  }
0x433: {  	s23 =	sshrl.u32 s1, $0x2;
	v12 =	vld [tilespmem:s16+$0x460];
	[tilespmem:s26+$0x420] =	vst v7;
	s1 =	smov.u32 s22;
	s0 =	sadd.s32 $0x2000, s22  }
0x434: {  	p0 =	sne.s32 s22, $0x13E000;
	s22 =	sand.u32 $0x380, s30;
	s23 =	sor.u32 s23, s29;
	v7 =	vld [tilespmem:s16+$0x60];
	[tilespmem:s26+$0x70] =	vst v11  }
0x435: {  	s29 =	smov.u32 s4;
	s22 =	sor.u32 s22, s23;
	v11 =	vld [tilespmem:s16+$0x410];
	v8 =	vmul.f32 $3.200000000e+01, v8  }
0x436: {  	v5 =	vmul.f32 $3.200000000e+01, v5;
	v13 =	vld [tilespmem:s16+$0x420];
	v9 =	vmul.f32 $3.200000000e+01, v9  }
0x437: {  	v6 =	vmul.f32 $3.200000000e+01, v6;
	v14 =	vld [tilespmem:s16+$0x400];
	[tilespmem:s26+$0x20] =	vst v8;
	v8 =	vmul.f32 $3.200000000e+01, v10  }
0x438: {  	v10 =	vld [tilespmem:s16+$0x440];
	v12 =	vmul.f32 $3.200000000e+01, v12;
	[tilespmem:s26+$0x10] =	vst v9  }
0x439: {  	v9 =	vld [tilespmem:s16+$0x40];
	[tilespmem:s26+$0x30] =	vst v8;
	s26 =	smov.u32 s16  }
0x43a: {  	v8 =	vld [tilespmem:s28+$0x14200];
	v15 =	vmul.f32 $3.200000000e+01, v11;
	[tilespmem:s26+$0x430] =	vst v5  }
0x43b: {  	v16 =	vmul.f32 $3.200000000e+01, v7;
	v11 =	vld [tilespmem:s26+$0x70];
	v7 =	vmul.f32 $3.200000000e+01, v13;
	[tilespmem:s26+$0x450] =	vst v6  }
0x43c: {  	v3 =	vmul.f32 $3.200000000e+01, v3;
	[tilespmem:s26+$0x460] =	vst v12  }
0x43d: {  	s16 =	sadd.s32 $0x14200, s22;
	[tilespmem:s26+$0x50] =	vst v4;
	v4 =	vmul.f32 $3.200000000e+01, v10  }
0x43e: {  	v12 =	vmul.f32 $3.200000000e+01, v14;
	v10 =	vld [tilespmem:s16+$0x50];
	[tilespmem:s26+$0x470] =	vst v3  }
0x43f: {  	v13 =	vmul.f32 $3.200000000e+01, v9;
	v3 =	vld [tilespmem:s16+$0x470];
	v8 =	vmul.f32 $3.200000000e+01, v8;
	[tilespmem:s26+$0x440] =	vst v4  }
.Ltmp8:
0x440: {  	v5 =	vld [tilespmem:s16+$0x430];
	v11 =	vmul.f32 $3.200000000e+01, v11;
	[tilespmem:s26+$0x410] =	vst v15;
	(pc) =	sbr.rel @p0 .LBB2_18-.Ltmp8, $4  }
0x441: {  	v6 =	vld [tilespmem:s16+$0x450];
	[tilespmem:s28+$0x14200] =	vst v8;
	s28 =	smov.u32 s22  }
0x442: {  	v8 =	vld [tilespmem:s26+$0x20];
	[tilespmem:s26+$0x400] =	vst v12  }
0x443: {  	s31 =	sadd.s32 $0x100, s31;
	v4 =	vmul.f32 $3.200000000e+01, v10;
	v9 =	vld [tilespmem:s26+$0x10];
	[tilespmem:s26+$0x60] =	vst v16  }
0x444: {  	s30 =	sadd.s32 $0x20, s30;
	s1 =	sand.u32 $0x6000, s1;
	s22 =	smov.u32 s0;
	v10 =	vld [tilespmem:s26+$0x30];
	[tilespmem:s26+$0x40] =	vst v13  }
0x445: {  	_ =	sdelay $0x1  }
0x446: {  	v12 =	vld [tilespmem:s16+$0x60];
	[tilespmem:s26+$0x70] =	vst v11;
	v8 =	vmul.f32 $3.200000000e+01, v8  }
0x447: {  	[tilespmem:s26+$0x420] =	vst v7;
	v9 =	vmul.f32 $3.200000000e+01, v9  }
0x448: {  	[tilespmem:s26+$0x20] =	vst v8;
	v10 =	vmul.f32 $3.200000000e+01, v10  }
0x449: {  	v8 =	vld [tilespmem:s16+$0x460];
	[tilespmem:s26+$0x10] =	vst v9  }
0x44a: {  	v7 =	vld [tilespmem:s16+$0x40];
	[tilespmem:s26+$0x30] =	vst v10  }
0x44b: {  	v5 =	vmul.f32 $3.200000000e+01, v5;
	v10 =	vld [tilespmem:s28+$0x14200]  }
0x44c: {  	v3 =	vmul.f32 $3.200000000e+01, v3;
	v11 =	vld [tilespmem:s16+$0x420]  }
0x44d: {  	s0 =	sshrl.u32 s1, $0x2;
	v13 =	vld [tilespmem:s16+$0x400];
	v6 =	vmul.f32 $3.200000000e+01, v6;
	[tilespmem:s16+$0x430] =	vst v5  }
0x44e: {  	v14 =	vld [tilespmem:s16+$0x440];
	s0 =	sor.u32 s0, s29;
	[tilespmem:s16+$0x470] =	vst v3;
	s26 =	sand.u32 $0x380, s30  }
0x44f: {  	[tilespmem:s16+$0x450] =	vst v6;
	v9 =	vld [tilespmem:s16+$0x410];
	s0 =	sor.u32 s26, s0;
	v8 =	vmul.f32 $3.200000000e+01, v8  }
0x450: {  	v5 =	vld [tilespmem:s16+$0x70];
	[tilespmem:s16+$0x50] =	vst v4;
	s30 =	sadd.s32 $0x14200, s0;
	v6 =	vmul.f32 $3.200000000e+01, v10  }
0x451: {  	v4 =	vld [tilespmem:s30+$0x50];
	[tilespmem:s16+$0x460] =	vst v8;
	v7 =	vmul.f32 $3.200000000e+01, v7  }
0x452: {  	v63 =	vld [tilespmem:s30+$0x470];
	[tilespmem:s28+$0x14200] =	vst v6;
	v6 =	vmul.f32 $3.200000000e+01, v12  }
0x453: {  	v10 =	vmul.f32 $3.200000000e+01, v14;
	[tilespmem:s16+$0x40] =	vst v7;
	v8 =	vld [tilespmem:s16+$0x20]  }
0x454: {  	v3 =	vld [tilespmem:s16+$0x10];
	[tilespmem:s16+$0x60] =	vst v6;
	v6 =	vmul.f32 $3.200000000e+01, v9  }
0x455: {  	v5 =	vmul.f32 $3.200000000e+01, v5;
	[tilespmem:s16+$0x440] =	vst v10;
	v9 =	vld [tilespmem:s16+$0x30]  }
0x456: {  	v10 =	vld [tilespmem:s30+$0x430];
	[tilespmem:s16+$0x410] =	vst v6  }
0x457: {  	v6 =	vld [tilespmem:s30+$0x60];
	[tilespmem:s16+$0x70] =	vst v5;
	v5 =	vmul.f32 $3.200000000e+01, v13  }
0x458: {  	v7 =	vmul.f32 $3.200000000e+01, v8  }
0x459: {  	v3 =	vmul.f32 $3.200000000e+01, v3;
	v8 =	vld [tilespmem:s30+$0x450];
	[tilespmem:s16+$0x400] =	vst v5  }
0x45a: {  	v9 =	vmul.f32 $3.200000000e+01, v9;
	[tilespmem:s16+$0x20] =	vst v7;
	v7 =	vld [tilespmem:s30+$0x460]  }
0x45b: {  	[tilespmem:s16+$0x10] =	vst v3;
	v3 =	vmul.f32 $3.200000000e+01, v11  }
0x45c: {  	v5 =	vld [tilespmem:s30+$0x40];
	[tilespmem:s16+$0x30] =	vst v9  }
0x45d: {  	[tilespmem:s16+$0x420] =	vst v3;
	v3 =	vmul.f32 $3.200000000e+01, v10;
	v9 =	vld [tilespmem:s0+$0x14200]  }
0x45e: {  	v8 =	vmul.f32 $3.200000000e+01, v8;
	v10 =	vld [tilespmem:s30+$0x440]  }
0x45f: {  	v11 =	vld [tilespmem:s30+$0x410];
	[tilespmem:s30+$0x430] =	vst v3;
	v7 =	vmul.f32 $3.200000000e+01, v7  }
0x460: {  	v3 =	vmul.f32 $3.200000000e+01, v4;
	v4 =	vld [tilespmem:s30+$0x400];
	[tilespmem:s30+$0x450] =	vst v8  }
0x461: {  	[tilespmem:s30+$0x460] =	vst v7;
	v7 =	vmul.f32 $3.200000000e+01, v63  }
0x462: {  	[tilespmem:s30+$0x50] =	vst v3;
	v3 =	vmul.f32 $3.200000000e+01, v9  }
0x463: {  	v6 =	vmul.f32 $3.200000000e+01, v6;
	v8 =	vld [tilespmem:s30+$0x420];
	[tilespmem:s30+$0x470] =	vst v7  }
0x464: {  	v9 =	vmul.f32 $3.200000000e+01, v10;
	v10 =	vld [tilespmem:s30+$0x70];
	v7 =	vmul.f32 $3.200000000e+01, v11;
	[tilespmem:s0+$0x14200] =	vst v3  }
0x465: {  	[tilespmem:s30+$0x60] =	vst v6;
	v3 =	vmul.f32 $3.200000000e+01, v4;
	v4 =	vld [tilespmem:s30+$0x20]  }
0x466: {  	v5 =	vmul.f32 $3.200000000e+01, v5;
	[tilespmem:s30+$0x410] =	vst v7;
	v7 =	vld [tilespmem:s30+$0x10]  }
0x467: {  	[tilespmem:s30+$0x400] =	vst v3;
	v3 =	vld [tilespmem:s30+$0x30]  }
0x468: {  	[tilespmem:s30+$0x40] =	vst v5;
	v8 =	vmul.f32 $3.200000000e+01, v8  }
0x469: {  	[tilespmem:s30+$0x440] =	vst v9;
	v6 =	vmul.f32 $3.200000000e+01, v10  }
0x46a: {  	[tilespmem:s30+$0x420] =	vst v8;
	v4 =	vmul.f32 $3.200000000e+01, v4  }
0x46b: {  	[tilespmem:s30+$0x70] =	vst v6;
	v5 =	vmul.f32 $3.200000000e+01, v7  }
0x46c: {  	v3 =	vmul.f32 $3.200000000e+01, v3;
	[tilespmem:s30+$0x20] =	vst v4  }
0x46d: {  	[tilespmem:s30+$0x10] =	vst v5  }
0x46e: {  	s31 =	rddreg [dreg:$0xd];
	s16 =	simm.s32 $0x0;
	[tilespmem:s30+$0x30] =	vst v3  }
0x46f: {  	[hbm4b:s31+s16] =	stream.linear.scatter [tilespmem:s21], [sflag:$0x6], $0xA000, $0x38;
	[tilespmem:$0x1E200] =	vst v63  }
0x470: {  	_ =	swait.ge [sflag:s24], $0xA000  }
0x471: {  	[sflag:s24] =	ssyncset.done $0x0  }
0x472: {  	[sflag:s24] =	ssyncadd.s32 $0xFFFF6000  }
0x473: {  	v3 =	vld [tilespmem:$0x190];
	_ =	sdelay $0x4  }
0x474: {  	v4 =	vshll.u32 v3, $0x3  }
0x475: {  	v3 =	vand.u32 $0x7, v3;
	v4 =	vand.u32 $0xFFFFFFC0, v4  }
0x476: {  	v3 =	vor.u32 v3, v4  }
0x477: {  	v4 =	vperm.xlane v3, v0;
	_ =	sdelay $0x1  }
0x478: {  	v4 =	vadd.s32 v1, v4;
	_ =	sdelay $0x4  }
0x479: {  	[tilespmem:s18], [sflag:$0x2] =	stream.indirect_vreg.gather [hbm4b:s2+s16], $0x80, v4, vm0, $0xb8;
	[tilespmem:$0x1E200] =	vst v63  }
0x47a: {  	s1 =	simm.s32 $0xAA00;
	v3 =	vperm.xlane v3, v2  }
0x47b: {  	[tilespmem:s1], [sflag:$0x2] =	stream.indirect_vreg.gather [hbm4b:s5+s16], $0x80, v4, vm0, $0xb8;
	[tilespmem:$0x1E200] =	vst v63  }
0x47c: {  	s4 =	simm.s32 $0xB200;
	v3 =	vadd.s32 v1, v3  }
0x47d: {  	[tilespmem:s4], [sflag:$0x2] =	stream.indirect_vreg.gather [hbm4b:s6+s16], $0x80, v4, vm0, $0xb8;
	[tilespmem:$0x1E200] =	vst v63  }
0x47e: {  	s22 =	simm.s32 $0xBA00  }
0x47f: {  	[tilespmem:s22], [sflag:$0x2] =	stream.indirect_vreg.gather [hbm4b:s8+s16], $0x80, v4, vm0, $0xb8;
	[tilespmem:$0x1E200] =	vst v63  }
0x480: {  	s23 =	simm.s32 $0xC200  }
0x481: {  	[tilespmem:s23], [sflag:$0x2] =	stream.indirect_vreg.gather [hbm4b:s2+s16], $0x80, v3, vm0, $0xb8;
	[tilespmem:$0x1E200] =	vst v63  }
0x482: {  	s26 =	simm.s32 $0xCA00  }
0x483: {  	[tilespmem:s26], [sflag:$0x2] =	stream.indirect_vreg.gather [hbm4b:s5+s16], $0x80, v3, vm0, $0xb8;
	[tilespmem:$0x1E200] =	vst v63  }
0x484: {  	s30 =	simm.s32 $0xD200  }
0x485: {  	[tilespmem:s30], [sflag:$0x2] =	stream.indirect_vreg.gather [hbm4b:s6+s16], $0x80, v3, vm0, $0xb8;
	[tilespmem:$0x1E200] =	vst v63  }
0x486: {  	s31 =	simm.s32 $0xDA00  }
0x487: {  	[tilespmem:s31], [sflag:$0x2] =	stream.indirect_vreg.gather [hbm4b:s8+s16], $0x80, v3, vm0, $0xb8;
	[tilespmem:$0x1E200] =	vst v63  }
0x488: {  	v3 =	vld [tilespmem:$0x1A0];
	_ =	sdelay $0x4  }
0x489: {  	v4 =	vshll.u32 v3, $0x3  }
0x48a: {  	v3 =	vand.u32 $0x7, v3;
	v4 =	vand.u32 $0xFFFFFFC0, v4  }
0x48b: {  	v3 =	vor.u32 v3, v4  }
0x48c: {  	v4 =	vperm.xlane v3, v0;
	_ =	sdelay $0x1  }
0x48d: {  	v4 =	vadd.s32 v1, v4;
	_ =	sdelay $0x3  }
0x48e: {  	s1 =	simm.s32 $0xE200  }
0x48f: {  	[tilespmem:s1], [sflag:$0x2] =	stream.indirect_vreg.gather [hbm4b:s2+s16], $0x80, v4, vm0, $0xb8;
	[tilespmem:$0x1E200] =	vst v63  }
0x490: {  	s4 =	simm.s32 $0xEA00;
	v3 =	vperm.xlane v3, v2  }
0x491: {  	[tilespmem:s4], [sflag:$0x2] =	stream.indirect_vreg.gather [hbm4b:s5+s16], $0x80, v4, vm0, $0xb8;
	[tilespmem:$0x1E200] =	vst v63  }
0x492: {  	s22 =	simm.s32 $0xF200;
	v3 =	vadd.s32 v1, v3  }
0x493: {  	[tilespmem:s22], [sflag:$0x2] =	stream.indirect_vreg.gather [hbm4b:s6+s16], $0x80, v4, vm0, $0xb8;
	[tilespmem:$0x1E200] =	vst v63  }
0x494: {  	s23 =	simm.s32 $0xFA00  }
0x495: {  	[tilespmem:s23], [sflag:$0x2] =	stream.indirect_vreg.gather [hbm4b:s8+s16], $0x80, v4, vm0, $0xb8;
	[tilespmem:$0x1E200] =	vst v63  }
0x496: {  	s26 =	simm.s32 $0x10200  }
0x497: {  	[tilespmem:s26], [sflag:$0x2] =	stream.indirect_vreg.gather [hbm4b:s2+s16], $0x80, v3, vm0, $0xb8;
	[tilespmem:$0x1E200] =	vst v63  }
0x498: {  	s30 =	simm.s32 $0x10A00  }
0x499: {  	[tilespmem:s30], [sflag:$0x2] =	stream.indirect_vreg.gather [hbm4b:s5+s16], $0x80, v3, vm0, $0xb8;
	[tilespmem:$0x1E200] =	vst v63  }
0x49a: {  	s31 =	simm.s32 $0x11200  }
0x49b: {  	[tilespmem:s31], [sflag:$0x2] =	stream.indirect_vreg.gather [hbm4b:s6+s16], $0x80, v3, vm0, $0xb8;
	[tilespmem:$0x1E200] =	vst v63  }
0x49c: {  	s1 =	simm.s32 $0x11A00  }
0x49d: {  	[tilespmem:s1], [sflag:$0x2] =	stream.indirect_vreg.gather [hbm4b:s8+s16], $0x80, v3, vm0, $0xb8;
	[tilespmem:$0x1E200] =	vst v63  }
0x49e: {  	v3 =	vld.msk [tilespmem:$0x1B0], $0xff;
	_ =	sdelay $0x4  }
0x49f: {  	v4 =	vshll.u32 v3, $0x3  }
0x4a0: {  	v3 =	vand.u32 $0x7, v3;
	v4 =	vand.u32 $0xFFFFFFC0, v4  }
0x4a1: {  	v3 =	vor.u32 v3, v4  }
0x4a2: {  	v3 =	vperm.xlane v3, v0;
	_ =	sdelay $0x1  }
0x4a3: {  	v3 =	vadd.s32 v1, v3;
	_ =	sdelay $0x3  }
0x4a4: {  	s4 =	simm.s32 $0x12200  }
0x4a5: {  	[tilespmem:s4], [sflag:$0x2] =	stream.indirect_vreg.gather [hbm4b:s2+s16], $0x80, v3, vm0, $0xb8;
	[tilespmem:$0x1E200] =	vst v63  }
0x4a6: {  	s22 =	simm.s32 $0x12A00  }
0x4a7: {  	[tilespmem:s22], [sflag:$0x2] =	stream.indirect_vreg.gather [hbm4b:s5+s16], $0x80, v3, vm0, $0xb8;
	[tilespmem:$0x1E200] =	vst v63  }
0x4a8: {  	s23 =	simm.s32 $0x13200  }
0x4a9: {  	[tilespmem:s23], [sflag:$0x2] =	stream.indirect_vreg.gather [hbm4b:s6+s16], $0x80, v3, vm0, $0xb8;
	[tilespmem:$0x1E200] =	vst v63  }
0x4aa: {  	s26 =	simm.s32 $0x13A00;
	s30 =	sand.u32 $0x6000, s16  }
0x4ab: {  	[tilespmem:s26], [sflag:$0x2] =	stream.indirect_vreg.gather [hbm4b:s8+s16], $0x80, v3, vm0, $0xb8;
	[tilespmem:$0x1E200] =	vst v63  }
0x4ac: {  	s0 =	sshrl.u32 s30, $0x2;
	s31 =	sand.u32 $0xE000, s16;
	_ =	swait.ge [sflag:s20], $0xA000  }
0x4ad: {  	s0 =	sor.u32 s0, s31;
	s4 =	sand.u32 $0x380, s16;
	[sflag:s20] =	ssyncset.done $0x0  }
0x4ae: {  	s26 =	sor.u32 s0, s4;
	[sflag:s20] =	ssyncadd.s32 $0xFFFF6000  }
0x4af: {  	v3 =	vld [tilespmem:s26+$0x200]  }
0x4b0: {  	v4 =	vld [tilespmem:s26+$0x210]  }
0x4b1: {  	v5 =	vld [tilespmem:s26+$0x220]  }
0x4b2: {  	v8 =	vld [tilespmem:s26+$0x240]  }
0x4b3: {  	v6 =	vld [tilespmem:s26+$0x230];
	_ =	sdelay $0x1  }
0x4b4: {  	v9 =	vld [tilespmem:s26+$0x250];
	v3 =	vmul.f32 $3.200000000e+01, v3  }
0x4b5: {  	v10 =	vld [tilespmem:s26+$0x260];
	v4 =	vmul.f32 $3.200000000e+01, v4  }
0x4b6: {  	v7 =	vld [tilespmem:s26+$0x270];
	v8 =	vmul.f32 $3.200000000e+01, v8;
	[tilespmem:s26+$0x200] =	vst v3  }
0x4b7: {  	v3 =	vmul.f32 $3.200000000e+01, v5;
	[tilespmem:s26+$0x210] =	vst v4;
	v4 =	vmul.f32 $3.200000000e+01, v6;
	v6 =	vld [tilespmem:s26+$0x600]  }
0x4b8: {  	v5 =	vld [tilespmem:s26+$0x610];
	[tilespmem:s26+$0x240] =	vst v8  }
0x4b9: {  	v9 =	vmul.f32 $3.200000000e+01, v9;
	[tilespmem:s26+$0x220] =	vst v3;
	v3 =	vld [tilespmem:s26+$0x620]  }
0x4ba: {  	s29 =	simm.s32 $0x0;
	s28 =	simm.s32 $0x2000;
	v8 =	vmul.f32 $3.200000000e+01, v10;
	[tilespmem:s26+$0x230] =	vst v4;
	v4 =	vld [tilespmem:s26+$0x630]  }
.LBB2_20:
0x4bb: {  	s0 =	sand.u32 $0x6000, s28;
	p0 =	sne.s32 s28, $0x13E000;
	[tilespmem:s26+$0x250] =	vst v9;
	v7 =	vmul.f32 $3.200000000e+01, v7;
	v9 =	vld [tilespmem:s26+$0x640];
	s16 =	sadd.s32 $0x100, s16  }
0x4bc: {  	s29 =	sadd.s32 $0x20, s29;
	s1 =	sand.u32 $0xE000, s16;
	s0 =	sshrl.u32 s0, $0x2;
	[tilespmem:s26+$0x260] =	vst v8;
	v6 =	vmul.f32 $3.200000000e+01, v6;
	v8 =	vld [tilespmem:s26+$0x650]  }
0x4bd: {  	s4 =	sand.u32 $0x380, s29;
	s0 =	sor.u32 s0, s1;
	[tilespmem:s26+$0x270] =	vst v7;
	v5 =	vmul.f32 $3.200000000e+01, v5;
	v7 =	vld [tilespmem:s26+$0x660]  }
0x4be: {  	s0 =	sor.u32 s0, s4;
	[tilespmem:s26+$0x600] =	vst v6;
	v3 =	vmul.f32 $3.200000000e+01, v3;
	v6 =	vld [tilespmem:s26+$0x670]  }
0x4bf: {  	v10 =	vld [tilespmem:s0+$0x200];
	[tilespmem:s26+$0x610] =	vst v5;
	v4 =	vmul.f32 $3.200000000e+01, v4  }
0x4c0: {  	v5 =	vld [tilespmem:s0+$0x210];
	[tilespmem:s26+$0x620] =	vst v3;
	v3 =	vmul.f32 $3.200000000e+01, v9  }
0x4c1: {  	v9 =	vld [tilespmem:s0+$0x220];
	[tilespmem:s26+$0x630] =	vst v4;
	v4 =	vmul.f32 $3.200000000e+01, v8  }
0x4c2: {  	v8 =	vld [tilespmem:s0+$0x230];
	[tilespmem:s26+$0x640] =	vst v3;
	v3 =	vmul.f32 $3.200000000e+01, v7  }
0x4c3: {  	v11 =	vld [tilespmem:s0+$0x240];
	[tilespmem:s26+$0x650] =	vst v4;
	v4 =	vmul.f32 $3.200000000e+01, v6  }
0x4c4: {  	v6 =	vmul.f32 $3.200000000e+01, v10;
	v10 =	vld [tilespmem:s0+$0x250];
	[tilespmem:s26+$0x660] =	vst v3  }
0x4c5: {  	v3 =	vmul.f32 $3.200000000e+01, v5;
	v12 =	vld [tilespmem:s0+$0x260];
	[tilespmem:s26+$0x670] =	vst v4;
	s26 =	smov.u32 s0  }
.Ltmp9:
0x4c6: {  	[tilespmem:s26+$0x200] =	vst v6;
	v4 =	vmul.f32 $3.200000000e+01, v9;
	v7 =	vld [tilespmem:s26+$0x270];
	(pc) =	sbr.rel @p0 .LBB2_20-.Ltmp9, $4  }
0x4c7: {  	[tilespmem:s26+$0x210] =	vst v3;
	v3 =	vmul.f32 $3.200000000e+01, v8;
	v6 =	vld [tilespmem:s26+$0x600]  }
0x4c8: {  	[tilespmem:s26+$0x220] =	vst v4;
	v4 =	vmul.f32 $3.200000000e+01, v11;
	v5 =	vld [tilespmem:s26+$0x610]  }
0x4c9: {  	[tilespmem:s26+$0x230] =	vst v3;
	v9 =	vmul.f32 $3.200000000e+01, v10;
	v3 =	vld [tilespmem:s26+$0x620]  }
0x4ca: {  	s28 =	sadd.s32 $0x2000, s28;
	[tilespmem:s26+$0x240] =	vst v4;
	v8 =	vmul.f32 $3.200000000e+01, v12;
	v4 =	vld [tilespmem:s26+$0x630]  }
0x4cb: {  	[tilespmem:s26+$0x250] =	vst v9;
	v7 =	vmul.f32 $3.200000000e+01, v7;
	v9 =	vld [tilespmem:s26+$0x640]  }
0x4cc: {  	[tilespmem:s26+$0x260] =	vst v8;
	v6 =	vmul.f32 $3.200000000e+01, v6;
	v8 =	vld [tilespmem:s26+$0x650]  }
0x4cd: {  	[tilespmem:s26+$0x270] =	vst v7;
	v5 =	vmul.f32 $3.200000000e+01, v5;
	v7 =	vld [tilespmem:s26+$0x660]  }
0x4ce: {  	[tilespmem:s26+$0x600] =	vst v6;
	v3 =	vmul.f32 $3.200000000e+01, v3;
	v6 =	vld [tilespmem:s26+$0x670]  }
0x4cf: {  	[tilespmem:s26+$0x610] =	vst v5;
	v4 =	vmul.f32 $3.200000000e+01, v4  }
0x4d0: {  	[tilespmem:s26+$0x620] =	vst v3;
	v3 =	vmul.f32 $3.200000000e+01, v9  }
0x4d1: {  	[tilespmem:s26+$0x630] =	vst v4;
	v4 =	vmul.f32 $3.200000000e+01, v8  }
0x4d2: {  	[tilespmem:s26+$0x640] =	vst v3;
	v3 =	vmul.f32 $3.200000000e+01, v7  }
0x4d3: {  	[tilespmem:s26+$0x650] =	vst v4;
	v4 =	vmul.f32 $3.200000000e+01, v6  }
0x4d4: {  	[tilespmem:s26+$0x660] =	vst v3  }
0x4d5: {  	s16 =	simm.s32 $0x0;
	s0 =	rddreg [dreg:$0xe];
	[tilespmem:s26+$0x670] =	vst v4  }
0x4d6: {  	[hbm4b:s0+s16] =	stream.linear.scatter [tilespmem:s25], [sflag:$0x4], $0xA000, $0x38;
	[tilespmem:$0x1E200] =	vst v63  }
0x4d7: {  	_ =	swait.ge [sflag:s14], $0xA000  }
0x4d8: {  	[sflag:s14] =	ssyncset.done $0x0  }
0x4d9: {  	[sflag:s14] =	ssyncadd.s32 $0xFFFF6000  }
0x4da: {  	v3 =	vld [tilespmem:$0x1B8];
	_ =	sdelay $0x4  }
0x4db: {  	v4 =	vshll.u32 v3, $0x3  }
0x4dc: {  	v3 =	vand.u32 $0x7, v3;
	v4 =	vand.u32 $0xFFFFFFC0, v4  }
0x4dd: {  	v3 =	vor.u32 v3, v4  }
0x4de: {  	v4 =	vperm.xlane v3, v0;
	_ =	sdelay $0x1  }
0x4df: {  	v4 =	vadd.s32 v1, v4;
	_ =	sdelay $0x4  }
0x4e0: {  	[tilespmem:s21], [sflag:$0x3] =	stream.indirect_vreg.gather [hbm4b:s2+s16], $0x80, v4, vm0, $0xb8;
	[tilespmem:$0x1E200] =	vst v63  }
0x4e1: {  	s4 =	simm.s32 $0x14A00;
	v3 =	vperm.xlane v3, v2  }
0x4e2: {  	[tilespmem:s4], [sflag:$0x3] =	stream.indirect_vreg.gather [hbm4b:s5+s16], $0x80, v4, vm0, $0xb8;
	[tilespmem:$0x1E200] =	vst v63  }
0x4e3: {  	s22 =	simm.s32 $0x15200;
	v3 =	vadd.s32 v1, v3  }
0x4e4: {  	[tilespmem:s22], [sflag:$0x3] =	stream.indirect_vreg.gather [hbm4b:s6+s16], $0x80, v4, vm0, $0xb8;
	[tilespmem:$0x1E200] =	vst v63  }
0x4e5: {  	s23 =	simm.s32 $0x15A00  }
0x4e6: {  	[tilespmem:s23], [sflag:$0x3] =	stream.indirect_vreg.gather [hbm4b:s8+s16], $0x80, v4, vm0, $0xb8;
	[tilespmem:$0x1E200] =	vst v63  }
0x4e7: {  	s26 =	simm.s32 $0x16200  }
0x4e8: {  	[tilespmem:s26], [sflag:$0x3] =	stream.indirect_vreg.gather [hbm4b:s2+s16], $0x80, v3, vm0, $0xb8;
	[tilespmem:$0x1E200] =	vst v63  }
0x4e9: {  	s30 =	simm.s32 $0x16A00  }
0x4ea: {  	[tilespmem:s30], [sflag:$0x3] =	stream.indirect_vreg.gather [hbm4b:s5+s16], $0x80, v3, vm0, $0xb8;
	[tilespmem:$0x1E200] =	vst v63  }
0x4eb: {  	s31 =	simm.s32 $0x17200  }
0x4ec: {  	[tilespmem:s31], [sflag:$0x3] =	stream.indirect_vreg.gather [hbm4b:s6+s16], $0x80, v3, vm0, $0xb8;
	[tilespmem:$0x1E200] =	vst v63  }
0x4ed: {  	s1 =	simm.s32 $0x17A00  }
0x4ee: {  	[tilespmem:s1], [sflag:$0x3] =	stream.indirect_vreg.gather [hbm4b:s8+s16], $0x80, v3, vm0, $0xb8;
	[tilespmem:$0x1E200] =	vst v63  }
0x4ef: {  	v3 =	vld [tilespmem:$0x1C8];
	_ =	sdelay $0x4  }
0x4f0: {  	v4 =	vshll.u32 v3, $0x3  }
0x4f1: {  	v3 =	vand.u32 $0x7, v3;
	v4 =	vand.u32 $0xFFFFFFC0, v4  }
0x4f2: {  	v3 =	vor.u32 v3, v4  }
0x4f3: {  	v4 =	vperm.xlane v3, v0;
	_ =	sdelay $0x1  }
0x4f4: {  	v4 =	vadd.s32 v1, v4;
	_ =	sdelay $0x3  }
0x4f5: {  	s4 =	simm.s32 $0x18200  }
0x4f6: {  	[tilespmem:s4], [sflag:$0x3] =	stream.indirect_vreg.gather [hbm4b:s2+s16], $0x80, v4, vm0, $0xb8;
	[tilespmem:$0x1E200] =	vst v63  }
0x4f7: {  	s22 =	simm.s32 $0x18A00;
	v3 =	vperm.xlane v3, v2  }
0x4f8: {  	[tilespmem:s22], [sflag:$0x3] =	stream.indirect_vreg.gather [hbm4b:s5+s16], $0x80, v4, vm0, $0xb8;
	[tilespmem:$0x1E200] =	vst v63  }
0x4f9: {  	s23 =	simm.s32 $0x19200;
	v3 =	vadd.s32 v1, v3  }
0x4fa: {  	[tilespmem:s23], [sflag:$0x3] =	stream.indirect_vreg.gather [hbm4b:s6+s16], $0x80, v4, vm0, $0xb8;
	[tilespmem:$0x1E200] =	vst v63  }
0x4fb: {  	s26 =	simm.s32 $0x19A00  }
0x4fc: {  	[tilespmem:s26], [sflag:$0x3] =	stream.indirect_vreg.gather [hbm4b:s8+s16], $0x80, v4, vm0, $0xb8;
	[tilespmem:$0x1E200] =	vst v63  }
0x4fd: {  	s30 =	simm.s32 $0x1A200  }
0x4fe: {  	[tilespmem:s30], [sflag:$0x3] =	stream.indirect_vreg.gather [hbm4b:s2+s16], $0x80, v3, vm0, $0xb8;
	[tilespmem:$0x1E200] =	vst v63  }
0x4ff: {  	s31 =	simm.s32 $0x1AA00  }
0x500: {  	[tilespmem:s31], [sflag:$0x3] =	stream.indirect_vreg.gather [hbm4b:s5+s16], $0x80, v3, vm0, $0xb8;
	[tilespmem:$0x1E200] =	vst v63  }
0x501: {  	s1 =	simm.s32 $0x1B200  }
0x502: {  	[tilespmem:s1], [sflag:$0x3] =	stream.indirect_vreg.gather [hbm4b:s6+s16], $0x80, v3, vm0, $0xb8;
	[tilespmem:$0x1E200] =	vst v63  }
0x503: {  	s4 =	simm.s32 $0x1BA00  }
0x504: {  	[tilespmem:s4], [sflag:$0x3] =	stream.indirect_vreg.gather [hbm4b:s8+s16], $0x80, v3, vm0, $0xb8;
	[tilespmem:$0x1E200] =	vst v63  }
0x505: {  	v3 =	vld.msk [tilespmem:$0x1D8], $0xff;
	_ =	sdelay $0x4  }
0x506: {  	v4 =	vshll.u32 v3, $0x3  }
0x507: {  	v3 =	vand.u32 $0x7, v3;
	v4 =	vand.u32 $0xFFFFFFC0, v4  }
0x508: {  	v3 =	vor.u32 v3, v4  }
0x509: {  	v3 =	vperm.xlane v3, v0;
	_ =	sdelay $0x1  }
0x50a: {  	v3 =	vadd.s32 v1, v3;
	_ =	sdelay $0x3  }
0x50b: {  	s22 =	simm.s32 $0x1C200  }
0x50c: {  	[tilespmem:s22], [sflag:$0x3] =	stream.indirect_vreg.gather [hbm4b:s2+s16], $0x80, v3, vm0, $0xb8;
	[tilespmem:$0x1E200] =	vst v63  }
0x50d: {  	s23 =	simm.s32 $0x1CA00  }
0x50e: {  	[tilespmem:s23], [sflag:$0x3] =	stream.indirect_vreg.gather [hbm4b:s5+s16], $0x80, v3, vm0, $0xb8;
	[tilespmem:$0x1E200] =	vst v63  }
0x50f: {  	s26 =	simm.s32 $0x1D200  }
0x510: {  	[tilespmem:s26], [sflag:$0x3] =	stream.indirect_vreg.gather [hbm4b:s6+s16], $0x80, v3, vm0, $0xb8;
	[tilespmem:$0x1E200] =	vst v63  }
0x511: {  	s30 =	simm.s32 $0x1DA00;
	s31 =	sand.u32 $0x6000, s16  }
0x512: {  	[tilespmem:s30], [sflag:$0x3] =	stream.indirect_vreg.gather [hbm4b:s8+s16], $0x80, v3, vm0, $0xb8;
	[tilespmem:$0x1E200] =	vst v63  }
0x513: {  	s0 =	sshrl.u32 s31, $0x2;
	s1 =	sand.u32 $0xE000, s16;
	_ =	swait.ge [sflag:s17], $0xA000  }
0x514: {  	s0 =	sor.u32 s0, s1;
	s4 =	sand.u32 $0x380, s16;
	[sflag:s17] =	ssyncset.done $0x0  }
0x515: {  	s26 =	sor.u32 s4, s0;
	[sflag:s17] =	ssyncadd.s32 $0xFFFF6000  }
0x516: {  	v3 =	vld [tilespmem:s26+$0xA200]  }
0x517: {  	v4 =	vld [tilespmem:s26+$0xA210]  }
0x518: {  	v5 =	vld [tilespmem:s26+$0xA220]  }
0x519: {  	v8 =	vld [tilespmem:s26+$0xA240]  }
0x51a: {  	v6 =	vld [tilespmem:s26+$0xA230];
	_ =	sdelay $0x1  }
0x51b: {  	v9 =	vld [tilespmem:s26+$0xA250];
	v3 =	vmul.f32 $3.200000000e+01, v3  }
0x51c: {  	v10 =	vld [tilespmem:s26+$0xA260];
	v4 =	vmul.f32 $3.200000000e+01, v4  }
0x51d: {  	v7 =	vld [tilespmem:s26+$0xA270];
	v8 =	vmul.f32 $3.200000000e+01, v8;
	[tilespmem:s26+$0xA200] =	vst v3  }
0x51e: {  	v3 =	vmul.f32 $3.200000000e+01, v5;
	[tilespmem:s26+$0xA210] =	vst v4;
	v4 =	vmul.f32 $3.200000000e+01, v6;
	v6 =	vld [tilespmem:s26+$0xA600]  }
0x51f: {  	v5 =	vld [tilespmem:s26+$0xA610];
	[tilespmem:s26+$0xA240] =	vst v8  }
0x520: {  	v9 =	vmul.f32 $3.200000000e+01, v9;
	[tilespmem:s26+$0xA220] =	vst v3;
	v3 =	vld [tilespmem:s26+$0xA620]  }
0x521: {  	s28 =	simm.s32 $0x2000;
	s29 =	simm.s32 $0x0;
	v8 =	vmul.f32 $3.200000000e+01, v10;
	[tilespmem:s26+$0xA230] =	vst v4;
	v4 =	vld [tilespmem:s26+$0xA630]  }
.LBB2_22:
0x522: {  	s0 =	sand.u32 $0x6000, s28;
	p0 =	sne.s32 s28, $0x13E000;
	[tilespmem:s26+$0xA250] =	vst v9;
	v7 =	vmul.f32 $3.200000000e+01, v7;
	v9 =	vld [tilespmem:s26+$0xA640];
	s16 =	sadd.s32 $0x100, s16  }
0x523: {  	s29 =	sadd.s32 $0x20, s29;
	s1 =	sand.u32 $0xE000, s16;
	s0 =	sshrl.u32 s0, $0x2;
	[tilespmem:s26+$0xA260] =	vst v8;
	v6 =	vmul.f32 $3.200000000e+01, v6;
	v8 =	vld [tilespmem:s26+$0xA650]  }
0x524: {  	s4 =	sand.u32 $0x380, s29;
	s0 =	sor.u32 s0, s1;
	[tilespmem:s26+$0xA270] =	vst v7;
	v5 =	vmul.f32 $3.200000000e+01, v5;
	v7 =	vld [tilespmem:s26+$0xA660]  }
0x525: {  	s0 =	sor.u32 s4, s0;
	[tilespmem:s26+$0xA600] =	vst v6;
	v3 =	vmul.f32 $3.200000000e+01, v3;
	v6 =	vld [tilespmem:s26+$0xA670]  }
0x526: {  	v10 =	vld [tilespmem:s0+$0xA200];
	[tilespmem:s26+$0xA610] =	vst v5;
	v4 =	vmul.f32 $3.200000000e+01, v4  }
0x527: {  	v5 =	vld [tilespmem:s0+$0xA210];
	[tilespmem:s26+$0xA620] =	vst v3;
	v3 =	vmul.f32 $3.200000000e+01, v9  }
0x528: {  	v9 =	vld [tilespmem:s0+$0xA220];
	[tilespmem:s26+$0xA630] =	vst v4;
	v4 =	vmul.f32 $3.200000000e+01, v8  }
0x529: {  	v8 =	vld [tilespmem:s0+$0xA230];
	[tilespmem:s26+$0xA640] =	vst v3;
	v3 =	vmul.f32 $3.200000000e+01, v7  }
0x52a: {  	v11 =	vld [tilespmem:s0+$0xA240];
	[tilespmem:s26+$0xA650] =	vst v4;
	v4 =	vmul.f32 $3.200000000e+01, v6  }
0x52b: {  	v6 =	vmul.f32 $3.200000000e+01, v10;
	v10 =	vld [tilespmem:s0+$0xA250];
	[tilespmem:s26+$0xA660] =	vst v3  }
0x52c: {  	v3 =	vmul.f32 $3.200000000e+01, v5;
	v12 =	vld [tilespmem:s0+$0xA260];
	[tilespmem:s26+$0xA670] =	vst v4;
	s26 =	smov.u32 s0  }
.Ltmp10:
0x52d: {  	[tilespmem:s26+$0xA200] =	vst v6;
	v4 =	vmul.f32 $3.200000000e+01, v9;
	v7 =	vld [tilespmem:s26+$0xA270];
	(pc) =	sbr.rel @p0 .LBB2_22-.Ltmp10, $4  }
0x52e: {  	[tilespmem:s26+$0xA210] =	vst v3;
	v3 =	vmul.f32 $3.200000000e+01, v8;
	v6 =	vld [tilespmem:s26+$0xA600]  }
0x52f: {  	[tilespmem:s26+$0xA220] =	vst v4;
	v4 =	vmul.f32 $3.200000000e+01, v11;
	v5 =	vld [tilespmem:s26+$0xA610]  }
0x530: {  	[tilespmem:s26+$0xA230] =	vst v3;
	v9 =	vmul.f32 $3.200000000e+01, v10;
	v3 =	vld [tilespmem:s26+$0xA620]  }
0x531: {  	s28 =	sadd.s32 $0x2000, s28;
	[tilespmem:s26+$0xA240] =	vst v4;
	v8 =	vmul.f32 $3.200000000e+01, v12;
	v4 =	vld [tilespmem:s26+$0xA630]  }
0x532: {  	[tilespmem:s26+$0xA250] =	vst v9;
	v7 =	vmul.f32 $3.200000000e+01, v7;
	v9 =	vld [tilespmem:s26+$0xA640]  }
0x533: {  	[tilespmem:s26+$0xA260] =	vst v8;
	v6 =	vmul.f32 $3.200000000e+01, v6;
	v8 =	vld [tilespmem:s26+$0xA650]  }
0x534: {  	[tilespmem:s26+$0xA270] =	vst v7;
	v5 =	vmul.f32 $3.200000000e+01, v5;
	v7 =	vld [tilespmem:s26+$0xA660]  }
0x535: {  	[tilespmem:s26+$0xA600] =	vst v6;
	v3 =	vmul.f32 $3.200000000e+01, v3;
	v6 =	vld [tilespmem:s26+$0xA670]  }
0x536: {  	[tilespmem:s26+$0xA610] =	vst v5;
	v4 =	vmul.f32 $3.200000000e+01, v4  }
0x537: {  	[tilespmem:s26+$0xA620] =	vst v3;
	v3 =	vmul.f32 $3.200000000e+01, v9  }
0x538: {  	[tilespmem:s26+$0xA630] =	vst v4;
	v4 =	vmul.f32 $3.200000000e+01, v8  }
0x539: {  	[tilespmem:s26+$0xA640] =	vst v3;
	v3 =	vmul.f32 $3.200000000e+01, v7  }
0x53a: {  	[tilespmem:s26+$0xA650] =	vst v4;
	v4 =	vmul.f32 $3.200000000e+01, v6  }
0x53b: {  	[tilespmem:s26+$0xA660] =	vst v3  }
0x53c: {  	s0 =	simm.s32 $0x0;
	s1 =	rddreg [dreg:$0xf];
	[tilespmem:s26+$0xA670] =	vst v4  }
0x53d: {  	[hbm4b:s1+s0] =	stream.linear.scatter [tilespmem:s18], [sflag:$0x5], $0xA000, $0x38;
	[tilespmem:$0x1E200] =	vst v63  }
0x53e: {  	_ =	swait.ge [sflag:s19], $0xA000  }
0x53f: {  	[sflag:s19] =	ssyncset.done $0x0  }
0x540: {  	[sflag:s19] =	ssyncadd.s32 $0xFFFF6000  }
0x541: {  	v3 =	vld [tilespmem:$0x1E0];
	_ =	sdelay $0x4  }
0x542: {  	v4 =	vshll.u32 v3, $0x3  }
0x543: {  	v3 =	vand.u32 $0x7, v3;
	v4 =	vand.u32 $0xFFFFFFC0, v4  }
0x544: {  	v3 =	vor.u32 v3, v4  }
0x545: {  	v4 =	vperm.xlane v3, v0;
	_ =	sdelay $0x1  }
0x546: {  	v4 =	vadd.s32 v1, v4;
	_ =	sdelay $0x4  }
0x547: {  	[tilespmem:s25], [sflag:$0x1] =	stream.indirect_vreg.gather [hbm4b:s2+s0], $0x80, v4, vm0, $0xb8;
	[tilespmem:$0x1E200] =	vst v63  }
0x548: {  	s26 =	simm.s32 $0xA00;
	v3 =	vperm.xlane v3, v2  }
0x549: {  	[tilespmem:s26], [sflag:$0x1] =	stream.indirect_vreg.gather [hbm4b:s5+s0], $0x80, v4, vm0, $0xb8;
	[tilespmem:$0x1E200] =	vst v63  }
0x54a: {  	s4 =	simm.s32 $0x1200;
	v3 =	vadd.s32 v1, v3  }
0x54b: {  	[tilespmem:s4], [sflag:$0x1] =	stream.indirect_vreg.gather [hbm4b:s6+s0], $0x80, v4, vm0, $0xb8;
	[tilespmem:$0x1E200] =	vst v63  }
0x54c: {  	s16 =	simm.s32 $0x1A00  }
0x54d: {  	[tilespmem:s16], [sflag:$0x1] =	stream.indirect_vreg.gather [hbm4b:s8+s0], $0x80, v4, vm0, $0xb8;
	[tilespmem:$0x1E200] =	vst v63  }
0x54e: {  	s22 =	simm.s32 $0x2200  }
0x54f: {  	[tilespmem:s22], [sflag:$0x1] =	stream.indirect_vreg.gather [hbm4b:s2+s0], $0x80, v3, vm0, $0xb8;
	[tilespmem:$0x1E200] =	vst v63  }
0x550: {  	s23 =	simm.s32 $0x2A00  }
0x551: {  	[tilespmem:s23], [sflag:$0x1] =	stream.indirect_vreg.gather [hbm4b:s5+s0], $0x80, v3, vm0, $0xb8;
	[tilespmem:$0x1E200] =	vst v63  }
0x552: {  	s26 =	simm.s32 $0x3200  }
0x553: {  	[tilespmem:s26], [sflag:$0x1] =	stream.indirect_vreg.gather [hbm4b:s6+s0], $0x80, v3, vm0, $0xb8;
	[tilespmem:$0x1E200] =	vst v63  }
0x554: {  	s4 =	simm.s32 $0x3A00  }
0x555: {  	[tilespmem:s4], [sflag:$0x1] =	stream.indirect_vreg.gather [hbm4b:s8+s0], $0x80, v3, vm0, $0xb8;
	[tilespmem:$0x1E200] =	vst v63  }
0x556: {  	v3 =	vld [tilespmem:$0x1F0];
	_ =	sdelay $0x4  }
0x557: {  	v4 =	vshll.u32 v3, $0x3  }
0x558: {  	v3 =	vand.u32 $0x7, v3;
	v4 =	vand.u32 $0xFFFFFFC0, v4  }
0x559: {  	v3 =	vor.u32 v3, v4  }
0x55a: {  	v4 =	vperm.xlane v3, v0;
	_ =	sdelay $0x1  }
0x55b: {  	v4 =	vadd.s32 v1, v4;
	_ =	sdelay $0x3  }
0x55c: {  	s16 =	simm.s32 $0x4200  }
0x55d: {  	[tilespmem:s16], [sflag:$0x1] =	stream.indirect_vreg.gather [hbm4b:s2+s0], $0x80, v4, vm0, $0xb8;
	[tilespmem:$0x1E200] =	vst v63  }
0x55e: {  	s22 =	simm.s32 $0x4A00;
	v3 =	vperm.xlane v3, v2  }
0x55f: {  	[tilespmem:s22], [sflag:$0x1] =	stream.indirect_vreg.gather [hbm4b:s5+s0], $0x80, v4, vm0, $0xb8;
	[tilespmem:$0x1E200] =	vst v63  }
0x560: {  	s23 =	simm.s32 $0x5200;
	v3 =	vadd.s32 v1, v3  }
0x561: {  	[tilespmem:s23], [sflag:$0x1] =	stream.indirect_vreg.gather [hbm4b:s6+s0], $0x80, v4, vm0, $0xb8;
	[tilespmem:$0x1E200] =	vst v63  }
0x562: {  	_ = 	snop  }
0x563: {  	[tilespmem:s9], [sflag:$0x1] =	stream.indirect_vreg.gather [hbm4b:s8+s0], $0x80, v4, vm0, $0xb8;
	[tilespmem:$0x1E200] =	vst v63  }
0x564: {  	_ = 	snop  }
0x565: {  	[tilespmem:s10], [sflag:$0x1] =	stream.indirect_vreg.gather [hbm4b:s2+s0], $0x80, v3, vm0, $0xb8;
	[tilespmem:$0x1E200] =	vst v63  }
0x566: {  	_ = 	snop  }
0x567: {  	[tilespmem:s11], [sflag:$0x1] =	stream.indirect_vreg.gather [hbm4b:s5+s0], $0x80, v3, vm0, $0xb8;
	[tilespmem:$0x1E200] =	vst v63  }
0x568: {  	s26 =	sand.u32 $0x6000, s0  }
0x569: {  	[tilespmem:s12], [sflag:$0x1] =	stream.indirect_vreg.gather [hbm4b:s6+s0], $0x80, v3, vm0, $0xb8;
	[tilespmem:$0x1E200] =	vst v63  }
0x56a: {  	s1 =	sshrl.u32 s26, $0x2;
	s4 =	sand.u32 $0xE000, s0  }
0x56b: {  	[tilespmem:s13], [sflag:$0x1] =	stream.indirect_vreg.gather [hbm4b:s8+s0], $0x80, v3, vm0, $0xb8;
	[tilespmem:$0x1E200] =	vst v63  }
0x56c: {  	s1 =	sor.u32 s1, s4;
	s0 =	sand.u32 $0x380, s0;
	_ =	swait.ge [sflag:s7], $0xA000  }
0x56d: {  	s0 =	sor.u32 s0, s1;
	[sflag:s7] =	ssyncset.done $0x0  }
0x56e: {  	s26 =	sadd.s32 $0x14200, s0;
	[sflag:s7] =	ssyncadd.s32 $0xFFFF6000  }
0x56f: {  	v3 =	vld [tilespmem:s26+$0x50]  }
0x570: {  	v4 =	vld [tilespmem:s26+$0x470]  }
0x571: {  	v5 =	vld [tilespmem:s26+$0x430]  }
0x572: {  	v6 =	vld [tilespmem:s26+$0x450]  }
0x573: {  	v7 =	vld [tilespmem:s26+$0x460]  }
0x574: {  	v8 =	vld [tilespmem:s26+$0x410]  }
0x575: {  	v10 =	vld [tilespmem:s26+$0x420]  }
0x576: {  	s4 =	simm.s32 $0x2000;
	v12 =	vld [tilespmem:s0+$0x14200];
	v5 =	vmul.f32 $3.200000000e+01, v5  }
0x577: {  	s16 =	simm.s32 $0x100;
	s1 =	sand.u32 $0x6000, s4;
	v11 =	vld [tilespmem:s26+$0x440];
	v6 =	vmul.f32 $3.200000000e+01, v6  }
0x578: {  	s4 =	sand.u32 $0xE000, s16;
	s16 =	simm.s32 $0x20;
	s1 =	sshrl.u32 s1, $0x2;
	v9 =	vld [tilespmem:s26+$0x400];
	v7 =	vmul.f32 $3.200000000e+01, v7;
	[tilespmem:s26+$0x430] =	vst v5  }
0x579: {  	s16 =	sand.u32 $0x380, s16;
	s1 =	sor.u32 s1, s4;
	v13 =	vld [tilespmem:s26+$0x70];
	v4 =	vmul.f32 $3.200000000e+01, v4;
	[tilespmem:s26+$0x450] =	vst v6  }
0x57a: {  	s28 =	sor.u32 s16, s1;
	v3 =	vmul.f32 $3.200000000e+01, v3;
	v5 =	vld [tilespmem:s26+$0x60];
	[tilespmem:s26+$0x460] =	vst v7  }
0x57b: {  	s16 =	sadd.s32 $0x14200, s28;
	v6 =	vld [tilespmem:s26+$0x40];
	[tilespmem:s26+$0x470] =	vst v4;
	v4 =	vmul.f32 $3.200000000e+01, v12  }
0x57c: {  	v7 =	vmul.f32 $3.200000000e+01, v11;
	[tilespmem:s26+$0x50] =	vst v3;
	v3 =	vld [tilespmem:s16+$0x470]  }
0x57d: {  	v8 =	vmul.f32 $3.200000000e+01, v8;
	v63 =	vld [tilespmem:s16+$0x50];
	[tilespmem:s0+$0x14200] =	vst v4  }
0x57e: {  	[tilespmem:s26+$0x440] =	vst v7;
	v4 =	vmul.f32 $3.200000000e+01, v9;
	v9 =	vld [tilespmem:s26+$0x10]  }
0x57f: {  	v7 =	vmul.f32 $3.200000000e+01, v5;
	v5 =	vld [tilespmem:s16+$0x430];
	[tilespmem:s26+$0x410] =	vst v8  }
0x580: {  	s31 =	simm.s32 $0x300;
	v8 =	vld [tilespmem:s26+$0x20];
	v14 =	vmul.f32 $3.200000000e+01, v6;
	[tilespmem:s26+$0x400] =	vst v4  }
0x581: {  	s30 =	simm.s32 $0x40;
	s22 =	simm.s32 $0x200;
	s23 =	simm.s32 $0x4000;
	v11 =	vmul.f32 $3.200000000e+01, v13;
	v6 =	vld [tilespmem:s16+$0x450];
	[tilespmem:s26+$0x60] =	vst v7  }
0x582: {  	s29 =	sand.u32 $0xE000, s22;
	s22 =	simm.s32 $0x6000;
	s1 =	sand.u32 $0x6000, s23;
	v4 =	vmul.f32 $3.200000000e+01, v63;
	v7 =	vmul.f32 $3.200000000e+01, v10;
	v10 =	vld [tilespmem:s26+$0x30];
	[tilespmem:s26+$0x40] =	vst v14  }
.LBB2_24:
0x583: {  	s4 =	sand.u32 $0xE000, s31  }
0x584: {  	s23 =	sshrl.u32 s1, $0x2;
	v12 =	vld [tilespmem:s16+$0x460];
	[tilespmem:s26+$0x420] =	vst v7;
	s1 =	smov.u32 s22;
	s0 =	sadd.s32 $0x2000, s22  }
0x585: {  	p0 =	sne.s32 s22, $0x13E000;
	s22 =	sand.u32 $0x380, s30;
	s23 =	sor.u32 s23, s29;
	v7 =	vld [tilespmem:s16+$0x60];
	[tilespmem:s26+$0x70] =	vst v11  }
0x586: {  	s29 =	smov.u32 s4;
	s22 =	sor.u32 s22, s23;
	v11 =	vld [tilespmem:s16+$0x410];
	v8 =	vmul.f32 $3.200000000e+01, v8  }
0x587: {  	v5 =	vmul.f32 $3.200000000e+01, v5;
	v13 =	vld [tilespmem:s16+$0x420];
	v9 =	vmul.f32 $3.200000000e+01, v9  }
0x588: {  	v6 =	vmul.f32 $3.200000000e+01, v6;
	v14 =	vld [tilespmem:s16+$0x400];
	[tilespmem:s26+$0x20] =	vst v8;
	v8 =	vmul.f32 $3.200000000e+01, v10  }
0x589: {  	v10 =	vld [tilespmem:s16+$0x440];
	v12 =	vmul.f32 $3.200000000e+01, v12;
	[tilespmem:s26+$0x10] =	vst v9  }
0x58a: {  	v9 =	vld [tilespmem:s16+$0x40];
	[tilespmem:s26+$0x30] =	vst v8;
	s26 =	smov.u32 s16  }
0x58b: {  	v8 =	vld [tilespmem:s28+$0x14200];
	v15 =	vmul.f32 $3.200000000e+01, v11;
	[tilespmem:s26+$0x430] =	vst v5  }
0x58c: {  	v16 =	vmul.f32 $3.200000000e+01, v7;
	v11 =	vld [tilespmem:s26+$0x70];
	v7 =	vmul.f32 $3.200000000e+01, v13;
	[tilespmem:s26+$0x450] =	vst v6  }
0x58d: {  	v3 =	vmul.f32 $3.200000000e+01, v3;
	[tilespmem:s26+$0x460] =	vst v12  }
0x58e: {  	s16 =	sadd.s32 $0x14200, s22;
	[tilespmem:s26+$0x50] =	vst v4;
	v4 =	vmul.f32 $3.200000000e+01, v10  }
0x58f: {  	v12 =	vmul.f32 $3.200000000e+01, v14;
	v10 =	vld [tilespmem:s16+$0x50];
	[tilespmem:s26+$0x470] =	vst v3  }
0x590: {  	v13 =	vmul.f32 $3.200000000e+01, v9;
	v3 =	vld [tilespmem:s16+$0x470];
	v8 =	vmul.f32 $3.200000000e+01, v8;
	[tilespmem:s26+$0x440] =	vst v4  }
.Ltmp11:
0x591: {  	v5 =	vld [tilespmem:s16+$0x430];
	v11 =	vmul.f32 $3.200000000e+01, v11;
	[tilespmem:s26+$0x410] =	vst v15;
	(pc) =	sbr.rel @p0 .LBB2_24-.Ltmp11, $4  }
0x592: {  	v6 =	vld [tilespmem:s16+$0x450];
	[tilespmem:s28+$0x14200] =	vst v8;
	s28 =	smov.u32 s22  }
0x593: {  	v8 =	vld [tilespmem:s26+$0x20];
	[tilespmem:s26+$0x400] =	vst v12  }
0x594: {  	s31 =	sadd.s32 $0x100, s31;
	v4 =	vmul.f32 $3.200000000e+01, v10;
	v9 =	vld [tilespmem:s26+$0x10];
	[tilespmem:s26+$0x60] =	vst v16  }
0x595: {  	s30 =	sadd.s32 $0x20, s30;
	s1 =	sand.u32 $0x6000, s1;
	s22 =	smov.u32 s0;
	v10 =	vld [tilespmem:s26+$0x30];
	[tilespmem:s26+$0x40] =	vst v13  }
0x596: {  	_ =	sdelay $0x1  }
0x597: {  	v12 =	vld [tilespmem:s16+$0x60];
	[tilespmem:s26+$0x70] =	vst v11;
	v8 =	vmul.f32 $3.200000000e+01, v8  }
0x598: {  	[tilespmem:s26+$0x420] =	vst v7;
	v9 =	vmul.f32 $3.200000000e+01, v9  }
0x599: {  	[tilespmem:s26+$0x20] =	vst v8;
	v10 =	vmul.f32 $3.200000000e+01, v10  }
0x59a: {  	v8 =	vld [tilespmem:s16+$0x460];
	[tilespmem:s26+$0x10] =	vst v9  }
0x59b: {  	v7 =	vld [tilespmem:s16+$0x40];
	[tilespmem:s26+$0x30] =	vst v10  }
0x59c: {  	v5 =	vmul.f32 $3.200000000e+01, v5;
	v10 =	vld [tilespmem:s28+$0x14200]  }
0x59d: {  	v3 =	vmul.f32 $3.200000000e+01, v3;
	v11 =	vld [tilespmem:s16+$0x420]  }
0x59e: {  	s0 =	sshrl.u32 s1, $0x2;
	v13 =	vld [tilespmem:s16+$0x400];
	v6 =	vmul.f32 $3.200000000e+01, v6;
	[tilespmem:s16+$0x430] =	vst v5  }
0x59f: {  	s4 =	sand.u32 $0x380, s30;
	v14 =	vld [tilespmem:s16+$0x440];
	s0 =	sor.u32 s0, s29;
	[tilespmem:s16+$0x470] =	vst v3  }
0x5a0: {  	s0 =	sor.u32 s4, s0;
	[tilespmem:s16+$0x450] =	vst v6;
	v9 =	vld [tilespmem:s16+$0x410];
	v8 =	vmul.f32 $3.200000000e+01, v8  }
0x5a1: {  	v5 =	vld [tilespmem:s16+$0x70];
	s22 =	sadd.s32 $0x14200, s0;
	[tilespmem:s16+$0x50] =	vst v4;
	v6 =	vmul.f32 $3.200000000e+01, v10  }
0x5a2: {  	v4 =	vld [tilespmem:s22+$0x50];
	[tilespmem:s16+$0x460] =	vst v8;
	v7 =	vmul.f32 $3.200000000e+01, v7  }
0x5a3: {  	v63 =	vld [tilespmem:s22+$0x470];
	[tilespmem:s28+$0x14200] =	vst v6;
	v6 =	vmul.f32 $3.200000000e+01, v12  }
0x5a4: {  	v10 =	vmul.f32 $3.200000000e+01, v14;
	[tilespmem:s16+$0x40] =	vst v7;
	v8 =	vld [tilespmem:s16+$0x20]  }
0x5a5: {  	v3 =	vld [tilespmem:s16+$0x10];
	[tilespmem:s16+$0x60] =	vst v6;
	v6 =	vmul.f32 $3.200000000e+01, v9  }
0x5a6: {  	v5 =	vmul.f32 $3.200000000e+01, v5;
	[tilespmem:s16+$0x440] =	vst v10;
	v9 =	vld [tilespmem:s16+$0x30]  }
0x5a7: {  	v10 =	vld [tilespmem:s22+$0x430];
	[tilespmem:s16+$0x410] =	vst v6  }
0x5a8: {  	v6 =	vld [tilespmem:s22+$0x60];
	[tilespmem:s16+$0x70] =	vst v5;
	v5 =	vmul.f32 $3.200000000e+01, v13  }
0x5a9: {  	v7 =	vmul.f32 $3.200000000e+01, v8  }
0x5aa: {  	v3 =	vmul.f32 $3.200000000e+01, v3;
	v8 =	vld [tilespmem:s22+$0x450];
	[tilespmem:s16+$0x400] =	vst v5  }
0x5ab: {  	v9 =	vmul.f32 $3.200000000e+01, v9;
	[tilespmem:s16+$0x20] =	vst v7;
	v7 =	vld [tilespmem:s22+$0x460]  }
0x5ac: {  	[tilespmem:s16+$0x10] =	vst v3;
	v3 =	vmul.f32 $3.200000000e+01, v11  }
0x5ad: {  	v5 =	vld [tilespmem:s22+$0x40];
	[tilespmem:s16+$0x30] =	vst v9  }
0x5ae: {  	[tilespmem:s16+$0x420] =	vst v3;
	v3 =	vmul.f32 $3.200000000e+01, v10;
	v9 =	vld [tilespmem:s0+$0x14200]  }
0x5af: {  	v8 =	vmul.f32 $3.200000000e+01, v8;
	v10 =	vld [tilespmem:s22+$0x440]  }
0x5b0: {  	v11 =	vld [tilespmem:s22+$0x410];
	[tilespmem:s22+$0x430] =	vst v3;
	v7 =	vmul.f32 $3.200000000e+01, v7  }
0x5b1: {  	v3 =	vmul.f32 $3.200000000e+01, v4;
	v4 =	vld [tilespmem:s22+$0x400];
	[tilespmem:s22+$0x450] =	vst v8  }
0x5b2: {  	[tilespmem:s22+$0x460] =	vst v7;
	v7 =	vmul.f32 $3.200000000e+01, v63  }
0x5b3: {  	[tilespmem:s22+$0x50] =	vst v3;
	v3 =	vmul.f32 $3.200000000e+01, v9  }
0x5b4: {  	v6 =	vmul.f32 $3.200000000e+01, v6;
	v8 =	vld [tilespmem:s22+$0x420];
	[tilespmem:s22+$0x470] =	vst v7  }
0x5b5: {  	v9 =	vmul.f32 $3.200000000e+01, v10;
	v10 =	vld [tilespmem:s22+$0x70];
	v7 =	vmul.f32 $3.200000000e+01, v11;
	[tilespmem:s0+$0x14200] =	vst v3  }
0x5b6: {  	[tilespmem:s22+$0x60] =	vst v6;
	v3 =	vmul.f32 $3.200000000e+01, v4;
	v4 =	vld [tilespmem:s22+$0x20]  }
0x5b7: {  	v5 =	vmul.f32 $3.200000000e+01, v5;
	[tilespmem:s22+$0x410] =	vst v7;
	v7 =	vld [tilespmem:s22+$0x10]  }
0x5b8: {  	[tilespmem:s22+$0x400] =	vst v3;
	v3 =	vld [tilespmem:s22+$0x30]  }
0x5b9: {  	[tilespmem:s22+$0x40] =	vst v5;
	v8 =	vmul.f32 $3.200000000e+01, v8  }
0x5ba: {  	[tilespmem:s22+$0x440] =	vst v9;
	v6 =	vmul.f32 $3.200000000e+01, v10  }
0x5bb: {  	[tilespmem:s22+$0x420] =	vst v8;
	v4 =	vmul.f32 $3.200000000e+01, v4  }
0x5bc: {  	[tilespmem:s22+$0x70] =	vst v6;
	v5 =	vmul.f32 $3.200000000e+01, v7  }
0x5bd: {  	v3 =	vmul.f32 $3.200000000e+01, v3;
	[tilespmem:s22+$0x20] =	vst v4  }
0x5be: {  	s26 =	simm.s32 $0x0;
	[tilespmem:s22+$0x10] =	vst v5  }
0x5bf: {  	s23 =	rddreg [dreg:$0x10];
	s30 =	sand.u32 $0x6000, s26;
	[tilespmem:s22+$0x30] =	vst v3  }
0x5c0: {  	[hbm4b:s23+s26] =	stream.linear.scatter [tilespmem:s21], [sflag:$0x6], $0xA000, $0x38;
	[tilespmem:$0x1E200] =	vst v63  }
0x5c1: {  	s31 =	sshrl.u32 s30, $0x2;
	_ =	swait.ge [sflag:s20], $0x8000  }
0x5c2: {  	s4 =	sand.u32 $0x380, s26;
	s0 =	sor.u32 s31, s30;
	[sflag:s20] =	ssyncset.done $0x0  }
0x5c3: {  	s16 =	sor.u32 s0, s4;
	[sflag:s20] =	ssyncadd.s32 $0xFFFF8000  }
0x5c4: {  	v3 =	vld [tilespmem:s16+$0x200]  }
0x5c5: {  	v4 =	vld [tilespmem:s16+$0x210]  }
0x5c6: {  	v5 =	vld [tilespmem:s16+$0x220]  }
0x5c7: {  	v8 =	vld [tilespmem:s16+$0x240]  }
0x5c8: {  	v6 =	vld [tilespmem:s16+$0x230];
	_ =	sdelay $0x1  }
0x5c9: {  	v9 =	vld [tilespmem:s16+$0x250];
	v3 =	vmul.f32 $3.200000000e+01, v3  }
0x5ca: {  	v10 =	vld [tilespmem:s16+$0x260];
	v4 =	vmul.f32 $3.200000000e+01, v4  }
0x5cb: {  	v7 =	vld [tilespmem:s16+$0x270];
	v8 =	vmul.f32 $3.200000000e+01, v8;
	[tilespmem:s16+$0x200] =	vst v3  }
0x5cc: {  	v3 =	vmul.f32 $3.200000000e+01, v5;
	[tilespmem:s16+$0x210] =	vst v4;
	v4 =	vmul.f32 $3.200000000e+01, v6;
	v6 =	vld [tilespmem:s16+$0x600]  }
0x5cd: {  	v5 =	vld [tilespmem:s16+$0x610];
	[tilespmem:s16+$0x240] =	vst v8  }
0x5ce: {  	v9 =	vmul.f32 $3.200000000e+01, v9;
	[tilespmem:s16+$0x220] =	vst v3;
	v3 =	vld [tilespmem:s16+$0x620]  }
0x5cf: {  	s29 =	simm.s32 $0x0;
	s28 =	simm.s32 $0x2000;
	v8 =	vmul.f32 $3.200000000e+01, v10;
	[tilespmem:s16+$0x230] =	vst v4;
	v4 =	vld [tilespmem:s16+$0x630]  }
.LBB2_26:
0x5d0: {  	s0 =	sand.u32 $0x6000, s28;
	p0 =	sne.s32 s28, $0xFE000;
	[tilespmem:s16+$0x250] =	vst v9;
	v7 =	vmul.f32 $3.200000000e+01, v7;
	v9 =	vld [tilespmem:s16+$0x640];
	s26 =	sadd.s32 $0x100, s26  }
0x5d1: {  	s29 =	sadd.s32 $0x20, s29;
	s1 =	sand.u32 $0x6000, s26;
	s0 =	sshrl.u32 s0, $0x2;
	[tilespmem:s16+$0x260] =	vst v8;
	v6 =	vmul.f32 $3.200000000e+01, v6;
	v8 =	vld [tilespmem:s16+$0x650]  }
0x5d2: {  	s4 =	sand.u32 $0x380, s29;
	s0 =	sor.u32 s0, s1;
	[tilespmem:s16+$0x270] =	vst v7;
	v5 =	vmul.f32 $3.200000000e+01, v5;
	v7 =	vld [tilespmem:s16+$0x660]  }
0x5d3: {  	s0 =	sor.u32 s0, s4;
	[tilespmem:s16+$0x600] =	vst v6;
	v3 =	vmul.f32 $3.200000000e+01, v3;
	v6 =	vld [tilespmem:s16+$0x670]  }
0x5d4: {  	v10 =	vld [tilespmem:s0+$0x200];
	[tilespmem:s16+$0x610] =	vst v5;
	v4 =	vmul.f32 $3.200000000e+01, v4  }
0x5d5: {  	v5 =	vld [tilespmem:s0+$0x210];
	[tilespmem:s16+$0x620] =	vst v3;
	v3 =	vmul.f32 $3.200000000e+01, v9  }
0x5d6: {  	v9 =	vld [tilespmem:s0+$0x220];
	[tilespmem:s16+$0x630] =	vst v4;
	v4 =	vmul.f32 $3.200000000e+01, v8  }
0x5d7: {  	v8 =	vld [tilespmem:s0+$0x230];
	[tilespmem:s16+$0x640] =	vst v3;
	v3 =	vmul.f32 $3.200000000e+01, v7  }
0x5d8: {  	v11 =	vld [tilespmem:s0+$0x240];
	[tilespmem:s16+$0x650] =	vst v4;
	v4 =	vmul.f32 $3.200000000e+01, v6  }
0x5d9: {  	v6 =	vmul.f32 $3.200000000e+01, v10;
	v10 =	vld [tilespmem:s0+$0x250];
	[tilespmem:s16+$0x660] =	vst v3  }
0x5da: {  	v3 =	vmul.f32 $3.200000000e+01, v5;
	v12 =	vld [tilespmem:s0+$0x260];
	[tilespmem:s16+$0x670] =	vst v4;
	s16 =	smov.u32 s0  }
.Ltmp12:
0x5db: {  	[tilespmem:s16+$0x200] =	vst v6;
	v4 =	vmul.f32 $3.200000000e+01, v9;
	v7 =	vld [tilespmem:s16+$0x270];
	(pc) =	sbr.rel @p0 .LBB2_26-.Ltmp12, $4  }
0x5dc: {  	[tilespmem:s16+$0x210] =	vst v3;
	v3 =	vmul.f32 $3.200000000e+01, v8;
	v6 =	vld [tilespmem:s16+$0x600]  }
0x5dd: {  	[tilespmem:s16+$0x220] =	vst v4;
	v4 =	vmul.f32 $3.200000000e+01, v11;
	v5 =	vld [tilespmem:s16+$0x610]  }
0x5de: {  	[tilespmem:s16+$0x230] =	vst v3;
	v9 =	vmul.f32 $3.200000000e+01, v10;
	v3 =	vld [tilespmem:s16+$0x620]  }
0x5df: {  	s28 =	sadd.s32 $0x2000, s28;
	[tilespmem:s16+$0x240] =	vst v4;
	v8 =	vmul.f32 $3.200000000e+01, v12;
	v4 =	vld [tilespmem:s16+$0x630]  }
0x5e0: {  	[tilespmem:s16+$0x250] =	vst v9;
	v7 =	vmul.f32 $3.200000000e+01, v7;
	v58 =	vld [tilespmem:s16+$0x640]  }
0x5e1: {  	v59 =	vld [tilespmem:s16+$0x650];
	[tilespmem:s16+$0x260] =	vst v8;
	v6 =	vmul.f32 $3.200000000e+01, v6  }
0x5e2: {  	v61 =	vld [tilespmem:s16+$0x670];
	[tilespmem:s16+$0x270] =	vst v7;
	v5 =	vmul.f32 $3.200000000e+01, v5  }
0x5e3: {  	v60 =	vld [tilespmem:s16+$0x660];
	[tilespmem:s16+$0x600] =	vst v6;
	v3 =	vmul.f32 $3.200000000e+01, v3  }
0x5e4: {  	[tilespmem:s16+$0x610] =	vst v5;
	v4 =	vmul.f32 $3.200000000e+01, v4  }
0x5e5: {  	[tilespmem:s16+$0x620] =	vst v3;
	v3 =	vmul.f32 $3.200000000e+01, v58  }
0x5e6: {  	v62 =	vmul.f32 $3.200000000e+01, v59;
	[tilespmem:s16+$0x630] =	vst v4  }
0x5e7: {  	v63 =	vmul.f32 $3.200000000e+01, v61;
	[tilespmem:s16+$0x640] =	vst v3  }
0x5e8: {  	v3 =	vmul.f32 $3.200000000e+01, v60;
	[tilespmem:s16+$0x650] =	vst v62  }
0x5e9: {  	[tilespmem:s16+$0x670] =	vst v63  }
0x5ea: {  	s0 =	rddreg [dreg:$0x11];
	[tilespmem:s16+$0x660] =	vst v3  }
0x5eb: {  	[hbm4b:s0+s3] =	stream.linear.scatter [tilespmem:s25], [sflag:$0x4], $0x8000, $0x38;
	[tilespmem:$0x1E200] =	vst v63  }
0x5ec: {  	_ =	swait.ge [sflag:s24], $0xA000  }
0x5ed: {  	[sflag:s24] =	ssyncset.done $0x0  }
0x5ee: {  	[sflag:s24] =	ssyncadd.s32 $0xFFFF6000  }
0x5ef: {  	_ =	swait.ge [sflag:s14], $0xA000  }
0x5f0: {  	[sflag:s14] =	ssyncset.done $0x0  }
0x5f1: {  	[sflag:s14] =	ssyncadd.s32 $0xFFFF6000  }
0x5f2: {  	_ =	swait.ge [sflag:s19], $0x8000  }
0x5f3: {  	s15 =	sadd.s32 $0x1, s15;
	s31 =	rddreg [dreg:$0x12]  }
0x5f4: {  	p0 =	sne.s32 s15, s31  }
.Ltmp13:
0x5f5: {  	_ = 	snop;
	(pc) =	sbr.rel @p0 .LBB2_1-.Ltmp13, $3  }
0x5f6: {  	_ =	sdelay $0x1  }
0x5f7: {  	[sflag:s19] =	ssyncset.done $0x0  }
0x5f8: {  	[sflag:s19] =	ssyncadd.s32 $0xFFFF8000  }
0x5f9: {  	_ =	sfence.sel $0x180000  }
0x5fa: {  	[bflag:$0x0] =	sbarrier.arrive $0xFFFF  }
0x5fb: {  	_ =	strace $0x90000047  }
0x5fc: {  	s0 =	stileid.u32;
	[bflag:$0x2] =	sbarrier.arrive $0xFFFF  }
0x5fd: {  	p0 =	sne.s32 s0, $0x0;
	s0 =	rddreg [dreg:$0x3]  }
0x5fe: {  	s0 =	sadd.s32 @!p0 $0x100000, s0  }
0x5ff: {  	[sflag:s0] =	ssyncadd.tile.s32 @!p0 $0x1;
	_ =	shalt  }
.Lfunc_end2:
_tile_overlayer_lowered:
.L_overlay_start_2:
0x600: {  	(tag) =	ssettag $0x2  }
0x601: {  	s0 =	rddreg [dreg:$0x0];
	s2 =	stileid.u32  }
0x602: {  	s1 =	rddreg [dreg:$0x1];
	p0 =	sne.s32 s2, $0x0  }
0x603: {  	s3 =	rddreg [dreg:$0x2];
	[bflag:$0x3] =	sbarrier.arrive $0xFFFF;
	s2 =	simm.s32 @!p0 $0x1C07  }
0x604: {  	[timem:s3], [sflag:s2] =	dma.local @!p0 [hbm:s0], s1  }
0x605: {  	s0 =	simm.s32 @!p0 $0x7  }
0x606: {  	_ =	swait.ge @!p0 [sflag:s0], s1  }
0x607: {  	s1 =	ssub.s32 @!p0 $0x0, s1;
	[sflag:s0] =	ssyncset.done @!p0 $0x0  }
0x608: {  	[sflag:s0] =	ssyncadd.s32 @!p0 s1  }
0x609: {  	[bflag:$0x3] =	sbarrier.arrive $0xFFFF  }
0x60a: {  	_ =	shalt  }

</sc_bundles>
